<compile_context>
chip_gen: v7x
topology: tpu7x:2x2x1
jax: 0.10.2.dev20260603
libtpu: 0.0.44.dev20260713+nightly
codegen_flags: <defaults>
</compile_context>

<pallas_src>
import functools

import jax
import jax.numpy as jnp
from jax import lax
from jax.experimental import pallas as pl
from jax.experimental.pallas import tpu as pltpu
from jax.experimental.pallas import tpu_sc as plsc

N_ENVS = 100
N_CLASSES = 1000
Z = 64
BATCH = 4096

_info = plsc.get_sparse_core_info()
_NC, _NS, _L = _info.num_cores, _info.num_subcores, _info.num_lanes
_NW = _NC * _NS
_BPW = BATCH // _NW
_NCH = _BPW // _L


def _sc_gather_body(y_hbm, e_hbm, mu_c_hbm, cov_c_hbm, mu_s_hbm, cov_s_hbm,
                    mu_out, cov_out,
                    y_v, e_v, muc_tab, covc_tab, msl, csl,
                    mu_v, cov_v, sem):
    wid = lax.axis_index("s") * _NC + lax.axis_index("c")
    base = wid * _BPW
    pltpu.sync_copy(y_hbm.at[pl.ds(base, _BPW)], y_v)
    pltpu.sync_copy(e_hbm.at[pl.ds(base, _BPW)], e_v)
    pltpu.sync_copy(mu_c_hbm, muc_tab)
    pltpu.sync_copy(cov_c_hbm, covc_tab)
    lanes = lax.iota(jnp.int32, _L)
    zeros = jnp.zeros((_L,), jnp.int32)

    def _chunk(k, _):
        y16 = y_v[pl.ds(k * _L, _L)]
        e16 = e_v[pl.ds(k * _L, _L)]
        copies = []
        for lane in range(_L):
            y_s = jnp.sum(jnp.where(lanes == lane, y16, zeros))
            e_s = jnp.sum(jnp.where(lanes == lane, e16, zeros))
            m8 = pl.multiple_of((e_s // 8) * 8, 8)
            c1 = pltpu.make_async_copy(
                mu_s_hbm.at[y_s, pl.ds(m8, 8), :], msl.at[lane], sem)
            c2 = pltpu.make_async_copy(
                cov_s_hbm.at[y_s, pl.ds(m8, 8), :], csl.at[lane], sem)
            c1.start(); c2.start()
            copies.append(c1); copies.append(c2)
        for c in copies:
            c.wait()
        for lane in range(_L):
            e_s = jnp.sum(jnp.where(lanes == lane, e16, zeros))
            off = lax.rem(e_s, 8)
            r = k * _L + lane
            for j in range(Z // _L):
                sl = pl.ds(j * _L, _L)
                sh = pl.ds(Z + j * _L, _L)
                mu_v[r, sl] = muc_tab[e_s, sl]
                mu_v[r, sh] = msl[lane, off, sl]
                cov_v[r, sl] = covc_tab[e_s, sl]
                cov_v[r, sh] = csl[lane, off, sl]
        return 0

    lax.fori_loop(0, _NCH, _chunk, 0)
    rows = pl.ds(base, _BPW)
    outs = [pltpu.make_async_copy(mu_v, mu_out.at[rows], sem),
            pltpu.make_async_copy(cov_v, cov_out.at[rows], sem)]
    for c in outs:
        c.start()
    for c in outs:
        c.wait()


_sc_gather = functools.partial(
    pl.kernel,
    mesh=plsc.VectorSubcoreMesh(core_axis_name="c", subcore_axis_name="s"),
    out_type=[jax.ShapeDtypeStruct((BATCH, 2 * Z), jnp.float32)] * 2,
    scratch_types=[
        pltpu.VMEM((_BPW,), jnp.int32),
        pltpu.VMEM((_BPW,), jnp.int32),
        pltpu.VMEM((N_ENVS, Z), jnp.float32),
        pltpu.VMEM((N_ENVS, Z), jnp.float32),
        pltpu.VMEM((_L, 8, Z), jnp.float32),
        pltpu.VMEM((_L, 8, Z), jnp.float32),
        pltpu.VMEM((_BPW, 2 * Z), jnp.float32),
        pltpu.VMEM((_BPW, 2 * Z), jnp.float32),
        pltpu.SemaphoreType.DMA,
    ],
    compiler_params=pltpu.CompilerParams(use_tc_tiling_on_sc=True,
                                         needs_layout_passes=False),
)(_sc_gather_body)


_BB = 256


def _tc_body(cov_ref, out_ref):
    cov = jax.nn.softplus(cov_ref[...])
    eye = (lax.broadcasted_iota(jnp.int32, (2 * Z, 2 * Z), 0)
           == lax.broadcasted_iota(jnp.int32, (2 * Z, 2 * Z), 1))
    out_ref[...] = jnp.where(eye[None], cov[:, :, None], jnp.float32(0.0))


def _tc_diag(cov_cat):
    return pl.pallas_call(
        _tc_body,
        grid=(BATCH // _BB,),
        in_specs=[pl.BlockSpec((_BB, 2 * Z), lambda b: (b, 0))],
        out_specs=pl.BlockSpec((_BB, 2 * Z, 2 * Z), lambda b: (b, 0, 0)),
        out_shape=jax.ShapeDtypeStruct((BATCH, 2 * Z, 2 * Z), jnp.float32),
    )(cov_cat)


def kernel(y, e, mu_causal, cov_causal, mu_spurious, cov_spurious):
    y_flat = y[:, 0].astype(jnp.int32)
    e_flat = e[:, 0].astype(jnp.int32)
    mu, cov_cat = _sc_gather(y_flat, e_flat, mu_causal, cov_causal,
                             mu_spurious, cov_spurious)
    cov_mat = _tc_diag(cov_cat)
    return mu, cov_mat

# --- scband reference (transcript-rebuilt; emitter-appended) ---
"""Pipeline reference for scband-prior-10316511445503 (READ-ONLY COPY).

The authoritative reference and input builder live on the scoring server;
editing this copy changes nothing except your own understanding.
"""

import jax, jax.numpy as jnp
import numpy as np

N_ENVS = 100
N_CLASSES = 1000
Z_SIZE = 64
BATCH = 4096
GAUSSIAN_INIT_SD = 0.1


def setup_inputs(seed: int = 0) -> dict:
    key = jax.random.key(seed)
    k_y, k_e, k_mc, k_cc, k_ms, k_cs = jax.random.split(key, 6)
    y = jax.random.randint(k_y, (BATCH, 1), 0, N_CLASSES, dtype=jnp.int32)
    e = jax.random.randint(k_e, (BATCH, 1), 0, N_ENVS, dtype=jnp.int32)
    mu_causal = GAUSSIAN_INIT_SD * jax.random.normal(k_mc, (N_ENVS, Z_SIZE), dtype=jnp.float32)
    cov_causal = GAUSSIAN_INIT_SD * jax.random.normal(k_cc, (N_ENVS, Z_SIZE), dtype=jnp.float32)
    mu_spurious = GAUSSIAN_INIT_SD * jax.random.normal(k_ms, (N_CLASSES, N_ENVS, Z_SIZE), dtype=jnp.float32)
    cov_spurious = GAUSSIAN_INIT_SD * jax.random.normal(k_cs, (N_CLASSES, N_ENVS, Z_SIZE), dtype=jnp.float32)
    return {
        "y": y,
        "e": e,
        "mu_causal": mu_causal,
        "cov_causal": cov_causal,
        "mu_spurious": mu_spurious,
        "cov_spurious": cov_spurious,
    }


def reference(y, e, mu_causal, cov_causal, mu_spurious, cov_spurious):
    # y.int()[:, 0] / e.int()[:, 0]
    y_idx = y[:, 0].astype(jnp.int32)
    e_idx = e[:, 0].astype(jnp.int32)
    # gather rows from learned tables (embedding-style lookup)
    mu_c = jnp.take(mu_causal, e_idx, axis=0)
    mu_s = mu_spurious[y_idx, e_idx]
    mu = jnp.concatenate((mu_c, mu_s), axis=-1)
    cov_c = jax.nn.softplus(jnp.take(cov_causal, e_idx, axis=0))
    cov_s = jax.nn.softplus(cov_spurious[y_idx, e_idx])
    cov = jnp.concatenate((cov_c, cov_s), axis=-1)
    # torch.diag_embed(cov) -> batched diagonal covariance matrix of the MVN
    cov_mat = jax.vmap(jnp.diag)(cov)
    return mu, cov_mat

if __name__ == "__main__":
    import jax
    _d = setup_inputs()
    print(jax.jit(kernel)(*tuple(_d.values())))

</pallas_src>

<mosaic_0001>
#map = affine_map<(d0, d1) -> (0)>
#map1 = affine_map<(d0, d1) -> (0, 0)>
#map2 = affine_map<(d0, d1) -> (0, 0, 0)>
module attributes {stable_mosaic.version = 14 : i64} {
  func.func @_sc_gather_body(%arg0: i32, %arg1: i32, %arg2: memref<4096xi32, #tpu.memory_space<hbm>>, %arg3: memref<4096xi32, #tpu.memory_space<hbm>>, %arg4: memref<100x64xf32, #tpu.memory_space<hbm>>, %arg5: memref<100x64xf32, #tpu.memory_space<hbm>>, %arg6: memref<1000x100x64xf32, #tpu.memory_space<hbm>>, %arg7: memref<1000x100x64xf32, #tpu.memory_space<hbm>>, %arg8: memref<4096x128xf32, #tpu.memory_space<hbm>>, %arg9: memref<4096x128xf32, #tpu.memory_space<hbm>>, %arg10: memref<128xi32, #tpu.memory_space<vmem>>, %arg11: memref<128xi32, #tpu.memory_space<vmem>>, %arg12: memref<100x64xf32, #tpu.memory_space<vmem>>, %arg13: memref<100x64xf32, #tpu.memory_space<vmem>>, %arg14: memref<16x8x64xf32, #tpu.memory_space<vmem>>, %arg15: memref<16x8x64xf32, #tpu.memory_space<vmem>>, %arg16: memref<128x128xf32, #tpu.memory_space<vmem>>, %arg17: memref<128x128xf32, #tpu.memory_space<vmem>>, %arg18: memref<!tpu.dma_semaphore, #tpu.memory_space<semaphore_mem>>) attributes {dimension_semantics = [#tpu.dimension_semantics<core_parallel>, #tpu.dimension_semantics<subcore_parallel>], iteration_bounds = array<i64: 2, 16>, scalar_prefetch = 0 : i64, scratch_operands = 9 : i64, tpu.core_type = #tpu.core_type<sc_vector_subcore>, window_params = [{transform_indices = #map}, {transform_indices = #map}, {transform_indices = #map1}, {transform_indices = #map1}, {transform_indices = #map2}, {transform_indices = #map2}, {transform_indices = #map1}, {transform_indices = #map1}]} {
    %mul3A = arith.constant 2 : i32
    %mul3A_0 = arith.muli %arg1, %mul3A : i32
    %add3A = arith.addi %mul3A_0, %arg0 : i32
    %mul3A_1 = arith.constant 128 : i32
    %mul3A_2 = arith.muli %add3A, %mul3A_1 : i32
    "tpu.region"() ({
      %run_scoped3A = tpu.sem_alloc : memref<!tpu.dma_semaphore, #tpu.memory_space<semaphore_mem>>
      %dma_start3A_24 = tpu.memref_slice %arg2[%mul3A_2] : memref<4096xi32, #tpu.memory_space<hbm>> -> memref<128xi32, #tpu.memory_space<hbm>>
      %dma_start3A_25 = tpu.memref_slice %arg2[%mul3A_2] : memref<4096xi32, #tpu.memory_space<hbm>> -> memref<128xi32, #tpu.memory_space<hbm>>
      tpu.enqueue_dma source(%dma_start3A_25 : memref<128xi32, #tpu.memory_space<hbm>>) target(%arg10 : memref<128xi32, #tpu.memory_space<vmem>>) target_semaphore(%run_scoped3A : memref<!tpu.dma_semaphore, #tpu.memory_space<semaphore_mem>>)
      %dma_wait3A_26 = tpu.memref_slice %arg2[%mul3A_2] : memref<4096xi32, #tpu.memory_space<hbm>> -> memref<128xi32, #tpu.memory_space<hbm>>
      %dma_wait3A_27 = tpu.memref_slice %arg2[%mul3A_2] : memref<4096xi32, #tpu.memory_space<hbm>> -> memref<128xi32, #tpu.memory_space<hbm>>
      tpu.wait_dma2 semaphore(%run_scoped3A : memref<!tpu.dma_semaphore, #tpu.memory_space<semaphore_mem>>) src(%dma_wait3A_27 : memref<128xi32, #tpu.memory_space<hbm>>) dst(%arg10 : memref<128xi32, #tpu.memory_space<vmem>>)
      tpu.yield
    }) : () -> ()
    "tpu.region"() ({
      %run_scoped3A = tpu.sem_alloc : memref<!tpu.dma_semaphore, #tpu.memory_space<semaphore_mem>>
      %dma_start3A_24 = tpu.memref_slice %arg3[%mul3A_2] : memref<4096xi32, #tpu.memory_space<hbm>> -> memref<128xi32, #tpu.memory_space<hbm>>
      %dma_start3A_25 = tpu.memref_slice %arg3[%mul3A_2] : memref<4096xi32, #tpu.memory_space<hbm>> -> memref<128xi32, #tpu.memory_space<hbm>>
      tpu.enqueue_dma source(%dma_start3A_25 : memref<128xi32, #tpu.memory_space<hbm>>) target(%arg11 : memref<128xi32, #tpu.memory_space<vmem>>) target_semaphore(%run_scoped3A : memref<!tpu.dma_semaphore, #tpu.memory_space<semaphore_mem>>)
      %dma_wait3A_26 = tpu.memref_slice %arg3[%mul3A_2] : memref<4096xi32, #tpu.memory_space<hbm>> -> memref<128xi32, #tpu.memory_space<hbm>>
      %dma_wait3A_27 = tpu.memref_slice %arg3[%mul3A_2] : memref<4096xi32, #tpu.memory_space<hbm>> -> memref<128xi32, #tpu.memory_space<hbm>>
      tpu.wait_dma2 semaphore(%run_scoped3A : memref<!tpu.dma_semaphore, #tpu.memory_space<semaphore_mem>>) src(%dma_wait3A_27 : memref<128xi32, #tpu.memory_space<hbm>>) dst(%arg11 : memref<128xi32, #tpu.memory_space<vmem>>)
      tpu.yield
    }) : () -> ()
    "tpu.region"() ({
      %run_scoped3A = tpu.sem_alloc : memref<!tpu.dma_semaphore, #tpu.memory_space<semaphore_mem>>
      tpu.enqueue_dma source(%arg4 : memref<100x64xf32, #tpu.memory_space<hbm>>) target(%arg12 : memref<100x64xf32, #tpu.memory_space<vmem>>) target_semaphore(%run_scoped3A : memref<!tpu.dma_semaphore, #tpu.memory_space<semaphore_mem>>)
      tpu.wait_dma2 semaphore(%run_scoped3A : memref<!tpu.dma_semaphore, #tpu.memory_space<semaphore_mem>>) src(%arg4 : memref<100x64xf32, #tpu.memory_space<hbm>>) dst(%arg12 : memref<100x64xf32, #tpu.memory_space<vmem>>)
      tpu.yield
    }) : () -> ()
    "tpu.region"() ({
      %run_scoped3A = tpu.sem_alloc : memref<!tpu.dma_semaphore, #tpu.memory_space<semaphore_mem>>
      tpu.enqueue_dma source(%arg5 : memref<100x64xf32, #tpu.memory_space<hbm>>) target(%arg13 : memref<100x64xf32, #tpu.memory_space<vmem>>) target_semaphore(%run_scoped3A : memref<!tpu.dma_semaphore, #tpu.memory_space<semaphore_mem>>)
      tpu.wait_dma2 semaphore(%run_scoped3A : memref<!tpu.dma_semaphore, #tpu.memory_space<semaphore_mem>>) src(%arg5 : memref<100x64xf32, #tpu.memory_space<hbm>>) dst(%arg13 : memref<100x64xf32, #tpu.memory_space<vmem>>)
      tpu.yield
    }) : () -> ()
    %iota3A = tpu.iota {dimensions = array<i32: 0>} : vector<16xi32>
    %broadcast_in_dim3A = arith.constant 0 : i32
    %broadcast_in_dim3A_3 = vector.broadcast %broadcast_in_dim3A : i32 to vector<16xi32>
    %scan3A = arith.constant 0 : i32
    %scan3A_4 = arith.constant 0 : i32
    %scan3A_5 = arith.constant 8 : i32
    %scan3A_6 = arith.addi %scan3A_4, %scan3A_5 : i32
    %scan3A_7 = arith.constant 1 : i32
    %scan3A_8 = scf.for %scan3A_24 = %scan3A_4 to %scan3A_6 step %scan3A_7 iter_args(%scan3A_25 = %scan3A) -> (i32)  : i32 {
      %mul3A_26 = arith.constant 16 : i32
      %mul3A_27 = arith.muli %scan3A_24, %mul3A_26 : i32
      %get3A = arith.index_cast %mul3A_27 : i32 to index
      %get3A_28 = tpu.vector_load %arg10[%get3A] {strides = array<i32>} : memref<128xi32, #tpu.memory_space<vmem>>, vector<16xi32>,
      %mul3A_29 = arith.constant 16 : i32
      %mul3A_30 = arith.muli %scan3A_24, %mul3A_29 : i32
      %get3A_31 = arith.index_cast %mul3A_30 : i32 to index
      %get3A_32 = tpu.vector_load %arg11[%get3A_31] {strides = array<i32>} : memref<128xi32, #tpu.memory_space<vmem>>, vector<16xi32>,
      %eq3A = arith.constant 0 : i32
      %eq3A_33 = vector.broadcast %eq3A : i32 to vector<16xi32>
      %eq3A_34 = arith.cmpi eq, %iota3A, %eq3A_33 : vector<16xi32>
      %select_n3A = arith.select %eq3A_34, %get3A_28, %broadcast_in_dim3A_3 : vector<16xi1>, vector<16xi32>
      %reduce_sum3A = arith.constant true
      %reduce_sum3A_35 = vector.broadcast %reduce_sum3A : i1 to vector<16xi1>
      %reduce_sum3A_36 = tpu.scan <sum>, %select_n3A masked %reduce_sum3A_35 : vector<16xi32>, vector<16xi1> -> vector<16xi32>
      %reduce_sum3A_37 = vector.extract %reduce_sum3A_36[15] : i32 from vector<16xi32>
      %eq3A_38 = arith.constant 0 : i32
      %eq3A_39 = vector.broadcast %eq3A_38 : i32 to vector<16xi32>
      %eq3A_40 = arith.cmpi eq, %iota3A, %eq3A_39 : vector<16xi32>
      %select_n3A_41 = arith.select %eq3A_40, %get3A_32, %broadcast_in_dim3A_3 : vector<16xi1>, vector<16xi32>
      %reduce_sum3A_42 = arith.constant true
      %reduce_sum3A_43 = vector.broadcast %reduce_sum3A_42 : i1 to vector<16xi1>
      %reduce_sum3A_44 = tpu.scan <sum>, %select_n3A_41 masked %reduce_sum3A_43 : vector<16xi32>, vector<16xi1> -> vector<16xi32>
      %reduce_sum3A_45 = vector.extract %reduce_sum3A_44[15] : i32 from vector<16xi32>
      %jit3A = arith.constant 8 : i32
      %div3A = arith.divsi %reduce_sum3A_45, %jit3A : i32
      %sign3A = arith.constant 0 : i32
      %sign3A_46 = arith.cmpi sgt, %reduce_sum3A_45, %sign3A : i32
      %sign3A_47 = arith.extui %sign3A_46 : i1 to i32
      %sign3A_48 = arith.constant 0 : i32
      %sign3A_49 = arith.cmpi slt, %reduce_sum3A_45, %sign3A_48 : i32
      %sign3A_50 = arith.extui %sign3A_49 : i1 to i32
      %sign3A_51 = arith.subi %sign3A_47, %sign3A_50 : i32
      %sign3A_52 = arith.constant 0 : i32
      %sign3A_53 = arith.cmpi sgt, %jit3A, %sign3A_52 : i32
      %sign3A_54 = arith.extui %sign3A_53 : i1 to i32
      %sign3A_55 = arith.constant 0 : i32
      %sign3A_56 = arith.cmpi slt, %jit3A, %sign3A_55 : i32
      %sign3A_57 = arith.extui %sign3A_56 : i1 to i32
      %sign3A_58 = arith.subi %sign3A_54, %sign3A_57 : i32
      %ne3A = arith.cmpi ne, %sign3A_51, %sign3A_58 : i32
      %rem3A = arith.remsi %reduce_sum3A_45, %jit3A : i32
      %ne3A_59 = arith.constant 0 : i32
      %ne3A_60 = arith.cmpi ne, %rem3A, %ne3A_59 : i32
      %and3A = arith.andi %ne3A, %ne3A_60 : i1
      %sub3A = arith.constant 1 : i32
      %sub3A_61 = arith.subi %div3A, %sub3A : i32
      %select_n3A_62 = arith.select %and3A, %sub3A_61, %div3A : i32
      %mul3A_63 = arith.constant 8 : i32
      %mul3A_64 = arith.muli %select_n3A_62, %mul3A_63 : i32
      %multiple_of3A = tpu.assume_multiple %mul3A_64, 8 : i32
      %dma_start3A_65 = arith.constant 0 : i32
      %dma_start3A_66 = arith.constant 0 : i32
      %dma_start3A_67 = arith.constant 0 : i32
      %dma_start3A_68 = tpu.memref_slice %arg14[%dma_start3A_65, %dma_start3A_66, %dma_start3A_67] : memref<16x8x64xf32, #tpu.memory_space<vmem>> -> memref<1x8x64xf32, #tpu.memory_space<vmem>>
      %dma_start3A_69 = tpu.memref_squeeze %dma_start3A_68 : memref<1x8x64xf32, #tpu.memory_space<vmem>> -> memref<8x64xf32, #tpu.memory_space<vmem>>
      %dma_start3A_70 = arith.constant 0 : i32
      %dma_start3A_71 = tpu.memref_slice %arg6[%reduce_sum3A_37, %multiple_of3A, %dma_start3A_70] : memref<1000x100x64xf32, #tpu.memory_space<hbm>> -> memref<1x8x64xf32, #tpu.memory_space<hbm>>
      %dma_start3A_72 = tpu.memref_squeeze %dma_start3A_71 : memref<1x8x64xf32, #tpu.memory_space<hbm>> -> memref<8x64xf32, #tpu.memory_space<hbm>>
      %dma_start3A_73 = arith.constant 0 : i32
      %dma_start3A_74 = arith.constant 0 : i32
      %dma_start3A_75 = tpu.memref_slice %arg14[%dma_start3A_65, %dma_start3A_73, %dma_start3A_74] : memref<16x8x64xf32, #tpu.memory_space<vmem>> -> memref<1x8x64xf32, #tpu.memory_space<vmem>>
      %dma_start3A_76 = tpu.memref_squeeze %dma_start3A_75 : memref<1x8x64xf32, #tpu.memory_space<vmem>> -> memref<8x64xf32, #tpu.memory_space<vmem>>
      %dma_start3A_77 = arith.constant 0 : i32
      %dma_start3A_78 = tpu.memref_slice %arg6[%reduce_sum3A_37, %multiple_of3A, %dma_start3A_77] : memref<1000x100x64xf32, #tpu.memory_space<hbm>> -> memref<1x8x64xf32, #tpu.memory_space<hbm>>
      %dma_start3A_79 = tpu.memref_squeeze %dma_start3A_78 : memref<1x8x64xf32, #tpu.memory_space<hbm>> -> memref<8x64xf32, #tpu.memory_space<hbm>>
      tpu.enqueue_dma source(%dma_start3A_79 : memref<8x64xf32, #tpu.memory_space<hbm>>) target(%dma_start3A_76 : memref<8x64xf32, #tpu.memory_space<vmem>>) target_semaphore(%arg18 : memref<!tpu.dma_semaphore, #tpu.memory_space<semaphore_mem>>)
      %dma_start3A_80 = arith.constant 0 : i32
      %dma_start3A_81 = arith.constant 0 : i32
      %dma_start3A_82 = arith.constant 0 : i32
      %dma_start3A_83 = tpu.memref_slice %arg15[%dma_start3A_80, %dma_start3A_81, %dma_start3A_82] : memref<16x8x64xf32, #tpu.memory_space<vmem>> -> memref<1x8x64xf32, #tpu.memory_space<vmem>>
      %dma_start3A_84 = tpu.memref_squeeze %dma_start3A_83 : memref<1x8x64xf32, #tpu.memory_space<vmem>> -> memref<8x64xf32, #tpu.memory_space<vmem>>
      %dma_start3A_85 = arith.constant 0 : i32
      %dma_start3A_86 = tpu.memref_slice %arg7[%reduce_sum3A_37, %multiple_of3A, %dma_start3A_85] : memref<1000x100x64xf32, #tpu.memory_space<hbm>> -> memref<1x8x64xf32, #tpu.memory_space<hbm>>
      %dma_start3A_87 = tpu.memref_squeeze %dma_start3A_86 : memref<1x8x64xf32, #tpu.memory_space<hbm>> -> memref<8x64xf32, #tpu.memory_space<hbm>>
      %dma_start3A_88 = arith.constant 0 : i32
      %dma_start3A_89 = arith.constant 0 : i32
      %dma_start3A_90 = tpu.memref_slice %arg15[%dma_start3A_80, %dma_start3A_88, %dma_start3A_89] : memref<16x8x64xf32, #tpu.memory_space<vmem>> -> memref<1x8x64xf32, #tpu.memory_space<vmem>>
      %dma_start3A_91 = tpu.memref_squeeze %dma_start3A_90 : memref<1x8x64xf32, #tpu.memory_space<vmem>> -> memref<8x64xf32, #tpu.memory_space<vmem>>
      %dma_start3A_92 = arith.constant 0 : i32
      %dma_start3A_93 = tpu.memref_slice %arg7[%reduce_sum3A_37, %multiple_of3A, %dma_start3A_92] : memref<1000x100x64xf32, #tpu.memory_space<hbm>> -> memref<1x8x64xf32, #tpu.memory_space<hbm>>
      %dma_start3A_94 = tpu.memref_squeeze %dma_start3A_93 : memref<1x8x64xf32, #tpu.memory_space<hbm>> -> memref<8x64xf32, #tpu.memory_space<hbm>>
      tpu.enqueue_dma source(%dma_start3A_94 : memref<8x64xf32, #tpu.memory_space<hbm>>) target(%dma_start3A_91 : memref<8x64xf32, #tpu.memory_space<vmem>>) target_semaphore(%arg18 : memref<!tpu.dma_semaphore, #tpu.memory_space<semaphore_mem>>)
      %eq3A_95 = arith.constant 1 : i32
      %eq3A_96 = vector.broadcast %eq3A_95 : i32 to vector<16xi32>
      %eq3A_97 = arith.cmpi eq, %iota3A, %eq3A_96 : vector<16xi32>
      %select_n3A_98 = arith.select %eq3A_97, %get3A_28, %broadcast_in_dim3A_3 : vector<16xi1>, vector<16xi32>
      %reduce_sum3A_99 = arith.constant true
      %reduce_sum3A_100 = vector.broadcast %reduce_sum3A_99 : i1 to vector<16xi1>
      %reduce_sum3A_101 = tpu.scan <sum>, %select_n3A_98 masked %reduce_sum3A_100 : vector<16xi32>, vector<16xi1> -> vector<16xi32>
      %reduce_sum3A_102 = vector.extract %reduce_sum3A_101[15] : i32 from vector<16xi32>
      %eq3A_103 = arith.constant 1 : i32
      %eq3A_104 = vector.broadcast %eq3A_103 : i32 to vector<16xi32>
      %eq3A_105 = arith.cmpi eq, %iota3A, %eq3A_104 : vector<16xi32>
      %select_n3A_106 = arith.select %eq3A_105, %get3A_32, %broadcast_in_dim3A_3 : vector<16xi1>, vector<16xi32>
      %reduce_sum3A_107 = arith.constant true
      %reduce_sum3A_108 = vector.broadcast %reduce_sum3A_107 : i1 to vector<16xi1>
      %reduce_sum3A_109 = tpu.scan <sum>, %select_n3A_106 masked %reduce_sum3A_108 : vector<16xi32>, vector<16xi1> -> vector<16xi32>
      %reduce_sum3A_110 = vector.extract %reduce_sum3A_109[15] : i32 from vector<16xi32>
      %jit3A_111 = arith.constant 8 : i32
      %div3A_112 = arith.divsi %reduce_sum3A_110, %jit3A_111 : i32
      %sign3A_113 = arith.constant 0 : i32
      %sign3A_114 = arith.cmpi sgt, %reduce_sum3A_110, %sign3A_113 : i32
      %sign3A_115 = arith.extui %sign3A_114 : i1 to i32
      %sign3A_116 = arith.constant 0 : i32
      %sign3A_117 = arith.cmpi slt, %reduce_sum3A_110, %sign3A_116 : i32
      %sign3A_118 = arith.extui %sign3A_117 : i1 to i32
      %sign3A_119 = arith.subi %sign3A_115, %sign3A_118 : i32
      %sign3A_120 = arith.constant 0 : i32
      %sign3A_121 = arith.cmpi sgt, %jit3A_111, %sign3A_120 : i32
      %sign3A_122 = arith.extui %sign3A_121 : i1 to i32
      %sign3A_123 = arith.constant 0 : i32
      %sign3A_124 = arith.cmpi slt, %jit3A_111, %sign3A_123 : i32
      %sign3A_125 = arith.extui %sign3A_124 : i1 to i32
      %sign3A_126 = arith.subi %sign3A_122, %sign3A_125 : i32
      %ne3A_127 = arith.cmpi ne, %sign3A_119, %sign3A_126 : i32
      %rem3A_128 = arith.remsi %reduce_sum3A_110, %jit3A_111 : i32
      %ne3A_129 = arith.constant 0 : i32
      %ne3A_130 = arith.cmpi ne, %rem3A_128, %ne3A_129 : i32
      %and3A_131 = arith.andi %ne3A_127, %ne3A_130 : i1
      %sub3A_132 = arith.constant 1 : i32
      %sub3A_133 = arith.subi %div3A_112, %sub3A_132 : i32
      %select_n3A_134 = arith.select %and3A_131, %sub3A_133, %div3A_112 : i32
      %mul3A_135 = arith.constant 8 : i32
      %mul3A_136 = arith.muli %select_n3A_134, %mul3A_135 : i32
      %multiple_of3A_137 = tpu.assume_multiple %mul3A_136, 8 : i32
      %dma_start3A_138 = arith.constant 1 : i32
      %dma_start3A_139 = arith.constant 0 : i32
      %dma_start3A_140 = arith.constant 0 : i32
      %dma_start3A_141 = tpu.memref_slice %arg14[%dma_start3A_138, %dma_start3A_139, %dma_start3A_140] : memref<16x8x64xf32, #tpu.memory_space<vmem>> -> memref<1x8x64xf32, #tpu.memory_space<vmem>>
      %dma_start3A_142 = tpu.memref_squeeze %dma_start3A_141 : memref<1x8x64xf32, #tpu.memory_space<vmem>> -> memref<8x64xf32, #tpu.memory_space<vmem>>
      %dma_start3A_143 = arith.constant 0 : i32
      %dma_start3A_144 = tpu.memref_slice %arg6[%reduce_sum3A_102, %multiple_of3A_137, %dma_start3A_143] : memref<1000x100x64xf32, #tpu.memory_space<hbm>> -> memref<1x8x64xf32, #tpu.memory_space<hbm>>
      %dma_start3A_145 = tpu.memref_squeeze %dma_start3A_144 : memref<1x8x64xf32, #tpu.memory_space<hbm>> -> memref<8x64xf32, #tpu.memory_space<hbm>>
      %dma_start3A_146 = arith.constant 0 : i32
      %dma_start3A_147 = arith.constant 0 : i32
      %dma_start3A_148 = tpu.memref_slice %arg14[%dma_start3A_138, %dma_start3A_146, %dma_start3A_147] : memref<16x8x64xf32, #tpu.memory_space<vmem>> -> memref<1x8x64xf32, #tpu.memory_space<vmem>>
      %dma_start3A_149 = tpu.memref_squeeze %dma_start3A_148 : memref<1x8x64xf32, #tpu.memory_space<vmem>> -> memref<8x64xf32, #tpu.memory_space<vmem>>
      %dma_start3A_150 = arith.constant 0 : i32
      %dma_start3A_151 = tpu.memref_slice %arg6[%reduce_sum3A_102, %multiple_of3A_137, %dma_start3A_150] : memref<1000x100x64xf32, #tpu.memory_space<hbm>> -> memref<1x8x64xf32, #tpu.memory_space<hbm>>
      %dma_start3A_152 = tpu.memref_squeeze %dma_start3A_151 : memref<1x8x64xf32, #tpu.memory_space<hbm>> -> memref<8x64xf32, #tpu.memory_space<hbm>>
      tpu.enqueue_dma source(%dma_start3A_152 : memref<8x64xf32, #tpu.memory_space<hbm>>) target(%dma_start3A_149 : memref<8x64xf32, #tpu.memory_space<vmem>>) target_semaphore(%arg18 : memref<!tpu.dma_semaphore, #tpu.memory_space<semaphore_mem>>)
      %dma_start3A_153 = arith.constant 1 : i32
      %dma_start3A_154 = arith.constant 0 : i32
      %dma_start3A_155 = arith.constant 0 : i32
      %dma_start3A_156 = tpu.memref_slice %arg15[%dma_start3A_153, %dma_start3A_154, %dma_start3A_155] : memref<16x8x64xf32, #tpu.memory_space<vmem>> -> memref<1x8x64xf32, #tpu.memory_space<vmem>>
      %dma_start3A_157 = tpu.memref_squeeze %dma_start3A_156 : memref<1x8x64xf32, #tpu.memory_space<vmem>> -> memref<8x64xf32, #tpu.memory_space<vmem>>
      %dma_start3A_158 = arith.constant 0 : i32
      %dma_start3A_159 = tpu.memref_slice %arg7[%reduce_sum3A_102, %multiple_of3A_137, %dma_start3A_158] : memref<1000x100x64xf32, #tpu.memory_space<hbm>> -> memref<1x8x64xf32, #tpu.memory_space<hbm>>
      %dma_start3A_160 = tpu.memref_squeeze %dma_start3A_159 : memref<1x8x64xf32, #tpu.memory_space<hbm>> -> memref<8x64xf32, #tpu.memory_space<hbm>>
      %dma_start3A_161 = arith.constant 0 : i32
      %dma_start3A_162 = arith.constant 0 : i32
      %dma_start3A_163 = tpu.memref_slice %arg15[%dma_start3A_153, %dma_start3A_161, %dma_start3A_162] : memref<16x8x64xf32, #tpu.memory_space<vmem>> -> memref<1x8x64xf32, #tpu.memory_space<vmem>>
      %dma_start3A_164 = tpu.memref_squeeze %dma_start3A_163 : memref<1x8x64xf32, #tpu.memory_space<vmem>> -> memref<8x64xf32, #tpu.memory_space<vmem>>
      %dma_start3A_165 = arith.constant 0 : i32
      %dma_start3A_166 = tpu.memref_slice %arg7[%reduce_sum3A_102, %multiple_of3A_137, %dma_start3A_165] : memref<1000x100x64xf32, #tpu.memory_space<hbm>> -> memref<1x8x64xf32, #tpu.memory_space<hbm>>
      %dma_start3A_167 = tpu.memref_squeeze %dma_start3A_166 : memref<1x8x64xf32, #tpu.memory_space<hbm>> -> memref<8x64xf32, #tpu.memory_space<hbm>>
      tpu.enqueue_dma source(%dma_start3A_167 : memref<8x64xf32, #tpu.memory_space<hbm>>) target(%dma_start3A_164 : memref<8x64xf32, #tpu.memory_space<vmem>>) target_semaphore(%arg18 : memref<!tpu.dma_semaphore, #tpu.memory_space<semaphore_mem>>)
      %eq3A_168 = arith.constant 2 : i32
      %eq3A_169 = vector.broadcast %eq3A_168 : i32 to vector<16xi32>
      %eq3A_170 = arith.cmpi eq, %iota3A, %eq3A_169 : vector<16xi32>
      %select_n3A_171 = arith.select %eq3A_170, %get3A_28, %broadcast_in_dim3A_3 : vector<16xi1>, vector<16xi32>
      %reduce_sum3A_172 = arith.constant true
      %reduce_sum3A_173 = vector.broadcast %reduce_sum3A_172 : i1 to vector<16xi1>
      %reduce_sum3A_174 = tpu.scan <sum>, %select_n3A_171 masked %reduce_sum3A_173 : vector<16xi32>, vector<16xi1> -> vector<16xi32>
      %reduce_sum3A_175 = vector.extract %reduce_sum3A_174[15] : i32 from vector<16xi32>
      %eq3A_176 = arith.constant 2 : i32
      %eq3A_177 = vector.broadcast %eq3A_176 : i32 to vector<16xi32>
      %eq3A_178 = arith.cmpi eq, %iota3A, %eq3A_177 : vector<16xi32>
      %select_n3A_179 = arith.select %eq3A_178, %get3A_32, %broadcast_in_dim3A_3 : vector<16xi1>, vector<16xi32>
      %reduce_sum3A_180 = arith.constant true
      %reduce_sum3A_181 = vector.broadcast %reduce_sum3A_180 : i1 to vector<16xi1>
      %reduce_sum3A_182 = tpu.scan <sum>, %select_n3A_179 masked %reduce_sum3A_181 : vector<16xi32>, vector<16xi1> -> vector<16xi32>
      %reduce_sum3A_183 = vector.extract %reduce_sum3A_182[15] : i32 from vector<16xi32>
      %jit3A_184 = arith.constant 8 : i32
      %div3A_185 = arith.divsi %reduce_sum3A_183, %jit3A_184 : i32
      %sign3A_186 = arith.constant 0 : i32
      %sign3A_187 = arith.cmpi sgt, %reduce_sum3A_183, %sign3A_186 : i32
      %sign3A_188 = arith.extui %sign3A_187 : i1 to i32
      %sign3A_189 = arith.constant 0 : i32
      %sign3A_190 = arith.cmpi slt, %reduce_sum3A_183, %sign3A_189 : i32
      %sign3A_191 = arith.extui %sign3A_190 : i1 to i32
      %sign3A_192 = arith.subi %sign3A_188, %sign3A_191 : i32
      %sign3A_193 = arith.constant 0 : i32
      %sign3A_194 = arith.cmpi sgt, %jit3A_184, %sign3A_193 : i32
      %sign3A_195 = arith.extui %sign3A_194 : i1 to i32
      %sign3A_196 = arith.constant 0 : i32
      %sign3A_197 = arith.cmpi slt, %jit3A_184, %sign3A_196 : i32
      %sign3A_198 = arith.extui %sign3A_197 : i1 to i32
      %sign3A_199 = arith.subi %sign3A_195, %sign3A_198 : i32
      %ne3A_200 = arith.cmpi ne, %sign3A_192, %sign3A_199 : i32
      %rem3A_201 = arith.remsi %reduce_sum3A_183, %jit3A_184 : i32
      %ne3A_202 = arith.constant 0 : i32
      %ne3A_203 = arith.cmpi ne, %rem3A_201, %ne3A_202 : i32
      %and3A_204 = arith.andi %ne3A_200, %ne3A_203 : i1
      %sub3A_205 = arith.constant 1 : i32
      %sub3A_206 = arith.subi %div3A_185, %sub3A_205 : i32
      %select_n3A_207 = arith.select %and3A_204, %sub3A_206, %div3A_185 : i32
      %mul3A_208 = arith.constant 8 : i32
      %mul3A_209 = arith.muli %select_n3A_207, %mul3A_208 : i32
      %multiple_of3A_210 = tpu.assume_multiple %mul3A_209, 8 : i32
      %dma_start3A_211 = arith.constant 2 : i32
      %dma_start3A_212 = arith.constant 0 : i32
      %dma_start3A_213 = arith.constant 0 : i32
      %dma_start3A_214 = tpu.memref_slice %arg14[%dma_start3A_211, %dma_start3A_212, %dma_start3A_213] : memref<16x8x64xf32, #tpu.memory_space<vmem>> -> memref<1x8x64xf32, #tpu.memory_space<vmem>>
      %dma_start3A_215 = tpu.memref_squeeze %dma_start3A_214 : memref<1x8x64xf32, #tpu.memory_space<vmem>> -> memref<8x64xf32, #tpu.memory_space<vmem>>
      %dma_start3A_216 = arith.constant 0 : i32
      %dma_start3A_217 = tpu.memref_slice %arg6[%reduce_sum3A_175, %multiple_of3A_210, %dma_start3A_216] : memref<1000x100x64xf32, #tpu.memory_space<hbm>> -> memref<1x8x64xf32, #tpu.memory_space<hbm>>
      %dma_start3A_218 = tpu.memref_squeeze %dma_start3A_217 : memref<1x8x64xf32, #tpu.memory_space<hbm>> -> memref<8x64xf32, #tpu.memory_space<hbm>>
      %dma_start3A_219 = arith.constant 0 : i32
      %dma_start3A_220 = arith.constant 0 : i32
      %dma_start3A_221 = tpu.memref_slice %arg14[%dma_start3A_211, %dma_start3A_219, %dma_start3A_220] : memref<16x8x64xf32, #tpu.memory_space<vmem>> -> memref<1x8x64xf32, #tpu.memory_space<vmem>>
      %dma_start3A_222 = tpu.memref_squeeze %dma_start3A_221 : memref<1x8x64xf32, #tpu.memory_space<vmem>> -> memref<8x64xf32, #tpu.memory_space<vmem>>
      %dma_start3A_223 = arith.constant 0 : i32
      %dma_start3A_224 = tpu.memref_slice %arg6[%reduce_sum3A_175, %multiple_of3A_210, %dma_start3A_223] : memref<1000x100x64xf32, #tpu.memory_space<hbm>> -> memref<1x8x64xf32, #tpu.memory_space<hbm>>
      %dma_start3A_225 = tpu.memref_squeeze %dma_start3A_224 : memref<1x8x64xf32, #tpu.memory_space<hbm>> -> memref<8x64xf32, #tpu.memory_space<hbm>>
      tpu.enqueue_dma source(%dma_start3A_225 : memref<8x64xf32, #tpu.memory_space<hbm>>) target(%dma_start3A_222 : memref<8x64xf32, #tpu.memory_space<vmem>>) target_semaphore(%arg18 : memref<!tpu.dma_semaphore, #tpu.memory_space<semaphore_mem>>)
      %dma_start3A_226 = arith.constant 2 : i32
      %dma_start3A_227 = arith.constant 0 : i32
      %dma_start3A_228 = arith.constant 0 : i32
      %dma_start3A_229 = tpu.memref_slice %arg15[%dma_start3A_226, %dma_start3A_227, %dma_start3A_228] : memref<16x8x64xf32, #tpu.memory_space<vmem>> -> memref<1x8x64xf32, #tpu.memory_space<vmem>>
      %dma_start3A_230 = tpu.memref_squeeze %dma_start3A_229 : memref<1x8x64xf32, #tpu.memory_space<vmem>> -> memref<8x64xf32, #tpu.memory_space<vmem>>
      %dma_start3A_231 = arith.constant 0 : i32
      %dma_start3A_232 = tpu.memref_slice %arg7[%reduce_sum3A_175, %multiple_of3A_210, %dma_start3A_231] : memref<1000x100x64xf32, #tpu.memory_space<hbm>> -> memref<1x8x64xf32, #tpu.memory_space<hbm>>
      %dma_start3A_233 = tpu.memref_squeeze %dma_start3A_232 : memref<1x8x64xf32, #tpu.memory_space<hbm>> -> memref<8x64xf32, #tpu.memory_space<hbm>>
      %dma_start3A_234 = arith.constant 0 : i32
      %dma_start3A_235 = arith.constant 0 : i32
      %dma_start3A_236 = tpu.memref_slice %arg15[%dma_start3A_226, %dma_start3A_234, %dma_start3A_235] : memref<16x8x64xf32, #tpu.memory_space<vmem>> -> memref<1x8x64xf32, #tpu.memory_space<vmem>>
      %dma_start3A_237 = tpu.memref_squeeze %dma_start3A_236 : memref<1x8x64xf32, #tpu.memory_space<vmem>> -> memref<8x64xf32, #tpu.memory_space<vmem>>
      %dma_start3A_238 = arith.constant 0 : i32
      %dma_start3A_239 = tpu.memref_slice %arg7[%reduce_sum3A_175, %multiple_of3A_210, %dma_start3A_238] : memref<1000x100x64xf32, #tpu.memory_space<hbm>> -> memref<1x8x64xf32, #tpu.memory_space<hbm>>
      %dma_start3A_240 = tpu.memref_squeeze %dma_start3A_239 : memref<1x8x64xf32, #tpu.memory_space<hbm>> -> memref<8x64xf32, #tpu.memory_space<hbm>>
      tpu.enqueue_dma source(%dma_start3A_240 : memref<8x64xf32, #tpu.memory_space<hbm>>) target(%dma_start3A_237 : memref<8x64xf32, #tpu.memory_space<vmem>>) target_semaphore(%arg18 : memref<!tpu.dma_semaphore, #tpu.memory_space<semaphore_mem>>)
      %eq3A_241 = arith.constant 3 : i32
      %eq3A_242 = vector.broadcast %eq3A_241 : i32 to vector<16xi32>
      %eq3A_243 = arith.cmpi eq, %iota3A, %eq3A_242 : vector<16xi32>
      %select_n3A_244 = arith.select %eq3A_243, %get3A_28, %broadcast_in_dim3A_3 : vector<16xi1>, vector<16xi32>
      %reduce_sum3A_245 = arith.constant true
      %reduce_sum3A_246 = vector.broadcast %reduce_sum3A_245 : i1 to vector<16xi1>
      %reduce_sum3A_247 = tpu.scan <sum>, %select_n3A_244 masked %reduce_sum3A_246 : vector<16xi32>, vector<16xi1> -> vector<16xi32>
      %reduce_sum3A_248 = vector.extract %reduce_sum3A_247[15] : i32 from vector<16xi32>
      %eq3A_249 = arith.constant 3 : i32
      %eq3A_250 = vector.broadcast %eq3A_249 : i32 to vector<16xi32>
      %eq3A_251 = arith.cmpi eq, %iota3A, %eq3A_250 : vector<16xi32>
      %select_n3A_252 = arith.select %eq3A_251, %get3A_32, %broadcast_in_dim3A_3 : vector<16xi1>, vector<16xi32>
      %reduce_sum3A_253 = arith.constant true
      %reduce_sum3A_254 = vector.broadcast %reduce_sum3A_253 : i1 to vector<16xi1>
      %reduce_sum3A_255 = tpu.scan <sum>, %select_n3A_252 masked %reduce_sum3A_254 : vector<16xi32>, vector<16xi1> -> vector<16xi32>
      %reduce_sum3A_256 = vector.extract %reduce_sum3A_255[15] : i32 from vector<16xi32>
      %jit3A_257 = arith.constant 8 : i32
      %div3A_258 = arith.divsi %reduce_sum3A_256, %jit3A_257 : i32
      %sign3A_259 = arith.constant 0 : i32
      %sign3A_260 = arith.cmpi sgt, %reduce_sum3A_256, %sign3A_259 : i32
      %sign3A_261 = arith.extui %sign3A_260 : i1 to i32
      %sign3A_262 = arith.constant 0 : i32
      %sign3A_263 = arith.cmpi slt, %reduce_sum3A_256, %sign3A_262 : i32
      %sign3A_264 = arith.extui %sign3A_263 : i1 to i32
      %sign3A_265 = arith.subi %sign3A_261, %sign3A_264 : i32
      %sign3A_266 = arith.constant 0 : i32
      %sign3A_267 = arith.cmpi sgt, %jit3A_257, %sign3A_266 : i32
      %sign3A_268 = arith.extui %sign3A_267 : i1 to i32
      %sign3A_269 = arith.constant 0 : i32
      %sign3A_270 = arith.cmpi slt, %jit3A_257, %sign3A_269 : i32
      %sign3A_271 = arith.extui %sign3A_270 : i1 to i32
      %sign3A_272 = arith.subi %sign3A_268, %sign3A_271 : i32
      %ne3A_273 = arith.cmpi ne, %sign3A_265, %sign3A_272 : i32
      %rem3A_274 = arith.remsi %reduce_sum3A_256, %jit3A_257 : i32
      %ne3A_275 = arith.constant 0 : i32
      %ne3A_276 = arith.cmpi ne, %rem3A_274, %ne3A_275 : i32
      %and3A_277 = arith.andi %ne3A_273, %ne3A_276 : i1
      %sub3A_278 = arith.constant 1 : i32
      %sub3A_279 = arith.subi %div3A_258, %sub3A_278 : i32
      %select_n3A_280 = arith.select %and3A_277, %sub3A_279, %div3A_258 : i32
      %mul3A_281 = arith.constant 8 : i32
      %mul3A_282 = arith.muli %select_n3A_280, %mul3A_281 : i32
      %multiple_of3A_283 = tpu.assume_multiple %mul3A_282, 8 : i32
      %dma_start3A_284 = arith.constant 3 : i32
      %dma_start3A_285 = arith.constant 0 : i32
      %dma_start3A_286 = arith.constant 0 : i32
      %dma_start3A_287 = tpu.memref_slice %arg14[%dma_start3A_284, %dma_start3A_285, %dma_start3A_286] : memref<16x8x64xf32, #tpu.memory_space<vmem>> -> memref<1x8x64xf32, #tpu.memory_space<vmem>>
      %dma_start3A_288 = tpu.memref_squeeze %dma_start3A_287 : memref<1x8x64xf32, #tpu.memory_space<vmem>> -> memref<8x64xf32, #tpu.memory_space<vmem>>
      %dma_start3A_289 = arith.constant 0 : i32
      %dma_start3A_290 = tpu.memref_slice %arg6[%reduce_sum3A_248, %multiple_of3A_283, %dma_start3A_289] : memref<1000x100x64xf32, #tpu.memory_space<hbm>> -> memref<1x8x64xf32, #tpu.memory_space<hbm>>
      %dma_start3A_291 = tpu.memref_squeeze %dma_start3A_290 : memref<1x8x64xf32, #tpu.memory_space<hbm>> -> memref<8x64xf32, #tpu.memory_space<hbm>>
      %dma_start3A_292 = arith.constant 0 : i32
      %dma_start3A_293 = arith.constant 0 : i32
      %dma_start3A_294 = tpu.memref_slice %arg14[%dma_start3A_284, %dma_start3A_292, %dma_start3A_293] : memref<16x8x64xf32, #tpu.memory_space<vmem>> -> memref<1x8x64xf32, #tpu.memory_space<vmem>>
      %dma_start3A_295 = tpu.memref_squeeze %dma_start3A_294 : memref<1x8x64xf32, #tpu.memory_space<vmem>> -> memref<8x64xf32, #tpu.memory_space<vmem>>
      %dma_start3A_296 = arith.constant 0 : i32
      %dma_start3A_297 = tpu.memref_slice %arg6[%reduce_sum3A_248, %multiple_of3A_283, %dma_start3A_296] : memref<1000x100x64xf32, #tpu.memory_space<hbm>> -> memref<1x8x64xf32, #tpu.memory_space<hbm>>
      %dma_start3A_298 = tpu.memref_squeeze %dma_start3A_297 : memref<1x8x64xf32, #tpu.memory_space<hbm>> -> memref<8x64xf32, #tpu.memory_space<hbm>>
      tpu.enqueue_dma source(%dma_start3A_298 : memref<8x64xf32, #tpu.memory_space<hbm>>) target(%dma_start3A_295 : memref<8x64xf32, #tpu.memory_space<vmem>>) target_semaphore(%arg18 : memref<!tpu.dma_semaphore, #tpu.memory_space<semaphore_mem>>)
      %dma_start3A_299 = arith.constant 3 : i32
      %dma_start3A_300 = arith.constant 0 : i32
      %dma_start3A_301 = arith.constant 0 : i32
      %dma_start3A_302 = tpu.memref_slice %arg15[%dma_start3A_299, %dma_start3A_300, %dma_start3A_301] : memref<16x8x64xf32, #tpu.memory_space<vmem>> -> memref<1x8x64xf32, #tpu.memory_space<vmem>>
      %dma_start3A_303 = tpu.memref_squeeze %dma_start3A_302 : memref<1x8x64xf32, #tpu.memory_space<vmem>> -> memref<8x64xf32, #tpu.memory_space<vmem>>
      %dma_start3A_304 = arith.constant 0 : i32
      %dma_start3A_305 = tpu.memref_slice %arg7[%reduce_sum3A_248, %multiple_of3A_283, %dma_start3A_304] : memref<1000x100x64xf32, #tpu.memory_space<hbm>> -> memref<1x8x64xf32, #tpu.memory_space<hbm>>
      %dma_start3A_306 = tpu.memref_squeeze %dma_start3A_305 : memref<1x8x64xf32, #tpu.memory_space<hbm>> -> memref<8x64xf32, #tpu.memory_space<hbm>>
      %dma_start3A_307 = arith.constant 0 : i32
      %dma_start3A_308 = arith.constant 0 : i32
      %dma_start3A_309 = tpu.memref_slice %arg15[%dma_start3A_299, %dma_start3A_307, %dma_start3A_308] : memref<16x8x64xf32, #tpu.memory_space<vmem>> -> memref<1x8x64xf32, #tpu.memory_space<vmem>>
      %dma_start3A_310 = tpu.memref_squeeze %dma_start3A_309 : memref<1x8x64xf32, #tpu.memory_space<vmem>> -> memref<8x64xf32, #tpu.memory_space<vmem>>
      %dma_start3A_311 = arith.constant 0 : i32
      %dma_start3A_312 = tpu.memref_slice %arg7[%reduce_sum3A_248, %multiple_of3A_283, %dma_start3A_311] : memref<1000x100x64xf32, #tpu.memory_space<hbm>> -> memref<1x8x64xf32, #tpu.memory_space<hbm>>
      %dma_start3A_313 = tpu.memref_squeeze %dma_start3A_312 : memref<1x8x64xf32, #tpu.memory_space<hbm>> -> memref<8x64xf32, #tpu.memory_space<hbm>>
      tpu.enqueue_dma source(%dma_start3A_313 : memref<8x64xf32, #tpu.memory_space<hbm>>) target(%dma_start3A_310 : memref<8x64xf32, #tpu.memory_space<vmem>>) target_semaphore(%arg18 : memref<!tpu.dma_semaphore, #tpu.memory_space<semaphore_mem>>)
      %eq3A_314 = arith.constant 4 : i32
      %eq3A_315 = vector.broadcast %eq3A_314 : i32 to vector<16xi32>
      %eq3A_316 = arith.cmpi eq, %iota3A, %eq3A_315 : vector<16xi32>
      %select_n3A_317 = arith.select %eq3A_316, %get3A_28, %broadcast_in_dim3A_3 : vector<16xi1>, vector<16xi32>
      %reduce_sum3A_318 = arith.constant true
      %reduce_sum3A_319 = vector.broadcast %reduce_sum3A_318 : i1 to vector<16xi1>
      %reduce_sum3A_320 = tpu.scan <sum>, %select_n3A_317 masked %reduce_sum3A_319 : vector<16xi32>, vector<16xi1> -> vector<16xi32>
      %reduce_sum3A_321 = vector.extract %reduce_sum3A_320[15] : i32 from vector<16xi32>
      %eq3A_322 = arith.constant 4 : i32
      %eq3A_323 = vector.broadcast %eq3A_322 : i32 to vector<16xi32>
      %eq3A_324 = arith.cmpi eq, %iota3A, %eq3A_323 : vector<16xi32>
      %select_n3A_325 = arith.select %eq3A_324, %get3A_32, %broadcast_in_dim3A_3 : vector<16xi1>, vector<16xi32>
      %reduce_sum3A_326 = arith.constant true
      %reduce_sum3A_327 = vector.broadcast %reduce_sum3A_326 : i1 to vector<16xi1>
      %reduce_sum3A_328 = tpu.scan <sum>, %select_n3A_325 masked %reduce_sum3A_327 : vector<16xi32>, vector<16xi1> -> vector<16xi32>
      %reduce_sum3A_329 = vector.extract %reduce_sum3A_328[15] : i32 from vector<16xi32>
      %jit3A_330 = arith.constant 8 : i32
      %div3A_331 = arith.divsi %reduce_sum3A_329, %jit3A_330 : i32
      %sign3A_332 = arith.constant 0 : i32
      %sign3A_333 = arith.cmpi sgt, %reduce_sum3A_329, %sign3A_332 : i32
      %sign3A_334 = arith.extui %sign3A_333 : i1 to i32
      %sign3A_335 = arith.constant 0 : i32
      %sign3A_336 = arith.cmpi slt, %reduce_sum3A_329, %sign3A_335 : i32
      %sign3A_337 = arith.extui %sign3A_336 : i1 to i32
      %sign3A_338 = arith.subi %sign3A_334, %sign3A_337 : i32
      %sign3A_339 = arith.constant 0 : i32
      %sign3A_340 = arith.cmpi sgt, %jit3A_330, %sign3A_339 : i32
      %sign3A_341 = arith.extui %sign3A_340 : i1 to i32
      %sign3A_342 = arith.constant 0 : i32
      %sign3A_343 = arith.cmpi slt, %jit3A_330, %sign3A_342 : i32
      %sign3A_344 = arith.extui %sign3A_343 : i1 to i32
      %sign3A_345 = arith.subi %sign3A_341, %sign3A_344 : i32
      %ne3A_346 = arith.cmpi ne, %sign3A_338, %sign3A_345 : i32
      %rem3A_347 = arith.remsi %reduce_sum3A_329, %jit3A_330 : i32
      %ne3A_348 = arith.constant 0 : i32
      %ne3A_349 = arith.cmpi ne, %rem3A_347, %ne3A_348 : i32
      %and3A_350 = arith.andi %ne3A_346, %ne3A_349 : i1
      %sub3A_351 = arith.constant 1 : i32
      %sub3A_352 = arith.subi %div3A_331, %sub3A_351 : i32
      %select_n3A_353 = arith.select %and3A_350, %sub3A_352, %div3A_331 : i32
      %mul3A_354 = arith.constant 8 : i32
      %mul3A_355 = arith.muli %select_n3A_353, %mul3A_354 : i32
      %multiple_of3A_356 = tpu.assume_multiple %mul3A_355, 8 : i32
      %dma_start3A_357 = arith.constant 4 : i32
      %dma_start3A_358 = arith.constant 0 : i32
      %dma_start3A_359 = arith.constant 0 : i32
      %dma_start3A_360 = tpu.memref_slice %arg14[%dma_start3A_357, %dma_start3A_358, %dma_start3A_359] : memref<16x8x64xf32, #tpu.memory_space<vmem>> -> memref<1x8x64xf32, #tpu.memory_space<vmem>>
      %dma_start3A_361 = tpu.memref_squeeze %dma_start3A_360 : memref<1x8x64xf32, #tpu.memory_space<vmem>> -> memref<8x64xf32, #tpu.memory_space<vmem>>
      %dma_start3A_362 = arith.constant 0 : i32
      %dma_start3A_363 = tpu.memref_slice %arg6[%reduce_sum3A_321, %multiple_of3A_356, %dma_start3A_362] : memref<1000x100x64xf32, #tpu.memory_space<hbm>> -> memref<1x8x64xf32, #tpu.memory_space<hbm>>
      %dma_start3A_364 = tpu.memref_squeeze %dma_start3A_363 : memref<1x8x64xf32, #tpu.memory_space<hbm>> -> memref<8x64xf32, #tpu.memory_space<hbm>>
      %dma_start3A_365 = arith.constant 0 : i32
      %dma_start3A_366 = arith.constant 0 : i32
      %dma_start3A_367 = tpu.memref_slice %arg14[%dma_start3A_357, %dma_start3A_365, %dma_start3A_366] : memref<16x8x64xf32, #tpu.memory_space<vmem>> -> memref<1x8x64xf32, #tpu.memory_space<vmem>>
      %dma_start3A_368 = tpu.memref_squeeze %dma_start3A_367 : memref<1x8x64xf32, #tpu.memory_space<vmem>> -> memref<8x64xf32, #tpu.memory_space<vmem>>
      %dma_start3A_369 = arith.constant 0 : i32
      %dma_start3A_370 = tpu.memref_slice %arg6[%reduce_sum3A_321, %multiple_of3A_356, %dma_start3A_369] : memref<1000x100x64xf32, #tpu.memory_space<hbm>> -> memref<1x8x64xf32, #tpu.memory_space<hbm>>
      %dma_start3A_371 = tpu.memref_squeeze %dma_start3A_370 : memref<1x8x64xf32, #tpu.memory_space<hbm>> -> memref<8x64xf32, #tpu.memory_space<hbm>>
      tpu.enqueue_dma source(%dma_start3A_371 : memref<8x64xf32, #tpu.memory_space<hbm>>) target(%dma_start3A_368 : memref<8x64xf32, #tpu.memory_space<vmem>>) target_semaphore(%arg18 : memref<!tpu.dma_semaphore, #tpu.memory_space<semaphore_mem>>)
      %dma_start3A_372 = arith.constant 4 : i32
      %dma_start3A_373 = arith.constant 0 : i32
      %dma_start3A_374 = arith.constant 0 : i32
      %dma_start3A_375 = tpu.memref_slice %arg15[%dma_start3A_372, %dma_start3A_373, %dma_start3A_374] : memref<16x8x64xf32, #tpu.memory_space<vmem>> -> memref<1x8x64xf32, #tpu.memory_space<vmem>>
      %dma_start3A_376 = tpu.memref_squeeze %dma_start3A_375 : memref<1x8x64xf32, #tpu.memory_space<vmem>> -> memref<8x64xf32, #tpu.memory_space<vmem>>
      %dma_start3A_377 = arith.constant 0 : i32
      %dma_start3A_378 = tpu.memref_slice %arg7[%reduce_sum3A_321, %multiple_of3A_356, %dma_start3A_377] : memref<1000x100x64xf32, #tpu.memory_space<hbm>> -> memref<1x8x64xf32, #tpu.memory_space<hbm>>
      %dma_start3A_379 = tpu.memref_squeeze %dma_start3A_378 : memref<1x8x64xf32, #tpu.memory_space<hbm>> -> memref<8x64xf32, #tpu.memory_space<hbm>>
      %dma_start3A_380 = arith.constant 0 : i32
      %dma_start3A_381 = arith.constant 0 : i32
      %dma_start3A_382 = tpu.memref_slice %arg15[%dma_start3A_372, %dma_start3A_380, %dma_start3A_381] : memref<16x8x64xf32, #tpu.memory_space<vmem>> -> memref<1x8x64xf32, #tpu.memory_space<vmem>>
      %dma_start3A_383 = tpu.memref_squeeze %dma_start3A_382 : memref<1x8x64xf32, #tpu.memory_space<vmem>> -> memref<8x64xf32, #tpu.memory_space<vmem>>
      %dma_start3A_384 = arith.constant 0 : i32
      %dma_start3A_385 = tpu.memref_slice %arg7[%reduce_sum3A_321, %multiple_of3A_356, %dma_start3A_384] : memref<1000x100x64xf32, #tpu.memory_space<hbm>> -> memref<1x8x64xf32, #tpu.memory_space<hbm>>
      %dma_start3A_386 = tpu.memref_squeeze %dma_start3A_385 : memref<1x8x64xf32, #tpu.memory_space<hbm>> -> memref<8x64xf32, #tpu.memory_space<hbm>>
      tpu.enqueue_dma source(%dma_start3A_386 : memref<8x64xf32, #tpu.memory_space<hbm>>) target(%dma_start3A_383 : memref<8x64xf32, #tpu.memory_space<vmem>>) target_semaphore(%arg18 : memref<!tpu.dma_semaphore, #tpu.memory_space<semaphore_mem>>)
      %eq3A_387 = arith.constant 5 : i32
      %eq3A_388 = vector.broadcast %eq3A_387 : i32 to vector<16xi32>
      %eq3A_389 = arith.cmpi eq, %iota3A, %eq3A_388 : vector<16xi32>
      %select_n3A_390 = arith.select %eq3A_389, %get3A_28, %broadcast_in_dim3A_3 : vector<16xi1>, vector<16xi32>
      %reduce_sum3A_391 = arith.constant true
      %reduce_sum3A_392 = vector.broadcast %reduce_sum3A_391 : i1 to vector<16xi1>
      %reduce_sum3A_393 = tpu.scan <sum>, %select_n3A_390 masked %reduce_sum3A_392 : vector<16xi32>, vector<16xi1> -> vector<16xi32>
      %reduce_sum3A_394 = vector.extract %reduce_sum3A_393[15] : i32 from vector<16xi32>
      %eq3A_395 = arith.constant 5 : i32
      %eq3A_396 = vector.broadcast %eq3A_395 : i32 to vector<16xi32>
      %eq3A_397 = arith.cmpi eq, %iota3A, %eq3A_396 : vector<16xi32>
      %select_n3A_398 = arith.select %eq3A_397, %get3A_32, %broadcast_in_dim3A_3 : vector<16xi1>, vector<16xi32>
      %reduce_sum3A_399 = arith.constant true
      %reduce_sum3A_400 = vector.broadcast %reduce_sum3A_399 : i1 to vector<16xi1>
      %reduce_sum3A_401 = tpu.scan <sum>, %select_n3A_398 masked %reduce_sum3A_400 : vector<16xi32>, vector<16xi1> -> vector<16xi32>
      %reduce_sum3A_402 = vector.extract %reduce_sum3A_401[15] : i32 from vector<16xi32>
      %jit3A_403 = arith.constant 8 : i32
      %div3A_404 = arith.divsi %reduce_sum3A_402, %jit3A_403 : i32
      %sign3A_405 = arith.constant 0 : i32
      %sign3A_406 = arith.cmpi sgt, %reduce_sum3A_402, %sign3A_405 : i32
      %sign3A_407 = arith.extui %sign3A_406 : i1 to i32
      %sign3A_408 = arith.constant 0 : i32
      %sign3A_409 = arith.cmpi slt, %reduce_sum3A_402, %sign3A_408 : i32
      %sign3A_410 = arith.extui %sign3A_409 : i1 to i32
      %sign3A_411 = arith.subi %sign3A_407, %sign3A_410 : i32
      %sign3A_412 = arith.constant 0 : i32
      %sign3A_413 = arith.cmpi sgt, %jit3A_403, %sign3A_412 : i32
      %sign3A_414 = arith.extui %sign3A_413 : i1 to i32
      %sign3A_415 = arith.constant 0 : i32
      %sign3A_416 = arith.cmpi slt, %jit3A_403, %sign3A_415 : i32
      %sign3A_417 = arith.extui %sign3A_416 : i1 to i32
      %sign3A_418 = arith.subi %sign3A_414, %sign3A_417 : i32
      %ne3A_419 = arith.cmpi ne, %sign3A_411, %sign3A_418 : i32
      %rem3A_420 = arith.remsi %reduce_sum3A_402, %jit3A_403 : i32
      %ne3A_421 = arith.constant 0 : i32
      %ne3A_422 = arith.cmpi ne, %rem3A_420, %ne3A_421 : i32
      %and3A_423 = arith.andi %ne3A_419, %ne3A_422 : i1
      %sub3A_424 = arith.constant 1 : i32
      %sub3A_425 = arith.subi %div3A_404, %sub3A_424 : i32
      %select_n3A_426 = arith.select %and3A_423, %sub3A_425, %div3A_404 : i32
      %mul3A_427 = arith.constant 8 : i32
      %mul3A_428 = arith.muli %select_n3A_426, %mul3A_427 : i32
      %multiple_of3A_429 = tpu.assume_multiple %mul3A_428, 8 : i32
      %dma_start3A_430 = arith.constant 5 : i32
      %dma_start3A_431 = arith.constant 0 : i32
      %dma_start3A_432 = arith.constant 0 : i32
      %dma_start3A_433 = tpu.memref_slice %arg14[%dma_start3A_430, %dma_start3A_431, %dma_start3A_432] : memref<16x8x64xf32, #tpu.memory_space<vmem>> -> memref<1x8x64xf32, #tpu.memory_space<vmem>>
      %dma_start3A_434 = tpu.memref_squeeze %dma_start3A_433 : memref<1x8x64xf32, #tpu.memory_space<vmem>> -> memref<8x64xf32, #tpu.memory_space<vmem>>
      %dma_start3A_435 = arith.constant 0 : i32
      %dma_start3A_436 = tpu.memref_slice %arg6[%reduce_sum3A_394, %multiple_of3A_429, %dma_start3A_435] : memref<1000x100x64xf32, #tpu.memory_space<hbm>> -> memref<1x8x64xf32, #tpu.memory_space<hbm>>
      %dma_start3A_437 = tpu.memref_squeeze %dma_start3A_436 : memref<1x8x64xf32, #tpu.memory_space<hbm>> -> memref<8x64xf32, #tpu.memory_space<hbm>>
      %dma_start3A_438 = arith.constant 0 : i32
      %dma_start3A_439 = arith.constant 0 : i32
      %dma_start3A_440 = tpu.memref_slice %arg14[%dma_start3A_430, %dma_start3A_438, %dma_start3A_439] : memref<16x8x64xf32, #tpu.memory_space<vmem>> -> memref<1x8x64xf32, #tpu.memory_space<vmem>>
      %dma_start3A_441 = tpu.memref_squeeze %dma_start3A_440 : memref<1x8x64xf32, #tpu.memory_space<vmem>> -> memref<8x64xf32, #tpu.memory_space<vmem>>
      %dma_start3A_442 = arith.constant 0 : i32
      %dma_start3A_443 = tpu.memref_slice %arg6[%reduce_sum3A_394, %multiple_of3A_429, %dma_start3A_442] : memref<1000x100x64xf32, #tpu.memory_space<hbm>> -> memref<1x8x64xf32, #tpu.memory_space<hbm>>
      %dma_start3A_444 = tpu.memref_squeeze %dma_start3A_443 : memref<1x8x64xf32, #tpu.memory_space<hbm>> -> memref<8x64xf32, #tpu.memory_space<hbm>>
      tpu.enqueue_dma source(%dma_start3A_444 : memref<8x64xf32, #tpu.memory_space<hbm>>) target(%dma_start3A_441 : memref<8x64xf32, #tpu.memory_space<vmem>>) target_semaphore(%arg18 : memref<!tpu.dma_semaphore, #tpu.memory_space<semaphore_mem>>)
      %dma_start3A_445 = arith.constant 5 : i32
      %dma_start3A_446 = arith.constant 0 : i32
      %dma_start3A_447 = arith.constant 0 : i32
      %dma_start3A_448 = tpu.memref_slice %arg15[%dma_start3A_445, %dma_start3A_446, %dma_start3A_447] : memref<16x8x64xf32, #tpu.memory_space<vmem>> -> memref<1x8x64xf32, #tpu.memory_space<vmem>>
      %dma_start3A_449 = tpu.memref_squeeze %dma_start3A_448 : memref<1x8x64xf32, #tpu.memory_space<vmem>> -> memref<8x64xf32, #tpu.memory_space<vmem>>
      %dma_start3A_450 = arith.constant 0 : i32
      %dma_start3A_451 = tpu.memref_slice %arg7[%reduce_sum3A_394, %multiple_of3A_429, %dma_start3A_450] : memref<1000x100x64xf32, #tpu.memory_space<hbm>> -> memref<1x8x64xf32, #tpu.memory_space<hbm>>
      %dma_start3A_452 = tpu.memref_squeeze %dma_start3A_451 : memref<1x8x64xf32, #tpu.memory_space<hbm>> -> memref<8x64xf32, #tpu.memory_space<hbm>>
      %dma_start3A_453 = arith.constant 0 : i32
      %dma_start3A_454 = arith.constant 0 : i32
      %dma_start3A_455 = tpu.memref_slice %arg15[%dma_start3A_445, %dma_start3A_453, %dma_start3A_454] : memref<16x8x64xf32, #tpu.memory_space<vmem>> -> memref<1x8x64xf32, #tpu.memory_space<vmem>>
      %dma_start3A_456 = tpu.memref_squeeze %dma_start3A_455 : memref<1x8x64xf32, #tpu.memory_space<vmem>> -> memref<8x64xf32, #tpu.memory_space<vmem>>
      %dma_start3A_457 = arith.constant 0 : i32
      %dma_start3A_458 = tpu.memref_slice %arg7[%reduce_sum3A_394, %multiple_of3A_429, %dma_start3A_457] : memref<1000x100x64xf32, #tpu.memory_space<hbm>> -> memref<1x8x64xf32, #tpu.memory_space<hbm>>
      %dma_start3A_459 = tpu.memref_squeeze %dma_start3A_458 : memref<1x8x64xf32, #tpu.memory_space<hbm>> -> memref<8x64xf32, #tpu.memory_space<hbm>>
      tpu.enqueue_dma source(%dma_start3A_459 : memref<8x64xf32, #tpu.memory_space<hbm>>) target(%dma_start3A_456 : memref<8x64xf32, #tpu.memory_space<vmem>>) target_semaphore(%arg18 : memref<!tpu.dma_semaphore, #tpu.memory_space<semaphore_mem>>)
      %eq3A_460 = arith.constant 6 : i32
      %eq3A_461 = vector.broadcast %eq3A_460 : i32 to vector<16xi32>
      %eq3A_462 = arith.cmpi eq, %iota3A, %eq3A_461 : vector<16xi32>
      %select_n3A_463 = arith.select %eq3A_462, %get3A_28, %broadcast_in_dim3A_3 : vector<16xi1>, vector<16xi32>
      %reduce_sum3A_464 = arith.constant true
      %reduce_sum3A_465 = vector.broadcast %reduce_sum3A_464 : i1 to vector<16xi1>
      %reduce_sum3A_466 = tpu.scan <sum>, %select_n3A_463 masked %reduce_sum3A_465 : vector<16xi32>, vector<16xi1> -> vector<16xi32>
      %reduce_sum3A_467 = vector.extract %reduce_sum3A_466[15] : i32 from vector<16xi32>
      %eq3A_468 = arith.constant 6 : i32
      %eq3A_469 = vector.broadcast %eq3A_468 : i32 to vector<16xi32>
      %eq3A_470 = arith.cmpi eq, %iota3A, %eq3A_469 : vector<16xi32>
      %select_n3A_471 = arith.select %eq3A_470, %get3A_32, %broadcast_in_dim3A_3 : vector<16xi1>, vector<16xi32>
      %reduce_sum3A_472 = arith.constant true
      %reduce_sum3A_473 = vector.broadcast %reduce_sum3A_472 : i1 to vector<16xi1>
      %reduce_sum3A_474 = tpu.scan <sum>, %select_n3A_471 masked %reduce_sum3A_473 : vector<16xi32>, vector<16xi1> -> vector<16xi32>
      %reduce_sum3A_475 = vector.extract %reduce_sum3A_474[15] : i32 from vector<16xi32>
      %jit3A_476 = arith.constant 8 : i32
      %div3A_477 = arith.divsi %reduce_sum3A_475, %jit3A_476 : i32
      %sign3A_478 = arith.constant 0 : i32
      %sign3A_479 = arith.cmpi sgt, %reduce_sum3A_475, %sign3A_478 : i32
      %sign3A_480 = arith.extui %sign3A_479 : i1 to i32
      %sign3A_481 = arith.constant 0 : i32
      %sign3A_482 = arith.cmpi slt, %reduce_sum3A_475, %sign3A_481 : i32
      %sign3A_483 = arith.extui %sign3A_482 : i1 to i32
      %sign3A_484 = arith.subi %sign3A_480, %sign3A_483 : i32
      %sign3A_485 = arith.constant 0 : i32
      %sign3A_486 = arith.cmpi sgt, %jit3A_476, %sign3A_485 : i32
      %sign3A_487 = arith.extui %sign3A_486 : i1 to i32
      %sign3A_488 = arith.constant 0 : i32
      %sign3A_489 = arith.cmpi slt, %jit3A_476, %sign3A_488 : i32
      %sign3A_490 = arith.extui %sign3A_489 : i1 to i32
      %sign3A_491 = arith.subi %sign3A_487, %sign3A_490 : i32
      %ne3A_492 = arith.cmpi ne, %sign3A_484, %sign3A_491 : i32
      %rem3A_493 = arith.remsi %reduce_sum3A_475, %jit3A_476 : i32
      %ne3A_494 = arith.constant 0 : i32
      %ne3A_495 = arith.cmpi ne, %rem3A_493, %ne3A_494 : i32
      %and3A_496 = arith.andi %ne3A_492, %ne3A_495 : i1
      %sub3A_497 = arith.constant 1 : i32
      %sub3A_498 = arith.subi %div3A_477, %sub3A_497 : i32
      %select_n3A_499 = arith.select %and3A_496, %sub3A_498, %div3A_477 : i32
      %mul3A_500 = arith.constant 8 : i32
      %mul3A_501 = arith.muli %select_n3A_499, %mul3A_500 : i32
      %multiple_of3A_502 = tpu.assume_multiple %mul3A_501, 8 : i32
      %dma_start3A_503 = arith.constant 6 : i32
      %dma_start3A_504 = arith.constant 0 : i32
      %dma_start3A_505 = arith.constant 0 : i32
      %dma_start3A_506 = tpu.memref_slice %arg14[%dma_start3A_503, %dma_start3A_504, %dma_start3A_505] : memref<16x8x64xf32, #tpu.memory_space<vmem>> -> memref<1x8x64xf32, #tpu.memory_space<vmem>>
      %dma_start3A_507 = tpu.memref_squeeze %dma_start3A_506 : memref<1x8x64xf32, #tpu.memory_space<vmem>> -> memref<8x64xf32, #tpu.memory_space<vmem>>
      %dma_start3A_508 = arith.constant 0 : i32
      %dma_start3A_509 = tpu.memref_slice %arg6[%reduce_sum3A_467, %multiple_of3A_502, %dma_start3A_508] : memref<1000x100x64xf32, #tpu.memory_space<hbm>> -> memref<1x8x64xf32, #tpu.memory_space<hbm>>
      %dma_start3A_510 = tpu.memref_squeeze %dma_start3A_509 : memref<1x8x64xf32, #tpu.memory_space<hbm>> -> memref<8x64xf32, #tpu.memory_space<hbm>>
      %dma_start3A_511 = arith.constant 0 : i32
      %dma_start3A_512 = arith.constant 0 : i32
      %dma_start3A_513 = tpu.memref_slice %arg14[%dma_start3A_503, %dma_start3A_511, %dma_start3A_512] : memref<16x8x64xf32, #tpu.memory_space<vmem>> -> memref<1x8x64xf32, #tpu.memory_space<vmem>>
      %dma_start3A_514 = tpu.memref_squeeze %dma_start3A_513 : memref<1x8x64xf32, #tpu.memory_space<vmem>> -> memref<8x64xf32, #tpu.memory_space<vmem>>
      %dma_start3A_515 = arith.constant 0 : i32
      %dma_start3A_516 = tpu.memref_slice %arg6[%reduce_sum3A_467, %multiple_of3A_502, %dma_start3A_515] : memref<1000x100x64xf32, #tpu.memory_space<hbm>> -> memref<1x8x64xf32, #tpu.memory_space<hbm>>
      %dma_start3A_517 = tpu.memref_squeeze %dma_start3A_516 : memref<1x8x64xf32, #tpu.memory_space<hbm>> -> memref<8x64xf32, #tpu.memory_space<hbm>>
      tpu.enqueue_dma source(%dma_start3A_517 : memref<8x64xf32, #tpu.memory_space<hbm>>) target(%dma_start3A_514 : memref<8x64xf32, #tpu.memory_space<vmem>>) target_semaphore(%arg18 : memref<!tpu.dma_semaphore, #tpu.memory_space<semaphore_mem>>)
      %dma_start3A_518 = arith.constant 6 : i32
      %dma_start3A_519 = arith.constant 0 : i32
      %dma_start3A_520 = arith.constant 0 : i32
      %dma_start3A_521 = tpu.memref_slice %arg15[%dma_start3A_518, %dma_start3A_519, %dma_start3A_520] : memref<16x8x64xf32, #tpu.memory_space<vmem>> -> memref<1x8x64xf32, #tpu.memory_space<vmem>>
      %dma_start3A_522 = tpu.memref_squeeze %dma_start3A_521 : memref<1x8x64xf32, #tpu.memory_space<vmem>> -> memref<8x64xf32, #tpu.memory_space<vmem>>
      %dma_start3A_523 = arith.constant 0 : i32
      %dma_start3A_524 = tpu.memref_slice %arg7[%reduce_sum3A_467, %multiple_of3A_502, %dma_start3A_523] : memref<1000x100x64xf32, #tpu.memory_space<hbm>> -> memref<1x8x64xf32, #tpu.memory_space<hbm>>
      %dma_start3A_525 = tpu.memref_squeeze %dma_start3A_524 : memref<1x8x64xf32, #tpu.memory_space<hbm>> -> memref<8x64xf32, #tpu.memory_space<hbm>>
      %dma_start3A_526 = arith.constant 0 : i32
      %dma_start3A_527 = arith.constant 0 : i32
      %dma_start3A_528 = tpu.memref_slice %arg15[%dma_start3A_518, %dma_start3A_526, %dma_start3A_527] : memref<16x8x64xf32, #tpu.memory_space<vmem>> -> memref<1x8x64xf32, #tpu.memory_space<vmem>>
      %dma_start3A_529 = tpu.memref_squeeze %dma_start3A_528 : memref<1x8x64xf32, #tpu.memory_space<vmem>> -> memref<8x64xf32, #tpu.memory_space<vmem>>
      %dma_start3A_530 = arith.constant 0 : i32
      %dma_start3A_531 = tpu.memref_slice %arg7[%reduce_sum3A_467, %multiple_of3A_502, %dma_start3A_530] : memref<1000x100x64xf32, #tpu.memory_space<hbm>> -> memref<1x8x64xf32, #tpu.memory_space<hbm>>
      %dma_start3A_532 = tpu.memref_squeeze %dma_start3A_531 : memref<1x8x64xf32, #tpu.memory_space<hbm>> -> memref<8x64xf32, #tpu.memory_space<hbm>>
      tpu.enqueue_dma source(%dma_start3A_532 : memref<8x64xf32, #tpu.memory_space<hbm>>) target(%dma_start3A_529 : memref<8x64xf32, #tpu.memory_space<vmem>>) target_semaphore(%arg18 : memref<!tpu.dma_semaphore, #tpu.memory_space<semaphore_mem>>)
      %eq3A_533 = arith.constant 7 : i32
      %eq3A_534 = vector.broadcast %eq3A_533 : i32 to vector<16xi32>
      %eq3A_535 = arith.cmpi eq, %iota3A, %eq3A_534 : vector<16xi32>
      %select_n3A_536 = arith.select %eq3A_535, %get3A_28, %broadcast_in_dim3A_3 : vector<16xi1>, vector<16xi32>
      %reduce_sum3A_537 = arith.constant true
      %reduce_sum3A_538 = vector.broadcast %reduce_sum3A_537 : i1 to vector<16xi1>
      %reduce_sum3A_539 = tpu.scan <sum>, %select_n3A_536 masked %reduce_sum3A_538 : vector<16xi32>, vector<16xi1> -> vector<16xi32>
      %reduce_sum3A_540 = vector.extract %reduce_sum3A_539[15] : i32 from vector<16xi32>
      %eq3A_541 = arith.constant 7 : i32
      %eq3A_542 = vector.broadcast %eq3A_541 : i32 to vector<16xi32>
      %eq3A_543 = arith.cmpi eq, %iota3A, %eq3A_542 : vector<16xi32>
      %select_n3A_544 = arith.select %eq3A_543, %get3A_32, %broadcast_in_dim3A_3 : vector<16xi1>, vector<16xi32>
      %reduce_sum3A_545 = arith.constant true
      %reduce_sum3A_546 = vector.broadcast %reduce_sum3A_545 : i1 to vector<16xi1>
      %reduce_sum3A_547 = tpu.scan <sum>, %select_n3A_544 masked %reduce_sum3A_546 : vector<16xi32>, vector<16xi1> -> vector<16xi32>
      %reduce_sum3A_548 = vector.extract %reduce_sum3A_547[15] : i32 from vector<16xi32>
      %jit3A_549 = arith.constant 8 : i32
      %div3A_550 = arith.divsi %reduce_sum3A_548, %jit3A_549 : i32
      %sign3A_551 = arith.constant 0 : i32
      %sign3A_552 = arith.cmpi sgt, %reduce_sum3A_548, %sign3A_551 : i32
      %sign3A_553 = arith.extui %sign3A_552 : i1 to i32
      %sign3A_554 = arith.constant 0 : i32
      %sign3A_555 = arith.cmpi slt, %reduce_sum3A_548, %sign3A_554 : i32
      %sign3A_556 = arith.extui %sign3A_555 : i1 to i32
      %sign3A_557 = arith.subi %sign3A_553, %sign3A_556 : i32
      %sign3A_558 = arith.constant 0 : i32
      %sign3A_559 = arith.cmpi sgt, %jit3A_549, %sign3A_558 : i32
      %sign3A_560 = arith.extui %sign3A_559 : i1 to i32
      %sign3A_561 = arith.constant 0 : i32
      %sign3A_562 = arith.cmpi slt, %jit3A_549, %sign3A_561 : i32
      %sign3A_563 = arith.extui %sign3A_562 : i1 to i32
      %sign3A_564 = arith.subi %sign3A_560, %sign3A_563 : i32
      %ne3A_565 = arith.cmpi ne, %sign3A_557, %sign3A_564 : i32
      %rem3A_566 = arith.remsi %reduce_sum3A_548, %jit3A_549 : i32
      %ne3A_567 = arith.constant 0 : i32
      %ne3A_568 = arith.cmpi ne, %rem3A_566, %ne3A_567 : i32
      %and3A_569 = arith.andi %ne3A_565, %ne3A_568 : i1
      %sub3A_570 = arith.constant 1 : i32
      %sub3A_571 = arith.subi %div3A_550, %sub3A_570 : i32
      %select_n3A_572 = arith.select %and3A_569, %sub3A_571, %div3A_550 : i32
      %mul3A_573 = arith.constant 8 : i32
      %mul3A_574 = arith.muli %select_n3A_572, %mul3A_573 : i32
      %multiple_of3A_575 = tpu.assume_multiple %mul3A_574, 8 : i32
      %dma_start3A_576 = arith.constant 7 : i32
      %dma_start3A_577 = arith.constant 0 : i32
      %dma_start3A_578 = arith.constant 0 : i32
      %dma_start3A_579 = tpu.memref_slice %arg14[%dma_start3A_576, %dma_start3A_577, %dma_start3A_578] : memref<16x8x64xf32, #tpu.memory_space<vmem>> -> memref<1x8x64xf32, #tpu.memory_space<vmem>>
      %dma_start3A_580 = tpu.memref_squeeze %dma_start3A_579 : memref<1x8x64xf32, #tpu.memory_space<vmem>> -> memref<8x64xf32, #tpu.memory_space<vmem>>
      %dma_start3A_581 = arith.constant 0 : i32
      %dma_start3A_582 = tpu.memref_slice %arg6[%reduce_sum3A_540, %multiple_of3A_575, %dma_start3A_581] : memref<1000x100x64xf32, #tpu.memory_space<hbm>> -> memref<1x8x64xf32, #tpu.memory_space<hbm>>
      %dma_start3A_583 = tpu.memref_squeeze %dma_start3A_582 : memref<1x8x64xf32, #tpu.memory_space<hbm>> -> memref<8x64xf32, #tpu.memory_space<hbm>>
      %dma_start3A_584 = arith.constant 0 : i32
      %dma_start3A_585 = arith.constant 0 : i32
      %dma_start3A_586 = tpu.memref_slice %arg14[%dma_start3A_576, %dma_start3A_584, %dma_start3A_585] : memref<16x8x64xf32, #tpu.memory_space<vmem>> -> memref<1x8x64xf32, #tpu.memory_space<vmem>>
      %dma_start3A_587 = tpu.memref_squeeze %dma_start3A_586 : memref<1x8x64xf32, #tpu.memory_space<vmem>> -> memref<8x64xf32, #tpu.memory_space<vmem>>
      %dma_start3A_588 = arith.constant 0 : i32
      %dma_start3A_589 = tpu.memref_slice %arg6[%reduce_sum3A_540, %multiple_of3A_575, %dma_start3A_588] : memref<1000x100x64xf32, #tpu.memory_space<hbm>> -> memref<1x8x64xf32, #tpu.memory_space<hbm>>
      %dma_start3A_590 = tpu.memref_squeeze %dma_start3A_589 : memref<1x8x64xf32, #tpu.memory_space<hbm>> -> memref<8x64xf32, #tpu.memory_space<hbm>>
      tpu.enqueue_dma source(%dma_start3A_590 : memref<8x64xf32, #tpu.memory_space<hbm>>) target(%dma_start3A_587 : memref<8x64xf32, #tpu.memory_space<vmem>>) target_semaphore(%arg18 : memref<!tpu.dma_semaphore, #tpu.memory_space<semaphore_mem>>)
      %dma_start3A_591 = arith.constant 7 : i32
      %dma_start3A_592 = arith.constant 0 : i32
      %dma_start3A_593 = arith.constant 0 : i32
      %dma_start3A_594 = tpu.memref_slice %arg15[%dma_start3A_591, %dma_start3A_592, %dma_start3A_593] : memref<16x8x64xf32, #tpu.memory_space<vmem>> -> memref<1x8x64xf32, #tpu.memory_space<vmem>>
      %dma_start3A_595 = tpu.memref_squeeze %dma_start3A_594 : memref<1x8x64xf32, #tpu.memory_space<vmem>> -> memref<8x64xf32, #tpu.memory_space<vmem>>
      %dma_start3A_596 = arith.constant 0 : i32
      %dma_start3A_597 = tpu.memref_slice %arg7[%reduce_sum3A_540, %multiple_of3A_575, %dma_start3A_596] : memref<1000x100x64xf32, #tpu.memory_space<hbm>> -> memref<1x8x64xf32, #tpu.memory_space<hbm>>
      %dma_start3A_598 = tpu.memref_squeeze %dma_start3A_597 : memref<1x8x64xf32, #tpu.memory_space<hbm>> -> memref<8x64xf32, #tpu.memory_space<hbm>>
      %dma_start3A_599 = arith.constant 0 : i32
      %dma_start3A_600 = arith.constant 0 : i32
      %dma_start3A_601 = tpu.memref_slice %arg15[%dma_start3A_591, %dma_start3A_599, %dma_start3A_600] : memref<16x8x64xf32, #tpu.memory_space<vmem>> -> memref<1x8x64xf32, #tpu.memory_space<vmem>>
      %dma_start3A_602 = tpu.memref_squeeze %dma_start3A_601 : memref<1x8x64xf32, #tpu.memory_space<vmem>> -> memref<8x64xf32, #tpu.memory_space<vmem>>
      %dma_start3A_603 = arith.constant 0 : i32
      %dma_start3A_604 = tpu.memref_slice %arg7[%reduce_sum3A_540, %multiple_of3A_575, %dma_start3A_603] : memref<1000x100x64xf32, #tpu.memory_space<hbm>> -> memref<1x8x64xf32, #tpu.memory_space<hbm>>
      %dma_start3A_605 = tpu.memref_squeeze %dma_start3A_604 : memref<1x8x64xf32, #tpu.memory_space<hbm>> -> memref<8x64xf32, #tpu.memory_space<hbm>>
      tpu.enqueue_dma source(%dma_start3A_605 : memref<8x64xf32, #tpu.memory_space<hbm>>) target(%dma_start3A_602 : memref<8x64xf32, #tpu.memory_space<vmem>>) target_semaphore(%arg18 : memref<!tpu.dma_semaphore, #tpu.memory_space<semaphore_mem>>)
      %eq3A_606 = arith.constant 8 : i32
      %eq3A_607 = vector.broadcast %eq3A_606 : i32 to vector<16xi32>
      %eq3A_608 = arith.cmpi eq, %iota3A, %eq3A_607 : vector<16xi32>
      %select_n3A_609 = arith.select %eq3A_608, %get3A_28, %broadcast_in_dim3A_3 : vector<16xi1>, vector<16xi32>
      %reduce_sum3A_610 = arith.constant true
      %reduce_sum3A_611 = vector.broadcast %reduce_sum3A_610 : i1 to vector<16xi1>
      %reduce_sum3A_612 = tpu.scan <sum>, %select_n3A_609 masked %reduce_sum3A_611 : vector<16xi32>, vector<16xi1> -> vector<16xi32>
      %reduce_sum3A_613 = vector.extract %reduce_sum3A_612[15] : i32 from vector<16xi32>
      %eq3A_614 = arith.constant 8 : i32
      %eq3A_615 = vector.broadcast %eq3A_614 : i32 to vector<16xi32>
      %eq3A_616 = arith.cmpi eq, %iota3A, %eq3A_615 : vector<16xi32>
      %select_n3A_617 = arith.select %eq3A_616, %get3A_32, %broadcast_in_dim3A_3 : vector<16xi1>, vector<16xi32>
      %reduce_sum3A_618 = arith.constant true
      %reduce_sum3A_619 = vector.broadcast %reduce_sum3A_618 : i1 to vector<16xi1>
      %reduce_sum3A_620 = tpu.scan <sum>, %select_n3A_617 masked %reduce_sum3A_619 : vector<16xi32>, vector<16xi1> -> vector<16xi32>
      %reduce_sum3A_621 = vector.extract %reduce_sum3A_620[15] : i32 from vector<16xi32>
      %jit3A_622 = arith.constant 8 : i32
      %div3A_623 = arith.divsi %reduce_sum3A_621, %jit3A_622 : i32
      %sign3A_624 = arith.constant 0 : i32
      %sign3A_625 = arith.cmpi sgt, %reduce_sum3A_621, %sign3A_624 : i32
      %sign3A_626 = arith.extui %sign3A_625 : i1 to i32
      %sign3A_627 = arith.constant 0 : i32
      %sign3A_628 = arith.cmpi slt, %reduce_sum3A_621, %sign3A_627 : i32
      %sign3A_629 = arith.extui %sign3A_628 : i1 to i32
      %sign3A_630 = arith.subi %sign3A_626, %sign3A_629 : i32
      %sign3A_631 = arith.constant 0 : i32
      %sign3A_632 = arith.cmpi sgt, %jit3A_622, %sign3A_631 : i32
      %sign3A_633 = arith.extui %sign3A_632 : i1 to i32
      %sign3A_634 = arith.constant 0 : i32
      %sign3A_635 = arith.cmpi slt, %jit3A_622, %sign3A_634 : i32
      %sign3A_636 = arith.extui %sign3A_635 : i1 to i32
      %sign3A_637 = arith.subi %sign3A_633, %sign3A_636 : i32
      %ne3A_638 = arith.cmpi ne, %sign3A_630, %sign3A_637 : i32
      %rem3A_639 = arith.remsi %reduce_sum3A_621, %jit3A_622 : i32
      %ne3A_640 = arith.constant 0 : i32
      %ne3A_641 = arith.cmpi ne, %rem3A_639, %ne3A_640 : i32
      %and3A_642 = arith.andi %ne3A_638, %ne3A_641 : i1
      %sub3A_643 = arith.constant 1 : i32
      %sub3A_644 = arith.subi %div3A_623, %sub3A_643 : i32
      %select_n3A_645 = arith.select %and3A_642, %sub3A_644, %div3A_623 : i32
      %mul3A_646 = arith.constant 8 : i32
      %mul3A_647 = arith.muli %select_n3A_645, %mul3A_646 : i32
      %multiple_of3A_648 = tpu.assume_multiple %mul3A_647, 8 : i32
      %dma_start3A_649 = arith.constant 8 : i32
      %dma_start3A_650 = arith.constant 0 : i32
      %dma_start3A_651 = arith.constant 0 : i32
      %dma_start3A_652 = tpu.memref_slice %arg14[%dma_start3A_649, %dma_start3A_650, %dma_start3A_651] : memref<16x8x64xf32, #tpu.memory_space<vmem>> -> memref<1x8x64xf32, #tpu.memory_space<vmem>>
      %dma_start3A_653 = tpu.memref_squeeze %dma_start3A_652 : memref<1x8x64xf32, #tpu.memory_space<vmem>> -> memref<8x64xf32, #tpu.memory_space<vmem>>
      %dma_start3A_654 = arith.constant 0 : i32
      %dma_start3A_655 = tpu.memref_slice %arg6[%reduce_sum3A_613, %multiple_of3A_648, %dma_start3A_654] : memref<1000x100x64xf32, #tpu.memory_space<hbm>> -> memref<1x8x64xf32, #tpu.memory_space<hbm>>
      %dma_start3A_656 = tpu.memref_squeeze %dma_start3A_655 : memref<1x8x64xf32, #tpu.memory_space<hbm>> -> memref<8x64xf32, #tpu.memory_space<hbm>>
      %dma_start3A_657 = arith.constant 0 : i32
      %dma_start3A_658 = arith.constant 0 : i32
      %dma_start3A_659 = tpu.memref_slice %arg14[%dma_start3A_649, %dma_start3A_657, %dma_start3A_658] : memref<16x8x64xf32, #tpu.memory_space<vmem>> -> memref<1x8x64xf32, #tpu.memory_space<vmem>>
      %dma_start3A_660 = tpu.memref_squeeze %dma_start3A_659 : memref<1x8x64xf32, #tpu.memory_space<vmem>> -> memref<8x64xf32, #tpu.memory_space<vmem>>
      %dma_start3A_661 = arith.constant 0 : i32
      %dma_start3A_662 = tpu.memref_slice %arg6[%reduce_sum3A_613, %multiple_of3A_648, %dma_start3A_661] : memref<1000x100x64xf32, #tpu.memory_space<hbm>> -> memref<1x8x64xf32, #tpu.memory_space<hbm>>
      %dma_start3A_663 = tpu.memref_squeeze %dma_start3A_662 : memref<1x8x64xf32, #tpu.memory_space<hbm>> -> memref<8x64xf32, #tpu.memory_space<hbm>>
      tpu.enqueue_dma source(%dma_start3A_663 : memref<8x64xf32, #tpu.memory_space<hbm>>) target(%dma_start3A_660 : memref<8x64xf32, #tpu.memory_space<vmem>>) target_semaphore(%arg18 : memref<!tpu.dma_semaphore, #tpu.memory_space<semaphore_mem>>)
      %dma_start3A_664 = arith.constant 8 : i32
      %dma_start3A_665 = arith.constant 0 : i32
      %dma_start3A_666 = arith.constant 0 : i32
      %dma_start3A_667 = tpu.memref_slice %arg15[%dma_start3A_664, %dma_start3A_665, %dma_start3A_666] : memref<16x8x64xf32, #tpu.memory_space<vmem>> -> memref<1x8x64xf32, #tpu.memory_space<vmem>>
      %dma_start3A_668 = tpu.memref_squeeze %dma_start3A_667 : memref<1x8x64xf32, #tpu.memory_space<vmem>> -> memref<8x64xf32, #tpu.memory_space<vmem>>
      %dma_start3A_669 = arith.constant 0 : i32
      %dma_start3A_670 = tpu.memref_slice %arg7[%reduce_sum3A_613, %multiple_of3A_648, %dma_start3A_669] : memref<1000x100x64xf32, #tpu.memory_space<hbm>> -> memref<1x8x64xf32, #tpu.memory_space<hbm>>
      %dma_start3A_671 = tpu.memref_squeeze %dma_start3A_670 : memref<1x8x64xf32, #tpu.memory_space<hbm>> -> memref<8x64xf32, #tpu.memory_space<hbm>>
      %dma_start3A_672 = arith.constant 0 : i32
      %dma_start3A_673 = arith.constant 0 : i32
      %dma_start3A_674 = tpu.memref_slice %arg15[%dma_start3A_664, %dma_start3A_672, %dma_start3A_673] : memref<16x8x64xf32, #tpu.memory_space<vmem>> -> memref<1x8x64xf32, #tpu.memory_space<vmem>>
      %dma_start3A_675 = tpu.memref_squeeze %dma_start3A_674 : memref<1x8x64xf32, #tpu.memory_space<vmem>> -> memref<8x64xf32, #tpu.memory_space<vmem>>
      %dma_start3A_676 = arith.constant 0 : i32
      %dma_start3A_677 = tpu.memref_slice %arg7[%reduce_sum3A_613, %multiple_of3A_648, %dma_start3A_676] : memref<1000x100x64xf32, #tpu.memory_space<hbm>> -> memref<1x8x64xf32, #tpu.memory_space<hbm>>
      %dma_start3A_678 = tpu.memref_squeeze %dma_start3A_677 : memref<1x8x64xf32, #tpu.memory_space<hbm>> -> memref<8x64xf32, #tpu.memory_space<hbm>>
      tpu.enqueue_dma source(%dma_start3A_678 : memref<8x64xf32, #tpu.memory_space<hbm>>) target(%dma_start3A_675 : memref<8x64xf32, #tpu.memory_space<vmem>>) target_semaphore(%arg18 : memref<!tpu.dma_semaphore, #tpu.memory_space<semaphore_mem>>)
      %eq3A_679 = arith.constant 9 : i32
      %eq3A_680 = vector.broadcast %eq3A_679 : i32 to vector<16xi32>
      %eq3A_681 = arith.cmpi eq, %iota3A, %eq3A_680 : vector<16xi32>
      %select_n3A_682 = arith.select %eq3A_681, %get3A_28, %broadcast_in_dim3A_3 : vector<16xi1>, vector<16xi32>
      %reduce_sum3A_683 = arith.constant true
      %reduce_sum3A_684 = vector.broadcast %reduce_sum3A_683 : i1 to vector<16xi1>
      %reduce_sum3A_685 = tpu.scan <sum>, %select_n3A_682 masked %reduce_sum3A_684 : vector<16xi32>, vector<16xi1> -> vector<16xi32>
      %reduce_sum3A_686 = vector.extract %reduce_sum3A_685[15] : i32 from vector<16xi32>
      %eq3A_687 = arith.constant 9 : i32
      %eq3A_688 = vector.broadcast %eq3A_687 : i32 to vector<16xi32>
      %eq3A_689 = arith.cmpi eq, %iota3A, %eq3A_688 : vector<16xi32>
      %select_n3A_690 = arith.select %eq3A_689, %get3A_32, %broadcast_in_dim3A_3 : vector<16xi1>, vector<16xi32>
      %reduce_sum3A_691 = arith.constant true
      %reduce_sum3A_692 = vector.broadcast %reduce_sum3A_691 : i1 to vector<16xi1>
      %reduce_sum3A_693 = tpu.scan <sum>, %select_n3A_690 masked %reduce_sum3A_692 : vector<16xi32>, vector<16xi1> -> vector<16xi32>
      %reduce_sum3A_694 = vector.extract %reduce_sum3A_693[15] : i32 from vector<16xi32>
      %jit3A_695 = arith.constant 8 : i32
      %div3A_696 = arith.divsi %reduce_sum3A_694, %jit3A_695 : i32
      %sign3A_697 = arith.constant 0 : i32
      %sign3A_698 = arith.cmpi sgt, %reduce_sum3A_694, %sign3A_697 : i32
      %sign3A_699 = arith.extui %sign3A_698 : i1 to i32
      %sign3A_700 = arith.constant 0 : i32
      %sign3A_701 = arith.cmpi slt, %reduce_sum3A_694, %sign3A_700 : i32
      %sign3A_702 = arith.extui %sign3A_701 : i1 to i32
      %sign3A_703 = arith.subi %sign3A_699, %sign3A_702 : i32
      %sign3A_704 = arith.constant 0 : i32
      %sign3A_705 = arith.cmpi sgt, %jit3A_695, %sign3A_704 : i32
      %sign3A_706 = arith.extui %sign3A_705 : i1 to i32
      %sign3A_707 = arith.constant 0 : i32
      %sign3A_708 = arith.cmpi slt, %jit3A_695, %sign3A_707 : i32
      %sign3A_709 = arith.extui %sign3A_708 : i1 to i32
      %sign3A_710 = arith.subi %sign3A_706, %sign3A_709 : i32
      %ne3A_711 = arith.cmpi ne, %sign3A_703, %sign3A_710 : i32
      %rem3A_712 = arith.remsi %reduce_sum3A_694, %jit3A_695 : i32
      %ne3A_713 = arith.constant 0 : i32
      %ne3A_714 = arith.cmpi ne, %rem3A_712, %ne3A_713 : i32
      %and3A_715 = arith.andi %ne3A_711, %ne3A_714 : i1
      %sub3A_716 = arith.constant 1 : i32
      %sub3A_717 = arith.subi %div3A_696, %sub3A_716 : i32
      %select_n3A_718 = arith.select %and3A_715, %sub3A_717, %div3A_696 : i32
      %mul3A_719 = arith.constant 8 : i32
      %mul3A_720 = arith.muli %select_n3A_718, %mul3A_719 : i32
      %multiple_of3A_721 = tpu.assume_multiple %mul3A_720, 8 : i32
      %dma_start3A_722 = arith.constant 9 : i32
      %dma_start3A_723 = arith.constant 0 : i32
      %dma_start3A_724 = arith.constant 0 : i32
      %dma_start3A_725 = tpu.memref_slice %arg14[%dma_start3A_722, %dma_start3A_723, %dma_start3A_724] : memref<16x8x64xf32, #tpu.memory_space<vmem>> -> memref<1x8x64xf32, #tpu.memory_space<vmem>>
      %dma_start3A_726 = tpu.memref_squeeze %dma_start3A_725 : memref<1x8x64xf32, #tpu.memory_space<vmem>> -> memref<8x64xf32, #tpu.memory_space<vmem>>
      %dma_start3A_727 = arith.constant 0 : i32
      %dma_start3A_728 = tpu.memref_slice %arg6[%reduce_sum3A_686, %multiple_of3A_721, %dma_start3A_727] : memref<1000x100x64xf32, #tpu.memory_space<hbm>> -> memref<1x8x64xf32, #tpu.memory_space<hbm>>
      %dma_start3A_729 = tpu.memref_squeeze %dma_start3A_728 : memref<1x8x64xf32, #tpu.memory_space<hbm>> -> memref<8x64xf32, #tpu.memory_space<hbm>>
      %dma_start3A_730 = arith.constant 0 : i32
      %dma_start3A_731 = arith.constant 0 : i32
      %dma_start3A_732 = tpu.memref_slice %arg14[%dma_start3A_722, %dma_start3A_730, %dma_start3A_731] : memref<16x8x64xf32, #tpu.memory_space<vmem>> -> memref<1x8x64xf32, #tpu.memory_space<vmem>>
      %dma_start3A_733 = tpu.memref_squeeze %dma_start3A_732 : memref<1x8x64xf32, #tpu.memory_space<vmem>> -> memref<8x64xf32, #tpu.memory_space<vmem>>
      %dma_start3A_734 = arith.constant 0 : i32
      %dma_start3A_735 = tpu.memref_slice %arg6[%reduce_sum3A_686, %multiple_of3A_721, %dma_start3A_734] : memref<1000x100x64xf32, #tpu.memory_space<hbm>> -> memref<1x8x64xf32, #tpu.memory_space<hbm>>
      %dma_start3A_736 = tpu.memref_squeeze %dma_start3A_735 : memref<1x8x64xf32, #tpu.memory_space<hbm>> -> memref<8x64xf32, #tpu.memory_space<hbm>>
      tpu.enqueue_dma source(%dma_start3A_736 : memref<8x64xf32, #tpu.memory_space<hbm>>) target(%dma_start3A_733 : memref<8x64xf32, #tpu.memory_space<vmem>>) target_semaphore(%arg18 : memref<!tpu.dma_semaphore, #tpu.memory_space<semaphore_mem>>)
      %dma_start3A_737 = arith.constant 9 : i32
      %dma_start3A_738 = arith.constant 0 : i32
      %dma_start3A_739 = arith.constant 0 : i32
      %dma_start3A_740 = tpu.memref_slice %arg15[%dma_start3A_737, %dma_start3A_738, %dma_start3A_739] : memref<16x8x64xf32, #tpu.memory_space<vmem>> -> memref<1x8x64xf32, #tpu.memory_space<vmem>>
      %dma_start3A_741 = tpu.memref_squeeze %dma_start3A_740 : memref<1x8x64xf32, #tpu.memory_space<vmem>> -> memref<8x64xf32, #tpu.memory_space<vmem>>
      %dma_start3A_742 = arith.constant 0 : i32
      %dma_start3A_743 = tpu.memref_slice %arg7[%reduce_sum3A_686, %multiple_of3A_721, %dma_start3A_742] : memref<1000x100x64xf32, #tpu.memory_space<hbm>> -> memref<1x8x64xf32, #tpu.memory_space<hbm>>
      %dma_start3A_744 = tpu.memref_squeeze %dma_start3A_743 : memref<1x8x64xf32, #tpu.memory_space<hbm>> -> memref<8x64xf32, #tpu.memory_space<hbm>>
      %dma_start3A_745 = arith.constant 0 : i32
      %dma_start3A_746 = arith.constant 0 : i32
      %dma_start3A_747 = tpu.memref_slice %arg15[%dma_start3A_737, %dma_start3A_745, %dma_start3A_746] : memref<16x8x64xf32, #tpu.memory_space<vmem>> -> memref<1x8x64xf32, #tpu.memory_space<vmem>>
      %dma_start3A_748 = tpu.memref_squeeze %dma_start3A_747 : memref<1x8x64xf32, #tpu.memory_space<vmem>> -> memref<8x64xf32, #tpu.memory_space<vmem>>
      %dma_start3A_749 = arith.constant 0 : i32
      %dma_start3A_750 = tpu.memref_slice %arg7[%reduce_sum3A_686, %multiple_of3A_721, %dma_start3A_749] : memref<1000x100x64xf32, #tpu.memory_space<hbm>> -> memref<1x8x64xf32, #tpu.memory_space<hbm>>
      %dma_start3A_751 = tpu.memref_squeeze %dma_start3A_750 : memref<1x8x64xf32, #tpu.memory_space<hbm>> -> memref<8x64xf32, #tpu.memory_space<hbm>>
      tpu.enqueue_dma source(%dma_start3A_751 : memref<8x64xf32, #tpu.memory_space<hbm>>) target(%dma_start3A_748 : memref<8x64xf32, #tpu.memory_space<vmem>>) target_semaphore(%arg18 : memref<!tpu.dma_semaphore, #tpu.memory_space<semaphore_mem>>)
      %eq3A_752 = arith.constant 10 : i32
      %eq3A_753 = vector.broadcast %eq3A_752 : i32 to vector<16xi32>
      %eq3A_754 = arith.cmpi eq, %iota3A, %eq3A_753 : vector<16xi32>
      %select_n3A_755 = arith.select %eq3A_754, %get3A_28, %broadcast_in_dim3A_3 : vector<16xi1>, vector<16xi32>
      %reduce_sum3A_756 = arith.constant true
      %reduce_sum3A_757 = vector.broadcast %reduce_sum3A_756 : i1 to vector<16xi1>
      %reduce_sum3A_758 = tpu.scan <sum>, %select_n3A_755 masked %reduce_sum3A_757 : vector<16xi32>, vector<16xi1> -> vector<16xi32>
      %reduce_sum3A_759 = vector.extract %reduce_sum3A_758[15] : i32 from vector<16xi32>
      %eq3A_760 = arith.constant 10 : i32
      %eq3A_761 = vector.broadcast %eq3A_760 : i32 to vector<16xi32>
      %eq3A_762 = arith.cmpi eq, %iota3A, %eq3A_761 : vector<16xi32>
      %select_n3A_763 = arith.select %eq3A_762, %get3A_32, %broadcast_in_dim3A_3 : vector<16xi1>, vector<16xi32>
      %reduce_sum3A_764 = arith.constant true
      %reduce_sum3A_765 = vector.broadcast %reduce_sum3A_764 : i1 to vector<16xi1>
      %reduce_sum3A_766 = tpu.scan <sum>, %select_n3A_763 masked %reduce_sum3A_765 : vector<16xi32>, vector<16xi1> -> vector<16xi32>
      %reduce_sum3A_767 = vector.extract %reduce_sum3A_766[15] : i32 from vector<16xi32>
      %jit3A_768 = arith.constant 8 : i32
      %div3A_769 = arith.divsi %reduce_sum3A_767, %jit3A_768 : i32
      %sign3A_770 = arith.constant 0 : i32
      %sign3A_771 = arith.cmpi sgt, %reduce_sum3A_767, %sign3A_770 : i32
      %sign3A_772 = arith.extui %sign3A_771 : i1 to i32
      %sign3A_773 = arith.constant 0 : i32
      %sign3A_774 = arith.cmpi slt, %reduce_sum3A_767, %sign3A_773 : i32
      %sign3A_775 = arith.extui %sign3A_774 : i1 to i32
      %sign3A_776 = arith.subi %sign3A_772, %sign3A_775 : i32
      %sign3A_777 = arith.constant 0 : i32
      %sign3A_778 = arith.cmpi sgt, %jit3A_768, %sign3A_777 : i32
      %sign3A_779 = arith.extui %sign3A_778 : i1 to i32
      %sign3A_780 = arith.constant 0 : i32
      %sign3A_781 = arith.cmpi slt, %jit3A_768, %sign3A_780 : i32
      %sign3A_782 = arith.extui %sign3A_781 : i1 to i32
      %sign3A_783 = arith.subi %sign3A_779, %sign3A_782 : i32
      %ne3A_784 = arith.cmpi ne, %sign3A_776, %sign3A_783 : i32
      %rem3A_785 = arith.remsi %reduce_sum3A_767, %jit3A_768 : i32
      %ne3A_786 = arith.constant 0 : i32
      %ne3A_787 = arith.cmpi ne, %rem3A_785, %ne3A_786 : i32
      %and3A_788 = arith.andi %ne3A_784, %ne3A_787 : i1
      %sub3A_789 = arith.constant 1 : i32
      %sub3A_790 = arith.subi %div3A_769, %sub3A_789 : i32
      %select_n3A_791 = arith.select %and3A_788, %sub3A_790, %div3A_769 : i32
      %mul3A_792 = arith.constant 8 : i32
      %mul3A_793 = arith.muli %select_n3A_791, %mul3A_792 : i32
      %multiple_of3A_794 = tpu.assume_multiple %mul3A_793, 8 : i32
      %dma_start3A_795 = arith.constant 10 : i32
      %dma_start3A_796 = arith.constant 0 : i32
      %dma_start3A_797 = arith.constant 0 : i32
      %dma_start3A_798 = tpu.memref_slice %arg14[%dma_start3A_795, %dma_start3A_796, %dma_start3A_797] : memref<16x8x64xf32, #tpu.memory_space<vmem>> -> memref<1x8x64xf32, #tpu.memory_space<vmem>>
      %dma_start3A_799 = tpu.memref_squeeze %dma_start3A_798 : memref<1x8x64xf32, #tpu.memory_space<vmem>> -> memref<8x64xf32, #tpu.memory_space<vmem>>
      %dma_start3A_800 = arith.constant 0 : i32
      %dma_start3A_801 = tpu.memref_slice %arg6[%reduce_sum3A_759, %multiple_of3A_794, %dma_start3A_800] : memref<1000x100x64xf32, #tpu.memory_space<hbm>> -> memref<1x8x64xf32, #tpu.memory_space<hbm>>
      %dma_start3A_802 = tpu.memref_squeeze %dma_start3A_801 : memref<1x8x64xf32, #tpu.memory_space<hbm>> -> memref<8x64xf32, #tpu.memory_space<hbm>>
      %dma_start3A_803 = arith.constant 0 : i32
      %dma_start3A_804 = arith.constant 0 : i32
      %dma_start3A_805 = tpu.memref_slice %arg14[%dma_start3A_795, %dma_start3A_803, %dma_start3A_804] : memref<16x8x64xf32, #tpu.memory_space<vmem>> -> memref<1x8x64xf32, #tpu.memory_space<vmem>>
      %dma_start3A_806 = tpu.memref_squeeze %dma_start3A_805 : memref<1x8x64xf32, #tpu.memory_space<vmem>> -> memref<8x64xf32, #tpu.memory_space<vmem>>
      %dma_start3A_807 = arith.constant 0 : i32
      %dma_start3A_808 = tpu.memref_slice %arg6[%reduce_sum3A_759, %multiple_of3A_794, %dma_start3A_807] : memref<1000x100x64xf32, #tpu.memory_space<hbm>> -> memref<1x8x64xf32, #tpu.memory_space<hbm>>
      %dma_start3A_809 = tpu.memref_squeeze %dma_start3A_808 : memref<1x8x64xf32, #tpu.memory_space<hbm>> -> memref<8x64xf32, #tpu.memory_space<hbm>>
      tpu.enqueue_dma source(%dma_start3A_809 : memref<8x64xf32, #tpu.memory_space<hbm>>) target(%dma_start3A_806 : memref<8x64xf32, #tpu.memory_space<vmem>>) target_semaphore(%arg18 : memref<!tpu.dma_semaphore, #tpu.memory_space<semaphore_mem>>)
      %dma_start3A_810 = arith.constant 10 : i32
      %dma_start3A_811 = arith.constant 0 : i32
      %dma_start3A_812 = arith.constant 0 : i32
      %dma_start3A_813 = tpu.memref_slice %arg15[%dma_start3A_810, %dma_start3A_811, %dma_start3A_812] : memref<16x8x64xf32, #tpu.memory_space<vmem>> -> memref<1x8x64xf32, #tpu.memory_space<vmem>>
      %dma_start3A_814 = tpu.memref_squeeze %dma_start3A_813 : memref<1x8x64xf32, #tpu.memory_space<vmem>> -> memref<8x64xf32, #tpu.memory_space<vmem>>
      %dma_start3A_815 = arith.constant 0 : i32
      %dma_start3A_816 = tpu.memref_slice %arg7[%reduce_sum3A_759, %multiple_of3A_794, %dma_start3A_815] : memref<1000x100x64xf32, #tpu.memory_space<hbm>> -> memref<1x8x64xf32, #tpu.memory_space<hbm>>
      %dma_start3A_817 = tpu.memref_squeeze %dma_start3A_816 : memref<1x8x64xf32, #tpu.memory_space<hbm>> -> memref<8x64xf32, #tpu.memory_space<hbm>>
      %dma_start3A_818 = arith.constant 0 : i32
      %dma_start3A_819 = arith.constant 0 : i32
      %dma_start3A_820 = tpu.memref_slice %arg15[%dma_start3A_810, %dma_start3A_818, %dma_start3A_819] : memref<16x8x64xf32, #tpu.memory_space<vmem>> -> memref<1x8x64xf32, #tpu.memory_space<vmem>>
      %dma_start3A_821 = tpu.memref_squeeze %dma_start3A_820 : memref<1x8x64xf32, #tpu.memory_space<vmem>> -> memref<8x64xf32, #tpu.memory_space<vmem>>
      %dma_start3A_822 = arith.constant 0 : i32
      %dma_start3A_823 = tpu.memref_slice %arg7[%reduce_sum3A_759, %multiple_of3A_794, %dma_start3A_822] : memref<1000x100x64xf32, #tpu.memory_space<hbm>> -> memref<1x8x64xf32, #tpu.memory_space<hbm>>
      %dma_start3A_824 = tpu.memref_squeeze %dma_start3A_823 : memref<1x8x64xf32, #tpu.memory_space<hbm>> -> memref<8x64xf32, #tpu.memory_space<hbm>>
      tpu.enqueue_dma source(%dma_start3A_824 : memref<8x64xf32, #tpu.memory_space<hbm>>) target(%dma_start3A_821 : memref<8x64xf32, #tpu.memory_space<vmem>>) target_semaphore(%arg18 : memref<!tpu.dma_semaphore, #tpu.memory_space<semaphore_mem>>)
      %eq3A_825 = arith.constant 11 : i32
      %eq3A_826 = vector.broadcast %eq3A_825 : i32 to vector<16xi32>
      %eq3A_827 = arith.cmpi eq, %iota3A, %eq3A_826 : vector<16xi32>
      %select_n3A_828 = arith.select %eq3A_827, %get3A_28, %broadcast_in_dim3A_3 : vector<16xi1>, vector<16xi32>
      %reduce_sum3A_829 = arith.constant true
      %reduce_sum3A_830 = vector.broadcast %reduce_sum3A_829 : i1 to vector<16xi1>
      %reduce_sum3A_831 = tpu.scan <sum>, %select_n3A_828 masked %reduce_sum3A_830 : vector<16xi32>, vector<16xi1> -> vector<16xi32>
      %reduce_sum3A_832 = vector.extract %reduce_sum3A_831[15] : i32 from vector<16xi32>
      %eq3A_833 = arith.constant 11 : i32
      %eq3A_834 = vector.broadcast %eq3A_833 : i32 to vector<16xi32>
      %eq3A_835 = arith.cmpi eq, %iota3A, %eq3A_834 : vector<16xi32>
      %select_n3A_836 = arith.select %eq3A_835, %get3A_32, %broadcast_in_dim3A_3 : vector<16xi1>, vector<16xi32>
      %reduce_sum3A_837 = arith.constant true
      %reduce_sum3A_838 = vector.broadcast %reduce_sum3A_837 : i1 to vector<16xi1>
      %reduce_sum3A_839 = tpu.scan <sum>, %select_n3A_836 masked %reduce_sum3A_838 : vector<16xi32>, vector<16xi1> -> vector<16xi32>
      %reduce_sum3A_840 = vector.extract %reduce_sum3A_839[15] : i32 from vector<16xi32>
      %jit3A_841 = arith.constant 8 : i32
      %div3A_842 = arith.divsi %reduce_sum3A_840, %jit3A_841 : i32
      %sign3A_843 = arith.constant 0 : i32
      %sign3A_844 = arith.cmpi sgt, %reduce_sum3A_840, %sign3A_843 : i32
      %sign3A_845 = arith.extui %sign3A_844 : i1 to i32
      %sign3A_846 = arith.constant 0 : i32
      %sign3A_847 = arith.cmpi slt, %reduce_sum3A_840, %sign3A_846 : i32
      %sign3A_848 = arith.extui %sign3A_847 : i1 to i32
      %sign3A_849 = arith.subi %sign3A_845, %sign3A_848 : i32
      %sign3A_850 = arith.constant 0 : i32
      %sign3A_851 = arith.cmpi sgt, %jit3A_841, %sign3A_850 : i32
      %sign3A_852 = arith.extui %sign3A_851 : i1 to i32
      %sign3A_853 = arith.constant 0 : i32
      %sign3A_854 = arith.cmpi slt, %jit3A_841, %sign3A_853 : i32
      %sign3A_855 = arith.extui %sign3A_854 : i1 to i32
      %sign3A_856 = arith.subi %sign3A_852, %sign3A_855 : i32
      %ne3A_857 = arith.cmpi ne, %sign3A_849, %sign3A_856 : i32
      %rem3A_858 = arith.remsi %reduce_sum3A_840, %jit3A_841 : i32
      %ne3A_859 = arith.constant 0 : i32
      %ne3A_860 = arith.cmpi ne, %rem3A_858, %ne3A_859 : i32
      %and3A_861 = arith.andi %ne3A_857, %ne3A_860 : i1
      %sub3A_862 = arith.constant 1 : i32
      %sub3A_863 = arith.subi %div3A_842, %sub3A_862 : i32
      %select_n3A_864 = arith.select %and3A_861, %sub3A_863, %div3A_842 : i32
      %mul3A_865 = arith.constant 8 : i32
      %mul3A_866 = arith.muli %select_n3A_864, %mul3A_865 : i32
      %multiple_of3A_867 = tpu.assume_multiple %mul3A_866, 8 : i32
      %dma_start3A_868 = arith.constant 11 : i32
      %dma_start3A_869 = arith.constant 0 : i32
      %dma_start3A_870 = arith.constant 0 : i32
      %dma_start3A_871 = tpu.memref_slice %arg14[%dma_start3A_868, %dma_start3A_869, %dma_start3A_870] : memref<16x8x64xf32, #tpu.memory_space<vmem>> -> memref<1x8x64xf32, #tpu.memory_space<vmem>>
      %dma_start3A_872 = tpu.memref_squeeze %dma_start3A_871 : memref<1x8x64xf32, #tpu.memory_space<vmem>> -> memref<8x64xf32, #tpu.memory_space<vmem>>
      %dma_start3A_873 = arith.constant 0 : i32
      %dma_start3A_874 = tpu.memref_slice %arg6[%reduce_sum3A_832, %multiple_of3A_867, %dma_start3A_873] : memref<1000x100x64xf32, #tpu.memory_space<hbm>> -> memref<1x8x64xf32, #tpu.memory_space<hbm>>
      %dma_start3A_875 = tpu.memref_squeeze %dma_start3A_874 : memref<1x8x64xf32, #tpu.memory_space<hbm>> -> memref<8x64xf32, #tpu.memory_space<hbm>>
      %dma_start3A_876 = arith.constant 0 : i32
      %dma_start3A_877 = arith.constant 0 : i32
      %dma_start3A_878 = tpu.memref_slice %arg14[%dma_start3A_868, %dma_start3A_876, %dma_start3A_877] : memref<16x8x64xf32, #tpu.memory_space<vmem>> -> memref<1x8x64xf32, #tpu.memory_space<vmem>>
      %dma_start3A_879 = tpu.memref_squeeze %dma_start3A_878 : memref<1x8x64xf32, #tpu.memory_space<vmem>> -> memref<8x64xf32, #tpu.memory_space<vmem>>
      %dma_start3A_880 = arith.constant 0 : i32
      %dma_start3A_881 = tpu.memref_slice %arg6[%reduce_sum3A_832, %multiple_of3A_867, %dma_start3A_880] : memref<1000x100x64xf32, #tpu.memory_space<hbm>> -> memref<1x8x64xf32, #tpu.memory_space<hbm>>
      %dma_start3A_882 = tpu.memref_squeeze %dma_start3A_881 : memref<1x8x64xf32, #tpu.memory_space<hbm>> -> memref<8x64xf32, #tpu.memory_space<hbm>>
      tpu.enqueue_dma source(%dma_start3A_882 : memref<8x64xf32, #tpu.memory_space<hbm>>) target(%dma_start3A_879 : memref<8x64xf32, #tpu.memory_space<vmem>>) target_semaphore(%arg18 : memref<!tpu.dma_semaphore, #tpu.memory_space<semaphore_mem>>)
      %dma_start3A_883 = arith.constant 11 : i32
      %dma_start3A_884 = arith.constant 0 : i32
      %dma_start3A_885 = arith.constant 0 : i32
      %dma_start3A_886 = tpu.memref_slice %arg15[%dma_start3A_883, %dma_start3A_884, %dma_start3A_885] : memref<16x8x64xf32, #tpu.memory_space<vmem>> -> memref<1x8x64xf32, #tpu.memory_space<vmem>>
      %dma_start3A_887 = tpu.memref_squeeze %dma_start3A_886 : memref<1x8x64xf32, #tpu.memory_space<vmem>> -> memref<8x64xf32, #tpu.memory_space<vmem>>
      %dma_start3A_888 = arith.constant 0 : i32
      %dma_start3A_889 = tpu.memref_slice %arg7[%reduce_sum3A_832, %multiple_of3A_867, %dma_start3A_888] : memref<1000x100x64xf32, #tpu.memory_space<hbm>> -> memref<1x8x64xf32, #tpu.memory_space<hbm>>
      %dma_start3A_890 = tpu.memref_squeeze %dma_start3A_889 : memref<1x8x64xf32, #tpu.memory_space<hbm>> -> memref<8x64xf32, #tpu.memory_space<hbm>>
      %dma_start3A_891 = arith.constant 0 : i32
      %dma_start3A_892 = arith.constant 0 : i32
      %dma_start3A_893 = tpu.memref_slice %arg15[%dma_start3A_883, %dma_start3A_891, %dma_start3A_892] : memref<16x8x64xf32, #tpu.memory_space<vmem>> -> memref<1x8x64xf32, #tpu.memory_space<vmem>>
      %dma_start3A_894 = tpu.memref_squeeze %dma_start3A_893 : memref<1x8x64xf32, #tpu.memory_space<vmem>> -> memref<8x64xf32, #tpu.memory_space<vmem>>
      %dma_start3A_895 = arith.constant 0 : i32
      %dma_start3A_896 = tpu.memref_slice %arg7[%reduce_sum3A_832, %multiple_of3A_867, %dma_start3A_895] : memref<1000x100x64xf32, #tpu.memory_space<hbm>> -> memref<1x8x64xf32, #tpu.memory_space<hbm>>
      %dma_start3A_897 = tpu.memref_squeeze %dma_start3A_896 : memref<1x8x64xf32, #tpu.memory_space<hbm>> -> memref<8x64xf32, #tpu.memory_space<hbm>>
      tpu.enqueue_dma source(%dma_start3A_897 : memref<8x64xf32, #tpu.memory_space<hbm>>) target(%dma_start3A_894 : memref<8x64xf32, #tpu.memory_space<vmem>>) target_semaphore(%arg18 : memref<!tpu.dma_semaphore, #tpu.memory_space<semaphore_mem>>)
      %eq3A_898 = arith.constant 12 : i32
      %eq3A_899 = vector.broadcast %eq3A_898 : i32 to vector<16xi32>
      %eq3A_900 = arith.cmpi eq, %iota3A, %eq3A_899 : vector<16xi32>
      %select_n3A_901 = arith.select %eq3A_900, %get3A_28, %broadcast_in_dim3A_3 : vector<16xi1>, vector<16xi32>
      %reduce_sum3A_902 = arith.constant true
      %reduce_sum3A_903 = vector.broadcast %reduce_sum3A_902 : i1 to vector<16xi1>
      %reduce_sum3A_904 = tpu.scan <sum>, %select_n3A_901 masked %reduce_sum3A_903 : vector<16xi32>, vector<16xi1> -> vector<16xi32>
      %reduce_sum3A_905 = vector.extract %reduce_sum3A_904[15] : i32 from vector<16xi32>
      %eq3A_906 = arith.constant 12 : i32
      %eq3A_907 = vector.broadcast %eq3A_906 : i32 to vector<16xi32>
      %eq3A_908 = arith.cmpi eq, %iota3A, %eq3A_907 : vector<16xi32>
      %select_n3A_909 = arith.select %eq3A_908, %get3A_32, %broadcast_in_dim3A_3 : vector<16xi1>, vector<16xi32>
      %reduce_sum3A_910 = arith.constant true
      %reduce_sum3A_911 = vector.broadcast %reduce_sum3A_910 : i1 to vector<16xi1>
      %reduce_sum3A_912 = tpu.scan <sum>, %select_n3A_909 masked %reduce_sum3A_911 : vector<16xi32>, vector<16xi1> -> vector<16xi32>
      %reduce_sum3A_913 = vector.extract %reduce_sum3A_912[15] : i32 from vector<16xi32>
      %jit3A_914 = arith.constant 8 : i32
      %div3A_915 = arith.divsi %reduce_sum3A_913, %jit3A_914 : i32
      %sign3A_916 = arith.constant 0 : i32
      %sign3A_917 = arith.cmpi sgt, %reduce_sum3A_913, %sign3A_916 : i32
      %sign3A_918 = arith.extui %sign3A_917 : i1 to i32
      %sign3A_919 = arith.constant 0 : i32
      %sign3A_920 = arith.cmpi slt, %reduce_sum3A_913, %sign3A_919 : i32
      %sign3A_921 = arith.extui %sign3A_920 : i1 to i32
      %sign3A_922 = arith.subi %sign3A_918, %sign3A_921 : i32
      %sign3A_923 = arith.constant 0 : i32
      %sign3A_924 = arith.cmpi sgt, %jit3A_914, %sign3A_923 : i32
      %sign3A_925 = arith.extui %sign3A_924 : i1 to i32
      %sign3A_926 = arith.constant 0 : i32
      %sign3A_927 = arith.cmpi slt, %jit3A_914, %sign3A_926 : i32
      %sign3A_928 = arith.extui %sign3A_927 : i1 to i32
      %sign3A_929 = arith.subi %sign3A_925, %sign3A_928 : i32
      %ne3A_930 = arith.cmpi ne, %sign3A_922, %sign3A_929 : i32
      %rem3A_931 = arith.remsi %reduce_sum3A_913, %jit3A_914 : i32
      %ne3A_932 = arith.constant 0 : i32
      %ne3A_933 = arith.cmpi ne, %rem3A_931, %ne3A_932 : i32
      %and3A_934 = arith.andi %ne3A_930, %ne3A_933 : i1
      %sub3A_935 = arith.constant 1 : i32
      %sub3A_936 = arith.subi %div3A_915, %sub3A_935 : i32
      %select_n3A_937 = arith.select %and3A_934, %sub3A_936, %div3A_915 : i32
      %mul3A_938 = arith.constant 8 : i32
      %mul3A_939 = arith.muli %select_n3A_937, %mul3A_938 : i32
      %multiple_of3A_940 = tpu.assume_multiple %mul3A_939, 8 : i32
      %dma_start3A_941 = arith.constant 12 : i32
      %dma_start3A_942 = arith.constant 0 : i32
      %dma_start3A_943 = arith.constant 0 : i32
      %dma_start3A_944 = tpu.memref_slice %arg14[%dma_start3A_941, %dma_start3A_942, %dma_start3A_943] : memref<16x8x64xf32, #tpu.memory_space<vmem>> -> memref<1x8x64xf32, #tpu.memory_space<vmem>>
      %dma_start3A_945 = tpu.memref_squeeze %dma_start3A_944 : memref<1x8x64xf32, #tpu.memory_space<vmem>> -> memref<8x64xf32, #tpu.memory_space<vmem>>
      %dma_start3A_946 = arith.constant 0 : i32
      %dma_start3A_947 = tpu.memref_slice %arg6[%reduce_sum3A_905, %multiple_of3A_940, %dma_start3A_946] : memref<1000x100x64xf32, #tpu.memory_space<hbm>> -> memref<1x8x64xf32, #tpu.memory_space<hbm>>
      %dma_start3A_948 = tpu.memref_squeeze %dma_start3A_947 : memref<1x8x64xf32, #tpu.memory_space<hbm>> -> memref<8x64xf32, #tpu.memory_space<hbm>>
      %dma_start3A_949 = arith.constant 0 : i32
      %dma_start3A_950 = arith.constant 0 : i32
      %dma_start3A_951 = tpu.memref_slice %arg14[%dma_start3A_941, %dma_start3A_949, %dma_start3A_950] : memref<16x8x64xf32, #tpu.memory_space<vmem>> -> memref<1x8x64xf32, #tpu.memory_space<vmem>>
      %dma_start3A_952 = tpu.memref_squeeze %dma_start3A_951 : memref<1x8x64xf32, #tpu.memory_space<vmem>> -> memref<8x64xf32, #tpu.memory_space<vmem>>
      %dma_start3A_953 = arith.constant 0 : i32
      %dma_start3A_954 = tpu.memref_slice %arg6[%reduce_sum3A_905, %multiple_of3A_940, %dma_start3A_953] : memref<1000x100x64xf32, #tpu.memory_space<hbm>> -> memref<1x8x64xf32, #tpu.memory_space<hbm>>
      %dma_start3A_955 = tpu.memref_squeeze %dma_start3A_954 : memref<1x8x64xf32, #tpu.memory_space<hbm>> -> memref<8x64xf32, #tpu.memory_space<hbm>>
      tpu.enqueue_dma source(%dma_start3A_955 : memref<8x64xf32, #tpu.memory_space<hbm>>) target(%dma_start3A_952 : memref<8x64xf32, #tpu.memory_space<vmem>>) target_semaphore(%arg18 : memref<!tpu.dma_semaphore, #tpu.memory_space<semaphore_mem>>)
      %dma_start3A_956 = arith.constant 12 : i32
      %dma_start3A_957 = arith.constant 0 : i32
      %dma_start3A_958 = arith.constant 0 : i32
      %dma_start3A_959 = tpu.memref_slice %arg15[%dma_start3A_956, %dma_start3A_957, %dma_start3A_958] : memref<16x8x64xf32, #tpu.memory_space<vmem>> -> memref<1x8x64xf32, #tpu.memory_space<vmem>>
      %dma_start3A_960 = tpu.memref_squeeze %dma_start3A_959 : memref<1x8x64xf32, #tpu.memory_space<vmem>> -> memref<8x64xf32, #tpu.memory_space<vmem>>
      %dma_start3A_961 = arith.constant 0 : i32
      %dma_start3A_962 = tpu.memref_slice %arg7[%reduce_sum3A_905, %multiple_of3A_940, %dma_start3A_961] : memref<1000x100x64xf32, #tpu.memory_space<hbm>> -> memref<1x8x64xf32, #tpu.memory_space<hbm>>
      %dma_start3A_963 = tpu.memref_squeeze %dma_start3A_962 : memref<1x8x64xf32, #tpu.memory_space<hbm>> -> memref<8x64xf32, #tpu.memory_space<hbm>>
      %dma_start3A_964 = arith.constant 0 : i32
      %dma_start3A_965 = arith.constant 0 : i32
      %dma_start3A_966 = tpu.memref_slice %arg15[%dma_start3A_956, %dma_start3A_964, %dma_start3A_965] : memref<16x8x64xf32, #tpu.memory_space<vmem>> -> memref<1x8x64xf32, #tpu.memory_space<vmem>>
      %dma_start3A_967 = tpu.memref_squeeze %dma_start3A_966 : memref<1x8x64xf32, #tpu.memory_space<vmem>> -> memref<8x64xf32, #tpu.memory_space<vmem>>
      %dma_start3A_968 = arith.constant 0 : i32
      %dma_start3A_969 = tpu.memref_slice %arg7[%reduce_sum3A_905, %multiple_of3A_940, %dma_start3A_968] : memref<1000x100x64xf32, #tpu.memory_space<hbm>> -> memref<1x8x64xf32, #tpu.memory_space<hbm>>
      %dma_start3A_970 = tpu.memref_squeeze %dma_start3A_969 : memref<1x8x64xf32, #tpu.memory_space<hbm>> -> memref<8x64xf32, #tpu.memory_space<hbm>>
      tpu.enqueue_dma source(%dma_start3A_970 : memref<8x64xf32, #tpu.memory_space<hbm>>) target(%dma_start3A_967 : memref<8x64xf32, #tpu.memory_space<vmem>>) target_semaphore(%arg18 : memref<!tpu.dma_semaphore, #tpu.memory_space<semaphore_mem>>)
      %eq3A_971 = arith.constant 13 : i32
      %eq3A_972 = vector.broadcast %eq3A_971 : i32 to vector<16xi32>
      %eq3A_973 = arith.cmpi eq, %iota3A, %eq3A_972 : vector<16xi32>
      %select_n3A_974 = arith.select %eq3A_973, %get3A_28, %broadcast_in_dim3A_3 : vector<16xi1>, vector<16xi32>
      %reduce_sum3A_975 = arith.constant true
      %reduce_sum3A_976 = vector.broadcast %reduce_sum3A_975 : i1 to vector<16xi1>
      %reduce_sum3A_977 = tpu.scan <sum>, %select_n3A_974 masked %reduce_sum3A_976 : vector<16xi32>, vector<16xi1> -> vector<16xi32>
      %reduce_sum3A_978 = vector.extract %reduce_sum3A_977[15] : i32 from vector<16xi32>
      %eq3A_979 = arith.constant 13 : i32
      %eq3A_980 = vector.broadcast %eq3A_979 : i32 to vector<16xi32>
      %eq3A_981 = arith.cmpi eq, %iota3A, %eq3A_980 : vector<16xi32>
      %select_n3A_982 = arith.select %eq3A_981, %get3A_32, %broadcast_in_dim3A_3 : vector<16xi1>, vector<16xi32>
      %reduce_sum3A_983 = arith.constant true
      %reduce_sum3A_984 = vector.broadcast %reduce_sum3A_983 : i1 to vector<16xi1>
      %reduce_sum3A_985 = tpu.scan <sum>, %select_n3A_982 masked %reduce_sum3A_984 : vector<16xi32>, vector<16xi1> -> vector<16xi32>
      %reduce_sum3A_986 = vector.extract %reduce_sum3A_985[15] : i32 from vector<16xi32>
      %jit3A_987 = arith.constant 8 : i32
      %div3A_988 = arith.divsi %reduce_sum3A_986, %jit3A_987 : i32
      %sign3A_989 = arith.constant 0 : i32
      %sign3A_990 = arith.cmpi sgt, %reduce_sum3A_986, %sign3A_989 : i32
      %sign3A_991 = arith.extui %sign3A_990 : i1 to i32
      %sign3A_992 = arith.constant 0 : i32
      %sign3A_993 = arith.cmpi slt, %reduce_sum3A_986, %sign3A_992 : i32
      %sign3A_994 = arith.extui %sign3A_993 : i1 to i32
      %sign3A_995 = arith.subi %sign3A_991, %sign3A_994 : i32
      %sign3A_996 = arith.constant 0 : i32
      %sign3A_997 = arith.cmpi sgt, %jit3A_987, %sign3A_996 : i32
      %sign3A_998 = arith.extui %sign3A_997 : i1 to i32
      %sign3A_999 = arith.constant 0 : i32
      %sign3A_1000 = arith.cmpi slt, %jit3A_987, %sign3A_999 : i32
      %sign3A_1001 = arith.extui %sign3A_1000 : i1 to i32
      %sign3A_1002 = arith.subi %sign3A_998, %sign3A_1001 : i32
      %ne3A_1003 = arith.cmpi ne, %sign3A_995, %sign3A_1002 : i32
      %rem3A_1004 = arith.remsi %reduce_sum3A_986, %jit3A_987 : i32
      %ne3A_1005 = arith.constant 0 : i32
      %ne3A_1006 = arith.cmpi ne, %rem3A_1004, %ne3A_1005 : i32
      %and3A_1007 = arith.andi %ne3A_1003, %ne3A_1006 : i1
      %sub3A_1008 = arith.constant 1 : i32
      %sub3A_1009 = arith.subi %div3A_988, %sub3A_1008 : i32
      %select_n3A_1010 = arith.select %and3A_1007, %sub3A_1009, %div3A_988 : i32
      %mul3A_1011 = arith.constant 8 : i32
      %mul3A_1012 = arith.muli %select_n3A_1010, %mul3A_1011 : i32
      %multiple_of3A_1013 = tpu.assume_multiple %mul3A_1012, 8 : i32
      %dma_start3A_1014 = arith.constant 13 : i32
      %dma_start3A_1015 = arith.constant 0 : i32
      %dma_start3A_1016 = arith.constant 0 : i32
      %dma_start3A_1017 = tpu.memref_slice %arg14[%dma_start3A_1014, %dma_start3A_1015, %dma_start3A_1016] : memref<16x8x64xf32, #tpu.memory_space<vmem>> -> memref<1x8x64xf32, #tpu.memory_space<vmem>>
      %dma_start3A_1018 = tpu.memref_squeeze %dma_start3A_1017 : memref<1x8x64xf32, #tpu.memory_space<vmem>> -> memref<8x64xf32, #tpu.memory_space<vmem>>
      %dma_start3A_1019 = arith.constant 0 : i32
      %dma_start3A_1020 = tpu.memref_slice %arg6[%reduce_sum3A_978, %multiple_of3A_1013, %dma_start3A_1019] : memref<1000x100x64xf32, #tpu.memory_space<hbm>> -> memref<1x8x64xf32, #tpu.memory_space<hbm>>
      %dma_start3A_1021 = tpu.memref_squeeze %dma_start3A_1020 : memref<1x8x64xf32, #tpu.memory_space<hbm>> -> memref<8x64xf32, #tpu.memory_space<hbm>>
      %dma_start3A_1022 = arith.constant 0 : i32
      %dma_start3A_1023 = arith.constant 0 : i32
      %dma_start3A_1024 = tpu.memref_slice %arg14[%dma_start3A_1014, %dma_start3A_1022, %dma_start3A_1023] : memref<16x8x64xf32, #tpu.memory_space<vmem>> -> memref<1x8x64xf32, #tpu.memory_space<vmem>>
      %dma_start3A_1025 = tpu.memref_squeeze %dma_start3A_1024 : memref<1x8x64xf32, #tpu.memory_space<vmem>> -> memref<8x64xf32, #tpu.memory_space<vmem>>
      %dma_start3A_1026 = arith.constant 0 : i32
      %dma_start3A_1027 = tpu.memref_slice %arg6[%reduce_sum3A_978, %multiple_of3A_1013, %dma_start3A_1026] : memref<1000x100x64xf32, #tpu.memory_space<hbm>> -> memref<1x8x64xf32, #tpu.memory_space<hbm>>
      %dma_start3A_1028 = tpu.memref_squeeze %dma_start3A_1027 : memref<1x8x64xf32, #tpu.memory_space<hbm>> -> memref<8x64xf32, #tpu.memory_space<hbm>>
      tpu.enqueue_dma source(%dma_start3A_1028 : memref<8x64xf32, #tpu.memory_space<hbm>>) target(%dma_start3A_1025 : memref<8x64xf32, #tpu.memory_space<vmem>>) target_semaphore(%arg18 : memref<!tpu.dma_semaphore, #tpu.memory_space<semaphore_mem>>)
      %dma_start3A_1029 = arith.constant 13 : i32
      %dma_start3A_1030 = arith.constant 0 : i32
      %dma_start3A_1031 = arith.constant 0 : i32
      %dma_start3A_1032 = tpu.memref_slice %arg15[%dma_start3A_1029, %dma_start3A_1030, %dma_start3A_1031] : memref<16x8x64xf32, #tpu.memory_space<vmem>> -> memref<1x8x64xf32, #tpu.memory_space<vmem>>
      %dma_start3A_1033 = tpu.memref_squeeze %dma_start3A_1032 : memref<1x8x64xf32, #tpu.memory_space<vmem>> -> memref<8x64xf32, #tpu.memory_space<vmem>>
      %dma_start3A_1034 = arith.constant 0 : i32
      %dma_start3A_1035 = tpu.memref_slice %arg7[%reduce_sum3A_978, %multiple_of3A_1013, %dma_start3A_1034] : memref<1000x100x64xf32, #tpu.memory_space<hbm>> -> memref<1x8x64xf32, #tpu.memory_space<hbm>>
      %dma_start3A_1036 = tpu.memref_squeeze %dma_start3A_1035 : memref<1x8x64xf32, #tpu.memory_space<hbm>> -> memref<8x64xf32, #tpu.memory_space<hbm>>
      %dma_start3A_1037 = arith.constant 0 : i32
      %dma_start3A_1038 = arith.constant 0 : i32
      %dma_start3A_1039 = tpu.memref_slice %arg15[%dma_start3A_1029, %dma_start3A_1037, %dma_start3A_1038] : memref<16x8x64xf32, #tpu.memory_space<vmem>> -> memref<1x8x64xf32, #tpu.memory_space<vmem>>
      %dma_start3A_1040 = tpu.memref_squeeze %dma_start3A_1039 : memref<1x8x64xf32, #tpu.memory_space<vmem>> -> memref<8x64xf32, #tpu.memory_space<vmem>>
      %dma_start3A_1041 = arith.constant 0 : i32
      %dma_start3A_1042 = tpu.memref_slice %arg7[%reduce_sum3A_978, %multiple_of3A_1013, %dma_start3A_1041] : memref<1000x100x64xf32, #tpu.memory_space<hbm>> -> memref<1x8x64xf32, #tpu.memory_space<hbm>>
      %dma_start3A_1043 = tpu.memref_squeeze %dma_start3A_1042 : memref<1x8x64xf32, #tpu.memory_space<hbm>> -> memref<8x64xf32, #tpu.memory_space<hbm>>
      tpu.enqueue_dma source(%dma_start3A_1043 : memref<8x64xf32, #tpu.memory_space<hbm>>) target(%dma_start3A_1040 : memref<8x64xf32, #tpu.memory_space<vmem>>) target_semaphore(%arg18 : memref<!tpu.dma_semaphore, #tpu.memory_space<semaphore_mem>>)
      %eq3A_1044 = arith.constant 14 : i32
      %eq3A_1045 = vector.broadcast %eq3A_1044 : i32 to vector<16xi32>
      %eq3A_1046 = arith.cmpi eq, %iota3A, %eq3A_1045 : vector<16xi32>
      %select_n3A_1047 = arith.select %eq3A_1046, %get3A_28, %broadcast_in_dim3A_3 : vector<16xi1>, vector<16xi32>
      %reduce_sum3A_1048 = arith.constant true
      %reduce_sum3A_1049 = vector.broadcast %reduce_sum3A_1048 : i1 to vector<16xi1>
      %reduce_sum3A_1050 = tpu.scan <sum>, %select_n3A_1047 masked %reduce_sum3A_1049 : vector<16xi32>, vector<16xi1> -> vector<16xi32>
      %reduce_sum3A_1051 = vector.extract %reduce_sum3A_1050[15] : i32 from vector<16xi32>
      %eq3A_1052 = arith.constant 14 : i32
      %eq3A_1053 = vector.broadcast %eq3A_1052 : i32 to vector<16xi32>
      %eq3A_1054 = arith.cmpi eq, %iota3A, %eq3A_1053 : vector<16xi32>
      %select_n3A_1055 = arith.select %eq3A_1054, %get3A_32, %broadcast_in_dim3A_3 : vector<16xi1>, vector<16xi32>
      %reduce_sum3A_1056 = arith.constant true
      %reduce_sum3A_1057 = vector.broadcast %reduce_sum3A_1056 : i1 to vector<16xi1>
      %reduce_sum3A_1058 = tpu.scan <sum>, %select_n3A_1055 masked %reduce_sum3A_1057 : vector<16xi32>, vector<16xi1> -> vector<16xi32>
      %reduce_sum3A_1059 = vector.extract %reduce_sum3A_1058[15] : i32 from vector<16xi32>
      %jit3A_1060 = arith.constant 8 : i32
      %div3A_1061 = arith.divsi %reduce_sum3A_1059, %jit3A_1060 : i32
      %sign3A_1062 = arith.constant 0 : i32
      %sign3A_1063 = arith.cmpi sgt, %reduce_sum3A_1059, %sign3A_1062 : i32
      %sign3A_1064 = arith.extui %sign3A_1063 : i1 to i32
      %sign3A_1065 = arith.constant 0 : i32
      %sign3A_1066 = arith.cmpi slt, %reduce_sum3A_1059, %sign3A_1065 : i32
      %sign3A_1067 = arith.extui %sign3A_1066 : i1 to i32
      %sign3A_1068 = arith.subi %sign3A_1064, %sign3A_1067 : i32
      %sign3A_1069 = arith.constant 0 : i32
      %sign3A_1070 = arith.cmpi sgt, %jit3A_1060, %sign3A_1069 : i32
      %sign3A_1071 = arith.extui %sign3A_1070 : i1 to i32
      %sign3A_1072 = arith.constant 0 : i32
      %sign3A_1073 = arith.cmpi slt, %jit3A_1060, %sign3A_1072 : i32
      %sign3A_1074 = arith.extui %sign3A_1073 : i1 to i32
      %sign3A_1075 = arith.subi %sign3A_1071, %sign3A_1074 : i32
      %ne3A_1076 = arith.cmpi ne, %sign3A_1068, %sign3A_1075 : i32
      %rem3A_1077 = arith.remsi %reduce_sum3A_1059, %jit3A_1060 : i32
      %ne3A_1078 = arith.constant 0 : i32
      %ne3A_1079 = arith.cmpi ne, %rem3A_1077, %ne3A_1078 : i32
      %and3A_1080 = arith.andi %ne3A_1076, %ne3A_1079 : i1
      %sub3A_1081 = arith.constant 1 : i32
      %sub3A_1082 = arith.subi %div3A_1061, %sub3A_1081 : i32
      %select_n3A_1083 = arith.select %and3A_1080, %sub3A_1082, %div3A_1061 : i32
      %mul3A_1084 = arith.constant 8 : i32
      %mul3A_1085 = arith.muli %select_n3A_1083, %mul3A_1084 : i32
      %multiple_of3A_1086 = tpu.assume_multiple %mul3A_1085, 8 : i32
      %dma_start3A_1087 = arith.constant 14 : i32
      %dma_start3A_1088 = arith.constant 0 : i32
      %dma_start3A_1089 = arith.constant 0 : i32
      %dma_start3A_1090 = tpu.memref_slice %arg14[%dma_start3A_1087, %dma_start3A_1088, %dma_start3A_1089] : memref<16x8x64xf32, #tpu.memory_space<vmem>> -> memref<1x8x64xf32, #tpu.memory_space<vmem>>
      %dma_start3A_1091 = tpu.memref_squeeze %dma_start3A_1090 : memref<1x8x64xf32, #tpu.memory_space<vmem>> -> memref<8x64xf32, #tpu.memory_space<vmem>>
      %dma_start3A_1092 = arith.constant 0 : i32
      %dma_start3A_1093 = tpu.memref_slice %arg6[%reduce_sum3A_1051, %multiple_of3A_1086, %dma_start3A_1092] : memref<1000x100x64xf32, #tpu.memory_space<hbm>> -> memref<1x8x64xf32, #tpu.memory_space<hbm>>
      %dma_start3A_1094 = tpu.memref_squeeze %dma_start3A_1093 : memref<1x8x64xf32, #tpu.memory_space<hbm>> -> memref<8x64xf32, #tpu.memory_space<hbm>>
      %dma_start3A_1095 = arith.constant 0 : i32
      %dma_start3A_1096 = arith.constant 0 : i32
      %dma_start3A_1097 = tpu.memref_slice %arg14[%dma_start3A_1087, %dma_start3A_1095, %dma_start3A_1096] : memref<16x8x64xf32, #tpu.memory_space<vmem>> -> memref<1x8x64xf32, #tpu.memory_space<vmem>>
      %dma_start3A_1098 = tpu.memref_squeeze %dma_start3A_1097 : memref<1x8x64xf32, #tpu.memory_space<vmem>> -> memref<8x64xf32, #tpu.memory_space<vmem>>
      %dma_start3A_1099 = arith.constant 0 : i32
      %dma_start3A_1100 = tpu.memref_slice %arg6[%reduce_sum3A_1051, %multiple_of3A_1086, %dma_start3A_1099] : memref<1000x100x64xf32, #tpu.memory_space<hbm>> -> memref<1x8x64xf32, #tpu.memory_space<hbm>>
      %dma_start3A_1101 = tpu.memref_squeeze %dma_start3A_1100 : memref<1x8x64xf32, #tpu.memory_space<hbm>> -> memref<8x64xf32, #tpu.memory_space<hbm>>
      tpu.enqueue_dma source(%dma_start3A_1101 : memref<8x64xf32, #tpu.memory_space<hbm>>) target(%dma_start3A_1098 : memref<8x64xf32, #tpu.memory_space<vmem>>) target_semaphore(%arg18 : memref<!tpu.dma_semaphore, #tpu.memory_space<semaphore_mem>>)
      %dma_start3A_1102 = arith.constant 14 : i32
      %dma_start3A_1103 = arith.constant 0 : i32
      %dma_start3A_1104 = arith.constant 0 : i32
      %dma_start3A_1105 = tpu.memref_slice %arg15[%dma_start3A_1102, %dma_start3A_1103, %dma_start3A_1104] : memref<16x8x64xf32, #tpu.memory_space<vmem>> -> memref<1x8x64xf32, #tpu.memory_space<vmem>>
      %dma_start3A_1106 = tpu.memref_squeeze %dma_start3A_1105 : memref<1x8x64xf32, #tpu.memory_space<vmem>> -> memref<8x64xf32, #tpu.memory_space<vmem>>
      %dma_start3A_1107 = arith.constant 0 : i32
      %dma_start3A_1108 = tpu.memref_slice %arg7[%reduce_sum3A_1051, %multiple_of3A_1086, %dma_start3A_1107] : memref<1000x100x64xf32, #tpu.memory_space<hbm>> -> memref<1x8x64xf32, #tpu.memory_space<hbm>>
      %dma_start3A_1109 = tpu.memref_squeeze %dma_start3A_1108 : memref<1x8x64xf32, #tpu.memory_space<hbm>> -> memref<8x64xf32, #tpu.memory_space<hbm>>
      %dma_start3A_1110 = arith.constant 0 : i32
      %dma_start3A_1111 = arith.constant 0 : i32
      %dma_start3A_1112 = tpu.memref_slice %arg15[%dma_start3A_1102, %dma_start3A_1110, %dma_start3A_1111] : memref<16x8x64xf32, #tpu.memory_space<vmem>> -> memref<1x8x64xf32, #tpu.memory_space<vmem>>
      %dma_start3A_1113 = tpu.memref_squeeze %dma_start3A_1112 : memref<1x8x64xf32, #tpu.memory_space<vmem>> -> memref<8x64xf32, #tpu.memory_space<vmem>>
      %dma_start3A_1114 = arith.constant 0 : i32
      %dma_start3A_1115 = tpu.memref_slice %arg7[%reduce_sum3A_1051, %multiple_of3A_1086, %dma_start3A_1114] : memref<1000x100x64xf32, #tpu.memory_space<hbm>> -> memref<1x8x64xf32, #tpu.memory_space<hbm>>
      %dma_start3A_1116 = tpu.memref_squeeze %dma_start3A_1115 : memref<1x8x64xf32, #tpu.memory_space<hbm>> -> memref<8x64xf32, #tpu.memory_space<hbm>>
      tpu.enqueue_dma source(%dma_start3A_1116 : memref<8x64xf32, #tpu.memory_space<hbm>>) target(%dma_start3A_1113 : memref<8x64xf32, #tpu.memory_space<vmem>>) target_semaphore(%arg18 : memref<!tpu.dma_semaphore, #tpu.memory_space<semaphore_mem>>)
      %eq3A_1117 = arith.constant 15 : i32
      %eq3A_1118 = vector.broadcast %eq3A_1117 : i32 to vector<16xi32>
      %eq3A_1119 = arith.cmpi eq, %iota3A, %eq3A_1118 : vector<16xi32>
      %select_n3A_1120 = arith.select %eq3A_1119, %get3A_28, %broadcast_in_dim3A_3 : vector<16xi1>, vector<16xi32>
      %reduce_sum3A_1121 = arith.constant true
      %reduce_sum3A_1122 = vector.broadcast %reduce_sum3A_1121 : i1 to vector<16xi1>
      %reduce_sum3A_1123 = tpu.scan <sum>, %select_n3A_1120 masked %reduce_sum3A_1122 : vector<16xi32>, vector<16xi1> -> vector<16xi32>
      %reduce_sum3A_1124 = vector.extract %reduce_sum3A_1123[15] : i32 from vector<16xi32>
      %eq3A_1125 = arith.constant 15 : i32
      %eq3A_1126 = vector.broadcast %eq3A_1125 : i32 to vector<16xi32>
      %eq3A_1127 = arith.cmpi eq, %iota3A, %eq3A_1126 : vector<16xi32>
      %select_n3A_1128 = arith.select %eq3A_1127, %get3A_32, %broadcast_in_dim3A_3 : vector<16xi1>, vector<16xi32>
      %reduce_sum3A_1129 = arith.constant true
      %reduce_sum3A_1130 = vector.broadcast %reduce_sum3A_1129 : i1 to vector<16xi1>
      %reduce_sum3A_1131 = tpu.scan <sum>, %select_n3A_1128 masked %reduce_sum3A_1130 : vector<16xi32>, vector<16xi1> -> vector<16xi32>
      %reduce_sum3A_1132 = vector.extract %reduce_sum3A_1131[15] : i32 from vector<16xi32>
      %jit3A_1133 = arith.constant 8 : i32
      %div3A_1134 = arith.divsi %reduce_sum3A_1132, %jit3A_1133 : i32
      %sign3A_1135 = arith.constant 0 : i32
      %sign3A_1136 = arith.cmpi sgt, %reduce_sum3A_1132, %sign3A_1135 : i32
      %sign3A_1137 = arith.extui %sign3A_1136 : i1 to i32
      %sign3A_1138 = arith.constant 0 : i32
      %sign3A_1139 = arith.cmpi slt, %reduce_sum3A_1132, %sign3A_1138 : i32
      %sign3A_1140 = arith.extui %sign3A_1139 : i1 to i32
      %sign3A_1141 = arith.subi %sign3A_1137, %sign3A_1140 : i32
      %sign3A_1142 = arith.constant 0 : i32
      %sign3A_1143 = arith.cmpi sgt, %jit3A_1133, %sign3A_1142 : i32
      %sign3A_1144 = arith.extui %sign3A_1143 : i1 to i32
      %sign3A_1145 = arith.constant 0 : i32
      %sign3A_1146 = arith.cmpi slt, %jit3A_1133, %sign3A_1145 : i32
      %sign3A_1147 = arith.extui %sign3A_1146 : i1 to i32
      %sign3A_1148 = arith.subi %sign3A_1144, %sign3A_1147 : i32
      %ne3A_1149 = arith.cmpi ne, %sign3A_1141, %sign3A_1148 : i32
      %rem3A_1150 = arith.remsi %reduce_sum3A_1132, %jit3A_1133 : i32
      %ne3A_1151 = arith.constant 0 : i32
      %ne3A_1152 = arith.cmpi ne, %rem3A_1150, %ne3A_1151 : i32
      %and3A_1153 = arith.andi %ne3A_1149, %ne3A_1152 : i1
      %sub3A_1154 = arith.constant 1 : i32
      %sub3A_1155 = arith.subi %div3A_1134, %sub3A_1154 : i32
      %select_n3A_1156 = arith.select %and3A_1153, %sub3A_1155, %div3A_1134 : i32
      %mul3A_1157 = arith.constant 8 : i32
      %mul3A_1158 = arith.muli %select_n3A_1156, %mul3A_1157 : i32
      %multiple_of3A_1159 = tpu.assume_multiple %mul3A_1158, 8 : i32
      %dma_start3A_1160 = arith.constant 15 : i32
      %dma_start3A_1161 = arith.constant 0 : i32
      %dma_start3A_1162 = arith.constant 0 : i32
      %dma_start3A_1163 = tpu.memref_slice %arg14[%dma_start3A_1160, %dma_start3A_1161, %dma_start3A_1162] : memref<16x8x64xf32, #tpu.memory_space<vmem>> -> memref<1x8x64xf32, #tpu.memory_space<vmem>>
      %dma_start3A_1164 = tpu.memref_squeeze %dma_start3A_1163 : memref<1x8x64xf32, #tpu.memory_space<vmem>> -> memref<8x64xf32, #tpu.memory_space<vmem>>
      %dma_start3A_1165 = arith.constant 0 : i32
      %dma_start3A_1166 = tpu.memref_slice %arg6[%reduce_sum3A_1124, %multiple_of3A_1159, %dma_start3A_1165] : memref<1000x100x64xf32, #tpu.memory_space<hbm>> -> memref<1x8x64xf32, #tpu.memory_space<hbm>>
      %dma_start3A_1167 = tpu.memref_squeeze %dma_start3A_1166 : memref<1x8x64xf32, #tpu.memory_space<hbm>> -> memref<8x64xf32, #tpu.memory_space<hbm>>
      %dma_start3A_1168 = arith.constant 0 : i32
      %dma_start3A_1169 = arith.constant 0 : i32
      %dma_start3A_1170 = tpu.memref_slice %arg14[%dma_start3A_1160, %dma_start3A_1168, %dma_start3A_1169] : memref<16x8x64xf32, #tpu.memory_space<vmem>> -> memref<1x8x64xf32, #tpu.memory_space<vmem>>
      %dma_start3A_1171 = tpu.memref_squeeze %dma_start3A_1170 : memref<1x8x64xf32, #tpu.memory_space<vmem>> -> memref<8x64xf32, #tpu.memory_space<vmem>>
      %dma_start3A_1172 = arith.constant 0 : i32
      %dma_start3A_1173 = tpu.memref_slice %arg6[%reduce_sum3A_1124, %multiple_of3A_1159, %dma_start3A_1172] : memref<1000x100x64xf32, #tpu.memory_space<hbm>> -> memref<1x8x64xf32, #tpu.memory_space<hbm>>
      %dma_start3A_1174 = tpu.memref_squeeze %dma_start3A_1173 : memref<1x8x64xf32, #tpu.memory_space<hbm>> -> memref<8x64xf32, #tpu.memory_space<hbm>>
      tpu.enqueue_dma source(%dma_start3A_1174 : memref<8x64xf32, #tpu.memory_space<hbm>>) target(%dma_start3A_1171 : memref<8x64xf32, #tpu.memory_space<vmem>>) target_semaphore(%arg18 : memref<!tpu.dma_semaphore, #tpu.memory_space<semaphore_mem>>)
      %dma_start3A_1175 = arith.constant 15 : i32
      %dma_start3A_1176 = arith.constant 0 : i32
      %dma_start3A_1177 = arith.constant 0 : i32
      %dma_start3A_1178 = tpu.memref_slice %arg15[%dma_start3A_1175, %dma_start3A_1176, %dma_start3A_1177] : memref<16x8x64xf32, #tpu.memory_space<vmem>> -> memref<1x8x64xf32, #tpu.memory_space<vmem>>
      %dma_start3A_1179 = tpu.memref_squeeze %dma_start3A_1178 : memref<1x8x64xf32, #tpu.memory_space<vmem>> -> memref<8x64xf32, #tpu.memory_space<vmem>>
      %dma_start3A_1180 = arith.constant 0 : i32
      %dma_start3A_1181 = tpu.memref_slice %arg7[%reduce_sum3A_1124, %multiple_of3A_1159, %dma_start3A_1180] : memref<1000x100x64xf32, #tpu.memory_space<hbm>> -> memref<1x8x64xf32, #tpu.memory_space<hbm>>
      %dma_start3A_1182 = tpu.memref_squeeze %dma_start3A_1181 : memref<1x8x64xf32, #tpu.memory_space<hbm>> -> memref<8x64xf32, #tpu.memory_space<hbm>>
      %dma_start3A_1183 = arith.constant 0 : i32
      %dma_start3A_1184 = arith.constant 0 : i32
      %dma_start3A_1185 = tpu.memref_slice %arg15[%dma_start3A_1175, %dma_start3A_1183, %dma_start3A_1184] : memref<16x8x64xf32, #tpu.memory_space<vmem>> -> memref<1x8x64xf32, #tpu.memory_space<vmem>>
      %dma_start3A_1186 = tpu.memref_squeeze %dma_start3A_1185 : memref<1x8x64xf32, #tpu.memory_space<vmem>> -> memref<8x64xf32, #tpu.memory_space<vmem>>
      %dma_start3A_1187 = arith.constant 0 : i32
      %dma_start3A_1188 = tpu.memref_slice %arg7[%reduce_sum3A_1124, %multiple_of3A_1159, %dma_start3A_1187] : memref<1000x100x64xf32, #tpu.memory_space<hbm>> -> memref<1x8x64xf32, #tpu.memory_space<hbm>>
      %dma_start3A_1189 = tpu.memref_squeeze %dma_start3A_1188 : memref<1x8x64xf32, #tpu.memory_space<hbm>> -> memref<8x64xf32, #tpu.memory_space<hbm>>
      tpu.enqueue_dma source(%dma_start3A_1189 : memref<8x64xf32, #tpu.memory_space<hbm>>) target(%dma_start3A_1186 : memref<8x64xf32, #tpu.memory_space<vmem>>) target_semaphore(%arg18 : memref<!tpu.dma_semaphore, #tpu.memory_space<semaphore_mem>>)
      %dma_wait3A_1190 = arith.constant 0 : i32
      %dma_wait3A_1191 = arith.constant 0 : i32
      %dma_wait3A_1192 = arith.constant 0 : i32
      %dma_wait3A_1193 = tpu.memref_slice %arg14[%dma_wait3A_1190, %dma_wait3A_1191, %dma_wait3A_1192] : memref<16x8x64xf32, #tpu.memory_space<vmem>> -> memref<1x8x64xf32, #tpu.memory_space<vmem>>
      %dma_wait3A_1194 = tpu.memref_squeeze %dma_wait3A_1193 : memref<1x8x64xf32, #tpu.memory_space<vmem>> -> memref<8x64xf32, #tpu.memory_space<vmem>>
      %dma_wait3A_1195 = arith.constant 0 : i32
      %dma_wait3A_1196 = tpu.memref_slice %arg6[%reduce_sum3A_37, %multiple_of3A, %dma_wait3A_1195] : memref<1000x100x64xf32, #tpu.memory_space<hbm>> -> memref<1x8x64xf32, #tpu.memory_space<hbm>>
      %dma_wait3A_1197 = tpu.memref_squeeze %dma_wait3A_1196 : memref<1x8x64xf32, #tpu.memory_space<hbm>> -> memref<8x64xf32, #tpu.memory_space<hbm>>
      %dma_wait3A_1198 = arith.constant 0 : i32
      %dma_wait3A_1199 = arith.constant 0 : i32
      %dma_wait3A_1200 = tpu.memref_slice %arg14[%dma_wait3A_1190, %dma_wait3A_1198, %dma_wait3A_1199] : memref<16x8x64xf32, #tpu.memory_space<vmem>> -> memref<1x8x64xf32, #tpu.memory_space<vmem>>
      %dma_wait3A_1201 = tpu.memref_squeeze %dma_wait3A_1200 : memref<1x8x64xf32, #tpu.memory_space<vmem>> -> memref<8x64xf32, #tpu.memory_space<vmem>>
      %dma_wait3A_1202 = arith.constant 0 : i32
      %dma_wait3A_1203 = tpu.memref_slice %arg6[%reduce_sum3A_37, %multiple_of3A, %dma_wait3A_1202] : memref<1000x100x64xf32, #tpu.memory_space<hbm>> -> memref<1x8x64xf32, #tpu.memory_space<hbm>>
      %dma_wait3A_1204 = tpu.memref_squeeze %dma_wait3A_1203 : memref<1x8x64xf32, #tpu.memory_space<hbm>> -> memref<8x64xf32, #tpu.memory_space<hbm>>
      tpu.wait_dma2 semaphore(%arg18 : memref<!tpu.dma_semaphore, #tpu.memory_space<semaphore_mem>>) src(%dma_wait3A_1204 : memref<8x64xf32, #tpu.memory_space<hbm>>) dst(%dma_wait3A_1201 : memref<8x64xf32, #tpu.memory_space<vmem>>)
      %dma_wait3A_1205 = arith.constant 0 : i32
      %dma_wait3A_1206 = arith.constant 0 : i32
      %dma_wait3A_1207 = arith.constant 0 : i32
      %dma_wait3A_1208 = tpu.memref_slice %arg15[%dma_wait3A_1205, %dma_wait3A_1206, %dma_wait3A_1207] : memref<16x8x64xf32, #tpu.memory_space<vmem>> -> memref<1x8x64xf32, #tpu.memory_space<vmem>>
      %dma_wait3A_1209 = tpu.memref_squeeze %dma_wait3A_1208 : memref<1x8x64xf32, #tpu.memory_space<vmem>> -> memref<8x64xf32, #tpu.memory_space<vmem>>
      %dma_wait3A_1210 = arith.constant 0 : i32
      %dma_wait3A_1211 = tpu.memref_slice %arg7[%reduce_sum3A_37, %multiple_of3A, %dma_wait3A_1210] : memref<1000x100x64xf32, #tpu.memory_space<hbm>> -> memref<1x8x64xf32, #tpu.memory_space<hbm>>
      %dma_wait3A_1212 = tpu.memref_squeeze %dma_wait3A_1211 : memref<1x8x64xf32, #tpu.memory_space<hbm>> -> memref<8x64xf32, #tpu.memory_space<hbm>>
      %dma_wait3A_1213 = arith.constant 0 : i32
      %dma_wait3A_1214 = arith.constant 0 : i32
      %dma_wait3A_1215 = tpu.memref_slice %arg15[%dma_wait3A_1205, %dma_wait3A_1213, %dma_wait3A_1214] : memref<16x8x64xf32, #tpu.memory_space<vmem>> -> memref<1x8x64xf32, #tpu.memory_space<vmem>>
      %dma_wait3A_1216 = tpu.memref_squeeze %dma_wait3A_1215 : memref<1x8x64xf32, #tpu.memory_space<vmem>> -> memref<8x64xf32, #tpu.memory_space<vmem>>
      %dma_wait3A_1217 = arith.constant 0 : i32
      %dma_wait3A_1218 = tpu.memref_slice %arg7[%reduce_sum3A_37, %multiple_of3A, %dma_wait3A_1217] : memref<1000x100x64xf32, #tpu.memory_space<hbm>> -> memref<1x8x64xf32, #tpu.memory_space<hbm>>
      %dma_wait3A_1219 = tpu.memref_squeeze %dma_wait3A_1218 : memref<1x8x64xf32, #tpu.memory_space<hbm>> -> memref<8x64xf32, #tpu.memory_space<hbm>>
      tpu.wait_dma2 semaphore(%arg18 : memref<!tpu.dma_semaphore, #tpu.memory_space<semaphore_mem>>) src(%dma_wait3A_1219 : memref<8x64xf32, #tpu.memory_space<hbm>>) dst(%dma_wait3A_1216 : memref<8x64xf32, #tpu.memory_space<vmem>>)
      %dma_wait3A_1220 = arith.constant 1 : i32
      %dma_wait3A_1221 = arith.constant 0 : i32
      %dma_wait3A_1222 = arith.constant 0 : i32
      %dma_wait3A_1223 = tpu.memref_slice %arg14[%dma_wait3A_1220, %dma_wait3A_1221, %dma_wait3A_1222] : memref<16x8x64xf32, #tpu.memory_space<vmem>> -> memref<1x8x64xf32, #tpu.memory_space<vmem>>
      %dma_wait3A_1224 = tpu.memref_squeeze %dma_wait3A_1223 : memref<1x8x64xf32, #tpu.memory_space<vmem>> -> memref<8x64xf32, #tpu.memory_space<vmem>>
      %dma_wait3A_1225 = arith.constant 0 : i32
      %dma_wait3A_1226 = tpu.memref_slice %arg6[%reduce_sum3A_102, %multiple_of3A_137, %dma_wait3A_1225] : memref<1000x100x64xf32, #tpu.memory_space<hbm>> -> memref<1x8x64xf32, #tpu.memory_space<hbm>>
      %dma_wait3A_1227 = tpu.memref_squeeze %dma_wait3A_1226 : memref<1x8x64xf32, #tpu.memory_space<hbm>> -> memref<8x64xf32, #tpu.memory_space<hbm>>
      %dma_wait3A_1228 = arith.constant 0 : i32
      %dma_wait3A_1229 = arith.constant 0 : i32
      %dma_wait3A_1230 = tpu.memref_slice %arg14[%dma_wait3A_1220, %dma_wait3A_1228, %dma_wait3A_1229] : memref<16x8x64xf32, #tpu.memory_space<vmem>> -> memref<1x8x64xf32, #tpu.memory_space<vmem>>
      %dma_wait3A_1231 = tpu.memref_squeeze %dma_wait3A_1230 : memref<1x8x64xf32, #tpu.memory_space<vmem>> -> memref<8x64xf32, #tpu.memory_space<vmem>>
      %dma_wait3A_1232 = arith.constant 0 : i32
      %dma_wait3A_1233 = tpu.memref_slice %arg6[%reduce_sum3A_102, %multiple_of3A_137, %dma_wait3A_1232] : memref<1000x100x64xf32, #tpu.memory_space<hbm>> -> memref<1x8x64xf32, #tpu.memory_space<hbm>>
      %dma_wait3A_1234 = tpu.memref_squeeze %dma_wait3A_1233 : memref<1x8x64xf32, #tpu.memory_space<hbm>> -> memref<8x64xf32, #tpu.memory_space<hbm>>
      tpu.wait_dma2 semaphore(%arg18 : memref<!tpu.dma_semaphore, #tpu.memory_space<semaphore_mem>>) src(%dma_wait3A_1234 : memref<8x64xf32, #tpu.memory_space<hbm>>) dst(%dma_wait3A_1231 : memref<8x64xf32, #tpu.memory_space<vmem>>)
      %dma_wait3A_1235 = arith.constant 1 : i32
      %dma_wait3A_1236 = arith.constant 0 : i32
      %dma_wait3A_1237 = arith.constant 0 : i32
      %dma_wait3A_1238 = tpu.memref_slice %arg15[%dma_wait3A_1235, %dma_wait3A_1236, %dma_wait3A_1237] : memref<16x8x64xf32, #tpu.memory_space<vmem>> -> memref<1x8x64xf32, #tpu.memory_space<vmem>>
      %dma_wait3A_1239 = tpu.memref_squeeze %dma_wait3A_1238 : memref<1x8x64xf32, #tpu.memory_space<vmem>> -> memref<8x64xf32, #tpu.memory_space<vmem>>
      %dma_wait3A_1240 = arith.constant 0 : i32
      %dma_wait3A_1241 = tpu.memref_slice %arg7[%reduce_sum3A_102, %multiple_of3A_137, %dma_wait3A_1240] : memref<1000x100x64xf32, #tpu.memory_space<hbm>> -> memref<1x8x64xf32, #tpu.memory_space<hbm>>
      %dma_wait3A_1242 = tpu.memref_squeeze %dma_wait3A_1241 : memref<1x8x64xf32, #tpu.memory_space<hbm>> -> memref<8x64xf32, #tpu.memory_space<hbm>>
      %dma_wait3A_1243 = arith.constant 0 : i32
      %dma_wait3A_1244 = arith.constant 0 : i32
      %dma_wait3A_1245 = tpu.memref_slice %arg15[%dma_wait3A_1235, %dma_wait3A_1243, %dma_wait3A_1244] : memref<16x8x64xf32, #tpu.memory_space<vmem>> -> memref<1x8x64xf32, #tpu.memory_space<vmem>>
      %dma_wait3A_1246 = tpu.memref_squeeze %dma_wait3A_1245 : memref<1x8x64xf32, #tpu.memory_space<vmem>> -> memref<8x64xf32, #tpu.memory_space<vmem>>
      %dma_wait3A_1247 = arith.constant 0 : i32
      %dma_wait3A_1248 = tpu.memref_slice %arg7[%reduce_sum3A_102, %multiple_of3A_137, %dma_wait3A_1247] : memref<1000x100x64xf32, #tpu.memory_space<hbm>> -> memref<1x8x64xf32, #tpu.memory_space<hbm>>
      %dma_wait3A_1249 = tpu.memref_squeeze %dma_wait3A_1248 : memref<1x8x64xf32, #tpu.memory_space<hbm>> -> memref<8x64xf32, #tpu.memory_space<hbm>>
      tpu.wait_dma2 semaphore(%arg18 : memref<!tpu.dma_semaphore, #tpu.memory_space<semaphore_mem>>) src(%dma_wait3A_1249 : memref<8x64xf32, #tpu.memory_space<hbm>>) dst(%dma_wait3A_1246 : memref<8x64xf32, #tpu.memory_space<vmem>>)
      %dma_wait3A_1250 = arith.constant 2 : i32
      %dma_wait3A_1251 = arith.constant 0 : i32
      %dma_wait3A_1252 = arith.constant 0 : i32
      %dma_wait3A_1253 = tpu.memref_slice %arg14[%dma_wait3A_1250, %dma_wait3A_1251, %dma_wait3A_1252] : memref<16x8x64xf32, #tpu.memory_space<vmem>> -> memref<1x8x64xf32, #tpu.memory_space<vmem>>
      %dma_wait3A_1254 = tpu.memref_squeeze %dma_wait3A_1253 : memref<1x8x64xf32, #tpu.memory_space<vmem>> -> memref<8x64xf32, #tpu.memory_space<vmem>>
      %dma_wait3A_1255 = arith.constant 0 : i32
      %dma_wait3A_1256 = tpu.memref_slice %arg6[%reduce_sum3A_175, %multiple_of3A_210, %dma_wait3A_1255] : memref<1000x100x64xf32, #tpu.memory_space<hbm>> -> memref<1x8x64xf32, #tpu.memory_space<hbm>>
      %dma_wait3A_1257 = tpu.memref_squeeze %dma_wait3A_1256 : memref<1x8x64xf32, #tpu.memory_space<hbm>> -> memref<8x64xf32, #tpu.memory_space<hbm>>
      %dma_wait3A_1258 = arith.constant 0 : i32
      %dma_wait3A_1259 = arith.constant 0 : i32
      %dma_wait3A_1260 = tpu.memref_slice %arg14[%dma_wait3A_1250, %dma_wait3A_1258, %dma_wait3A_1259] : memref<16x8x64xf32, #tpu.memory_space<vmem>> -> memref<1x8x64xf32, #tpu.memory_space<vmem>>
      %dma_wait3A_1261 = tpu.memref_squeeze %dma_wait3A_1260 : memref<1x8x64xf32, #tpu.memory_space<vmem>> -> memref<8x64xf32, #tpu.memory_space<vmem>>
      %dma_wait3A_1262 = arith.constant 0 : i32
      %dma_wait3A_1263 = tpu.memref_slice %arg6[%reduce_sum3A_175, %multiple_of3A_210, %dma_wait3A_1262] : memref<1000x100x64xf32, #tpu.memory_space<hbm>> -> memref<1x8x64xf32, #tpu.memory_space<hbm>>
      %dma_wait3A_1264 = tpu.memref_squeeze %dma_wait3A_1263 : memref<1x8x64xf32, #tpu.memory_space<hbm>> -> memref<8x64xf32, #tpu.memory_space<hbm>>
      tpu.wait_dma2 semaphore(%arg18 : memref<!tpu.dma_semaphore, #tpu.memory_space<semaphore_mem>>) src(%dma_wait3A_1264 : memref<8x64xf32, #tpu.memory_space<hbm>>) dst(%dma_wait3A_1261 : memref<8x64xf32, #tpu.memory_space<vmem>>)
      %dma_wait3A_1265 = arith.constant 2 : i32
      %dma_wait3A_1266 = arith.constant 0 : i32
      %dma_wait3A_1267 = arith.constant 0 : i32
      %dma_wait3A_1268 = tpu.memref_slice %arg15[%dma_wait3A_1265, %dma_wait3A_1266, %dma_wait3A_1267] : memref<16x8x64xf32, #tpu.memory_space<vmem>> -> memref<1x8x64xf32, #tpu.memory_space<vmem>>
      %dma_wait3A_1269 = tpu.memref_squeeze %dma_wait3A_1268 : memref<1x8x64xf32, #tpu.memory_space<vmem>> -> memref<8x64xf32, #tpu.memory_space<vmem>>
      %dma_wait3A_1270 = arith.constant 0 : i32
      %dma_wait3A_1271 = tpu.memref_slice %arg7[%reduce_sum3A_175, %multiple_of3A_210, %dma_wait3A_1270] : memref<1000x100x64xf32, #tpu.memory_space<hbm>> -> memref<1x8x64xf32, #tpu.memory_space<hbm>>
      %dma_wait3A_1272 = tpu.memref_squeeze %dma_wait3A_1271 : memref<1x8x64xf32, #tpu.memory_space<hbm>> -> memref<8x64xf32, #tpu.memory_space<hbm>>
      %dma_wait3A_1273 = arith.constant 0 : i32
      %dma_wait3A_1274 = arith.constant 0 : i32
      %dma_wait3A_1275 = tpu.memref_slice %arg15[%dma_wait3A_1265, %dma_wait3A_1273, %dma_wait3A_1274] : memref<16x8x64xf32, #tpu.memory_space<vmem>> -> memref<1x8x64xf32, #tpu.memory_space<vmem>>
      %dma_wait3A_1276 = tpu.memref_squeeze %dma_wait3A_1275 : memref<1x8x64xf32, #tpu.memory_space<vmem>> -> memref<8x64xf32, #tpu.memory_space<vmem>>
      %dma_wait3A_1277 = arith.constant 0 : i32
      %dma_wait3A_1278 = tpu.memref_slice %arg7[%reduce_sum3A_175, %multiple_of3A_210, %dma_wait3A_1277] : memref<1000x100x64xf32, #tpu.memory_space<hbm>> -> memref<1x8x64xf32, #tpu.memory_space<hbm>>
      %dma_wait3A_1279 = tpu.memref_squeeze %dma_wait3A_1278 : memref<1x8x64xf32, #tpu.memory_space<hbm>> -> memref<8x64xf32, #tpu.memory_space<hbm>>
      tpu.wait_dma2 semaphore(%arg18 : memref<!tpu.dma_semaphore, #tpu.memory_space<semaphore_mem>>) src(%dma_wait3A_1279 : memref<8x64xf32, #tpu.memory_space<hbm>>) dst(%dma_wait3A_1276 : memref<8x64xf32, #tpu.memory_space<vmem>>)
      %dma_wait3A_1280 = arith.constant 3 : i32
      %dma_wait3A_1281 = arith.constant 0 : i32
      %dma_wait3A_1282 = arith.constant 0 : i32
      %dma_wait3A_1283 = tpu.memref_slice %arg14[%dma_wait3A_1280, %dma_wait3A_1281, %dma_wait3A_1282] : memref<16x8x64xf32, #tpu.memory_space<vmem>> -> memref<1x8x64xf32, #tpu.memory_space<vmem>>
      %dma_wait3A_1284 = tpu.memref_squeeze %dma_wait3A_1283 : memref<1x8x64xf32, #tpu.memory_space<vmem>> -> memref<8x64xf32, #tpu.memory_space<vmem>>
      %dma_wait3A_1285 = arith.constant 0 : i32
      %dma_wait3A_1286 = tpu.memref_slice %arg6[%reduce_sum3A_248, %multiple_of3A_283, %dma_wait3A_1285] : memref<1000x100x64xf32, #tpu.memory_space<hbm>> -> memref<1x8x64xf32, #tpu.memory_space<hbm>>
      %dma_wait3A_1287 = tpu.memref_squeeze %dma_wait3A_1286 : memref<1x8x64xf32, #tpu.memory_space<hbm>> -> memref<8x64xf32, #tpu.memory_space<hbm>>
      %dma_wait3A_1288 = arith.constant 0 : i32
      %dma_wait3A_1289 = arith.constant 0 : i32
      %dma_wait3A_1290 = tpu.memref_slice %arg14[%dma_wait3A_1280, %dma_wait3A_1288, %dma_wait3A_1289] : memref<16x8x64xf32, #tpu.memory_space<vmem>> -> memref<1x8x64xf32, #tpu.memory_space<vmem>>
      %dma_wait3A_1291 = tpu.memref_squeeze %dma_wait3A_1290 : memref<1x8x64xf32, #tpu.memory_space<vmem>> -> memref<8x64xf32, #tpu.memory_space<vmem>>
      %dma_wait3A_1292 = arith.constant 0 : i32
      %dma_wait3A_1293 = tpu.memref_slice %arg6[%reduce_sum3A_248, %multiple_of3A_283, %dma_wait3A_1292] : memref<1000x100x64xf32, #tpu.memory_space<hbm>> -> memref<1x8x64xf32, #tpu.memory_space<hbm>>
      %dma_wait3A_1294 = tpu.memref_squeeze %dma_wait3A_1293 : memref<1x8x64xf32, #tpu.memory_space<hbm>> -> memref<8x64xf32, #tpu.memory_space<hbm>>
      tpu.wait_dma2 semaphore(%arg18 : memref<!tpu.dma_semaphore, #tpu.memory_space<semaphore_mem>>) src(%dma_wait3A_1294 : memref<8x64xf32, #tpu.memory_space<hbm>>) dst(%dma_wait3A_1291 : memref<8x64xf32, #tpu.memory_space<vmem>>)
      %dma_wait3A_1295 = arith.constant 3 : i32
      %dma_wait3A_1296 = arith.constant 0 : i32
      %dma_wait3A_1297 = arith.constant 0 : i32
      %dma_wait3A_1298 = tpu.memref_slice %arg15[%dma_wait3A_1295, %dma_wait3A_1296, %dma_wait3A_1297] : memref<16x8x64xf32, #tpu.memory_space<vmem>> -> memref<1x8x64xf32, #tpu.memory_space<vmem>>
      %dma_wait3A_1299 = tpu.memref_squeeze %dma_wait3A_1298 : memref<1x8x64xf32, #tpu.memory_space<vmem>> -> memref<8x64xf32, #tpu.memory_space<vmem>>
      %dma_wait3A_1300 = arith.constant 0 : i32
      %dma_wait3A_1301 = tpu.memref_slice %arg7[%reduce_sum3A_248, %multiple_of3A_283, %dma_wait3A_1300] : memref<1000x100x64xf32, #tpu.memory_space<hbm>> -> memref<1x8x64xf32, #tpu.memory_space<hbm>>
      %dma_wait3A_1302 = tpu.memref_squeeze %dma_wait3A_1301 : memref<1x8x64xf32, #tpu.memory_space<hbm>> -> memref<8x64xf32, #tpu.memory_space<hbm>>
      %dma_wait3A_1303 = arith.constant 0 : i32
      %dma_wait3A_1304 = arith.constant 0 : i32
      %dma_wait3A_1305 = tpu.memref_slice %arg15[%dma_wait3A_1295, %dma_wait3A_1303, %dma_wait3A_1304] : memref<16x8x64xf32, #tpu.memory_space<vmem>> -> memref<1x8x64xf32, #tpu.memory_space<vmem>>
      %dma_wait3A_1306 = tpu.memref_squeeze %dma_wait3A_1305 : memref<1x8x64xf32, #tpu.memory_space<vmem>> -> memref<8x64xf32, #tpu.memory_space<vmem>>
      %dma_wait3A_1307 = arith.constant 0 : i32
      %dma_wait3A_1308 = tpu.memref_slice %arg7[%reduce_sum3A_248, %multiple_of3A_283, %dma_wait3A_1307] : memref<1000x100x64xf32, #tpu.memory_space<hbm>> -> memref<1x8x64xf32, #tpu.memory_space<hbm>>
      %dma_wait3A_1309 = tpu.memref_squeeze %dma_wait3A_1308 : memref<1x8x64xf32, #tpu.memory_space<hbm>> -> memref<8x64xf32, #tpu.memory_space<hbm>>
      tpu.wait_dma2 semaphore(%arg18 : memref<!tpu.dma_semaphore, #tpu.memory_space<semaphore_mem>>) src(%dma_wait3A_1309 : memref<8x64xf32, #tpu.memory_space<hbm>>) dst(%dma_wait3A_1306 : memref<8x64xf32, #tpu.memory_space<vmem>>)
      %dma_wait3A_1310 = arith.constant 4 : i32
      %dma_wait3A_1311 = arith.constant 0 : i32
      %dma_wait3A_1312 = arith.constant 0 : i32
      %dma_wait3A_1313 = tpu.memref_slice %arg14[%dma_wait3A_1310, %dma_wait3A_1311, %dma_wait3A_1312] : memref<16x8x64xf32, #tpu.memory_space<vmem>> -> memref<1x8x64xf32, #tpu.memory_space<vmem>>
      %dma_wait3A_1314 = tpu.memref_squeeze %dma_wait3A_1313 : memref<1x8x64xf32, #tpu.memory_space<vmem>> -> memref<8x64xf32, #tpu.memory_space<vmem>>
      %dma_wait3A_1315 = arith.constant 0 : i32
      %dma_wait3A_1316 = tpu.memref_slice %arg6[%reduce_sum3A_321, %multiple_of3A_356, %dma_wait3A_1315] : memref<1000x100x64xf32, #tpu.memory_space<hbm>> -> memref<1x8x64xf32, #tpu.memory_space<hbm>>
      %dma_wait3A_1317 = tpu.memref_squeeze %dma_wait3A_1316 : memref<1x8x64xf32, #tpu.memory_space<hbm>> -> memref<8x64xf32, #tpu.memory_space<hbm>>
      %dma_wait3A_1318 = arith.constant 0 : i32
      %dma_wait3A_1319 = arith.constant 0 : i32
      %dma_wait3A_1320 = tpu.memref_slice %arg14[%dma_wait3A_1310, %dma_wait3A_1318, %dma_wait3A_1319] : memref<16x8x64xf32, #tpu.memory_space<vmem>> -> memref<1x8x64xf32, #tpu.memory_space<vmem>>
      %dma_wait3A_1321 = tpu.memref_squeeze %dma_wait3A_1320 : memref<1x8x64xf32, #tpu.memory_space<vmem>> -> memref<8x64xf32, #tpu.memory_space<vmem>>
      %dma_wait3A_1322 = arith.constant 0 : i32
      %dma_wait3A_1323 = tpu.memref_slice %arg6[%reduce_sum3A_321, %multiple_of3A_356, %dma_wait3A_1322] : memref<1000x100x64xf32, #tpu.memory_space<hbm>> -> memref<1x8x64xf32, #tpu.memory_space<hbm>>
      %dma_wait3A_1324 = tpu.memref_squeeze %dma_wait3A_1323 : memref<1x8x64xf32, #tpu.memory_space<hbm>> -> memref<8x64xf32, #tpu.memory_space<hbm>>
      tpu.wait_dma2 semaphore(%arg18 : memref<!tpu.dma_semaphore, #tpu.memory_space<semaphore_mem>>) src(%dma_wait3A_1324 : memref<8x64xf32, #tpu.memory_space<hbm>>) dst(%dma_wait3A_1321 : memref<8x64xf32, #tpu.memory_space<vmem>>)
      %dma_wait3A_1325 = arith.constant 4 : i32
      %dma_wait3A_1326 = arith.constant 0 : i32
      %dma_wait3A_1327 = arith.constant 0 : i32
      %dma_wait3A_1328 = tpu.memref_slice %arg15[%dma_wait3A_1325, %dma_wait3A_1326, %dma_wait3A_1327] : memref<16x8x64xf32, #tpu.memory_space<vmem>> -> memref<1x8x64xf32, #tpu.memory_space<vmem>>
      %dma_wait3A_1329 = tpu.memref_squeeze %dma_wait3A_1328 : memref<1x8x64xf32, #tpu.memory_space<vmem>> -> memref<8x64xf32, #tpu.memory_space<vmem>>
      %dma_wait3A_1330 = arith.constant 0 : i32
      %dma_wait3A_1331 = tpu.memref_slice %arg7[%reduce_sum3A_321, %multiple_of3A_356, %dma_wait3A_1330] : memref<1000x100x64xf32, #tpu.memory_space<hbm>> -> memref<1x8x64xf32, #tpu.memory_space<hbm>>
      %dma_wait3A_1332 = tpu.memref_squeeze %dma_wait3A_1331 : memref<1x8x64xf32, #tpu.memory_space<hbm>> -> memref<8x64xf32, #tpu.memory_space<hbm>>
      %dma_wait3A_1333 = arith.constant 0 : i32
      %dma_wait3A_1334 = arith.constant 0 : i32
      %dma_wait3A_1335 = tpu.memref_slice %arg15[%dma_wait3A_1325, %dma_wait3A_1333, %dma_wait3A_1334] : memref<16x8x64xf32, #tpu.memory_space<vmem>> -> memref<1x8x64xf32, #tpu.memory_space<vmem>>
      %dma_wait3A_1336 = tpu.memref_squeeze %dma_wait3A_1335 : memref<1x8x64xf32, #tpu.memory_space<vmem>> -> memref<8x64xf32, #tpu.memory_space<vmem>>
      %dma_wait3A_1337 = arith.constant 0 : i32
      %dma_wait3A_1338 = tpu.memref_slice %arg7[%reduce_sum3A_321, %multiple_of3A_356, %dma_wait3A_1337] : memref<1000x100x64xf32, #tpu.memory_space<hbm>> -> memref<1x8x64xf32, #tpu.memory_space<hbm>>
      %dma_wait3A_1339 = tpu.memref_squeeze %dma_wait3A_1338 : memref<1x8x64xf32, #tpu.memory_space<hbm>> -> memref<8x64xf32, #tpu.memory_space<hbm>>
      tpu.wait_dma2 semaphore(%arg18 : memref<!tpu.dma_semaphore, #tpu.memory_space<semaphore_mem>>) src(%dma_wait3A_1339 : memref<8x64xf32, #tpu.memory_space<hbm>>) dst(%dma_wait3A_1336 : memref<8x64xf32, #tpu.memory_space<vmem>>)
      %dma_wait3A_1340 = arith.constant 5 : i32
      %dma_wait3A_1341 = arith.constant 0 : i32
      %dma_wait3A_1342 = arith.constant 0 : i32
      %dma_wait3A_1343 = tpu.memref_slice %arg14[%dma_wait3A_1340, %dma_wait3A_1341, %dma_wait3A_1342] : memref<16x8x64xf32, #tpu.memory_space<vmem>> -> memref<1x8x64xf32, #tpu.memory_space<vmem>>
      %dma_wait3A_1344 = tpu.memref_squeeze %dma_wait3A_1343 : memref<1x8x64xf32, #tpu.memory_space<vmem>> -> memref<8x64xf32, #tpu.memory_space<vmem>>
      %dma_wait3A_1345 = arith.constant 0 : i32
      %dma_wait3A_1346 = tpu.memref_slice %arg6[%reduce_sum3A_394, %multiple_of3A_429, %dma_wait3A_1345] : memref<1000x100x64xf32, #tpu.memory_space<hbm>> -> memref<1x8x64xf32, #tpu.memory_space<hbm>>
      %dma_wait3A_1347 = tpu.memref_squeeze %dma_wait3A_1346 : memref<1x8x64xf32, #tpu.memory_space<hbm>> -> memref<8x64xf32, #tpu.memory_space<hbm>>
      %dma_wait3A_1348 = arith.constant 0 : i32
      %dma_wait3A_1349 = arith.constant 0 : i32
      %dma_wait3A_1350 = tpu.memref_slice %arg14[%dma_wait3A_1340, %dma_wait3A_1348, %dma_wait3A_1349] : memref<16x8x64xf32, #tpu.memory_space<vmem>> -> memref<1x8x64xf32, #tpu.memory_space<vmem>>
      %dma_wait3A_1351 = tpu.memref_squeeze %dma_wait3A_1350 : memref<1x8x64xf32, #tpu.memory_space<vmem>> -> memref<8x64xf32, #tpu.memory_space<vmem>>
      %dma_wait3A_1352 = arith.constant 0 : i32
      %dma_wait3A_1353 = tpu.memref_slice %arg6[%reduce_sum3A_394, %multiple_of3A_429, %dma_wait3A_1352] : memref<1000x100x64xf32, #tpu.memory_space<hbm>> -> memref<1x8x64xf32, #tpu.memory_space<hbm>>
      %dma_wait3A_1354 = tpu.memref_squeeze %dma_wait3A_1353 : memref<1x8x64xf32, #tpu.memory_space<hbm>> -> memref<8x64xf32, #tpu.memory_space<hbm>>
      tpu.wait_dma2 semaphore(%arg18 : memref<!tpu.dma_semaphore, #tpu.memory_space<semaphore_mem>>) src(%dma_wait3A_1354 : memref<8x64xf32, #tpu.memory_space<hbm>>) dst(%dma_wait3A_1351 : memref<8x64xf32, #tpu.memory_space<vmem>>)
      %dma_wait3A_1355 = arith.constant 5 : i32
      %dma_wait3A_1356 = arith.constant 0 : i32
      %dma_wait3A_1357 = arith.constant 0 : i32
      %dma_wait3A_1358 = tpu.memref_slice %arg15[%dma_wait3A_1355, %dma_wait3A_1356, %dma_wait3A_1357] : memref<16x8x64xf32, #tpu.memory_space<vmem>> -> memref<1x8x64xf32, #tpu.memory_space<vmem>>
      %dma_wait3A_1359 = tpu.memref_squeeze %dma_wait3A_1358 : memref<1x8x64xf32, #tpu.memory_space<vmem>> -> memref<8x64xf32, #tpu.memory_space<vmem>>
      %dma_wait3A_1360 = arith.constant 0 : i32
      %dma_wait3A_1361 = tpu.memref_slice %arg7[%reduce_sum3A_394, %multiple_of3A_429, %dma_wait3A_1360] : memref<1000x100x64xf32, #tpu.memory_space<hbm>> -> memref<1x8x64xf32, #tpu.memory_space<hbm>>
      %dma_wait3A_1362 = tpu.memref_squeeze %dma_wait3A_1361 : memref<1x8x64xf32, #tpu.memory_space<hbm>> -> memref<8x64xf32, #tpu.memory_space<hbm>>
      %dma_wait3A_1363 = arith.constant 0 : i32
      %dma_wait3A_1364 = arith.constant 0 : i32
      %dma_wait3A_1365 = tpu.memref_slice %arg15[%dma_wait3A_1355, %dma_wait3A_1363, %dma_wait3A_1364] : memref<16x8x64xf32, #tpu.memory_space<vmem>> -> memref<1x8x64xf32, #tpu.memory_space<vmem>>
      %dma_wait3A_1366 = tpu.memref_squeeze %dma_wait3A_1365 : memref<1x8x64xf32, #tpu.memory_space<vmem>> -> memref<8x64xf32, #tpu.memory_space<vmem>>
      %dma_wait3A_1367 = arith.constant 0 : i32
      %dma_wait3A_1368 = tpu.memref_slice %arg7[%reduce_sum3A_394, %multiple_of3A_429, %dma_wait3A_1367] : memref<1000x100x64xf32, #tpu.memory_space<hbm>> -> memref<1x8x64xf32, #tpu.memory_space<hbm>>
      %dma_wait3A_1369 = tpu.memref_squeeze %dma_wait3A_1368 : memref<1x8x64xf32, #tpu.memory_space<hbm>> -> memref<8x64xf32, #tpu.memory_space<hbm>>
      tpu.wait_dma2 semaphore(%arg18 : memref<!tpu.dma_semaphore, #tpu.memory_space<semaphore_mem>>) src(%dma_wait3A_1369 : memref<8x64xf32, #tpu.memory_space<hbm>>) dst(%dma_wait3A_1366 : memref<8x64xf32, #tpu.memory_space<vmem>>)
      %dma_wait3A_1370 = arith.constant 6 : i32
      %dma_wait3A_1371 = arith.constant 0 : i32
      %dma_wait3A_1372 = arith.constant 0 : i32
      %dma_wait3A_1373 = tpu.memref_slice %arg14[%dma_wait3A_1370, %dma_wait3A_1371, %dma_wait3A_1372] : memref<16x8x64xf32, #tpu.memory_space<vmem>> -> memref<1x8x64xf32, #tpu.memory_space<vmem>>
      %dma_wait3A_1374 = tpu.memref_squeeze %dma_wait3A_1373 : memref<1x8x64xf32, #tpu.memory_space<vmem>> -> memref<8x64xf32, #tpu.memory_space<vmem>>
      %dma_wait3A_1375 = arith.constant 0 : i32
      %dma_wait3A_1376 = tpu.memref_slice %arg6[%reduce_sum3A_467, %multiple_of3A_502, %dma_wait3A_1375] : memref<1000x100x64xf32, #tpu.memory_space<hbm>> -> memref<1x8x64xf32, #tpu.memory_space<hbm>>
      %dma_wait3A_1377 = tpu.memref_squeeze %dma_wait3A_1376 : memref<1x8x64xf32, #tpu.memory_space<hbm>> -> memref<8x64xf32, #tpu.memory_space<hbm>>
      %dma_wait3A_1378 = arith.constant 0 : i32
      %dma_wait3A_1379 = arith.constant 0 : i32
      %dma_wait3A_1380 = tpu.memref_slice %arg14[%dma_wait3A_1370, %dma_wait3A_1378, %dma_wait3A_1379] : memref<16x8x64xf32, #tpu.memory_space<vmem>> -> memref<1x8x64xf32, #tpu.memory_space<vmem>>
      %dma_wait3A_1381 = tpu.memref_squeeze %dma_wait3A_1380 : memref<1x8x64xf32, #tpu.memory_space<vmem>> -> memref<8x64xf32, #tpu.memory_space<vmem>>
      %dma_wait3A_1382 = arith.constant 0 : i32
      %dma_wait3A_1383 = tpu.memref_slice %arg6[%reduce_sum3A_467, %multiple_of3A_502, %dma_wait3A_1382] : memref<1000x100x64xf32, #tpu.memory_space<hbm>> -> memref<1x8x64xf32, #tpu.memory_space<hbm>>
      %dma_wait3A_1384 = tpu.memref_squeeze %dma_wait3A_1383 : memref<1x8x64xf32, #tpu.memory_space<hbm>> -> memref<8x64xf32, #tpu.memory_space<hbm>>
      tpu.wait_dma2 semaphore(%arg18 : memref<!tpu.dma_semaphore, #tpu.memory_space<semaphore_mem>>) src(%dma_wait3A_1384 : memref<8x64xf32, #tpu.memory_space<hbm>>) dst(%dma_wait3A_1381 : memref<8x64xf32, #tpu.memory_space<vmem>>)
      %dma_wait3A_1385 = arith.constant 6 : i32
      %dma_wait3A_1386 = arith.constant 0 : i32
      %dma_wait3A_1387 = arith.constant 0 : i32
      %dma_wait3A_1388 = tpu.memref_slice %arg15[%dma_wait3A_1385, %dma_wait3A_1386, %dma_wait3A_1387] : memref<16x8x64xf32, #tpu.memory_space<vmem>> -> memref<1x8x64xf32, #tpu.memory_space<vmem>>
      %dma_wait3A_1389 = tpu.memref_squeeze %dma_wait3A_1388 : memref<1x8x64xf32, #tpu.memory_space<vmem>> -> memref<8x64xf32, #tpu.memory_space<vmem>>
      %dma_wait3A_1390 = arith.constant 0 : i32
      %dma_wait3A_1391 = tpu.memref_slice %arg7[%reduce_sum3A_467, %multiple_of3A_502, %dma_wait3A_1390] : memref<1000x100x64xf32, #tpu.memory_space<hbm>> -> memref<1x8x64xf32, #tpu.memory_space<hbm>>
      %dma_wait3A_1392 = tpu.memref_squeeze %dma_wait3A_1391 : memref<1x8x64xf32, #tpu.memory_space<hbm>> -> memref<8x64xf32, #tpu.memory_space<hbm>>
      %dma_wait3A_1393 = arith.constant 0 : i32
      %dma_wait3A_1394 = arith.constant 0 : i32
      %dma_wait3A_1395 = tpu.memref_slice %arg15[%dma_wait3A_1385, %dma_wait3A_1393, %dma_wait3A_1394] : memref<16x8x64xf32, #tpu.memory_space<vmem>> -> memref<1x8x64xf32, #tpu.memory_space<vmem>>
      %dma_wait3A_1396 = tpu.memref_squeeze %dma_wait3A_1395 : memref<1x8x64xf32, #tpu.memory_space<vmem>> -> memref<8x64xf32, #tpu.memory_space<vmem>>
      %dma_wait3A_1397 = arith.constant 0 : i32
      %dma_wait3A_1398 = tpu.memref_slice %arg7[%reduce_sum3A_467, %multiple_of3A_502, %dma_wait3A_1397] : memref<1000x100x64xf32, #tpu.memory_space<hbm>> -> memref<1x8x64xf32, #tpu.memory_space<hbm>>
      %dma_wait3A_1399 = tpu.memref_squeeze %dma_wait3A_1398 : memref<1x8x64xf32, #tpu.memory_space<hbm>> -> memref<8x64xf32, #tpu.memory_space<hbm>>
      tpu.wait_dma2 semaphore(%arg18 : memref<!tpu.dma_semaphore, #tpu.memory_space<semaphore_mem>>) src(%dma_wait3A_1399 : memref<8x64xf32, #tpu.memory_space<hbm>>) dst(%dma_wait3A_1396 : memref<8x64xf32, #tpu.memory_space<vmem>>)
      %dma_wait3A_1400 = arith.constant 7 : i32
      %dma_wait3A_1401 = arith.constant 0 : i32
      %dma_wait3A_1402 = arith.constant 0 : i32
      %dma_wait3A_1403 = tpu.memref_slice %arg14[%dma_wait3A_1400, %dma_wait3A_1401, %dma_wait3A_1402] : memref<16x8x64xf32, #tpu.memory_space<vmem>> -> memref<1x8x64xf32, #tpu.memory_space<vmem>>
      %dma_wait3A_1404 = tpu.memref_squeeze %dma_wait3A_1403 : memref<1x8x64xf32, #tpu.memory_space<vmem>> -> memref<8x64xf32, #tpu.memory_space<vmem>>
      %dma_wait3A_1405 = arith.constant 0 : i32
      %dma_wait3A_1406 = tpu.memref_slice %arg6[%reduce_sum3A_540, %multiple_of3A_575, %dma_wait3A_1405] : memref<1000x100x64xf32, #tpu.memory_space<hbm>> -> memref<1x8x64xf32, #tpu.memory_space<hbm>>
      %dma_wait3A_1407 = tpu.memref_squeeze %dma_wait3A_1406 : memref<1x8x64xf32, #tpu.memory_space<hbm>> -> memref<8x64xf32, #tpu.memory_space<hbm>>
      %dma_wait3A_1408 = arith.constant 0 : i32
      %dma_wait3A_1409 = arith.constant 0 : i32
      %dma_wait3A_1410 = tpu.memref_slice %arg14[%dma_wait3A_1400, %dma_wait3A_1408, %dma_wait3A_1409] : memref<16x8x64xf32, #tpu.memory_space<vmem>> -> memref<1x8x64xf32, #tpu.memory_space<vmem>>
      %dma_wait3A_1411 = tpu.memref_squeeze %dma_wait3A_1410 : memref<1x8x64xf32, #tpu.memory_space<vmem>> -> memref<8x64xf32, #tpu.memory_space<vmem>>
      %dma_wait3A_1412 = arith.constant 0 : i32
      %dma_wait3A_1413 = tpu.memref_slice %arg6[%reduce_sum3A_540, %multiple_of3A_575, %dma_wait3A_1412] : memref<1000x100x64xf32, #tpu.memory_space<hbm>> -> memref<1x8x64xf32, #tpu.memory_space<hbm>>
      %dma_wait3A_1414 = tpu.memref_squeeze %dma_wait3A_1413 : memref<1x8x64xf32, #tpu.memory_space<hbm>> -> memref<8x64xf32, #tpu.memory_space<hbm>>
      tpu.wait_dma2 semaphore(%arg18 : memref<!tpu.dma_semaphore, #tpu.memory_space<semaphore_mem>>) src(%dma_wait3A_1414 : memref<8x64xf32, #tpu.memory_space<hbm>>) dst(%dma_wait3A_1411 : memref<8x64xf32, #tpu.memory_space<vmem>>)
      %dma_wait3A_1415 = arith.constant 7 : i32
      %dma_wait3A_1416 = arith.constant 0 : i32
      %dma_wait3A_1417 = arith.constant 0 : i32
      %dma_wait3A_1418 = tpu.memref_slice %arg15[%dma_wait3A_1415, %dma_wait3A_1416, %dma_wait3A_1417] : memref<16x8x64xf32, #tpu.memory_space<vmem>> -> memref<1x8x64xf32, #tpu.memory_space<vmem>>
      %dma_wait3A_1419 = tpu.memref_squeeze %dma_wait3A_1418 : memref<1x8x64xf32, #tpu.memory_space<vmem>> -> memref<8x64xf32, #tpu.memory_space<vmem>>
      %dma_wait3A_1420 = arith.constant 0 : i32
      %dma_wait3A_1421 = tpu.memref_slice %arg7[%reduce_sum3A_540, %multiple_of3A_575, %dma_wait3A_1420] : memref<1000x100x64xf32, #tpu.memory_space<hbm>> -> memref<1x8x64xf32, #tpu.memory_space<hbm>>
      %dma_wait3A_1422 = tpu.memref_squeeze %dma_wait3A_1421 : memref<1x8x64xf32, #tpu.memory_space<hbm>> -> memref<8x64xf32, #tpu.memory_space<hbm>>
      %dma_wait3A_1423 = arith.constant 0 : i32
      %dma_wait3A_1424 = arith.constant 0 : i32
      %dma_wait3A_1425 = tpu.memref_slice %arg15[%dma_wait3A_1415, %dma_wait3A_1423, %dma_wait3A_1424] : memref<16x8x64xf32, #tpu.memory_space<vmem>> -> memref<1x8x64xf32, #tpu.memory_space<vmem>>
      %dma_wait3A_1426 = tpu.memref_squeeze %dma_wait3A_1425 : memref<1x8x64xf32, #tpu.memory_space<vmem>> -> memref<8x64xf32, #tpu.memory_space<vmem>>
      %dma_wait3A_1427 = arith.constant 0 : i32
      %dma_wait3A_1428 = tpu.memref_slice %arg7[%reduce_sum3A_540, %multiple_of3A_575, %dma_wait3A_1427] : memref<1000x100x64xf32, #tpu.memory_space<hbm>> -> memref<1x8x64xf32, #tpu.memory_space<hbm>>
      %dma_wait3A_1429 = tpu.memref_squeeze %dma_wait3A_1428 : memref<1x8x64xf32, #tpu.memory_space<hbm>> -> memref<8x64xf32, #tpu.memory_space<hbm>>
      tpu.wait_dma2 semaphore(%arg18 : memref<!tpu.dma_semaphore, #tpu.memory_space<semaphore_mem>>) src(%dma_wait3A_1429 : memref<8x64xf32, #tpu.memory_space<hbm>>) dst(%dma_wait3A_1426 : memref<8x64xf32, #tpu.memory_space<vmem>>)
      %dma_wait3A_1430 = arith.constant 8 : i32
      %dma_wait3A_1431 = arith.constant 0 : i32
      %dma_wait3A_1432 = arith.constant 0 : i32
      %dma_wait3A_1433 = tpu.memref_slice %arg14[%dma_wait3A_1430, %dma_wait3A_1431, %dma_wait3A_1432] : memref<16x8x64xf32, #tpu.memory_space<vmem>> -> memref<1x8x64xf32, #tpu.memory_space<vmem>>
      %dma_wait3A_1434 = tpu.memref_squeeze %dma_wait3A_1433 : memref<1x8x64xf32, #tpu.memory_space<vmem>> -> memref<8x64xf32, #tpu.memory_space<vmem>>
      %dma_wait3A_1435 = arith.constant 0 : i32
      %dma_wait3A_1436 = tpu.memref_slice %arg6[%reduce_sum3A_613, %multiple_of3A_648, %dma_wait3A_1435] : memref<1000x100x64xf32, #tpu.memory_space<hbm>> -> memref<1x8x64xf32, #tpu.memory_space<hbm>>
      %dma_wait3A_1437 = tpu.memref_squeeze %dma_wait3A_1436 : memref<1x8x64xf32, #tpu.memory_space<hbm>> -> memref<8x64xf32, #tpu.memory_space<hbm>>
      %dma_wait3A_1438 = arith.constant 0 : i32
      %dma_wait3A_1439 = arith.constant 0 : i32
      %dma_wait3A_1440 = tpu.memref_slice %arg14[%dma_wait3A_1430, %dma_wait3A_1438, %dma_wait3A_1439] : memref<16x8x64xf32, #tpu.memory_space<vmem>> -> memref<1x8x64xf32, #tpu.memory_space<vmem>>
      %dma_wait3A_1441 = tpu.memref_squeeze %dma_wait3A_1440 : memref<1x8x64xf32, #tpu.memory_space<vmem>> -> memref<8x64xf32, #tpu.memory_space<vmem>>
      %dma_wait3A_1442 = arith.constant 0 : i32
      %dma_wait3A_1443 = tpu.memref_slice %arg6[%reduce_sum3A_613, %multiple_of3A_648, %dma_wait3A_1442] : memref<1000x100x64xf32, #tpu.memory_space<hbm>> -> memref<1x8x64xf32, #tpu.memory_space<hbm>>
      %dma_wait3A_1444 = tpu.memref_squeeze %dma_wait3A_1443 : memref<1x8x64xf32, #tpu.memory_space<hbm>> -> memref<8x64xf32, #tpu.memory_space<hbm>>
      tpu.wait_dma2 semaphore(%arg18 : memref<!tpu.dma_semaphore, #tpu.memory_space<semaphore_mem>>) src(%dma_wait3A_1444 : memref<8x64xf32, #tpu.memory_space<hbm>>) dst(%dma_wait3A_1441 : memref<8x64xf32, #tpu.memory_space<vmem>>)
      %dma_wait3A_1445 = arith.constant 8 : i32
      %dma_wait3A_1446 = arith.constant 0 : i32
      %dma_wait3A_1447 = arith.constant 0 : i32
      %dma_wait3A_1448 = tpu.memref_slice %arg15[%dma_wait3A_1445, %dma_wait3A_1446, %dma_wait3A_1447] : memref<16x8x64xf32, #tpu.memory_space<vmem>> -> memref<1x8x64xf32, #tpu.memory_space<vmem>>
      %dma_wait3A_1449 = tpu.memref_squeeze %dma_wait3A_1448 : memref<1x8x64xf32, #tpu.memory_space<vmem>> -> memref<8x64xf32, #tpu.memory_space<vmem>>
      %dma_wait3A_1450 = arith.constant 0 : i32
      %dma_wait3A_1451 = tpu.memref_slice %arg7[%reduce_sum3A_613, %multiple_of3A_648, %dma_wait3A_1450] : memref<1000x100x64xf32, #tpu.memory_space<hbm>> -> memref<1x8x64xf32, #tpu.memory_space<hbm>>
      %dma_wait3A_1452 = tpu.memref_squeeze %dma_wait3A_1451 : memref<1x8x64xf32, #tpu.memory_space<hbm>> -> memref<8x64xf32, #tpu.memory_space<hbm>>
      %dma_wait3A_1453 = arith.constant 0 : i32
      %dma_wait3A_1454 = arith.constant 0 : i32
      %dma_wait3A_1455 = tpu.memref_slice %arg15[%dma_wait3A_1445, %dma_wait3A_1453, %dma_wait3A_1454] : memref<16x8x64xf32, #tpu.memory_space<vmem>> -> memref<1x8x64xf32, #tpu.memory_space<vmem>>
      %dma_wait3A_1456 = tpu.memref_squeeze %dma_wait3A_1455 : memref<1x8x64xf32, #tpu.memory_space<vmem>> -> memref<8x64xf32, #tpu.memory_space<vmem>>
      %dma_wait3A_1457 = arith.constant 0 : i32
      %dma_wait3A_1458 = tpu.memref_slice %arg7[%reduce_sum3A_613, %multiple_of3A_648, %dma_wait3A_1457] : memref<1000x100x64xf32, #tpu.memory_space<hbm>> -> memref<1x8x64xf32, #tpu.memory_space<hbm>>
      %dma_wait3A_1459 = tpu.memref_squeeze %dma_wait3A_1458 : memref<1x8x64xf32, #tpu.memory_space<hbm>> -> memref<8x64xf32, #tpu.memory_space<hbm>>
      tpu.wait_dma2 semaphore(%arg18 : memref<!tpu.dma_semaphore, #tpu.memory_space<semaphore_mem>>) src(%dma_wait3A_1459 : memref<8x64xf32, #tpu.memory_space<hbm>>) dst(%dma_wait3A_1456 : memref<8x64xf32, #tpu.memory_space<vmem>>)
      %dma_wait3A_1460 = arith.constant 9 : i32
      %dma_wait3A_1461 = arith.constant 0 : i32
      %dma_wait3A_1462 = arith.constant 0 : i32
      %dma_wait3A_1463 = tpu.memref_slice %arg14[%dma_wait3A_1460, %dma_wait3A_1461, %dma_wait3A_1462] : memref<16x8x64xf32, #tpu.memory_space<vmem>> -> memref<1x8x64xf32, #tpu.memory_space<vmem>>
      %dma_wait3A_1464 = tpu.memref_squeeze %dma_wait3A_1463 : memref<1x8x64xf32, #tpu.memory_space<vmem>> -> memref<8x64xf32, #tpu.memory_space<vmem>>
      %dma_wait3A_1465 = arith.constant 0 : i32
      %dma_wait3A_1466 = tpu.memref_slice %arg6[%reduce_sum3A_686, %multiple_of3A_721, %dma_wait3A_1465] : memref<1000x100x64xf32, #tpu.memory_space<hbm>> -> memref<1x8x64xf32, #tpu.memory_space<hbm>>
      %dma_wait3A_1467 = tpu.memref_squeeze %dma_wait3A_1466 : memref<1x8x64xf32, #tpu.memory_space<hbm>> -> memref<8x64xf32, #tpu.memory_space<hbm>>
      %dma_wait3A_1468 = arith.constant 0 : i32
      %dma_wait3A_1469 = arith.constant 0 : i32
      %dma_wait3A_1470 = tpu.memref_slice %arg14[%dma_wait3A_1460, %dma_wait3A_1468, %dma_wait3A_1469] : memref<16x8x64xf32, #tpu.memory_space<vmem>> -> memref<1x8x64xf32, #tpu.memory_space<vmem>>
      %dma_wait3A_1471 = tpu.memref_squeeze %dma_wait3A_1470 : memref<1x8x64xf32, #tpu.memory_space<vmem>> -> memref<8x64xf32, #tpu.memory_space<vmem>>
      %dma_wait3A_1472 = arith.constant 0 : i32
      %dma_wait3A_1473 = tpu.memref_slice %arg6[%reduce_sum3A_686, %multiple_of3A_721, %dma_wait3A_1472] : memref<1000x100x64xf32, #tpu.memory_space<hbm>> -> memref<1x8x64xf32, #tpu.memory_space<hbm>>
      %dma_wait3A_1474 = tpu.memref_squeeze %dma_wait3A_1473 : memref<1x8x64xf32, #tpu.memory_space<hbm>> -> memref<8x64xf32, #tpu.memory_space<hbm>>
      tpu.wait_dma2 semaphore(%arg18 : memref<!tpu.dma_semaphore, #tpu.memory_space<semaphore_mem>>) src(%dma_wait3A_1474 : memref<8x64xf32, #tpu.memory_space<hbm>>) dst(%dma_wait3A_1471 : memref<8x64xf32, #tpu.memory_space<vmem>>)
      %dma_wait3A_1475 = arith.constant 9 : i32
      %dma_wait3A_1476 = arith.constant 0 : i32
      %dma_wait3A_1477 = arith.constant 0 : i32
      %dma_wait3A_1478 = tpu.memref_slice %arg15[%dma_wait3A_1475, %dma_wait3A_1476, %dma_wait3A_1477] : memref<16x8x64xf32, #tpu.memory_space<vmem>> -> memref<1x8x64xf32, #tpu.memory_space<vmem>>
      %dma_wait3A_1479 = tpu.memref_squeeze %dma_wait3A_1478 : memref<1x8x64xf32, #tpu.memory_space<vmem>> -> memref<8x64xf32, #tpu.memory_space<vmem>>
      %dma_wait3A_1480 = arith.constant 0 : i32
      %dma_wait3A_1481 = tpu.memref_slice %arg7[%reduce_sum3A_686, %multiple_of3A_721, %dma_wait3A_1480] : memref<1000x100x64xf32, #tpu.memory_space<hbm>> -> memref<1x8x64xf32, #tpu.memory_space<hbm>>
      %dma_wait3A_1482 = tpu.memref_squeeze %dma_wait3A_1481 : memref<1x8x64xf32, #tpu.memory_space<hbm>> -> memref<8x64xf32, #tpu.memory_space<hbm>>
      %dma_wait3A_1483 = arith.constant 0 : i32
      %dma_wait3A_1484 = arith.constant 0 : i32
      %dma_wait3A_1485 = tpu.memref_slice %arg15[%dma_wait3A_1475, %dma_wait3A_1483, %dma_wait3A_1484] : memref<16x8x64xf32, #tpu.memory_space<vmem>> -> memref<1x8x64xf32, #tpu.memory_space<vmem>>
      %dma_wait3A_1486 = tpu.memref_squeeze %dma_wait3A_1485 : memref<1x8x64xf32, #tpu.memory_space<vmem>> -> memref<8x64xf32, #tpu.memory_space<vmem>>
      %dma_wait3A_1487 = arith.constant 0 : i32
      %dma_wait3A_1488 = tpu.memref_slice %arg7[%reduce_sum3A_686, %multiple_of3A_721, %dma_wait3A_1487] : memref<1000x100x64xf32, #tpu.memory_space<hbm>> -> memref<1x8x64xf32, #tpu.memory_space<hbm>>
      %dma_wait3A_1489 = tpu.memref_squeeze %dma_wait3A_1488 : memref<1x8x64xf32, #tpu.memory_space<hbm>> -> memref<8x64xf32, #tpu.memory_space<hbm>>
      tpu.wait_dma2 semaphore(%arg18 : memref<!tpu.dma_semaphore, #tpu.memory_space<semaphore_mem>>) src(%dma_wait3A_1489 : memref<8x64xf32, #tpu.memory_space<hbm>>) dst(%dma_wait3A_1486 : memref<8x64xf32, #tpu.memory_space<vmem>>)
      %dma_wait3A_1490 = arith.constant 10 : i32
      %dma_wait3A_1491 = arith.constant 0 : i32
      %dma_wait3A_1492 = arith.constant 0 : i32
      %dma_wait3A_1493 = tpu.memref_slice %arg14[%dma_wait3A_1490, %dma_wait3A_1491, %dma_wait3A_1492] : memref<16x8x64xf32, #tpu.memory_space<vmem>> -> memref<1x8x64xf32, #tpu.memory_space<vmem>>
      %dma_wait3A_1494 = tpu.memref_squeeze %dma_wait3A_1493 : memref<1x8x64xf32, #tpu.memory_space<vmem>> -> memref<8x64xf32, #tpu.memory_space<vmem>>
      %dma_wait3A_1495 = arith.constant 0 : i32
      %dma_wait3A_1496 = tpu.memref_slice %arg6[%reduce_sum3A_759, %multiple_of3A_794, %dma_wait3A_1495] : memref<1000x100x64xf32, #tpu.memory_space<hbm>> -> memref<1x8x64xf32, #tpu.memory_space<hbm>>
      %dma_wait3A_1497 = tpu.memref_squeeze %dma_wait3A_1496 : memref<1x8x64xf32, #tpu.memory_space<hbm>> -> memref<8x64xf32, #tpu.memory_space<hbm>>
      %dma_wait3A_1498 = arith.constant 0 : i32
      %dma_wait3A_1499 = arith.constant 0 : i32
      %dma_wait3A_1500 = tpu.memref_slice %arg14[%dma_wait3A_1490, %dma_wait3A_1498, %dma_wait3A_1499] : memref<16x8x64xf32, #tpu.memory_space<vmem>> -> memref<1x8x64xf32, #tpu.memory_space<vmem>>
      %dma_wait3A_1501 = tpu.memref_squeeze %dma_wait3A_1500 : memref<1x8x64xf32, #tpu.memory_space<vmem>> -> memref<8x64xf32, #tpu.memory_space<vmem>>
      %dma_wait3A_1502 = arith.constant 0 : i32
      %dma_wait3A_1503 = tpu.memref_slice %arg6[%reduce_sum3A_759, %multiple_of3A_794, %dma_wait3A_1502] : memref<1000x100x64xf32, #tpu.memory_space<hbm>> -> memref<1x8x64xf32, #tpu.memory_space<hbm>>
      %dma_wait3A_1504 = tpu.memref_squeeze %dma_wait3A_1503 : memref<1x8x64xf32, #tpu.memory_space<hbm>> -> memref<8x64xf32, #tpu.memory_space<hbm>>
      tpu.wait_dma2 semaphore(%arg18 : memref<!tpu.dma_semaphore, #tpu.memory_space<semaphore_mem>>) src(%dma_wait3A_1504 : memref<8x64xf32, #tpu.memory_space<hbm>>) dst(%dma_wait3A_1501 : memref<8x64xf32, #tpu.memory_space<vmem>>)
      %dma_wait3A_1505 = arith.constant 10 : i32
      %dma_wait3A_1506 = arith.constant 0 : i32
      %dma_wait3A_1507 = arith.constant 0 : i32
      %dma_wait3A_1508 = tpu.memref_slice %arg15[%dma_wait3A_1505, %dma_wait3A_1506, %dma_wait3A_1507] : memref<16x8x64xf32, #tpu.memory_space<vmem>> -> memref<1x8x64xf32, #tpu.memory_space<vmem>>
      %dma_wait3A_1509 = tpu.memref_squeeze %dma_wait3A_1508 : memref<1x8x64xf32, #tpu.memory_space<vmem>> -> memref<8x64xf32, #tpu.memory_space<vmem>>
      %dma_wait3A_1510 = arith.constant 0 : i32
      %dma_wait3A_1511 = tpu.memref_slice %arg7[%reduce_sum3A_759, %multiple_of3A_794, %dma_wait3A_1510] : memref<1000x100x64xf32, #tpu.memory_space<hbm>> -> memref<1x8x64xf32, #tpu.memory_space<hbm>>
      %dma_wait3A_1512 = tpu.memref_squeeze %dma_wait3A_1511 : memref<1x8x64xf32, #tpu.memory_space<hbm>> -> memref<8x64xf32, #tpu.memory_space<hbm>>
      %dma_wait3A_1513 = arith.constant 0 : i32
      %dma_wait3A_1514 = arith.constant 0 : i32
      %dma_wait3A_1515 = tpu.memref_slice %arg15[%dma_wait3A_1505, %dma_wait3A_1513, %dma_wait3A_1514] : memref<16x8x64xf32, #tpu.memory_space<vmem>> -> memref<1x8x64xf32, #tpu.memory_space<vmem>>
      %dma_wait3A_1516 = tpu.memref_squeeze %dma_wait3A_1515 : memref<1x8x64xf32, #tpu.memory_space<vmem>> -> memref<8x64xf32, #tpu.memory_space<vmem>>
      %dma_wait3A_1517 = arith.constant 0 : i32
      %dma_wait3A_1518 = tpu.memref_slice %arg7[%reduce_sum3A_759, %multiple_of3A_794, %dma_wait3A_1517] : memref<1000x100x64xf32, #tpu.memory_space<hbm>> -> memref<1x8x64xf32, #tpu.memory_space<hbm>>
      %dma_wait3A_1519 = tpu.memref_squeeze %dma_wait3A_1518 : memref<1x8x64xf32, #tpu.memory_space<hbm>> -> memref<8x64xf32, #tpu.memory_space<hbm>>
      tpu.wait_dma2 semaphore(%arg18 : memref<!tpu.dma_semaphore, #tpu.memory_space<semaphore_mem>>) src(%dma_wait3A_1519 : memref<8x64xf32, #tpu.memory_space<hbm>>) dst(%dma_wait3A_1516 : memref<8x64xf32, #tpu.memory_space<vmem>>)
      %dma_wait3A_1520 = arith.constant 11 : i32
      %dma_wait3A_1521 = arith.constant 0 : i32
      %dma_wait3A_1522 = arith.constant 0 : i32
      %dma_wait3A_1523 = tpu.memref_slice %arg14[%dma_wait3A_1520, %dma_wait3A_1521, %dma_wait3A_1522] : memref<16x8x64xf32, #tpu.memory_space<vmem>> -> memref<1x8x64xf32, #tpu.memory_space<vmem>>
      %dma_wait3A_1524 = tpu.memref_squeeze %dma_wait3A_1523 : memref<1x8x64xf32, #tpu.memory_space<vmem>> -> memref<8x64xf32, #tpu.memory_space<vmem>>
      %dma_wait3A_1525 = arith.constant 0 : i32
      %dma_wait3A_1526 = tpu.memref_slice %arg6[%reduce_sum3A_832, %multiple_of3A_867, %dma_wait3A_1525] : memref<1000x100x64xf32, #tpu.memory_space<hbm>> -> memref<1x8x64xf32, #tpu.memory_space<hbm>>
      %dma_wait3A_1527 = tpu.memref_squeeze %dma_wait3A_1526 : memref<1x8x64xf32, #tpu.memory_space<hbm>> -> memref<8x64xf32, #tpu.memory_space<hbm>>
      %dma_wait3A_1528 = arith.constant 0 : i32
      %dma_wait3A_1529 = arith.constant 0 : i32
      %dma_wait3A_1530 = tpu.memref_slice %arg14[%dma_wait3A_1520, %dma_wait3A_1528, %dma_wait3A_1529] : memref<16x8x64xf32, #tpu.memory_space<vmem>> -> memref<1x8x64xf32, #tpu.memory_space<vmem>>
      %dma_wait3A_1531 = tpu.memref_squeeze %dma_wait3A_1530 : memref<1x8x64xf32, #tpu.memory_space<vmem>> -> memref<8x64xf32, #tpu.memory_space<vmem>>
      %dma_wait3A_1532 = arith.constant 0 : i32
      %dma_wait3A_1533 = tpu.memref_slice %arg6[%reduce_sum3A_832, %multiple_of3A_867, %dma_wait3A_1532] : memref<1000x100x64xf32, #tpu.memory_space<hbm>> -> memref<1x8x64xf32, #tpu.memory_space<hbm>>
      %dma_wait3A_1534 = tpu.memref_squeeze %dma_wait3A_1533 : memref<1x8x64xf32, #tpu.memory_space<hbm>> -> memref<8x64xf32, #tpu.memory_space<hbm>>
      tpu.wait_dma2 semaphore(%arg18 : memref<!tpu.dma_semaphore, #tpu.memory_space<semaphore_mem>>) src(%dma_wait3A_1534 : memref<8x64xf32, #tpu.memory_space<hbm>>) dst(%dma_wait3A_1531 : memref<8x64xf32, #tpu.memory_space<vmem>>)
      %dma_wait3A_1535 = arith.constant 11 : i32
      %dma_wait3A_1536 = arith.constant 0 : i32
      %dma_wait3A_1537 = arith.constant 0 : i32
      %dma_wait3A_1538 = tpu.memref_slice %arg15[%dma_wait3A_1535, %dma_wait3A_1536, %dma_wait3A_1537] : memref<16x8x64xf32, #tpu.memory_space<vmem>> -> memref<1x8x64xf32, #tpu.memory_space<vmem>>
      %dma_wait3A_1539 = tpu.memref_squeeze %dma_wait3A_1538 : memref<1x8x64xf32, #tpu.memory_space<vmem>> -> memref<8x64xf32, #tpu.memory_space<vmem>>
      %dma_wait3A_1540 = arith.constant 0 : i32
      %dma_wait3A_1541 = tpu.memref_slice %arg7[%reduce_sum3A_832, %multiple_of3A_867, %dma_wait3A_1540] : memref<1000x100x64xf32, #tpu.memory_space<hbm>> -> memref<1x8x64xf32, #tpu.memory_space<hbm>>
      %dma_wait3A_1542 = tpu.memref_squeeze %dma_wait3A_1541 : memref<1x8x64xf32, #tpu.memory_space<hbm>> -> memref<8x64xf32, #tpu.memory_space<hbm>>
      %dma_wait3A_1543 = arith.constant 0 : i32
      %dma_wait3A_1544 = arith.constant 0 : i32
      %dma_wait3A_1545 = tpu.memref_slice %arg15[%dma_wait3A_1535, %dma_wait3A_1543, %dma_wait3A_1544] : memref<16x8x64xf32, #tpu.memory_space<vmem>> -> memref<1x8x64xf32, #tpu.memory_space<vmem>>
      %dma_wait3A_1546 = tpu.memref_squeeze %dma_wait3A_1545 : memref<1x8x64xf32, #tpu.memory_space<vmem>> -> memref<8x64xf32, #tpu.memory_space<vmem>>
      %dma_wait3A_1547 = arith.constant 0 : i32
      %dma_wait3A_1548 = tpu.memref_slice %arg7[%reduce_sum3A_832, %multiple_of3A_867, %dma_wait3A_1547] : memref<1000x100x64xf32, #tpu.memory_space<hbm>> -> memref<1x8x64xf32, #tpu.memory_space<hbm>>
      %dma_wait3A_1549 = tpu.memref_squeeze %dma_wait3A_1548 : memref<1x8x64xf32, #tpu.memory_space<hbm>> -> memref<8x64xf32, #tpu.memory_space<hbm>>
      tpu.wait_dma2 semaphore(%arg18 : memref<!tpu.dma_semaphore, #tpu.memory_space<semaphore_mem>>) src(%dma_wait3A_1549 : memref<8x64xf32, #tpu.memory_space<hbm>>) dst(%dma_wait3A_1546 : memref<8x64xf32, #tpu.memory_space<vmem>>)
      %dma_wait3A_1550 = arith.constant 12 : i32
      %dma_wait3A_1551 = arith.constant 0 : i32
      %dma_wait3A_1552 = arith.constant 0 : i32
      %dma_wait3A_1553 = tpu.memref_slice %arg14[%dma_wait3A_1550, %dma_wait3A_1551, %dma_wait3A_1552] : memref<16x8x64xf32, #tpu.memory_space<vmem>> -> memref<1x8x64xf32, #tpu.memory_space<vmem>>
      %dma_wait3A_1554 = tpu.memref_squeeze %dma_wait3A_1553 : memref<1x8x64xf32, #tpu.memory_space<vmem>> -> memref<8x64xf32, #tpu.memory_space<vmem>>
      %dma_wait3A_1555 = arith.constant 0 : i32
      %dma_wait3A_1556 = tpu.memref_slice %arg6[%reduce_sum3A_905, %multiple_of3A_940, %dma_wait3A_1555] : memref<1000x100x64xf32, #tpu.memory_space<hbm>> -> memref<1x8x64xf32, #tpu.memory_space<hbm>>
      %dma_wait3A_1557 = tpu.memref_squeeze %dma_wait3A_1556 : memref<1x8x64xf32, #tpu.memory_space<hbm>> -> memref<8x64xf32, #tpu.memory_space<hbm>>
      %dma_wait3A_1558 = arith.constant 0 : i32
      %dma_wait3A_1559 = arith.constant 0 : i32
      %dma_wait3A_1560 = tpu.memref_slice %arg14[%dma_wait3A_1550, %dma_wait3A_1558, %dma_wait3A_1559] : memref<16x8x64xf32, #tpu.memory_space<vmem>> -> memref<1x8x64xf32, #tpu.memory_space<vmem>>
      %dma_wait3A_1561 = tpu.memref_squeeze %dma_wait3A_1560 : memref<1x8x64xf32, #tpu.memory_space<vmem>> -> memref<8x64xf32, #tpu.memory_space<vmem>>
      %dma_wait3A_1562 = arith.constant 0 : i32
      %dma_wait3A_1563 = tpu.memref_slice %arg6[%reduce_sum3A_905, %multiple_of3A_940, %dma_wait3A_1562] : memref<1000x100x64xf32, #tpu.memory_space<hbm>> -> memref<1x8x64xf32, #tpu.memory_space<hbm>>
      %dma_wait3A_1564 = tpu.memref_squeeze %dma_wait3A_1563 : memref<1x8x64xf32, #tpu.memory_space<hbm>> -> memref<8x64xf32, #tpu.memory_space<hbm>>
      tpu.wait_dma2 semaphore(%arg18 : memref<!tpu.dma_semaphore, #tpu.memory_space<semaphore_mem>>) src(%dma_wait3A_1564 : memref<8x64xf32, #tpu.memory_space<hbm>>) dst(%dma_wait3A_1561 : memref<8x64xf32, #tpu.memory_space<vmem>>)
      %dma_wait3A_1565 = arith.constant 12 : i32
      %dma_wait3A_1566 = arith.constant 0 : i32
      %dma_wait3A_1567 = arith.constant 0 : i32
      %dma_wait3A_1568 = tpu.memref_slice %arg15[%dma_wait3A_1565, %dma_wait3A_1566, %dma_wait3A_1567] : memref<16x8x64xf32, #tpu.memory_space<vmem>> -> memref<1x8x64xf32, #tpu.memory_space<vmem>>
      %dma_wait3A_1569 = tpu.memref_squeeze %dma_wait3A_1568 : memref<1x8x64xf32, #tpu.memory_space<vmem>> -> memref<8x64xf32, #tpu.memory_space<vmem>>
      %dma_wait3A_1570 = arith.constant 0 : i32
      %dma_wait3A_1571 = tpu.memref_slice %arg7[%reduce_sum3A_905, %multiple_of3A_940, %dma_wait3A_1570] : memref<1000x100x64xf32, #tpu.memory_space<hbm>> -> memref<1x8x64xf32, #tpu.memory_space<hbm>>
      %dma_wait3A_1572 = tpu.memref_squeeze %dma_wait3A_1571 : memref<1x8x64xf32, #tpu.memory_space<hbm>> -> memref<8x64xf32, #tpu.memory_space<hbm>>
      %dma_wait3A_1573 = arith.constant 0 : i32
      %dma_wait3A_1574 = arith.constant 0 : i32
      %dma_wait3A_1575 = tpu.memref_slice %arg15[%dma_wait3A_1565, %dma_wait3A_1573, %dma_wait3A_1574] : memref<16x8x64xf32, #tpu.memory_space<vmem>> -> memref<1x8x64xf32, #tpu.memory_space<vmem>>
      %dma_wait3A_1576 = tpu.memref_squeeze %dma_wait3A_1575 : memref<1x8x64xf32, #tpu.memory_space<vmem>> -> memref<8x64xf32, #tpu.memory_space<vmem>>
      %dma_wait3A_1577 = arith.constant 0 : i32
      %dma_wait3A_1578 = tpu.memref_slice %arg7[%reduce_sum3A_905, %multiple_of3A_940, %dma_wait3A_1577] : memref<1000x100x64xf32, #tpu.memory_space<hbm>> -> memref<1x8x64xf32, #tpu.memory_space<hbm>>
      %dma_wait3A_1579 = tpu.memref_squeeze %dma_wait3A_1578 : memref<1x8x64xf32, #tpu.memory_space<hbm>> -> memref<8x64xf32, #tpu.memory_space<hbm>>
      tpu.wait_dma2 semaphore(%arg18 : memref<!tpu.dma_semaphore, #tpu.memory_space<semaphore_mem>>) src(%dma_wait3A_1579 : memref<8x64xf32, #tpu.memory_space<hbm>>) dst(%dma_wait3A_1576 : memref<8x64xf32, #tpu.memory_space<vmem>>)
      %dma_wait3A_1580 = arith.constant 13 : i32
      %dma_wait3A_1581 = arith.constant 0 : i32
      %dma_wait3A_1582 = arith.constant 0 : i32
      %dma_wait3A_1583 = tpu.memref_slice %arg14[%dma_wait3A_1580, %dma_wait3A_1581, %dma_wait3A_1582] : memref<16x8x64xf32, #tpu.memory_space<vmem>> -> memref<1x8x64xf32, #tpu.memory_space<vmem>>
      %dma_wait3A_1584 = tpu.memref_squeeze %dma_wait3A_1583 : memref<1x8x64xf32, #tpu.memory_space<vmem>> -> memref<8x64xf32, #tpu.memory_space<vmem>>
      %dma_wait3A_1585 = arith.constant 0 : i32
      %dma_wait3A_1586 = tpu.memref_slice %arg6[%reduce_sum3A_978, %multiple_of3A_1013, %dma_wait3A_1585] : memref<1000x100x64xf32, #tpu.memory_space<hbm>> -> memref<1x8x64xf32, #tpu.memory_space<hbm>>
      %dma_wait3A_1587 = tpu.memref_squeeze %dma_wait3A_1586 : memref<1x8x64xf32, #tpu.memory_space<hbm>> -> memref<8x64xf32, #tpu.memory_space<hbm>>
      %dma_wait3A_1588 = arith.constant 0 : i32
      %dma_wait3A_1589 = arith.constant 0 : i32
      %dma_wait3A_1590 = tpu.memref_slice %arg14[%dma_wait3A_1580, %dma_wait3A_1588, %dma_wait3A_1589] : memref<16x8x64xf32, #tpu.memory_space<vmem>> -> memref<1x8x64xf32, #tpu.memory_space<vmem>>
      %dma_wait3A_1591 = tpu.memref_squeeze %dma_wait3A_1590 : memref<1x8x64xf32, #tpu.memory_space<vmem>> -> memref<8x64xf32, #tpu.memory_space<vmem>>
      %dma_wait3A_1592 = arith.constant 0 : i32
      %dma_wait3A_1593 = tpu.memref_slice %arg6[%reduce_sum3A_978, %multiple_of3A_1013, %dma_wait3A_1592] : memref<1000x100x64xf32, #tpu.memory_space<hbm>> -> memref<1x8x64xf32, #tpu.memory_space<hbm>>
      %dma_wait3A_1594 = tpu.memref_squeeze %dma_wait3A_1593 : memref<1x8x64xf32, #tpu.memory_space<hbm>> -> memref<8x64xf32, #tpu.memory_space<hbm>>
      tpu.wait_dma2 semaphore(%arg18 : memref<!tpu.dma_semaphore, #tpu.memory_space<semaphore_mem>>) src(%dma_wait3A_1594 : memref<8x64xf32, #tpu.memory_space<hbm>>) dst(%dma_wait3A_1591 : memref<8x64xf32, #tpu.memory_space<vmem>>)
      %dma_wait3A_1595 = arith.constant 13 : i32
      %dma_wait3A_1596 = arith.constant 0 : i32
      %dma_wait3A_1597 = arith.constant 0 : i32
      %dma_wait3A_1598 = tpu.memref_slice %arg15[%dma_wait3A_1595, %dma_wait3A_1596, %dma_wait3A_1597] : memref<16x8x64xf32, #tpu.memory_space<vmem>> -> memref<1x8x64xf32, #tpu.memory_space<vmem>>
      %dma_wait3A_1599 = tpu.memref_squeeze %dma_wait3A_1598 : memref<1x8x64xf32, #tpu.memory_space<vmem>> -> memref<8x64xf32, #tpu.memory_space<vmem>>
      %dma_wait3A_1600 = arith.constant 0 : i32
      %dma_wait3A_1601 = tpu.memref_slice %arg7[%reduce_sum3A_978, %multiple_of3A_1013, %dma_wait3A_1600] : memref<1000x100x64xf32, #tpu.memory_space<hbm>> -> memref<1x8x64xf32, #tpu.memory_space<hbm>>
      %dma_wait3A_1602 = tpu.memref_squeeze %dma_wait3A_1601 : memref<1x8x64xf32, #tpu.memory_space<hbm>> -> memref<8x64xf32, #tpu.memory_space<hbm>>
      %dma_wait3A_1603 = arith.constant 0 : i32
      %dma_wait3A_1604 = arith.constant 0 : i32
      %dma_wait3A_1605 = tpu.memref_slice %arg15[%dma_wait3A_1595, %dma_wait3A_1603, %dma_wait3A_1604] : memref<16x8x64xf32, #tpu.memory_space<vmem>> -> memref<1x8x64xf32, #tpu.memory_space<vmem>>
      %dma_wait3A_1606 = tpu.memref_squeeze %dma_wait3A_1605 : memref<1x8x64xf32, #tpu.memory_space<vmem>> -> memref<8x64xf32, #tpu.memory_space<vmem>>
      %dma_wait3A_1607 = arith.constant 0 : i32
      %dma_wait3A_1608 = tpu.memref_slice %arg7[%reduce_sum3A_978, %multiple_of3A_1013, %dma_wait3A_1607] : memref<1000x100x64xf32, #tpu.memory_space<hbm>> -> memref<1x8x64xf32, #tpu.memory_space<hbm>>
      %dma_wait3A_1609 = tpu.memref_squeeze %dma_wait3A_1608 : memref<1x8x64xf32, #tpu.memory_space<hbm>> -> memref<8x64xf32, #tpu.memory_space<hbm>>
      tpu.wait_dma2 semaphore(%arg18 : memref<!tpu.dma_semaphore, #tpu.memory_space<semaphore_mem>>) src(%dma_wait3A_1609 : memref<8x64xf32, #tpu.memory_space<hbm>>) dst(%dma_wait3A_1606 : memref<8x64xf32, #tpu.memory_space<vmem>>)
      %dma_wait3A_1610 = arith.constant 14 : i32
      %dma_wait3A_1611 = arith.constant 0 : i32
      %dma_wait3A_1612 = arith.constant 0 : i32
      %dma_wait3A_1613 = tpu.memref_slice %arg14[%dma_wait3A_1610, %dma_wait3A_1611, %dma_wait3A_1612] : memref<16x8x64xf32, #tpu.memory_space<vmem>> -> memref<1x8x64xf32, #tpu.memory_space<vmem>>
      %dma_wait3A_1614 = tpu.memref_squeeze %dma_wait3A_1613 : memref<1x8x64xf32, #tpu.memory_space<vmem>> -> memref<8x64xf32, #tpu.memory_space<vmem>>
      %dma_wait3A_1615 = arith.constant 0 : i32
      %dma_wait3A_1616 = tpu.memref_slice %arg6[%reduce_sum3A_1051, %multiple_of3A_1086, %dma_wait3A_1615] : memref<1000x100x64xf32, #tpu.memory_space<hbm>> -> memref<1x8x64xf32, #tpu.memory_space<hbm>>
      %dma_wait3A_1617 = tpu.memref_squeeze %dma_wait3A_1616 : memref<1x8x64xf32, #tpu.memory_space<hbm>> -> memref<8x64xf32, #tpu.memory_space<hbm>>
      %dma_wait3A_1618 = arith.constant 0 : i32
      %dma_wait3A_1619 = arith.constant 0 : i32
      %dma_wait3A_1620 = tpu.memref_slice %arg14[%dma_wait3A_1610, %dma_wait3A_1618, %dma_wait3A_1619] : memref<16x8x64xf32, #tpu.memory_space<vmem>> -> memref<1x8x64xf32, #tpu.memory_space<vmem>>
      %dma_wait3A_1621 = tpu.memref_squeeze %dma_wait3A_1620 : memref<1x8x64xf32, #tpu.memory_space<vmem>> -> memref<8x64xf32, #tpu.memory_space<vmem>>
      %dma_wait3A_1622 = arith.constant 0 : i32
      %dma_wait3A_1623 = tpu.memref_slice %arg6[%reduce_sum3A_1051, %multiple_of3A_1086, %dma_wait3A_1622] : memref<1000x100x64xf32, #tpu.memory_space<hbm>> -> memref<1x8x64xf32, #tpu.memory_space<hbm>>
      %dma_wait3A_1624 = tpu.memref_squeeze %dma_wait3A_1623 : memref<1x8x64xf32, #tpu.memory_space<hbm>> -> memref<8x64xf32, #tpu.memory_space<hbm>>
      tpu.wait_dma2 semaphore(%arg18 : memref<!tpu.dma_semaphore, #tpu.memory_space<semaphore_mem>>) src(%dma_wait3A_1624 : memref<8x64xf32, #tpu.memory_space<hbm>>) dst(%dma_wait3A_1621 : memref<8x64xf32, #tpu.memory_space<vmem>>)
      %dma_wait3A_1625 = arith.constant 14 : i32
      %dma_wait3A_1626 = arith.constant 0 : i32
      %dma_wait3A_1627 = arith.constant 0 : i32
      %dma_wait3A_1628 = tpu.memref_slice %arg15[%dma_wait3A_1625, %dma_wait3A_1626, %dma_wait3A_1627] : memref<16x8x64xf32, #tpu.memory_space<vmem>> -> memref<1x8x64xf32, #tpu.memory_space<vmem>>
      %dma_wait3A_1629 = tpu.memref_squeeze %dma_wait3A_1628 : memref<1x8x64xf32, #tpu.memory_space<vmem>> -> memref<8x64xf32, #tpu.memory_space<vmem>>
      %dma_wait3A_1630 = arith.constant 0 : i32
      %dma_wait3A_1631 = tpu.memref_slice %arg7[%reduce_sum3A_1051, %multiple_of3A_1086, %dma_wait3A_1630] : memref<1000x100x64xf32, #tpu.memory_space<hbm>> -> memref<1x8x64xf32, #tpu.memory_space<hbm>>
      %dma_wait3A_1632 = tpu.memref_squeeze %dma_wait3A_1631 : memref<1x8x64xf32, #tpu.memory_space<hbm>> -> memref<8x64xf32, #tpu.memory_space<hbm>>
      %dma_wait3A_1633 = arith.constant 0 : i32
      %dma_wait3A_1634 = arith.constant 0 : i32
      %dma_wait3A_1635 = tpu.memref_slice %arg15[%dma_wait3A_1625, %dma_wait3A_1633, %dma_wait3A_1634] : memref<16x8x64xf32, #tpu.memory_space<vmem>> -> memref<1x8x64xf32, #tpu.memory_space<vmem>>
      %dma_wait3A_1636 = tpu.memref_squeeze %dma_wait3A_1635 : memref<1x8x64xf32, #tpu.memory_space<vmem>> -> memref<8x64xf32, #tpu.memory_space<vmem>>
      %dma_wait3A_1637 = arith.constant 0 : i32
      %dma_wait3A_1638 = tpu.memref_slice %arg7[%reduce_sum3A_1051, %multiple_of3A_1086, %dma_wait3A_1637] : memref<1000x100x64xf32, #tpu.memory_space<hbm>> -> memref<1x8x64xf32, #tpu.memory_space<hbm>>
      %dma_wait3A_1639 = tpu.memref_squeeze %dma_wait3A_1638 : memref<1x8x64xf32, #tpu.memory_space<hbm>> -> memref<8x64xf32, #tpu.memory_space<hbm>>
      tpu.wait_dma2 semaphore(%arg18 : memref<!tpu.dma_semaphore, #tpu.memory_space<semaphore_mem>>) src(%dma_wait3A_1639 : memref<8x64xf32, #tpu.memory_space<hbm>>) dst(%dma_wait3A_1636 : memref<8x64xf32, #tpu.memory_space<vmem>>)
      %dma_wait3A_1640 = arith.constant 15 : i32
      %dma_wait3A_1641 = arith.constant 0 : i32
      %dma_wait3A_1642 = arith.constant 0 : i32
      %dma_wait3A_1643 = tpu.memref_slice %arg14[%dma_wait3A_1640, %dma_wait3A_1641, %dma_wait3A_1642] : memref<16x8x64xf32, #tpu.memory_space<vmem>> -> memref<1x8x64xf32, #tpu.memory_space<vmem>>
      %dma_wait3A_1644 = tpu.memref_squeeze %dma_wait3A_1643 : memref<1x8x64xf32, #tpu.memory_space<vmem>> -> memref<8x64xf32, #tpu.memory_space<vmem>>
      %dma_wait3A_1645 = arith.constant 0 : i32
      %dma_wait3A_1646 = tpu.memref_slice %arg6[%reduce_sum3A_1124, %multiple_of3A_1159, %dma_wait3A_1645] : memref<1000x100x64xf32, #tpu.memory_space<hbm>> -> memref<1x8x64xf32, #tpu.memory_space<hbm>>
      %dma_wait3A_1647 = tpu.memref_squeeze %dma_wait3A_1646 : memref<1x8x64xf32, #tpu.memory_space<hbm>> -> memref<8x64xf32, #tpu.memory_space<hbm>>
      %dma_wait3A_1648 = arith.constant 0 : i32
      %dma_wait3A_1649 = arith.constant 0 : i32
      %dma_wait3A_1650 = tpu.memref_slice %arg14[%dma_wait3A_1640, %dma_wait3A_1648, %dma_wait3A_1649] : memref<16x8x64xf32, #tpu.memory_space<vmem>> -> memref<1x8x64xf32, #tpu.memory_space<vmem>>
      %dma_wait3A_1651 = tpu.memref_squeeze %dma_wait3A_1650 : memref<1x8x64xf32, #tpu.memory_space<vmem>> -> memref<8x64xf32, #tpu.memory_space<vmem>>
      %dma_wait3A_1652 = arith.constant 0 : i32
      %dma_wait3A_1653 = tpu.memref_slice %arg6[%reduce_sum3A_1124, %multiple_of3A_1159, %dma_wait3A_1652] : memref<1000x100x64xf32, #tpu.memory_space<hbm>> -> memref<1x8x64xf32, #tpu.memory_space<hbm>>
      %dma_wait3A_1654 = tpu.memref_squeeze %dma_wait3A_1653 : memref<1x8x64xf32, #tpu.memory_space<hbm>> -> memref<8x64xf32, #tpu.memory_space<hbm>>
      tpu.wait_dma2 semaphore(%arg18 : memref<!tpu.dma_semaphore, #tpu.memory_space<semaphore_mem>>) src(%dma_wait3A_1654 : memref<8x64xf32, #tpu.memory_space<hbm>>) dst(%dma_wait3A_1651 : memref<8x64xf32, #tpu.memory_space<vmem>>)
      %dma_wait3A_1655 = arith.constant 15 : i32
      %dma_wait3A_1656 = arith.constant 0 : i32
      %dma_wait3A_1657 = arith.constant 0 : i32
      %dma_wait3A_1658 = tpu.memref_slice %arg15[%dma_wait3A_1655, %dma_wait3A_1656, %dma_wait3A_1657] : memref<16x8x64xf32, #tpu.memory_space<vmem>> -> memref<1x8x64xf32, #tpu.memory_space<vmem>>
      %dma_wait3A_1659 = tpu.memref_squeeze %dma_wait3A_1658 : memref<1x8x64xf32, #tpu.memory_space<vmem>> -> memref<8x64xf32, #tpu.memory_space<vmem>>
      %dma_wait3A_1660 = arith.constant 0 : i32
      %dma_wait3A_1661 = tpu.memref_slice %arg7[%reduce_sum3A_1124, %multiple_of3A_1159, %dma_wait3A_1660] : memref<1000x100x64xf32, #tpu.memory_space<hbm>> -> memref<1x8x64xf32, #tpu.memory_space<hbm>>
      %dma_wait3A_1662 = tpu.memref_squeeze %dma_wait3A_1661 : memref<1x8x64xf32, #tpu.memory_space<hbm>> -> memref<8x64xf32, #tpu.memory_space<hbm>>
      %dma_wait3A_1663 = arith.constant 0 : i32
      %dma_wait3A_1664 = arith.constant 0 : i32
      %dma_wait3A_1665 = tpu.memref_slice %arg15[%dma_wait3A_1655, %dma_wait3A_1663, %dma_wait3A_1664] : memref<16x8x64xf32, #tpu.memory_space<vmem>> -> memref<1x8x64xf32, #tpu.memory_space<vmem>>
      %dma_wait3A_1666 = tpu.memref_squeeze %dma_wait3A_1665 : memref<1x8x64xf32, #tpu.memory_space<vmem>> -> memref<8x64xf32, #tpu.memory_space<vmem>>
      %dma_wait3A_1667 = arith.constant 0 : i32
      %dma_wait3A_1668 = tpu.memref_slice %arg7[%reduce_sum3A_1124, %multiple_of3A_1159, %dma_wait3A_1667] : memref<1000x100x64xf32, #tpu.memory_space<hbm>> -> memref<1x8x64xf32, #tpu.memory_space<hbm>>
      %dma_wait3A_1669 = tpu.memref_squeeze %dma_wait3A_1668 : memref<1x8x64xf32, #tpu.memory_space<hbm>> -> memref<8x64xf32, #tpu.memory_space<hbm>>
      tpu.wait_dma2 semaphore(%arg18 : memref<!tpu.dma_semaphore, #tpu.memory_space<semaphore_mem>>) src(%dma_wait3A_1669 : memref<8x64xf32, #tpu.memory_space<hbm>>) dst(%dma_wait3A_1666 : memref<8x64xf32, #tpu.memory_space<vmem>>)
      %eq3A_1670 = arith.constant 0 : i32
      %eq3A_1671 = vector.broadcast %eq3A_1670 : i32 to vector<16xi32>
      %eq3A_1672 = arith.cmpi eq, %iota3A, %eq3A_1671 : vector<16xi32>
      %select_n3A_1673 = arith.select %eq3A_1672, %get3A_32, %broadcast_in_dim3A_3 : vector<16xi1>, vector<16xi32>
      %reduce_sum3A_1674 = arith.constant true
      %reduce_sum3A_1675 = vector.broadcast %reduce_sum3A_1674 : i1 to vector<16xi1>
      %reduce_sum3A_1676 = tpu.scan <sum>, %select_n3A_1673 masked %reduce_sum3A_1675 : vector<16xi32>, vector<16xi1> -> vector<16xi32>
      %reduce_sum3A_1677 = vector.extract %reduce_sum3A_1676[15] : i32 from vector<16xi32>
      %rem3A_1678 = arith.constant 8 : i32
      %rem3A_1679 = arith.remsi %reduce_sum3A_1677, %rem3A_1678 : i32
      %mul3A_1680 = arith.constant 16 : i32
      %mul3A_1681 = arith.muli %scan3A_24, %mul3A_1680 : i32
      %add3A_1682 = arith.constant 0 : i32
      %add3A_1683 = arith.addi %mul3A_1681, %add3A_1682 : i32
      %get3A_1684 = arith.index_cast %reduce_sum3A_1677 : i32 to index
      %get3A_1685 = arith.constant 0 : index
      %get3A_1686 = tpu.vector_load %arg12[%get3A_1684, %get3A_1685] {strides = array<i32>} : memref<100x64xf32, #tpu.memory_space<vmem>>, vector<16xf32>,
      %swap3A = arith.index_cast %add3A_1683 : i32 to index
      %swap3A_1687 = arith.constant 0 : index
      %swap3A_1688 = tpu.vector_load %arg16[%swap3A, %swap3A_1687] {strides = array<i32>} : memref<128x128xf32, #tpu.memory_space<vmem>>, vector<16xf32>,
      tpu.vector_store %arg16[%swap3A, %swap3A_1687], %get3A_1686 {strides = array<i32>} : memref<128x128xf32, #tpu.memory_space<vmem>>, vector<16xf32>,
      %get3A_1689 = arith.constant 0 : i32
      %get3A_1690 = arith.index_cast %get3A_1689 : i32 to index
      %get3A_1691 = arith.index_cast %rem3A_1679 : i32 to index
      %get3A_1692 = arith.constant 0 : index
      %get3A_1693 = tpu.vector_load %arg14[%get3A_1690, %get3A_1691, %get3A_1692] {strides = array<i32>} : memref<16x8x64xf32, #tpu.memory_space<vmem>>, vector<16xf32>,
      %swap3A_1694 = arith.index_cast %add3A_1683 : i32 to index
      %swap3A_1695 = arith.constant 64 : index
      %swap3A_1696 = tpu.vector_load %arg16[%swap3A_1694, %swap3A_1695] {strides = array<i32>} : memref<128x128xf32, #tpu.memory_space<vmem>>, vector<16xf32>,
      tpu.vector_store %arg16[%swap3A_1694, %swap3A_1695], %get3A_1693 {strides = array<i32>} : memref<128x128xf32, #tpu.memory_space<vmem>>, vector<16xf32>,
      %get3A_1697 = arith.index_cast %reduce_sum3A_1677 : i32 to index
      %get3A_1698 = arith.constant 0 : index
      %get3A_1699 = tpu.vector_load %arg13[%get3A_1697, %get3A_1698] {strides = array<i32>} : memref<100x64xf32, #tpu.memory_space<vmem>>, vector<16xf32>,
      %swap3A_1700 = arith.index_cast %add3A_1683 : i32 to index
      %swap3A_1701 = arith.constant 0 : index
      %swap3A_1702 = tpu.vector_load %arg17[%swap3A_1700, %swap3A_1701] {strides = array<i32>} : memref<128x128xf32, #tpu.memory_space<vmem>>, vector<16xf32>,
      tpu.vector_store %arg17[%swap3A_1700, %swap3A_1701], %get3A_1699 {strides = array<i32>} : memref<128x128xf32, #tpu.memory_space<vmem>>, vector<16xf32>,
      %get3A_1703 = arith.constant 0 : i32
      %get3A_1704 = arith.index_cast %get3A_1703 : i32 to index
      %get3A_1705 = arith.index_cast %rem3A_1679 : i32 to index
      %get3A_1706 = arith.constant 0 : index
      %get3A_1707 = tpu.vector_load %arg15[%get3A_1704, %get3A_1705, %get3A_1706] {strides = array<i32>} : memref<16x8x64xf32, #tpu.memory_space<vmem>>, vector<16xf32>,
      %swap3A_1708 = arith.index_cast %add3A_1683 : i32 to index
      %swap3A_1709 = arith.constant 64 : index
      %swap3A_1710 = tpu.vector_load %arg17[%swap3A_1708, %swap3A_1709] {strides = array<i32>} : memref<128x128xf32, #tpu.memory_space<vmem>>, vector<16xf32>,
      tpu.vector_store %arg17[%swap3A_1708, %swap3A_1709], %get3A_1707 {strides = array<i32>} : memref<128x128xf32, #tpu.memory_space<vmem>>, vector<16xf32>,
      %get3A_1711 = arith.index_cast %reduce_sum3A_1677 : i32 to index
      %get3A_1712 = arith.constant 16 : index
      %get3A_1713 = tpu.vector_load %arg12[%get3A_1711, %get3A_1712] {strides = array<i32>} : memref<100x64xf32, #tpu.memory_space<vmem>>, vector<16xf32>,
      %swap3A_1714 = arith.index_cast %add3A_1683 : i32 to index
      %swap3A_1715 = arith.constant 16 : index
      %swap3A_1716 = tpu.vector_load %arg16[%swap3A_1714, %swap3A_1715] {strides = array<i32>} : memref<128x128xf32, #tpu.memory_space<vmem>>, vector<16xf32>,
      tpu.vector_store %arg16[%swap3A_1714, %swap3A_1715], %get3A_1713 {strides = array<i32>} : memref<128x128xf32, #tpu.memory_space<vmem>>, vector<16xf32>,
      %get3A_1717 = arith.constant 0 : i32
      %get3A_1718 = arith.index_cast %get3A_1717 : i32 to index
      %get3A_1719 = arith.index_cast %rem3A_1679 : i32 to index
      %get3A_1720 = arith.constant 16 : index
      %get3A_1721 = tpu.vector_load %arg14[%get3A_1718, %get3A_1719, %get3A_1720] {strides = array<i32>} : memref<16x8x64xf32, #tpu.memory_space<vmem>>, vector<16xf32>,
      %swap3A_1722 = arith.index_cast %add3A_1683 : i32 to index
      %swap3A_1723 = arith.constant 80 : index
      %swap3A_1724 = tpu.vector_load %arg16[%swap3A_1722, %swap3A_1723] {strides = array<i32>} : memref<128x128xf32, #tpu.memory_space<vmem>>, vector<16xf32>,
      tpu.vector_store %arg16[%swap3A_1722, %swap3A_1723], %get3A_1721 {strides = array<i32>} : memref<128x128xf32, #tpu.memory_space<vmem>>, vector<16xf32>,
      %get3A_1725 = arith.index_cast %reduce_sum3A_1677 : i32 to index
      %get3A_1726 = arith.constant 16 : index
      %get3A_1727 = tpu.vector_load %arg13[%get3A_1725, %get3A_1726] {strides = array<i32>} : memref<100x64xf32, #tpu.memory_space<vmem>>, vector<16xf32>,
      %swap3A_1728 = arith.index_cast %add3A_1683 : i32 to index
      %swap3A_1729 = arith.constant 16 : index
      %swap3A_1730 = tpu.vector_load %arg17[%swap3A_1728, %swap3A_1729] {strides = array<i32>} : memref<128x128xf32, #tpu.memory_space<vmem>>, vector<16xf32>,
      tpu.vector_store %arg17[%swap3A_1728, %swap3A_1729], %get3A_1727 {strides = array<i32>} : memref<128x128xf32, #tpu.memory_space<vmem>>, vector<16xf32>,
      %get3A_1731 = arith.constant 0 : i32
      %get3A_1732 = arith.index_cast %get3A_1731 : i32 to index
      %get3A_1733 = arith.index_cast %rem3A_1679 : i32 to index
      %get3A_1734 = arith.constant 16 : index
      %get3A_1735 = tpu.vector_load %arg15[%get3A_1732, %get3A_1733, %get3A_1734] {strides = array<i32>} : memref<16x8x64xf32, #tpu.memory_space<vmem>>, vector<16xf32>,
      %swap3A_1736 = arith.index_cast %add3A_1683 : i32 to index
      %swap3A_1737 = arith.constant 80 : index
      %swap3A_1738 = tpu.vector_load %arg17[%swap3A_1736, %swap3A_1737] {strides = array<i32>} : memref<128x128xf32, #tpu.memory_space<vmem>>, vector<16xf32>,
      tpu.vector_store %arg17[%swap3A_1736, %swap3A_1737], %get3A_1735 {strides = array<i32>} : memref<128x128xf32, #tpu.memory_space<vmem>>, vector<16xf32>,
      %get3A_1739 = arith.index_cast %reduce_sum3A_1677 : i32 to index
      %get3A_1740 = arith.constant 32 : index
      %get3A_1741 = tpu.vector_load %arg12[%get3A_1739, %get3A_1740] {strides = array<i32>} : memref<100x64xf32, #tpu.memory_space<vmem>>, vector<16xf32>,
      %swap3A_1742 = arith.index_cast %add3A_1683 : i32 to index
      %swap3A_1743 = arith.constant 32 : index
      %swap3A_1744 = tpu.vector_load %arg16[%swap3A_1742, %swap3A_1743] {strides = array<i32>} : memref<128x128xf32, #tpu.memory_space<vmem>>, vector<16xf32>,
      tpu.vector_store %arg16[%swap3A_1742, %swap3A_1743], %get3A_1741 {strides = array<i32>} : memref<128x128xf32, #tpu.memory_space<vmem>>, vector<16xf32>,
      %get3A_1745 = arith.constant 0 : i32
      %get3A_1746 = arith.index_cast %get3A_1745 : i32 to index
      %get3A_1747 = arith.index_cast %rem3A_1679 : i32 to index
      %get3A_1748 = arith.constant 32 : index
      %get3A_1749 = tpu.vector_load %arg14[%get3A_1746, %get3A_1747, %get3A_1748] {strides = array<i32>} : memref<16x8x64xf32, #tpu.memory_space<vmem>>, vector<16xf32>,
      %swap3A_1750 = arith.index_cast %add3A_1683 : i32 to index
      %swap3A_1751 = arith.constant 96 : index
      %swap3A_1752 = tpu.vector_load %arg16[%swap3A_1750, %swap3A_1751] {strides = array<i32>} : memref<128x128xf32, #tpu.memory_space<vmem>>, vector<16xf32>,
      tpu.vector_store %arg16[%swap3A_1750, %swap3A_1751], %get3A_1749 {strides = array<i32>} : memref<128x128xf32, #tpu.memory_space<vmem>>, vector<16xf32>,
      %get3A_1753 = arith.index_cast %reduce_sum3A_1677 : i32 to index
      %get3A_1754 = arith.constant 32 : index
      %get3A_1755 = tpu.vector_load %arg13[%get3A_1753, %get3A_1754] {strides = array<i32>} : memref<100x64xf32, #tpu.memory_space<vmem>>, vector<16xf32>,
      %swap3A_1756 = arith.index_cast %add3A_1683 : i32 to index
      %swap3A_1757 = arith.constant 32 : index
      %swap3A_1758 = tpu.vector_load %arg17[%swap3A_1756, %swap3A_1757] {strides = array<i32>} : memref<128x128xf32, #tpu.memory_space<vmem>>, vector<16xf32>,
      tpu.vector_store %arg17[%swap3A_1756, %swap3A_1757], %get3A_1755 {strides = array<i32>} : memref<128x128xf32, #tpu.memory_space<vmem>>, vector<16xf32>,
      %get3A_1759 = arith.constant 0 : i32
      %get3A_1760 = arith.index_cast %get3A_1759 : i32 to index
      %get3A_1761 = arith.index_cast %rem3A_1679 : i32 to index
      %get3A_1762 = arith.constant 32 : index
      %get3A_1763 = tpu.vector_load %arg15[%get3A_1760, %get3A_1761, %get3A_1762] {strides = array<i32>} : memref<16x8x64xf32, #tpu.memory_space<vmem>>, vector<16xf32>,
      %swap3A_1764 = arith.index_cast %add3A_1683 : i32 to index
      %swap3A_1765 = arith.constant 96 : index
      %swap3A_1766 = tpu.vector_load %arg17[%swap3A_1764, %swap3A_1765] {strides = array<i32>} : memref<128x128xf32, #tpu.memory_space<vmem>>, vector<16xf32>,
      tpu.vector_store %arg17[%swap3A_1764, %swap3A_1765], %get3A_1763 {strides = array<i32>} : memref<128x128xf32, #tpu.memory_space<vmem>>, vector<16xf32>,
      %get3A_1767 = arith.index_cast %reduce_sum3A_1677 : i32 to index
      %get3A_1768 = arith.constant 48 : index
      %get3A_1769 = tpu.vector_load %arg12[%get3A_1767, %get3A_1768] {strides = array<i32>} : memref<100x64xf32, #tpu.memory_space<vmem>>, vector<16xf32>,
      %swap3A_1770 = arith.index_cast %add3A_1683 : i32 to index
      %swap3A_1771 = arith.constant 48 : index
      %swap3A_1772 = tpu.vector_load %arg16[%swap3A_1770, %swap3A_1771] {strides = array<i32>} : memref<128x128xf32, #tpu.memory_space<vmem>>, vector<16xf32>,
      tpu.vector_store %arg16[%swap3A_1770, %swap3A_1771], %get3A_1769 {strides = array<i32>} : memref<128x128xf32, #tpu.memory_space<vmem>>, vector<16xf32>,
      %get3A_1773 = arith.constant 0 : i32
      %get3A_1774 = arith.index_cast %get3A_1773 : i32 to index
      %get3A_1775 = arith.index_cast %rem3A_1679 : i32 to index
      %get3A_1776 = arith.constant 48 : index
      %get3A_1777 = tpu.vector_load %arg14[%get3A_1774, %get3A_1775, %get3A_1776] {strides = array<i32>} : memref<16x8x64xf32, #tpu.memory_space<vmem>>, vector<16xf32>,
      %swap3A_1778 = arith.index_cast %add3A_1683 : i32 to index
      %swap3A_1779 = arith.constant 112 : index
      %swap3A_1780 = tpu.vector_load %arg16[%swap3A_1778, %swap3A_1779] {strides = array<i32>} : memref<128x128xf32, #tpu.memory_space<vmem>>, vector<16xf32>,
      tpu.vector_store %arg16[%swap3A_1778, %swap3A_1779], %get3A_1777 {strides = array<i32>} : memref<128x128xf32, #tpu.memory_space<vmem>>, vector<16xf32>,
      %get3A_1781 = arith.index_cast %reduce_sum3A_1677 : i32 to index
      %get3A_1782 = arith.constant 48 : index
      %get3A_1783 = tpu.vector_load %arg13[%get3A_1781, %get3A_1782] {strides = array<i32>} : memref<100x64xf32, #tpu.memory_space<vmem>>, vector<16xf32>,
      %swap3A_1784 = arith.index_cast %add3A_1683 : i32 to index
      %swap3A_1785 = arith.constant 48 : index
      %swap3A_1786 = tpu.vector_load %arg17[%swap3A_1784, %swap3A_1785] {strides = array<i32>} : memref<128x128xf32, #tpu.memory_space<vmem>>, vector<16xf32>,
      tpu.vector_store %arg17[%swap3A_1784, %swap3A_1785], %get3A_1783 {strides = array<i32>} : memref<128x128xf32, #tpu.memory_space<vmem>>, vector<16xf32>,
      %get3A_1787 = arith.constant 0 : i32
      %get3A_1788 = arith.index_cast %get3A_1787 : i32 to index
      %get3A_1789 = arith.index_cast %rem3A_1679 : i32 to index
      %get3A_1790 = arith.constant 48 : index
      %get3A_1791 = tpu.vector_load %arg15[%get3A_1788, %get3A_1789, %get3A_1790] {strides = array<i32>} : memref<16x8x64xf32, #tpu.memory_space<vmem>>, vector<16xf32>,
      %swap3A_1792 = arith.index_cast %add3A_1683 : i32 to index
      %swap3A_1793 = arith.constant 112 : index
      %swap3A_1794 = tpu.vector_load %arg17[%swap3A_1792, %swap3A_1793] {strides = array<i32>} : memref<128x128xf32, #tpu.memory_space<vmem>>, vector<16xf32>,
      tpu.vector_store %arg17[%swap3A_1792, %swap3A_1793], %get3A_1791 {strides = array<i32>} : memref<128x128xf32, #tpu.memory_space<vmem>>, vector<16xf32>,
      %eq3A_1795 = arith.constant 1 : i32
      %eq3A_1796 = vector.broadcast %eq3A_1795 : i32 to vector<16xi32>
      %eq3A_1797 = arith.cmpi eq, %iota3A, %eq3A_1796 : vector<16xi32>
      %select_n3A_1798 = arith.select %eq3A_1797, %get3A_32, %broadcast_in_dim3A_3 : vector<16xi1>, vector<16xi32>
      %reduce_sum3A_1799 = arith.constant true
      %reduce_sum3A_1800 = vector.broadcast %reduce_sum3A_1799 : i1 to vector<16xi1>
      %reduce_sum3A_1801 = tpu.scan <sum>, %select_n3A_1798 masked %reduce_sum3A_1800 : vector<16xi32>, vector<16xi1> -> vector<16xi32>
      %reduce_sum3A_1802 = vector.extract %reduce_sum3A_1801[15] : i32 from vector<16xi32>
      %rem3A_1803 = arith.constant 8 : i32
      %rem3A_1804 = arith.remsi %reduce_sum3A_1802, %rem3A_1803 : i32
      %mul3A_1805 = arith.constant 16 : i32
      %mul3A_1806 = arith.muli %scan3A_24, %mul3A_1805 : i32
      %add3A_1807 = arith.constant 1 : i32
      %add3A_1808 = arith.addi %mul3A_1806, %add3A_1807 : i32
      %get3A_1809 = arith.index_cast %reduce_sum3A_1802 : i32 to index
      %get3A_1810 = arith.constant 0 : index
      %get3A_1811 = tpu.vector_load %arg12[%get3A_1809, %get3A_1810] {strides = array<i32>} : memref<100x64xf32, #tpu.memory_space<vmem>>, vector<16xf32>,
      %swap3A_1812 = arith.index_cast %add3A_1808 : i32 to index
      %swap3A_1813 = arith.constant 0 : index
      %swap3A_1814 = tpu.vector_load %arg16[%swap3A_1812, %swap3A_1813] {strides = array<i32>} : memref<128x128xf32, #tpu.memory_space<vmem>>, vector<16xf32>,
      tpu.vector_store %arg16[%swap3A_1812, %swap3A_1813], %get3A_1811 {strides = array<i32>} : memref<128x128xf32, #tpu.memory_space<vmem>>, vector<16xf32>,
      %get3A_1815 = arith.constant 1 : i32
      %get3A_1816 = arith.index_cast %get3A_1815 : i32 to index
      %get3A_1817 = arith.index_cast %rem3A_1804 : i32 to index
      %get3A_1818 = arith.constant 0 : index
      %get3A_1819 = tpu.vector_load %arg14[%get3A_1816, %get3A_1817, %get3A_1818] {strides = array<i32>} : memref<16x8x64xf32, #tpu.memory_space<vmem>>, vector<16xf32>,
      %swap3A_1820 = arith.index_cast %add3A_1808 : i32 to index
      %swap3A_1821 = arith.constant 64 : index
      %swap3A_1822 = tpu.vector_load %arg16[%swap3A_1820, %swap3A_1821] {strides = array<i32>} : memref<128x128xf32, #tpu.memory_space<vmem>>, vector<16xf32>,
      tpu.vector_store %arg16[%swap3A_1820, %swap3A_1821], %get3A_1819 {strides = array<i32>} : memref<128x128xf32, #tpu.memory_space<vmem>>, vector<16xf32>,
      %get3A_1823 = arith.index_cast %reduce_sum3A_1802 : i32 to index
      %get3A_1824 = arith.constant 0 : index
      %get3A_1825 = tpu.vector_load %arg13[%get3A_1823, %get3A_1824] {strides = array<i32>} : memref<100x64xf32, #tpu.memory_space<vmem>>, vector<16xf32>,
      %swap3A_1826 = arith.index_cast %add3A_1808 : i32 to index
      %swap3A_1827 = arith.constant 0 : index
      %swap3A_1828 = tpu.vector_load %arg17[%swap3A_1826, %swap3A_1827] {strides = array<i32>} : memref<128x128xf32, #tpu.memory_space<vmem>>, vector<16xf32>,
      tpu.vector_store %arg17[%swap3A_1826, %swap3A_1827], %get3A_1825 {strides = array<i32>} : memref<128x128xf32, #tpu.memory_space<vmem>>, vector<16xf32>,
      %get3A_1829 = arith.constant 1 : i32
      %get3A_1830 = arith.index_cast %get3A_1829 : i32 to index
      %get3A_1831 = arith.index_cast %rem3A_1804 : i32 to index
      %get3A_1832 = arith.constant 0 : index
      %get3A_1833 = tpu.vector_load %arg15[%get3A_1830, %get3A_1831, %get3A_1832] {strides = array<i32>} : memref<16x8x64xf32, #tpu.memory_space<vmem>>, vector<16xf32>,
      %swap3A_1834 = arith.index_cast %add3A_1808 : i32 to index
      %swap3A_1835 = arith.constant 64 : index
      %swap3A_1836 = tpu.vector_load %arg17[%swap3A_1834, %swap3A_1835] {strides = array<i32>} : memref<128x128xf32, #tpu.memory_space<vmem>>, vector<16xf32>,
      tpu.vector_store %arg17[%swap3A_1834, %swap3A_1835], %get3A_1833 {strides = array<i32>} : memref<128x128xf32, #tpu.memory_space<vmem>>, vector<16xf32>,
      %get3A_1837 = arith.index_cast %reduce_sum3A_1802 : i32 to index
      %get3A_1838 = arith.constant 16 : index
      %get3A_1839 = tpu.vector_load %arg12[%get3A_1837, %get3A_1838] {strides = array<i32>} : memref<100x64xf32, #tpu.memory_space<vmem>>, vector<16xf32>,
      %swap3A_1840 = arith.index_cast %add3A_1808 : i32 to index
      %swap3A_1841 = arith.constant 16 : index
      %swap3A_1842 = tpu.vector_load %arg16[%swap3A_1840, %swap3A_1841] {strides = array<i32>} : memref<128x128xf32, #tpu.memory_space<vmem>>, vector<16xf32>,
      tpu.vector_store %arg16[%swap3A_1840, %swap3A_1841], %get3A_1839 {strides = array<i32>} : memref<128x128xf32, #tpu.memory_space<vmem>>, vector<16xf32>,
      %get3A_1843 = arith.constant 1 : i32
      %get3A_1844 = arith.index_cast %get3A_1843 : i32 to index
      %get3A_1845 = arith.index_cast %rem3A_1804 : i32 to index
      %get3A_1846 = arith.constant 16 : index
      %get3A_1847 = tpu.vector_load %arg14[%get3A_1844, %get3A_1845, %get3A_1846] {strides = array<i32>} : memref<16x8x64xf32, #tpu.memory_space<vmem>>, vector<16xf32>,
      %swap3A_1848 = arith.index_cast %add3A_1808 : i32 to index
      %swap3A_1849 = arith.constant 80 : index
      %swap3A_1850 = tpu.vector_load %arg16[%swap3A_1848, %swap3A_1849] {strides = array<i32>} : memref<128x128xf32, #tpu.memory_space<vmem>>, vector<16xf32>,
      tpu.vector_store %arg16[%swap3A_1848, %swap3A_1849], %get3A_1847 {strides = array<i32>} : memref<128x128xf32, #tpu.memory_space<vmem>>, vector<16xf32>,
      %get3A_1851 = arith.index_cast %reduce_sum3A_1802 : i32 to index
      %get3A_1852 = arith.constant 16 : index
      %get3A_1853 = tpu.vector_load %arg13[%get3A_1851, %get3A_1852] {strides = array<i32>} : memref<100x64xf32, #tpu.memory_space<vmem>>, vector<16xf32>,
      %swap3A_1854 = arith.index_cast %add3A_1808 : i32 to index
      %swap3A_1855 = arith.constant 16 : index
      %swap3A_1856 = tpu.vector_load %arg17[%swap3A_1854, %swap3A_1855] {strides = array<i32>} : memref<128x128xf32, #tpu.memory_space<vmem>>, vector<16xf32>,
      tpu.vector_store %arg17[%swap3A_1854, %swap3A_1855], %get3A_1853 {strides = array<i32>} : memref<128x128xf32, #tpu.memory_space<vmem>>, vector<16xf32>,
      %get3A_1857 = arith.constant 1 : i32
      %get3A_1858 = arith.index_cast %get3A_1857 : i32 to index
      %get3A_1859 = arith.index_cast %rem3A_1804 : i32 to index
      %get3A_1860 = arith.constant 16 : index
      %get3A_1861 = tpu.vector_load %arg15[%get3A_1858, %get3A_1859, %get3A_1860] {strides = array<i32>} : memref<16x8x64xf32, #tpu.memory_space<vmem>>, vector<16xf32>,
      %swap3A_1862 = arith.index_cast %add3A_1808 : i32 to index
      %swap3A_1863 = arith.constant 80 : index
      %swap3A_1864 = tpu.vector_load %arg17[%swap3A_1862, %swap3A_1863] {strides = array<i32>} : memref<128x128xf32, #tpu.memory_space<vmem>>, vector<16xf32>,
      tpu.vector_store %arg17[%swap3A_1862, %swap3A_1863], %get3A_1861 {strides = array<i32>} : memref<128x128xf32, #tpu.memory_space<vmem>>, vector<16xf32>,
      %get3A_1865 = arith.index_cast %reduce_sum3A_1802 : i32 to index
      %get3A_1866 = arith.constant 32 : index
      %get3A_1867 = tpu.vector_load %arg12[%get3A_1865, %get3A_1866] {strides = array<i32>} : memref<100x64xf32, #tpu.memory_space<vmem>>, vector<16xf32>,
      %swap3A_1868 = arith.index_cast %add3A_1808 : i32 to index
      %swap3A_1869 = arith.constant 32 : index
      %swap3A_1870 = tpu.vector_load %arg16[%swap3A_1868, %swap3A_1869] {strides = array<i32>} : memref<128x128xf32, #tpu.memory_space<vmem>>, vector<16xf32>,
      tpu.vector_store %arg16[%swap3A_1868, %swap3A_1869], %get3A_1867 {strides = array<i32>} : memref<128x128xf32, #tpu.memory_space<vmem>>, vector<16xf32>,
      %get3A_1871 = arith.constant 1 : i32
      %get3A_1872 = arith.index_cast %get3A_1871 : i32 to index
      %get3A_1873 = arith.index_cast %rem3A_1804 : i32 to index
      %get3A_1874 = arith.constant 32 : index
      %get3A_1875 = tpu.vector_load %arg14[%get3A_1872, %get3A_1873, %get3A_1874] {strides = array<i32>} : memref<16x8x64xf32, #tpu.memory_space<vmem>>, vector<16xf32>,
      %swap3A_1876 = arith.index_cast %add3A_1808 : i32 to index
      %swap3A_1877 = arith.constant 96 : index
      %swap3A_1878 = tpu.vector_load %arg16[%swap3A_1876, %swap3A_1877] {strides = array<i32>} : memref<128x128xf32, #tpu.memory_space<vmem>>, vector<16xf32>,
      tpu.vector_store %arg16[%swap3A_1876, %swap3A_1877], %get3A_1875 {strides = array<i32>} : memref<128x128xf32, #tpu.memory_space<vmem>>, vector<16xf32>,
      %get3A_1879 = arith.index_cast %reduce_sum3A_1802 : i32 to index
      %get3A_1880 = arith.constant 32 : index
      %get3A_1881 = tpu.vector_load %arg13[%get3A_1879, %get3A_1880] {strides = array<i32>} : memref<100x64xf32, #tpu.memory_space<vmem>>, vector<16xf32>,
      %swap3A_1882 = arith.index_cast %add3A_1808 : i32 to index
      %swap3A_1883 = arith.constant 32 : index
      %swap3A_1884 = tpu.vector_load %arg17[%swap3A_1882, %swap3A_1883] {strides = array<i32>} : memref<128x128xf32, #tpu.memory_space<vmem>>, vector<16xf32>,
      tpu.vector_store %arg17[%swap3A_1882, %swap3A_1883], %get3A_1881 {strides = array<i32>} : memref<128x128xf32, #tpu.memory_space<vmem>>, vector<16xf32>,
      %get3A_1885 = arith.constant 1 : i32
      %get3A_1886 = arith.index_cast %get3A_1885 : i32 to index
      %get3A_1887 = arith.index_cast %rem3A_1804 : i32 to index
      %get3A_1888 = arith.constant 32 : index
      %get3A_1889 = tpu.vector_load %arg15[%get3A_1886, %get3A_1887, %get3A_1888] {strides = array<i32>} : memref<16x8x64xf32, #tpu.memory_space<vmem>>, vector<16xf32>,
      %swap3A_1890 = arith.index_cast %add3A_1808 : i32 to index
      %swap3A_1891 = arith.constant 96 : index
      %swap3A_1892 = tpu.vector_load %arg17[%swap3A_1890, %swap3A_1891] {strides = array<i32>} : memref<128x128xf32, #tpu.memory_space<vmem>>, vector<16xf32>,
      tpu.vector_store %arg17[%swap3A_1890, %swap3A_1891], %get3A_1889 {strides = array<i32>} : memref<128x128xf32, #tpu.memory_space<vmem>>, vector<16xf32>,
      %get3A_1893 = arith.index_cast %reduce_sum3A_1802 : i32 to index
      %get3A_1894 = arith.constant 48 : index
      %get3A_1895 = tpu.vector_load %arg12[%get3A_1893, %get3A_1894] {strides = array<i32>} : memref<100x64xf32, #tpu.memory_space<vmem>>, vector<16xf32>,
      %swap3A_1896 = arith.index_cast %add3A_1808 : i32 to index
      %swap3A_1897 = arith.constant 48 : index
      %swap3A_1898 = tpu.vector_load %arg16[%swap3A_1896, %swap3A_1897] {strides = array<i32>} : memref<128x128xf32, #tpu.memory_space<vmem>>, vector<16xf32>,
      tpu.vector_store %arg16[%swap3A_1896, %swap3A_1897], %get3A_1895 {strides = array<i32>} : memref<128x128xf32, #tpu.memory_space<vmem>>, vector<16xf32>,
      %get3A_1899 = arith.constant 1 : i32
      %get3A_1900 = arith.index_cast %get3A_1899 : i32 to index
      %get3A_1901 = arith.index_cast %rem3A_1804 : i32 to index
      %get3A_1902 = arith.constant 48 : index
      %get3A_1903 = tpu.vector_load %arg14[%get3A_1900, %get3A_1901, %get3A_1902] {strides = array<i32>} : memref<16x8x64xf32, #tpu.memory_space<vmem>>, vector<16xf32>,
      %swap3A_1904 = arith.index_cast %add3A_1808 : i32 to index
      %swap3A_1905 = arith.constant 112 : index
      %swap3A_1906 = tpu.vector_load %arg16[%swap3A_1904, %swap3A_1905] {strides = array<i32>} : memref<128x128xf32, #tpu.memory_space<vmem>>, vector<16xf32>,
      tpu.vector_store %arg16[%swap3A_1904, %swap3A_1905], %get3A_1903 {strides = array<i32>} : memref<128x128xf32, #tpu.memory_space<vmem>>, vector<16xf32>,
      %get3A_1907 = arith.index_cast %reduce_sum3A_1802 : i32 to index
      %get3A_1908 = arith.constant 48 : index
      %get3A_1909 = tpu.vector_load %arg13[%get3A_1907, %get3A_1908] {strides = array<i32>} : memref<100x64xf32, #tpu.memory_space<vmem>>, vector<16xf32>,
      %swap3A_1910 = arith.index_cast %add3A_1808 : i32 to index
      %swap3A_1911 = arith.constant 48 : index
      %swap3A_1912 = tpu.vector_load %arg17[%swap3A_1910, %swap3A_1911] {strides = array<i32>} : memref<128x128xf32, #tpu.memory_space<vmem>>, vector<16xf32>,
      tpu.vector_store %arg17[%swap3A_1910, %swap3A_1911], %get3A_1909 {strides = array<i32>} : memref<128x128xf32, #tpu.memory_space<vmem>>, vector<16xf32>,
      %get3A_1913 = arith.constant 1 : i32
      %get3A_1914 = arith.index_cast %get3A_1913 : i32 to index
      %get3A_1915 = arith.index_cast %rem3A_1804 : i32 to index
      %get3A_1916 = arith.constant 48 : index
      %get3A_1917 = tpu.vector_load %arg15[%get3A_1914, %get3A_1915, %get3A_1916] {strides = array<i32>} : memref<16x8x64xf32, #tpu.memory_space<vmem>>, vector<16xf32>,
      %swap3A_1918 = arith.index_cast %add3A_1808 : i32 to index
      %swap3A_1919 = arith.constant 112 : index
      %swap3A_1920 = tpu.vector_load %arg17[%swap3A_1918, %swap3A_1919] {strides = array<i32>} : memref<128x128xf32, #tpu.memory_space<vmem>>, vector<16xf32>,
      tpu.vector_store %arg17[%swap3A_1918, %swap3A_1919], %get3A_1917 {strides = array<i32>} : memref<128x128xf32, #tpu.memory_space<vmem>>, vector<16xf32>,
      %eq3A_1921 = arith.constant 2 : i32
      %eq3A_1922 = vector.broadcast %eq3A_1921 : i32 to vector<16xi32>
      %eq3A_1923 = arith.cmpi eq, %iota3A, %eq3A_1922 : vector<16xi32>
      %select_n3A_1924 = arith.select %eq3A_1923, %get3A_32, %broadcast_in_dim3A_3 : vector<16xi1>, vector<16xi32>
      %reduce_sum3A_1925 = arith.constant true
      %reduce_sum3A_1926 = vector.broadcast %reduce_sum3A_1925 : i1 to vector<16xi1>
      %reduce_sum3A_1927 = tpu.scan <sum>, %select_n3A_1924 masked %reduce_sum3A_1926 : vector<16xi32>, vector<16xi1> -> vector<16xi32>
      %reduce_sum3A_1928 = vector.extract %reduce_sum3A_1927[15] : i32 from vector<16xi32>
      %rem3A_1929 = arith.constant 8 : i32
      %rem3A_1930 = arith.remsi %reduce_sum3A_1928, %rem3A_1929 : i32
      %mul3A_1931 = arith.constant 16 : i32
      %mul3A_1932 = arith.muli %scan3A_24, %mul3A_1931 : i32
      %add3A_1933 = arith.constant 2 : i32
      %add3A_1934 = arith.addi %mul3A_1932, %add3A_1933 : i32
      %get3A_1935 = arith.index_cast %reduce_sum3A_1928 : i32 to index
      %get3A_1936 = arith.constant 0 : index
      %get3A_1937 = tpu.vector_load %arg12[%get3A_1935, %get3A_1936] {strides = array<i32>} : memref<100x64xf32, #tpu.memory_space<vmem>>, vector<16xf32>,
      %swap3A_1938 = arith.index_cast %add3A_1934 : i32 to index
      %swap3A_1939 = arith.constant 0 : index
      %swap3A_1940 = tpu.vector_load %arg16[%swap3A_1938, %swap3A_1939] {strides = array<i32>} : memref<128x128xf32, #tpu.memory_space<vmem>>, vector<16xf32>,
      tpu.vector_store %arg16[%swap3A_1938, %swap3A_1939], %get3A_1937 {strides = array<i32>} : memref<128x128xf32, #tpu.memory_space<vmem>>, vector<16xf32>,
      %get3A_1941 = arith.constant 2 : i32
      %get3A_1942 = arith.index_cast %get3A_1941 : i32 to index
      %get3A_1943 = arith.index_cast %rem3A_1930 : i32 to index
      %get3A_1944 = arith.constant 0 : index
      %get3A_1945 = tpu.vector_load %arg14[%get3A_1942, %get3A_1943, %get3A_1944] {strides = array<i32>} : memref<16x8x64xf32, #tpu.memory_space<vmem>>, vector<16xf32>,
      %swap3A_1946 = arith.index_cast %add3A_1934 : i32 to index
      %swap3A_1947 = arith.constant 64 : index
      %swap3A_1948 = tpu.vector_load %arg16[%swap3A_1946, %swap3A_1947] {strides = array<i32>} : memref<128x128xf32, #tpu.memory_space<vmem>>, vector<16xf32>,
      tpu.vector_store %arg16[%swap3A_1946, %swap3A_1947], %get3A_1945 {strides = array<i32>} : memref<128x128xf32, #tpu.memory_space<vmem>>, vector<16xf32>,
      %get3A_1949 = arith.index_cast %reduce_sum3A_1928 : i32 to index
      %get3A_1950 = arith.constant 0 : index
      %get3A_1951 = tpu.vector_load %arg13[%get3A_1949, %get3A_1950] {strides = array<i32>} : memref<100x64xf32, #tpu.memory_space<vmem>>, vector<16xf32>,
      %swap3A_1952 = arith.index_cast %add3A_1934 : i32 to index
      %swap3A_1953 = arith.constant 0 : index
      %swap3A_1954 = tpu.vector_load %arg17[%swap3A_1952, %swap3A_1953] {strides = array<i32>} : memref<128x128xf32, #tpu.memory_space<vmem>>, vector<16xf32>,
      tpu.vector_store %arg17[%swap3A_1952, %swap3A_1953], %get3A_1951 {strides = array<i32>} : memref<128x128xf32, #tpu.memory_space<vmem>>, vector<16xf32>,
      %get3A_1955 = arith.constant 2 : i32
      %get3A_1956 = arith.index_cast %get3A_1955 : i32 to index
      %get3A_1957 = arith.index_cast %rem3A_1930 : i32 to index
      %get3A_1958 = arith.constant 0 : index
      %get3A_1959 = tpu.vector_load %arg15[%get3A_1956, %get3A_1957, %get3A_1958] {strides = array<i32>} : memref<16x8x64xf32, #tpu.memory_space<vmem>>, vector<16xf32>,
      %swap3A_1960 = arith.index_cast %add3A_1934 : i32 to index
      %swap3A_1961 = arith.constant 64 : index
      %swap3A_1962 = tpu.vector_load %arg17[%swap3A_1960, %swap3A_1961] {strides = array<i32>} : memref<128x128xf32, #tpu.memory_space<vmem>>, vector<16xf32>,
      tpu.vector_store %arg17[%swap3A_1960, %swap3A_1961], %get3A_1959 {strides = array<i32>} : memref<128x128xf32, #tpu.memory_space<vmem>>, vector<16xf32>,
      %get3A_1963 = arith.index_cast %reduce_sum3A_1928 : i32 to index
      %get3A_1964 = arith.constant 16 : index
      %get3A_1965 = tpu.vector_load %arg12[%get3A_1963, %get3A_1964] {strides = array<i32>} : memref<100x64xf32, #tpu.memory_space<vmem>>, vector<16xf32>,
      %swap3A_1966 = arith.index_cast %add3A_1934 : i32 to index
      %swap3A_1967 = arith.constant 16 : index
      %swap3A_1968 = tpu.vector_load %arg16[%swap3A_1966, %swap3A_1967] {strides = array<i32>} : memref<128x128xf32, #tpu.memory_space<vmem>>, vector<16xf32>,
      tpu.vector_store %arg16[%swap3A_1966, %swap3A_1967], %get3A_1965 {strides = array<i32>} : memref<128x128xf32, #tpu.memory_space<vmem>>, vector<16xf32>,
      %get3A_1969 = arith.constant 2 : i32
      %get3A_1970 = arith.index_cast %get3A_1969 : i32 to index
      %get3A_1971 = arith.index_cast %rem3A_1930 : i32 to index
      %get3A_1972 = arith.constant 16 : index
      %get3A_1973 = tpu.vector_load %arg14[%get3A_1970, %get3A_1971, %get3A_1972] {strides = array<i32>} : memref<16x8x64xf32, #tpu.memory_space<vmem>>, vector<16xf32>,
      %swap3A_1974 = arith.index_cast %add3A_1934 : i32 to index
      %swap3A_1975 = arith.constant 80 : index
      %swap3A_1976 = tpu.vector_load %arg16[%swap3A_1974, %swap3A_1975] {strides = array<i32>} : memref<128x128xf32, #tpu.memory_space<vmem>>, vector<16xf32>,
      tpu.vector_store %arg16[%swap3A_1974, %swap3A_1975], %get3A_1973 {strides = array<i32>} : memref<128x128xf32, #tpu.memory_space<vmem>>, vector<16xf32>,
      %get3A_1977 = arith.index_cast %reduce_sum3A_1928 : i32 to index
      %get3A_1978 = arith.constant 16 : index
      %get3A_1979 = tpu.vector_load %arg13[%get3A_1977, %get3A_1978] {strides = array<i32>} : memref<100x64xf32, #tpu.memory_space<vmem>>, vector<16xf32>,
      %swap3A_1980 = arith.index_cast %add3A_1934 : i32 to index
      %swap3A_1981 = arith.constant 16 : index
      %swap3A_1982 = tpu.vector_load %arg17[%swap3A_1980, %swap3A_1981] {strides = array<i32>} : memref<128x128xf32, #tpu.memory_space<vmem>>, vector<16xf32>,
      tpu.vector_store %arg17[%swap3A_1980, %swap3A_1981], %get3A_1979 {strides = array<i32>} : memref<128x128xf32, #tpu.memory_space<vmem>>, vector<16xf32>,
      %get3A_1983 = arith.constant 2 : i32
      %get3A_1984 = arith.index_cast %get3A_1983 : i32 to index
      %get3A_1985 = arith.index_cast %rem3A_1930 : i32 to index
      %get3A_1986 = arith.constant 16 : index
      %get3A_1987 = tpu.vector_load %arg15[%get3A_1984, %get3A_1985, %get3A_1986] {strides = array<i32>} : memref<16x8x64xf32, #tpu.memory_space<vmem>>, vector<16xf32>,
      %swap3A_1988 = arith.index_cast %add3A_1934 : i32 to index
      %swap3A_1989 = arith.constant 80 : index
      %swap3A_1990 = tpu.vector_load %arg17[%swap3A_1988, %swap3A_1989] {strides = array<i32>} : memref<128x128xf32, #tpu.memory_space<vmem>>, vector<16xf32>,
      tpu.vector_store %arg17[%swap3A_1988, %swap3A_1989], %get3A_1987 {strides = array<i32>} : memref<128x128xf32, #tpu.memory_space<vmem>>, vector<16xf32>,
      %get3A_1991 = arith.index_cast %reduce_sum3A_1928 : i32 to index
      %get3A_1992 = arith.constant 32 : index
      %get3A_1993 = tpu.vector_load %arg12[%get3A_1991, %get3A_1992] {strides = array<i32>} : memref<100x64xf32, #tpu.memory_space<vmem>>, vector<16xf32>,
      %swap3A_1994 = arith.index_cast %add3A_1934 : i32 to index
      %swap3A_1995 = arith.constant 32 : index
      %swap3A_1996 = tpu.vector_load %arg16[%swap3A_1994, %swap3A_1995] {strides = array<i32>} : memref<128x128xf32, #tpu.memory_space<vmem>>, vector<16xf32>,
      tpu.vector_store %arg16[%swap3A_1994, %swap3A_1995], %get3A_1993 {strides = array<i32>} : memref<128x128xf32, #tpu.memory_space<vmem>>, vector<16xf32>,
      %get3A_1997 = arith.constant 2 : i32
      %get3A_1998 = arith.index_cast %get3A_1997 : i32 to index
      %get3A_1999 = arith.index_cast %rem3A_1930 : i32 to index
      %get3A_2000 = arith.constant 32 : index
      %get3A_2001 = tpu.vector_load %arg14[%get3A_1998, %get3A_1999, %get3A_2000] {strides = array<i32>} : memref<16x8x64xf32, #tpu.memory_space<vmem>>, vector<16xf32>,
      %swap3A_2002 = arith.index_cast %add3A_1934 : i32 to index
      %swap3A_2003 = arith.constant 96 : index
      %swap3A_2004 = tpu.vector_load %arg16[%swap3A_2002, %swap3A_2003] {strides = array<i32>} : memref<128x128xf32, #tpu.memory_space<vmem>>, vector<16xf32>,
      tpu.vector_store %arg16[%swap3A_2002, %swap3A_2003], %get3A_2001 {strides = array<i32>} : memref<128x128xf32, #tpu.memory_space<vmem>>, vector<16xf32>,
      %get3A_2005 = arith.index_cast %reduce_sum3A_1928 : i32 to index
      %get3A_2006 = arith.constant 32 : index
      %get3A_2007 = tpu.vector_load %arg13[%get3A_2005, %get3A_2006] {strides = array<i32>} : memref<100x64xf32, #tpu.memory_space<vmem>>, vector<16xf32>,
      %swap3A_2008 = arith.index_cast %add3A_1934 : i32 to index
      %swap3A_2009 = arith.constant 32 : index
      %swap3A_2010 = tpu.vector_load %arg17[%swap3A_2008, %swap3A_2009] {strides = array<i32>} : memref<128x128xf32, #tpu.memory_space<vmem>>, vector<16xf32>,
      tpu.vector_store %arg17[%swap3A_2008, %swap3A_2009], %get3A_2007 {strides = array<i32>} : memref<128x128xf32, #tpu.memory_space<vmem>>, vector<16xf32>,
      %get3A_2011 = arith.constant 2 : i32
      %get3A_2012 = arith.index_cast %get3A_2011 : i32 to index
      %get3A_2013 = arith.index_cast %rem3A_1930 : i32 to index
      %get3A_2014 = arith.constant 32 : index
      %get3A_2015 = tpu.vector_load %arg15[%get3A_2012, %get3A_2013, %get3A_2014] {strides = array<i32>} : memref<16x8x64xf32, #tpu.memory_space<vmem>>, vector<16xf32>,
      %swap3A_2016 = arith.index_cast %add3A_1934 : i32 to index
      %swap3A_2017 = arith.constant 96 : index
      %swap3A_2018 = tpu.vector_load %arg17[%swap3A_2016, %swap3A_2017] {strides = array<i32>} : memref<128x128xf32, #tpu.memory_space<vmem>>, vector<16xf32>,
      tpu.vector_store %arg17[%swap3A_2016, %swap3A_2017], %get3A_2015 {strides = array<i32>} : memref<128x128xf32, #tpu.memory_space<vmem>>, vector<16xf32>,
      %get3A_2019 = arith.index_cast %reduce_sum3A_1928 : i32 to index
      %get3A_2020 = arith.constant 48 : index
      %get3A_2021 = tpu.vector_load %arg12[%get3A_2019, %get3A_2020] {strides = array<i32>} : memref<100x64xf32, #tpu.memory_space<vmem>>, vector<16xf32>,
      %swap3A_2022 = arith.index_cast %add3A_1934 : i32 to index
      %swap3A_2023 = arith.constant 48 : index
      %swap3A_2024 = tpu.vector_load %arg16[%swap3A_2022, %swap3A_2023] {strides = array<i32>} : memref<128x128xf32, #tpu.memory_space<vmem>>, vector<16xf32>,
      tpu.vector_store %arg16[%swap3A_2022, %swap3A_2023], %get3A_2021 {strides = array<i32>} : memref<128x128xf32, #tpu.memory_space<vmem>>, vector<16xf32>,
      %get3A_2025 = arith.constant 2 : i32
      %get3A_2026 = arith.index_cast %get3A_2025 : i32 to index
      %get3A_2027 = arith.index_cast %rem3A_1930 : i32 to index
      %get3A_2028 = arith.constant 48 : index
      %get3A_2029 = tpu.vector_load %arg14[%get3A_2026, %get3A_2027, %get3A_2028] {strides = array<i32>} : memref<16x8x64xf32, #tpu.memory_space<vmem>>, vector<16xf32>,
      %swap3A_2030 = arith.index_cast %add3A_1934 : i32 to index
      %swap3A_2031 = arith.constant 112 : index
      %swap3A_2032 = tpu.vector_load %arg16[%swap3A_2030, %swap3A_2031] {strides = array<i32>} : memref<128x128xf32, #tpu.memory_space<vmem>>, vector<16xf32>,
      tpu.vector_store %arg16[%swap3A_2030, %swap3A_2031], %get3A_2029 {strides = array<i32>} : memref<128x128xf32, #tpu.memory_space<vmem>>, vector<16xf32>,
      %get3A_2033 = arith.index_cast %reduce_sum3A_1928 : i32 to index
      %get3A_2034 = arith.constant 48 : index
      %get3A_2035 = tpu.vector_load %arg13[%get3A_2033, %get3A_2034] {strides = array<i32>} : memref<100x64xf32, #tpu.memory_space<vmem>>, vector<16xf32>,
      %swap3A_2036 = arith.index_cast %add3A_1934 : i32 to index
      %swap3A_2037 = arith.constant 48 : index
      %swap3A_2038 = tpu.vector_load %arg17[%swap3A_2036, %swap3A_2037] {strides = array<i32>} : memref<128x128xf32, #tpu.memory_space<vmem>>, vector<16xf32>,
      tpu.vector_store %arg17[%swap3A_2036, %swap3A_2037], %get3A_2035 {strides = array<i32>} : memref<128x128xf32, #tpu.memory_space<vmem>>, vector<16xf32>,
      %get3A_2039 = arith.constant 2 : i32
      %get3A_2040 = arith.index_cast %get3A_2039 : i32 to index
      %get3A_2041 = arith.index_cast %rem3A_1930 : i32 to index
      %get3A_2042 = arith.constant 48 : index
      %get3A_2043 = tpu.vector_load %arg15[%get3A_2040, %get3A_2041, %get3A_2042] {strides = array<i32>} : memref<16x8x64xf32, #tpu.memory_space<vmem>>, vector<16xf32>,
      %swap3A_2044 = arith.index_cast %add3A_1934 : i32 to index
      %swap3A_2045 = arith.constant 112 : index
      %swap3A_2046 = tpu.vector_load %arg17[%swap3A_2044, %swap3A_2045] {strides = array<i32>} : memref<128x128xf32, #tpu.memory_space<vmem>>, vector<16xf32>,
      tpu.vector_store %arg17[%swap3A_2044, %swap3A_2045], %get3A_2043 {strides = array<i32>} : memref<128x128xf32, #tpu.memory_space<vmem>>, vector<16xf32>,
      %eq3A_2047 = arith.constant 3 : i32
      %eq3A_2048 = vector.broadcast %eq3A_2047 : i32 to vector<16xi32>
      %eq3A_2049 = arith.cmpi eq, %iota3A, %eq3A_2048 : vector<16xi32>
      %select_n3A_2050 = arith.select %eq3A_2049, %get3A_32, %broadcast_in_dim3A_3 : vector<16xi1>, vector<16xi32>
      %reduce_sum3A_2051 = arith.constant true
      %reduce_sum3A_2052 = vector.broadcast %reduce_sum3A_2051 : i1 to vector<16xi1>
      %reduce_sum3A_2053 = tpu.scan <sum>, %select_n3A_2050 masked %reduce_sum3A_2052 : vector<16xi32>, vector<16xi1> -> vector<16xi32>
      %reduce_sum3A_2054 = vector.extract %reduce_sum3A_2053[15] : i32 from vector<16xi32>
      %rem3A_2055 = arith.constant 8 : i32
      %rem3A_2056 = arith.remsi %reduce_sum3A_2054, %rem3A_2055 : i32
      %mul3A_2057 = arith.constant 16 : i32
      %mul3A_2058 = arith.muli %scan3A_24, %mul3A_2057 : i32
      %add3A_2059 = arith.constant 3 : i32
      %add3A_2060 = arith.addi %mul3A_2058, %add3A_2059 : i32
      %get3A_2061 = arith.index_cast %reduce_sum3A_2054 : i32 to index
      %get3A_2062 = arith.constant 0 : index
      %get3A_2063 = tpu.vector_load %arg12[%get3A_2061, %get3A_2062] {strides = array<i32>} : memref<100x64xf32, #tpu.memory_space<vmem>>, vector<16xf32>,
      %swap3A_2064 = arith.index_cast %add3A_2060 : i32 to index
      %swap3A_2065 = arith.constant 0 : index
      %swap3A_2066 = tpu.vector_load %arg16[%swap3A_2064, %swap3A_2065] {strides = array<i32>} : memref<128x128xf32, #tpu.memory_space<vmem>>, vector<16xf32>,
      tpu.vector_store %arg16[%swap3A_2064, %swap3A_2065], %get3A_2063 {strides = array<i32>} : memref<128x128xf32, #tpu.memory_space<vmem>>, vector<16xf32>,
      %get3A_2067 = arith.constant 3 : i32
      %get3A_2068 = arith.index_cast %get3A_2067 : i32 to index
      %get3A_2069 = arith.index_cast %rem3A_2056 : i32 to index
      %get3A_2070 = arith.constant 0 : index
      %get3A_2071 = tpu.vector_load %arg14[%get3A_2068, %get3A_2069, %get3A_2070] {strides = array<i32>} : memref<16x8x64xf32, #tpu.memory_space<vmem>>, vector<16xf32>,
      %swap3A_2072 = arith.index_cast %add3A_2060 : i32 to index
      %swap3A_2073 = arith.constant 64 : index
      %swap3A_2074 = tpu.vector_load %arg16[%swap3A_2072, %swap3A_2073] {strides = array<i32>} : memref<128x128xf32, #tpu.memory_space<vmem>>, vector<16xf32>,
      tpu.vector_store %arg16[%swap3A_2072, %swap3A_2073], %get3A_2071 {strides = array<i32>} : memref<128x128xf32, #tpu.memory_space<vmem>>, vector<16xf32>,
      %get3A_2075 = arith.index_cast %reduce_sum3A_2054 : i32 to index
      %get3A_2076 = arith.constant 0 : index
      %get3A_2077 = tpu.vector_load %arg13[%get3A_2075, %get3A_2076] {strides = array<i32>} : memref<100x64xf32, #tpu.memory_space<vmem>>, vector<16xf32>,
      %swap3A_2078 = arith.index_cast %add3A_2060 : i32 to index
      %swap3A_2079 = arith.constant 0 : index
      %swap3A_2080 = tpu.vector_load %arg17[%swap3A_2078, %swap3A_2079] {strides = array<i32>} : memref<128x128xf32, #tpu.memory_space<vmem>>, vector<16xf32>,
      tpu.vector_store %arg17[%swap3A_2078, %swap3A_2079], %get3A_2077 {strides = array<i32>} : memref<128x128xf32, #tpu.memory_space<vmem>>, vector<16xf32>,
      %get3A_2081 = arith.constant 3 : i32
      %get3A_2082 = arith.index_cast %get3A_2081 : i32 to index
      %get3A_2083 = arith.index_cast %rem3A_2056 : i32 to index
      %get3A_2084 = arith.constant 0 : index
      %get3A_2085 = tpu.vector_load %arg15[%get3A_2082, %get3A_2083, %get3A_2084] {strides = array<i32>} : memref<16x8x64xf32, #tpu.memory_space<vmem>>, vector<16xf32>,
      %swap3A_2086 = arith.index_cast %add3A_2060 : i32 to index
      %swap3A_2087 = arith.constant 64 : index
      %swap3A_2088 = tpu.vector_load %arg17[%swap3A_2086, %swap3A_2087] {strides = array<i32>} : memref<128x128xf32, #tpu.memory_space<vmem>>, vector<16xf32>,
      tpu.vector_store %arg17[%swap3A_2086, %swap3A_2087], %get3A_2085 {strides = array<i32>} : memref<128x128xf32, #tpu.memory_space<vmem>>, vector<16xf32>,
      %get3A_2089 = arith.index_cast %reduce_sum3A_2054 : i32 to index
      %get3A_2090 = arith.constant 16 : index
      %get3A_2091 = tpu.vector_load %arg12[%get3A_2089, %get3A_2090] {strides = array<i32>} : memref<100x64xf32, #tpu.memory_space<vmem>>, vector<16xf32>,
      %swap3A_2092 = arith.index_cast %add3A_2060 : i32 to index
      %swap3A_2093 = arith.constant 16 : index
      %swap3A_2094 = tpu.vector_load %arg16[%swap3A_2092, %swap3A_2093] {strides = array<i32>} : memref<128x128xf32, #tpu.memory_space<vmem>>, vector<16xf32>,
      tpu.vector_store %arg16[%swap3A_2092, %swap3A_2093], %get3A_2091 {strides = array<i32>} : memref<128x128xf32, #tpu.memory_space<vmem>>, vector<16xf32>,
      %get3A_2095 = arith.constant 3 : i32
      %get3A_2096 = arith.index_cast %get3A_2095 : i32 to index
      %get3A_2097 = arith.index_cast %rem3A_2056 : i32 to index
      %get3A_2098 = arith.constant 16 : index
      %get3A_2099 = tpu.vector_load %arg14[%get3A_2096, %get3A_2097, %get3A_2098] {strides = array<i32>} : memref<16x8x64xf32, #tpu.memory_space<vmem>>, vector<16xf32>,
      %swap3A_2100 = arith.index_cast %add3A_2060 : i32 to index
      %swap3A_2101 = arith.constant 80 : index
      %swap3A_2102 = tpu.vector_load %arg16[%swap3A_2100, %swap3A_2101] {strides = array<i32>} : memref<128x128xf32, #tpu.memory_space<vmem>>, vector<16xf32>,
      tpu.vector_store %arg16[%swap3A_2100, %swap3A_2101], %get3A_2099 {strides = array<i32>} : memref<128x128xf32, #tpu.memory_space<vmem>>, vector<16xf32>,
      %get3A_2103 = arith.index_cast %reduce_sum3A_2054 : i32 to index
      %get3A_2104 = arith.constant 16 : index
      %get3A_2105 = tpu.vector_load %arg13[%get3A_2103, %get3A_2104] {strides = array<i32>} : memref<100x64xf32, #tpu.memory_space<vmem>>, vector<16xf32>,
      %swap3A_2106 = arith.index_cast %add3A_2060 : i32 to index
      %swap3A_2107 = arith.constant 16 : index
      %swap3A_2108 = tpu.vector_load %arg17[%swap3A_2106, %swap3A_2107] {strides = array<i32>} : memref<128x128xf32, #tpu.memory_space<vmem>>, vector<16xf32>,
      tpu.vector_store %arg17[%swap3A_2106, %swap3A_2107], %get3A_2105 {strides = array<i32>} : memref<128x128xf32, #tpu.memory_space<vmem>>, vector<16xf32>,
      %get3A_2109 = arith.constant 3 : i32
      %get3A_2110 = arith.index_cast %get3A_2109 : i32 to index
      %get3A_2111 = arith.index_cast %rem3A_2056 : i32 to index
      %get3A_2112 = arith.constant 16 : index
      %get3A_2113 = tpu.vector_load %arg15[%get3A_2110, %get3A_2111, %get3A_2112] {strides = array<i32>} : memref<16x8x64xf32, #tpu.memory_space<vmem>>, vector<16xf32>,
      %swap3A_2114 = arith.index_cast %add3A_2060 : i32 to index
      %swap3A_2115 = arith.constant 80 : index
      %swap3A_2116 = tpu.vector_load %arg17[%swap3A_2114, %swap3A_2115] {strides = array<i32>} : memref<128x128xf32, #tpu.memory_space<vmem>>, vector<16xf32>,
      tpu.vector_store %arg17[%swap3A_2114, %swap3A_2115], %get3A_2113 {strides = array<i32>} : memref<128x128xf32, #tpu.memory_space<vmem>>, vector<16xf32>,
      %get3A_2117 = arith.index_cast %reduce_sum3A_2054 : i32 to index
      %get3A_2118 = arith.constant 32 : index
      %get3A_2119 = tpu.vector_load %arg12[%get3A_2117, %get3A_2118] {strides = array<i32>} : memref<100x64xf32, #tpu.memory_space<vmem>>, vector<16xf32>,
      %swap3A_2120 = arith.index_cast %add3A_2060 : i32 to index
      %swap3A_2121 = arith.constant 32 : index
      %swap3A_2122 = tpu.vector_load %arg16[%swap3A_2120, %swap3A_2121] {strides = array<i32>} : memref<128x128xf32, #tpu.memory_space<vmem>>, vector<16xf32>,
      tpu.vector_store %arg16[%swap3A_2120, %swap3A_2121], %get3A_2119 {strides = array<i32>} : memref<128x128xf32, #tpu.memory_space<vmem>>, vector<16xf32>,
      %get3A_2123 = arith.constant 3 : i32
      %get3A_2124 = arith.index_cast %get3A_2123 : i32 to index
      %get3A_2125 = arith.index_cast %rem3A_2056 : i32 to index
      %get3A_2126 = arith.constant 32 : index
      %get3A_2127 = tpu.vector_load %arg14[%get3A_2124, %get3A_2125, %get3A_2126] {strides = array<i32>} : memref<16x8x64xf32, #tpu.memory_space<vmem>>, vector<16xf32>,
      %swap3A_2128 = arith.index_cast %add3A_2060 : i32 to index
      %swap3A_2129 = arith.constant 96 : index
      %swap3A_2130 = tpu.vector_load %arg16[%swap3A_2128, %swap3A_2129] {strides = array<i32>} : memref<128x128xf32, #tpu.memory_space<vmem>>, vector<16xf32>,
      tpu.vector_store %arg16[%swap3A_2128, %swap3A_2129], %get3A_2127 {strides = array<i32>} : memref<128x128xf32, #tpu.memory_space<vmem>>, vector<16xf32>,
      %get3A_2131 = arith.index_cast %reduce_sum3A_2054 : i32 to index
      %get3A_2132 = arith.constant 32 : index
      %get3A_2133 = tpu.vector_load %arg13[%get3A_2131, %get3A_2132] {strides = array<i32>} : memref<100x64xf32, #tpu.memory_space<vmem>>, vector<16xf32>,
      %swap3A_2134 = arith.index_cast %add3A_2060 : i32 to index
      %swap3A_2135 = arith.constant 32 : index
      %swap3A_2136 = tpu.vector_load %arg17[%swap3A_2134, %swap3A_2135] {strides = array<i32>} : memref<128x128xf32, #tpu.memory_space<vmem>>, vector<16xf32>,
      tpu.vector_store %arg17[%swap3A_2134, %swap3A_2135], %get3A_2133 {strides = array<i32>} : memref<128x128xf32, #tpu.memory_space<vmem>>, vector<16xf32>,
      %get3A_2137 = arith.constant 3 : i32
      %get3A_2138 = arith.index_cast %get3A_2137 : i32 to index
      %get3A_2139 = arith.index_cast %rem3A_2056 : i32 to index
      %get3A_2140 = arith.constant 32 : index
      %get3A_2141 = tpu.vector_load %arg15[%get3A_2138, %get3A_2139, %get3A_2140] {strides = array<i32>} : memref<16x8x64xf32, #tpu.memory_space<vmem>>, vector<16xf32>,
      %swap3A_2142 = arith.index_cast %add3A_2060 : i32 to index
      %swap3A_2143 = arith.constant 96 : index
      %swap3A_2144 = tpu.vector_load %arg17[%swap3A_2142, %swap3A_2143] {strides = array<i32>} : memref<128x128xf32, #tpu.memory_space<vmem>>, vector<16xf32>,
      tpu.vector_store %arg17[%swap3A_2142, %swap3A_2143], %get3A_2141 {strides = array<i32>} : memref<128x128xf32, #tpu.memory_space<vmem>>, vector<16xf32>,
      %get3A_2145 = arith.index_cast %reduce_sum3A_2054 : i32 to index
      %get3A_2146 = arith.constant 48 : index
      %get3A_2147 = tpu.vector_load %arg12[%get3A_2145, %get3A_2146] {strides = array<i32>} : memref<100x64xf32, #tpu.memory_space<vmem>>, vector<16xf32>,
      %swap3A_2148 = arith.index_cast %add3A_2060 : i32 to index
      %swap3A_2149 = arith.constant 48 : index
      %swap3A_2150 = tpu.vector_load %arg16[%swap3A_2148, %swap3A_2149] {strides = array<i32>} : memref<128x128xf32, #tpu.memory_space<vmem>>, vector<16xf32>,
      tpu.vector_store %arg16[%swap3A_2148, %swap3A_2149], %get3A_2147 {strides = array<i32>} : memref<128x128xf32, #tpu.memory_space<vmem>>, vector<16xf32>,
      %get3A_2151 = arith.constant 3 : i32
      %get3A_2152 = arith.index_cast %get3A_2151 : i32 to index
      %get3A_2153 = arith.index_cast %rem3A_2056 : i32 to index
      %get3A_2154 = arith.constant 48 : index
      %get3A_2155 = tpu.vector_load %arg14[%get3A_2152, %get3A_2153, %get3A_2154] {strides = array<i32>} : memref<16x8x64xf32, #tpu.memory_space<vmem>>, vector<16xf32>,
      %swap3A_2156 = arith.index_cast %add3A_2060 : i32 to index
      %swap3A_2157 = arith.constant 112 : index
      %swap3A_2158 = tpu.vector_load %arg16[%swap3A_2156, %swap3A_2157] {strides = array<i32>} : memref<128x128xf32, #tpu.memory_space<vmem>>, vector<16xf32>,
      tpu.vector_store %arg16[%swap3A_2156, %swap3A_2157], %get3A_2155 {strides = array<i32>} : memref<128x128xf32, #tpu.memory_space<vmem>>, vector<16xf32>,
      %get3A_2159 = arith.index_cast %reduce_sum3A_2054 : i32 to index
      %get3A_2160 = arith.constant 48 : index
      %get3A_2161 = tpu.vector_load %arg13[%get3A_2159, %get3A_2160] {strides = array<i32>} : memref<100x64xf32, #tpu.memory_space<vmem>>, vector<16xf32>,
      %swap3A_2162 = arith.index_cast %add3A_2060 : i32 to index
      %swap3A_2163 = arith.constant 48 : index
      %swap3A_2164 = tpu.vector_load %arg17[%swap3A_2162, %swap3A_2163] {strides = array<i32>} : memref<128x128xf32, #tpu.memory_space<vmem>>, vector<16xf32>,
      tpu.vector_store %arg17[%swap3A_2162, %swap3A_2163], %get3A_2161 {strides = array<i32>} : memref<128x128xf32, #tpu.memory_space<vmem>>, vector<16xf32>,
      %get3A_2165 = arith.constant 3 : i32
      %get3A_2166 = arith.index_cast %get3A_2165 : i32 to index
      %get3A_2167 = arith.index_cast %rem3A_2056 : i32 to index
      %get3A_2168 = arith.constant 48 : index
      %get3A_2169 = tpu.vector_load %arg15[%get3A_2166, %get3A_2167, %get3A_2168] {strides = array<i32>} : memref<16x8x64xf32, #tpu.memory_space<vmem>>, vector<16xf32>,
      %swap3A_2170 = arith.index_cast %add3A_2060 : i32 to index
      %swap3A_2171 = arith.constant 112 : index
      %swap3A_2172 = tpu.vector_load %arg17[%swap3A_2170, %swap3A_2171] {strides = array<i32>} : memref<128x128xf32, #tpu.memory_space<vmem>>, vector<16xf32>,
      tpu.vector_store %arg17[%swap3A_2170, %swap3A_2171], %get3A_2169 {strides = array<i32>} : memref<128x128xf32, #tpu.memory_space<vmem>>, vector<16xf32>,
      %eq3A_2173 = arith.constant 4 : i32
      %eq3A_2174 = vector.broadcast %eq3A_2173 : i32 to vector<16xi32>
      %eq3A_2175 = arith.cmpi eq, %iota3A, %eq3A_2174 : vector<16xi32>
      %select_n3A_2176 = arith.select %eq3A_2175, %get3A_32, %broadcast_in_dim3A_3 : vector<16xi1>, vector<16xi32>
      %reduce_sum3A_2177 = arith.constant true
      %reduce_sum3A_2178 = vector.broadcast %reduce_sum3A_2177 : i1 to vector<16xi1>
      %reduce_sum3A_2179 = tpu.scan <sum>, %select_n3A_2176 masked %reduce_sum3A_2178 : vector<16xi32>, vector<16xi1> -> vector<16xi32>
      %reduce_sum3A_2180 = vector.extract %reduce_sum3A_2179[15] : i32 from vector<16xi32>
      %rem3A_2181 = arith.constant 8 : i32
      %rem3A_2182 = arith.remsi %reduce_sum3A_2180, %rem3A_2181 : i32
      %mul3A_2183 = arith.constant 16 : i32
      %mul3A_2184 = arith.muli %scan3A_24, %mul3A_2183 : i32
      %add3A_2185 = arith.constant 4 : i32
      %add3A_2186 = arith.addi %mul3A_2184, %add3A_2185 : i32
      %get3A_2187 = arith.index_cast %reduce_sum3A_2180 : i32 to index
      %get3A_2188 = arith.constant 0 : index
      %get3A_2189 = tpu.vector_load %arg12[%get3A_2187, %get3A_2188] {strides = array<i32>} : memref<100x64xf32, #tpu.memory_space<vmem>>, vector<16xf32>,
      %swap3A_2190 = arith.index_cast %add3A_2186 : i32 to index
      %swap3A_2191 = arith.constant 0 : index
      %swap3A_2192 = tpu.vector_load %arg16[%swap3A_2190, %swap3A_2191] {strides = array<i32>} : memref<128x128xf32, #tpu.memory_space<vmem>>, vector<16xf32>,
      tpu.vector_store %arg16[%swap3A_2190, %swap3A_2191], %get3A_2189 {strides = array<i32>} : memref<128x128xf32, #tpu.memory_space<vmem>>, vector<16xf32>,
      %get3A_2193 = arith.constant 4 : i32
      %get3A_2194 = arith.index_cast %get3A_2193 : i32 to index
      %get3A_2195 = arith.index_cast %rem3A_2182 : i32 to index
      %get3A_2196 = arith.constant 0 : index
      %get3A_2197 = tpu.vector_load %arg14[%get3A_2194, %get3A_2195, %get3A_2196] {strides = array<i32>} : memref<16x8x64xf32, #tpu.memory_space<vmem>>, vector<16xf32>,
      %swap3A_2198 = arith.index_cast %add3A_2186 : i32 to index
      %swap3A_2199 = arith.constant 64 : index
      %swap3A_2200 = tpu.vector_load %arg16[%swap3A_2198, %swap3A_2199] {strides = array<i32>} : memref<128x128xf32, #tpu.memory_space<vmem>>, vector<16xf32>,
      tpu.vector_store %arg16[%swap3A_2198, %swap3A_2199], %get3A_2197 {strides = array<i32>} : memref<128x128xf32, #tpu.memory_space<vmem>>, vector<16xf32>,
      %get3A_2201 = arith.index_cast %reduce_sum3A_2180 : i32 to index
      %get3A_2202 = arith.constant 0 : index
      %get3A_2203 = tpu.vector_load %arg13[%get3A_2201, %get3A_2202] {strides = array<i32>} : memref<100x64xf32, #tpu.memory_space<vmem>>, vector<16xf32>,
      %swap3A_2204 = arith.index_cast %add3A_2186 : i32 to index
      %swap3A_2205 = arith.constant 0 : index
      %swap3A_2206 = tpu.vector_load %arg17[%swap3A_2204, %swap3A_2205] {strides = array<i32>} : memref<128x128xf32, #tpu.memory_space<vmem>>, vector<16xf32>,
      tpu.vector_store %arg17[%swap3A_2204, %swap3A_2205], %get3A_2203 {strides = array<i32>} : memref<128x128xf32, #tpu.memory_space<vmem>>, vector<16xf32>,
      %get3A_2207 = arith.constant 4 : i32
      %get3A_2208 = arith.index_cast %get3A_2207 : i32 to index
      %get3A_2209 = arith.index_cast %rem3A_2182 : i32 to index
      %get3A_2210 = arith.constant 0 : index
      %get3A_2211 = tpu.vector_load %arg15[%get3A_2208, %get3A_2209, %get3A_2210] {strides = array<i32>} : memref<16x8x64xf32, #tpu.memory_space<vmem>>, vector<16xf32>,
      %swap3A_2212 = arith.index_cast %add3A_2186 : i32 to index
      %swap3A_2213 = arith.constant 64 : index
      %swap3A_2214 = tpu.vector_load %arg17[%swap3A_2212, %swap3A_2213] {strides = array<i32>} : memref<128x128xf32, #tpu.memory_space<vmem>>, vector<16xf32>,
      tpu.vector_store %arg17[%swap3A_2212, %swap3A_2213], %get3A_2211 {strides = array<i32>} : memref<128x128xf32, #tpu.memory_space<vmem>>, vector<16xf32>,
      %get3A_2215 = arith.index_cast %reduce_sum3A_2180 : i32 to index
      %get3A_2216 = arith.constant 16 : index
      %get3A_2217 = tpu.vector_load %arg12[%get3A_2215, %get3A_2216] {strides = array<i32>} : memref<100x64xf32, #tpu.memory_space<vmem>>, vector<16xf32>,
      %swap3A_2218 = arith.index_cast %add3A_2186 : i32 to index
      %swap3A_2219 = arith.constant 16 : index
      %swap3A_2220 = tpu.vector_load %arg16[%swap3A_2218, %swap3A_2219] {strides = array<i32>} : memref<128x128xf32, #tpu.memory_space<vmem>>, vector<16xf32>,
      tpu.vector_store %arg16[%swap3A_2218, %swap3A_2219], %get3A_2217 {strides = array<i32>} : memref<128x128xf32, #tpu.memory_space<vmem>>, vector<16xf32>,
      %get3A_2221 = arith.constant 4 : i32
      %get3A_2222 = arith.index_cast %get3A_2221 : i32 to index
      %get3A_2223 = arith.index_cast %rem3A_2182 : i32 to index
      %get3A_2224 = arith.constant 16 : index
      %get3A_2225 = tpu.vector_load %arg14[%get3A_2222, %get3A_2223, %get3A_2224] {strides = array<i32>} : memref<16x8x64xf32, #tpu.memory_space<vmem>>, vector<16xf32>,
      %swap3A_2226 = arith.index_cast %add3A_2186 : i32 to index
      %swap3A_2227 = arith.constant 80 : index
      %swap3A_2228 = tpu.vector_load %arg16[%swap3A_2226, %swap3A_2227] {strides = array<i32>} : memref<128x128xf32, #tpu.memory_space<vmem>>, vector<16xf32>,
      tpu.vector_store %arg16[%swap3A_2226, %swap3A_2227], %get3A_2225 {strides = array<i32>} : memref<128x128xf32, #tpu.memory_space<vmem>>, vector<16xf32>,
      %get3A_2229 = arith.index_cast %reduce_sum3A_2180 : i32 to index
      %get3A_2230 = arith.constant 16 : index
      %get3A_2231 = tpu.vector_load %arg13[%get3A_2229, %get3A_2230] {strides = array<i32>} : memref<100x64xf32, #tpu.memory_space<vmem>>, vector<16xf32>,
      %swap3A_2232 = arith.index_cast %add3A_2186 : i32 to index
      %swap3A_2233 = arith.constant 16 : index
      %swap3A_2234 = tpu.vector_load %arg17[%swap3A_2232, %swap3A_2233] {strides = array<i32>} : memref<128x128xf32, #tpu.memory_space<vmem>>, vector<16xf32>,
      tpu.vector_store %arg17[%swap3A_2232, %swap3A_2233], %get3A_2231 {strides = array<i32>} : memref<128x128xf32, #tpu.memory_space<vmem>>, vector<16xf32>,
      %get3A_2235 = arith.constant 4 : i32
      %get3A_2236 = arith.index_cast %get3A_2235 : i32 to index
      %get3A_2237 = arith.index_cast %rem3A_2182 : i32 to index
      %get3A_2238 = arith.constant 16 : index
      %get3A_2239 = tpu.vector_load %arg15[%get3A_2236, %get3A_2237, %get3A_2238] {strides = array<i32>} : memref<16x8x64xf32, #tpu.memory_space<vmem>>, vector<16xf32>,
      %swap3A_2240 = arith.index_cast %add3A_2186 : i32 to index
      %swap3A_2241 = arith.constant 80 : index
      %swap3A_2242 = tpu.vector_load %arg17[%swap3A_2240, %swap3A_2241] {strides = array<i32>} : memref<128x128xf32, #tpu.memory_space<vmem>>, vector<16xf32>,
      tpu.vector_store %arg17[%swap3A_2240, %swap3A_2241], %get3A_2239 {strides = array<i32>} : memref<128x128xf32, #tpu.memory_space<vmem>>, vector<16xf32>,
      %get3A_2243 = arith.index_cast %reduce_sum3A_2180 : i32 to index
      %get3A_2244 = arith.constant 32 : index
      %get3A_2245 = tpu.vector_load %arg12[%get3A_2243, %get3A_2244] {strides = array<i32>} : memref<100x64xf32, #tpu.memory_space<vmem>>, vector<16xf32>,
      %swap3A_2246 = arith.index_cast %add3A_2186 : i32 to index
      %swap3A_2247 = arith.constant 32 : index
      %swap3A_2248 = tpu.vector_load %arg16[%swap3A_2246, %swap3A_2247] {strides = array<i32>} : memref<128x128xf32, #tpu.memory_space<vmem>>, vector<16xf32>,
      tpu.vector_store %arg16[%swap3A_2246, %swap3A_2247], %get3A_2245 {strides = array<i32>} : memref<128x128xf32, #tpu.memory_space<vmem>>, vector<16xf32>,
      %get3A_2249 = arith.constant 4 : i32
      %get3A_2250 = arith.index_cast %get3A_2249 : i32 to index
      %get3A_2251 = arith.index_cast %rem3A_2182 : i32 to index
      %get3A_2252 = arith.constant 32 : index
      %get3A_2253 = tpu.vector_load %arg14[%get3A_2250, %get3A_2251, %get3A_2252] {strides = array<i32>} : memref<16x8x64xf32, #tpu.memory_space<vmem>>, vector<16xf32>,
      %swap3A_2254 = arith.index_cast %add3A_2186 : i32 to index
      %swap3A_2255 = arith.constant 96 : index
      %swap3A_2256 = tpu.vector_load %arg16[%swap3A_2254, %swap3A_2255] {strides = array<i32>} : memref<128x128xf32, #tpu.memory_space<vmem>>, vector<16xf32>,
      tpu.vector_store %arg16[%swap3A_2254, %swap3A_2255], %get3A_2253 {strides = array<i32>} : memref<128x128xf32, #tpu.memory_space<vmem>>, vector<16xf32>,
      %get3A_2257 = arith.index_cast %reduce_sum3A_2180 : i32 to index
      %get3A_2258 = arith.constant 32 : index
      %get3A_2259 = tpu.vector_load %arg13[%get3A_2257, %get3A_2258] {strides = array<i32>} : memref<100x64xf32, #tpu.memory_space<vmem>>, vector<16xf32>,
      %swap3A_2260 = arith.index_cast %add3A_2186 : i32 to index
      %swap3A_2261 = arith.constant 32 : index
      %swap3A_2262 = tpu.vector_load %arg17[%swap3A_2260, %swap3A_2261] {strides = array<i32>} : memref<128x128xf32, #tpu.memory_space<vmem>>, vector<16xf32>,
      tpu.vector_store %arg17[%swap3A_2260, %swap3A_2261], %get3A_2259 {strides = array<i32>} : memref<128x128xf32, #tpu.memory_space<vmem>>, vector<16xf32>,
      %get3A_2263 = arith.constant 4 : i32
      %get3A_2264 = arith.index_cast %get3A_2263 : i32 to index
      %get3A_2265 = arith.index_cast %rem3A_2182 : i32 to index
      %get3A_2266 = arith.constant 32 : index
      %get3A_2267 = tpu.vector_load %arg15[%get3A_2264, %get3A_2265, %get3A_2266] {strides = array<i32>} : memref<16x8x64xf32, #tpu.memory_space<vmem>>, vector<16xf32>,
      %swap3A_2268 = arith.index_cast %add3A_2186 : i32 to index
      %swap3A_2269 = arith.constant 96 : index
      %swap3A_2270 = tpu.vector_load %arg17[%swap3A_2268, %swap3A_2269] {strides = array<i32>} : memref<128x128xf32, #tpu.memory_space<vmem>>, vector<16xf32>,
      tpu.vector_store %arg17[%swap3A_2268, %swap3A_2269], %get3A_2267 {strides = array<i32>} : memref<128x128xf32, #tpu.memory_space<vmem>>, vector<16xf32>,
      %get3A_2271 = arith.index_cast %reduce_sum3A_2180 : i32 to index
      %get3A_2272 = arith.constant 48 : index
      %get3A_2273 = tpu.vector_load %arg12[%get3A_2271, %get3A_2272] {strides = array<i32>} : memref<100x64xf32, #tpu.memory_space<vmem>>, vector<16xf32>,
      %swap3A_2274 = arith.index_cast %add3A_2186 : i32 to index
      %swap3A_2275 = arith.constant 48 : index
      %swap3A_2276 = tpu.vector_load %arg16[%swap3A_2274, %swap3A_2275] {strides = array<i32>} : memref<128x128xf32, #tpu.memory_space<vmem>>, vector<16xf32>,
      tpu.vector_store %arg16[%swap3A_2274, %swap3A_2275], %get3A_2273 {strides = array<i32>} : memref<128x128xf32, #tpu.memory_space<vmem>>, vector<16xf32>,
      %get3A_2277 = arith.constant 4 : i32
      %get3A_2278 = arith.index_cast %get3A_2277 : i32 to index
      %get3A_2279 = arith.index_cast %rem3A_2182 : i32 to index
      %get3A_2280 = arith.constant 48 : index
      %get3A_2281 = tpu.vector_load %arg14[%get3A_2278, %get3A_2279, %get3A_2280] {strides = array<i32>} : memref<16x8x64xf32, #tpu.memory_space<vmem>>, vector<16xf32>,
      %swap3A_2282 = arith.index_cast %add3A_2186 : i32 to index
      %swap3A_2283 = arith.constant 112 : index
      %swap3A_2284 = tpu.vector_load %arg16[%swap3A_2282, %swap3A_2283] {strides = array<i32>} : memref<128x128xf32, #tpu.memory_space<vmem>>, vector<16xf32>,
      tpu.vector_store %arg16[%swap3A_2282, %swap3A_2283], %get3A_2281 {strides = array<i32>} : memref<128x128xf32, #tpu.memory_space<vmem>>, vector<16xf32>,
      %get3A_2285 = arith.index_cast %reduce_sum3A_2180 : i32 to index
      %get3A_2286 = arith.constant 48 : index
      %get3A_2287 = tpu.vector_load %arg13[%get3A_2285, %get3A_2286] {strides = array<i32>} : memref<100x64xf32, #tpu.memory_space<vmem>>, vector<16xf32>,
      %swap3A_2288 = arith.index_cast %add3A_2186 : i32 to index
      %swap3A_2289 = arith.constant 48 : index
      %swap3A_2290 = tpu.vector_load %arg17[%swap3A_2288, %swap3A_2289] {strides = array<i32>} : memref<128x128xf32, #tpu.memory_space<vmem>>, vector<16xf32>,
      tpu.vector_store %arg17[%swap3A_2288, %swap3A_2289], %get3A_2287 {strides = array<i32>} : memref<128x128xf32, #tpu.memory_space<vmem>>, vector<16xf32>,
      %get3A_2291 = arith.constant 4 : i32
      %get3A_2292 = arith.index_cast %get3A_2291 : i32 to index
      %get3A_2293 = arith.index_cast %rem3A_2182 : i32 to index
      %get3A_2294 = arith.constant 48 : index
      %get3A_2295 = tpu.vector_load %arg15[%get3A_2292, %get3A_2293, %get3A_2294] {strides = array<i32>} : memref<16x8x64xf32, #tpu.memory_space<vmem>>, vector<16xf32>,
      %swap3A_2296 = arith.index_cast %add3A_2186 : i32 to index
      %swap3A_2297 = arith.constant 112 : index
      %swap3A_2298 = tpu.vector_load %arg17[%swap3A_2296, %swap3A_2297] {strides = array<i32>} : memref<128x128xf32, #tpu.memory_space<vmem>>, vector<16xf32>,
      tpu.vector_store %arg17[%swap3A_2296, %swap3A_2297], %get3A_2295 {strides = array<i32>} : memref<128x128xf32, #tpu.memory_space<vmem>>, vector<16xf32>,
      %eq3A_2299 = arith.constant 5 : i32
      %eq3A_2300 = vector.broadcast %eq3A_2299 : i32 to vector<16xi32>
      %eq3A_2301 = arith.cmpi eq, %iota3A, %eq3A_2300 : vector<16xi32>
      %select_n3A_2302 = arith.select %eq3A_2301, %get3A_32, %broadcast_in_dim3A_3 : vector<16xi1>, vector<16xi32>
      %reduce_sum3A_2303 = arith.constant true
      %reduce_sum3A_2304 = vector.broadcast %reduce_sum3A_2303 : i1 to vector<16xi1>
      %reduce_sum3A_2305 = tpu.scan <sum>, %select_n3A_2302 masked %reduce_sum3A_2304 : vector<16xi32>, vector<16xi1> -> vector<16xi32>
      %reduce_sum3A_2306 = vector.extract %reduce_sum3A_2305[15] : i32 from vector<16xi32>
      %rem3A_2307 = arith.constant 8 : i32
      %rem3A_2308 = arith.remsi %reduce_sum3A_2306, %rem3A_2307 : i32
      %mul3A_2309 = arith.constant 16 : i32
      %mul3A_2310 = arith.muli %scan3A_24, %mul3A_2309 : i32
      %add3A_2311 = arith.constant 5 : i32
      %add3A_2312 = arith.addi %mul3A_2310, %add3A_2311 : i32
      %get3A_2313 = arith.index_cast %reduce_sum3A_2306 : i32 to index
      %get3A_2314 = arith.constant 0 : index
      %get3A_2315 = tpu.vector_load %arg12[%get3A_2313, %get3A_2314] {strides = array<i32>} : memref<100x64xf32, #tpu.memory_space<vmem>>, vector<16xf32>,
      %swap3A_2316 = arith.index_cast %add3A_2312 : i32 to index
      %swap3A_2317 = arith.constant 0 : index
      %swap3A_2318 = tpu.vector_load %arg16[%swap3A_2316, %swap3A_2317] {strides = array<i32>} : memref<128x128xf32, #tpu.memory_space<vmem>>, vector<16xf32>,
      tpu.vector_store %arg16[%swap3A_2316, %swap3A_2317], %get3A_2315 {strides = array<i32>} : memref<128x128xf32, #tpu.memory_space<vmem>>, vector<16xf32>,
      %get3A_2319 = arith.constant 5 : i32
      %get3A_2320 = arith.index_cast %get3A_2319 : i32 to index
      %get3A_2321 = arith.index_cast %rem3A_2308 : i32 to index
      %get3A_2322 = arith.constant 0 : index
      %get3A_2323 = tpu.vector_load %arg14[%get3A_2320, %get3A_2321, %get3A_2322] {strides = array<i32>} : memref<16x8x64xf32, #tpu.memory_space<vmem>>, vector<16xf32>,
      %swap3A_2324 = arith.index_cast %add3A_2312 : i32 to index
      %swap3A_2325 = arith.constant 64 : index
      %swap3A_2326 = tpu.vector_load %arg16[%swap3A_2324, %swap3A_2325] {strides = array<i32>} : memref<128x128xf32, #tpu.memory_space<vmem>>, vector<16xf32>,
      tpu.vector_store %arg16[%swap3A_2324, %swap3A_2325], %get3A_2323 {strides = array<i32>} : memref<128x128xf32, #tpu.memory_space<vmem>>, vector<16xf32>,
      %get3A_2327 = arith.index_cast %reduce_sum3A_2306 : i32 to index
      %get3A_2328 = arith.constant 0 : index
      %get3A_2329 = tpu.vector_load %arg13[%get3A_2327, %get3A_2328] {strides = array<i32>} : memref<100x64xf32, #tpu.memory_space<vmem>>, vector<16xf32>,
      %swap3A_2330 = arith.index_cast %add3A_2312 : i32 to index
      %swap3A_2331 = arith.constant 0 : index
      %swap3A_2332 = tpu.vector_load %arg17[%swap3A_2330, %swap3A_2331] {strides = array<i32>} : memref<128x128xf32, #tpu.memory_space<vmem>>, vector<16xf32>,
      tpu.vector_store %arg17[%swap3A_2330, %swap3A_2331], %get3A_2329 {strides = array<i32>} : memref<128x128xf32, #tpu.memory_space<vmem>>, vector<16xf32>,
      %get3A_2333 = arith.constant 5 : i32
      %get3A_2334 = arith.index_cast %get3A_2333 : i32 to index
      %get3A_2335 = arith.index_cast %rem3A_2308 : i32 to index
      %get3A_2336 = arith.constant 0 : index
      %get3A_2337 = tpu.vector_load %arg15[%get3A_2334, %get3A_2335, %get3A_2336] {strides = array<i32>} : memref<16x8x64xf32, #tpu.memory_space<vmem>>, vector<16xf32>,
      %swap3A_2338 = arith.index_cast %add3A_2312 : i32 to index
      %swap3A_2339 = arith.constant 64 : index
      %swap3A_2340 = tpu.vector_load %arg17[%swap3A_2338, %swap3A_2339] {strides = array<i32>} : memref<128x128xf32, #tpu.memory_space<vmem>>, vector<16xf32>,
      tpu.vector_store %arg17[%swap3A_2338, %swap3A_2339], %get3A_2337 {strides = array<i32>} : memref<128x128xf32, #tpu.memory_space<vmem>>, vector<16xf32>,
      %get3A_2341 = arith.index_cast %reduce_sum3A_2306 : i32 to index
      %get3A_2342 = arith.constant 16 : index
      %get3A_2343 = tpu.vector_load %arg12[%get3A_2341, %get3A_2342] {strides = array<i32>} : memref<100x64xf32, #tpu.memory_space<vmem>>, vector<16xf32>,
      %swap3A_2344 = arith.index_cast %add3A_2312 : i32 to index
      %swap3A_2345 = arith.constant 16 : index
      %swap3A_2346 = tpu.vector_load %arg16[%swap3A_2344, %swap3A_2345] {strides = array<i32>} : memref<128x128xf32, #tpu.memory_space<vmem>>, vector<16xf32>,
      tpu.vector_store %arg16[%swap3A_2344, %swap3A_2345], %get3A_2343 {strides = array<i32>} : memref<128x128xf32, #tpu.memory_space<vmem>>, vector<16xf32>,
      %get3A_2347 = arith.constant 5 : i32
      %get3A_2348 = arith.index_cast %get3A_2347 : i32 to index
      %get3A_2349 = arith.index_cast %rem3A_2308 : i32 to index
      %get3A_2350 = arith.constant 16 : index
      %get3A_2351 = tpu.vector_load %arg14[%get3A_2348, %get3A_2349, %get3A_2350] {strides = array<i32>} : memref<16x8x64xf32, #tpu.memory_space<vmem>>, vector<16xf32>,
      %swap3A_2352 = arith.index_cast %add3A_2312 : i32 to index
      %swap3A_2353 = arith.constant 80 : index
      %swap3A_2354 = tpu.vector_load %arg16[%swap3A_2352, %swap3A_2353] {strides = array<i32>} : memref<128x128xf32, #tpu.memory_space<vmem>>, vector<16xf32>,
      tpu.vector_store %arg16[%swap3A_2352, %swap3A_2353], %get3A_2351 {strides = array<i32>} : memref<128x128xf32, #tpu.memory_space<vmem>>, vector<16xf32>,
      %get3A_2355 = arith.index_cast %reduce_sum3A_2306 : i32 to index
      %get3A_2356 = arith.constant 16 : index
      %get3A_2357 = tpu.vector_load %arg13[%get3A_2355, %get3A_2356] {strides = array<i32>} : memref<100x64xf32, #tpu.memory_space<vmem>>, vector<16xf32>,
      %swap3A_2358 = arith.index_cast %add3A_2312 : i32 to index
      %swap3A_2359 = arith.constant 16 : index
      %swap3A_2360 = tpu.vector_load %arg17[%swap3A_2358, %swap3A_2359] {strides = array<i32>} : memref<128x128xf32, #tpu.memory_space<vmem>>, vector<16xf32>,
      tpu.vector_store %arg17[%swap3A_2358, %swap3A_2359], %get3A_2357 {strides = array<i32>} : memref<128x128xf32, #tpu.memory_space<vmem>>, vector<16xf32>,
      %get3A_2361 = arith.constant 5 : i32
      %get3A_2362 = arith.index_cast %get3A_2361 : i32 to index
      %get3A_2363 = arith.index_cast %rem3A_2308 : i32 to index
      %get3A_2364 = arith.constant 16 : index
      %get3A_2365 = tpu.vector_load %arg15[%get3A_2362, %get3A_2363, %get3A_2364] {strides = array<i32>} : memref<16x8x64xf32, #tpu.memory_space<vmem>>, vector<16xf32>,
      %swap3A_2366 = arith.index_cast %add3A_2312 : i32 to index
      %swap3A_2367 = arith.constant 80 : index
      %swap3A_2368 = tpu.vector_load %arg17[%swap3A_2366, %swap3A_2367] {strides = array<i32>} : memref<128x128xf32, #tpu.memory_space<vmem>>, vector<16xf32>,
      tpu.vector_store %arg17[%swap3A_2366, %swap3A_2367], %get3A_2365 {strides = array<i32>} : memref<128x128xf32, #tpu.memory_space<vmem>>, vector<16xf32>,
      %get3A_2369 = arith.index_cast %reduce_sum3A_2306 : i32 to index
      %get3A_2370 = arith.constant 32 : index
      %get3A_2371 = tpu.vector_load %arg12[%get3A_2369, %get3A_2370] {strides = array<i32>} : memref<100x64xf32, #tpu.memory_space<vmem>>, vector<16xf32>,
      %swap3A_2372 = arith.index_cast %add3A_2312 : i32 to index
      %swap3A_2373 = arith.constant 32 : index
      %swap3A_2374 = tpu.vector_load %arg16[%swap3A_2372, %swap3A_2373] {strides = array<i32>} : memref<128x128xf32, #tpu.memory_space<vmem>>, vector<16xf32>,
      tpu.vector_store %arg16[%swap3A_2372, %swap3A_2373], %get3A_2371 {strides = array<i32>} : memref<128x128xf32, #tpu.memory_space<vmem>>, vector<16xf32>,
      %get3A_2375 = arith.constant 5 : i32
      %get3A_2376 = arith.index_cast %get3A_2375 : i32 to index
      %get3A_2377 = arith.index_cast %rem3A_2308 : i32 to index
      %get3A_2378 = arith.constant 32 : index
      %get3A_2379 = tpu.vector_load %arg14[%get3A_2376, %get3A_2377, %get3A_2378] {strides = array<i32>} : memref<16x8x64xf32, #tpu.memory_space<vmem>>, vector<16xf32>,
      %swap3A_2380 = arith.index_cast %add3A_2312 : i32 to index
      %swap3A_2381 = arith.constant 96 : index
      %swap3A_2382 = tpu.vector_load %arg16[%swap3A_2380, %swap3A_2381] {strides = array<i32>} : memref<128x128xf32, #tpu.memory_space<vmem>>, vector<16xf32>,
      tpu.vector_store %arg16[%swap3A_2380, %swap3A_2381], %get3A_2379 {strides = array<i32>} : memref<128x128xf32, #tpu.memory_space<vmem>>, vector<16xf32>,
      %get3A_2383 = arith.index_cast %reduce_sum3A_2306 : i32 to index
      %get3A_2384 = arith.constant 32 : index
      %get3A_2385 = tpu.vector_load %arg13[%get3A_2383, %get3A_2384] {strides = array<i32>} : memref<100x64xf32, #tpu.memory_space<vmem>>, vector<16xf32>,
      %swap3A_2386 = arith.index_cast %add3A_2312 : i32 to index
      %swap3A_2387 = arith.constant 32 : index
      %swap3A_2388 = tpu.vector_load %arg17[%swap3A_2386, %swap3A_2387] {strides = array<i32>} : memref<128x128xf32, #tpu.memory_space<vmem>>, vector<16xf32>,
      tpu.vector_store %arg17[%swap3A_2386, %swap3A_2387], %get3A_2385 {strides = array<i32>} : memref<128x128xf32, #tpu.memory_space<vmem>>, vector<16xf32>,
      %get3A_2389 = arith.constant 5 : i32
      %get3A_2390 = arith.index_cast %get3A_2389 : i32 to index
      %get3A_2391 = arith.index_cast %rem3A_2308 : i32 to index
      %get3A_2392 = arith.constant 32 : index
      %get3A_2393 = tpu.vector_load %arg15[%get3A_2390, %get3A_2391, %get3A_2392] {strides = array<i32>} : memref<16x8x64xf32, #tpu.memory_space<vmem>>, vector<16xf32>,
      %swap3A_2394 = arith.index_cast %add3A_2312 : i32 to index
      %swap3A_2395 = arith.constant 96 : index
      %swap3A_2396 = tpu.vector_load %arg17[%swap3A_2394, %swap3A_2395] {strides = array<i32>} : memref<128x128xf32, #tpu.memory_space<vmem>>, vector<16xf32>,
      tpu.vector_store %arg17[%swap3A_2394, %swap3A_2395], %get3A_2393 {strides = array<i32>} : memref<128x128xf32, #tpu.memory_space<vmem>>, vector<16xf32>,
      %get3A_2397 = arith.index_cast %reduce_sum3A_2306 : i32 to index
      %get3A_2398 = arith.constant 48 : index
      %get3A_2399 = tpu.vector_load %arg12[%get3A_2397, %get3A_2398] {strides = array<i32>} : memref<100x64xf32, #tpu.memory_space<vmem>>, vector<16xf32>,
      %swap3A_2400 = arith.index_cast %add3A_2312 : i32 to index
      %swap3A_2401 = arith.constant 48 : index
      %swap3A_2402 = tpu.vector_load %arg16[%swap3A_2400, %swap3A_2401] {strides = array<i32>} : memref<128x128xf32, #tpu.memory_space<vmem>>, vector<16xf32>,
      tpu.vector_store %arg16[%swap3A_2400, %swap3A_2401], %get3A_2399 {strides = array<i32>} : memref<128x128xf32, #tpu.memory_space<vmem>>, vector<16xf32>,
      %get3A_2403 = arith.constant 5 : i32
      %get3A_2404 = arith.index_cast %get3A_2403 : i32 to index
      %get3A_2405 = arith.index_cast %rem3A_2308 : i32 to index
      %get3A_2406 = arith.constant 48 : index
      %get3A_2407 = tpu.vector_load %arg14[%get3A_2404, %get3A_2405, %get3A_2406] {strides = array<i32>} : memref<16x8x64xf32, #tpu.memory_space<vmem>>, vector<16xf32>,
      %swap3A_2408 = arith.index_cast %add3A_2312 : i32 to index
      %swap3A_2409 = arith.constant 112 : index
      %swap3A_2410 = tpu.vector_load %arg16[%swap3A_2408, %swap3A_2409] {strides = array<i32>} : memref<128x128xf32, #tpu.memory_space<vmem>>, vector<16xf32>,
      tpu.vector_store %arg16[%swap3A_2408, %swap3A_2409], %get3A_2407 {strides = array<i32>} : memref<128x128xf32, #tpu.memory_space<vmem>>, vector<16xf32>,
      %get3A_2411 = arith.index_cast %reduce_sum3A_2306 : i32 to index
      %get3A_2412 = arith.constant 48 : index
      %get3A_2413 = tpu.vector_load %arg13[%get3A_2411, %get3A_2412] {strides = array<i32>} : memref<100x64xf32, #tpu.memory_space<vmem>>, vector<16xf32>,
      %swap3A_2414 = arith.index_cast %add3A_2312 : i32 to index
      %swap3A_2415 = arith.constant 48 : index
      %swap3A_2416 = tpu.vector_load %arg17[%swap3A_2414, %swap3A_2415] {strides = array<i32>} : memref<128x128xf32, #tpu.memory_space<vmem>>, vector<16xf32>,
      tpu.vector_store %arg17[%swap3A_2414, %swap3A_2415], %get3A_2413 {strides = array<i32>} : memref<128x128xf32, #tpu.memory_space<vmem>>, vector<16xf32>,
      %get3A_2417 = arith.constant 5 : i32
      %get3A_2418 = arith.index_cast %get3A_2417 : i32 to index
      %get3A_2419 = arith.index_cast %rem3A_2308 : i32 to index
      %get3A_2420 = arith.constant 48 : index
      %get3A_2421 = tpu.vector_load %arg15[%get3A_2418, %get3A_2419, %get3A_2420] {strides = array<i32>} : memref<16x8x64xf32, #tpu.memory_space<vmem>>, vector<16xf32>,
      %swap3A_2422 = arith.index_cast %add3A_2312 : i32 to index
      %swap3A_2423 = arith.constant 112 : index
      %swap3A_2424 = tpu.vector_load %arg17[%swap3A_2422, %swap3A_2423] {strides = array<i32>} : memref<128x128xf32, #tpu.memory_space<vmem>>, vector<16xf32>,
      tpu.vector_store %arg17[%swap3A_2422, %swap3A_2423], %get3A_2421 {strides = array<i32>} : memref<128x128xf32, #tpu.memory_space<vmem>>, vector<16xf32>,
      %eq3A_2425 = arith.constant 6 : i32
      %eq3A_2426 = vector.broadcast %eq3A_2425 : i32 to vector<16xi32>
      %eq3A_2427 = arith.cmpi eq, %iota3A, %eq3A_2426 : vector<16xi32>
      %select_n3A_2428 = arith.select %eq3A_2427, %get3A_32, %broadcast_in_dim3A_3 : vector<16xi1>, vector<16xi32>
      %reduce_sum3A_2429 = arith.constant true
      %reduce_sum3A_2430 = vector.broadcast %reduce_sum3A_2429 : i1 to vector<16xi1>
      %reduce_sum3A_2431 = tpu.scan <sum>, %select_n3A_2428 masked %reduce_sum3A_2430 : vector<16xi32>, vector<16xi1> -> vector<16xi32>
      %reduce_sum3A_2432 = vector.extract %reduce_sum3A_2431[15] : i32 from vector<16xi32>
      %rem3A_2433 = arith.constant 8 : i32
      %rem3A_2434 = arith.remsi %reduce_sum3A_2432, %rem3A_2433 : i32
      %mul3A_2435 = arith.constant 16 : i32
      %mul3A_2436 = arith.muli %scan3A_24, %mul3A_2435 : i32
      %add3A_2437 = arith.constant 6 : i32
      %add3A_2438 = arith.addi %mul3A_2436, %add3A_2437 : i32
      %get3A_2439 = arith.index_cast %reduce_sum3A_2432 : i32 to index
      %get3A_2440 = arith.constant 0 : index
      %get3A_2441 = tpu.vector_load %arg12[%get3A_2439, %get3A_2440] {strides = array<i32>} : memref<100x64xf32, #tpu.memory_space<vmem>>, vector<16xf32>,
      %swap3A_2442 = arith.index_cast %add3A_2438 : i32 to index
      %swap3A_2443 = arith.constant 0 : index
      %swap3A_2444 = tpu.vector_load %arg16[%swap3A_2442, %swap3A_2443] {strides = array<i32>} : memref<128x128xf32, #tpu.memory_space<vmem>>, vector<16xf32>,
      tpu.vector_store %arg16[%swap3A_2442, %swap3A_2443], %get3A_2441 {strides = array<i32>} : memref<128x128xf32, #tpu.memory_space<vmem>>, vector<16xf32>,
      %get3A_2445 = arith.constant 6 : i32
      %get3A_2446 = arith.index_cast %get3A_2445 : i32 to index
      %get3A_2447 = arith.index_cast %rem3A_2434 : i32 to index
      %get3A_2448 = arith.constant 0 : index
      %get3A_2449 = tpu.vector_load %arg14[%get3A_2446, %get3A_2447, %get3A_2448] {strides = array<i32>} : memref<16x8x64xf32, #tpu.memory_space<vmem>>, vector<16xf32>,
      %swap3A_2450 = arith.index_cast %add3A_2438 : i32 to index
      %swap3A_2451 = arith.constant 64 : index
      %swap3A_2452 = tpu.vector_load %arg16[%swap3A_2450, %swap3A_2451] {strides = array<i32>} : memref<128x128xf32, #tpu.memory_space<vmem>>, vector<16xf32>,
      tpu.vector_store %arg16[%swap3A_2450, %swap3A_2451], %get3A_2449 {strides = array<i32>} : memref<128x128xf32, #tpu.memory_space<vmem>>, vector<16xf32>,
      %get3A_2453 = arith.index_cast %reduce_sum3A_2432 : i32 to index
      %get3A_2454 = arith.constant 0 : index
      %get3A_2455 = tpu.vector_load %arg13[%get3A_2453, %get3A_2454] {strides = array<i32>} : memref<100x64xf32, #tpu.memory_space<vmem>>, vector<16xf32>,
      %swap3A_2456 = arith.index_cast %add3A_2438 : i32 to index
      %swap3A_2457 = arith.constant 0 : index
      %swap3A_2458 = tpu.vector_load %arg17[%swap3A_2456, %swap3A_2457] {strides = array<i32>} : memref<128x128xf32, #tpu.memory_space<vmem>>, vector<16xf32>,
      tpu.vector_store %arg17[%swap3A_2456, %swap3A_2457], %get3A_2455 {strides = array<i32>} : memref<128x128xf32, #tpu.memory_space<vmem>>, vector<16xf32>,
      %get3A_2459 = arith.constant 6 : i32
      %get3A_2460 = arith.index_cast %get3A_2459 : i32 to index
      %get3A_2461 = arith.index_cast %rem3A_2434 : i32 to index
      %get3A_2462 = arith.constant 0 : index
      %get3A_2463 = tpu.vector_load %arg15[%get3A_2460, %get3A_2461, %get3A_2462] {strides = array<i32>} : memref<16x8x64xf32, #tpu.memory_space<vmem>>, vector<16xf32>,
      %swap3A_2464 = arith.index_cast %add3A_2438 : i32 to index
      %swap3A_2465 = arith.constant 64 : index
      %swap3A_2466 = tpu.vector_load %arg17[%swap3A_2464, %swap3A_2465] {strides = array<i32>} : memref<128x128xf32, #tpu.memory_space<vmem>>, vector<16xf32>,
      tpu.vector_store %arg17[%swap3A_2464, %swap3A_2465], %get3A_2463 {strides = array<i32>} : memref<128x128xf32, #tpu.memory_space<vmem>>, vector<16xf32>,
      %get3A_2467 = arith.index_cast %reduce_sum3A_2432 : i32 to index
      %get3A_2468 = arith.constant 16 : index
      %get3A_2469 = tpu.vector_load %arg12[%get3A_2467, %get3A_2468] {strides = array<i32>} : memref<100x64xf32, #tpu.memory_space<vmem>>, vector<16xf32>,
      %swap3A_2470 = arith.index_cast %add3A_2438 : i32 to index
      %swap3A_2471 = arith.constant 16 : index
      %swap3A_2472 = tpu.vector_load %arg16[%swap3A_2470, %swap3A_2471] {strides = array<i32>} : memref<128x128xf32, #tpu.memory_space<vmem>>, vector<16xf32>,
      tpu.vector_store %arg16[%swap3A_2470, %swap3A_2471], %get3A_2469 {strides = array<i32>} : memref<128x128xf32, #tpu.memory_space<vmem>>, vector<16xf32>,
      %get3A_2473 = arith.constant 6 : i32
      %get3A_2474 = arith.index_cast %get3A_2473 : i32 to index
      %get3A_2475 = arith.index_cast %rem3A_2434 : i32 to index
      %get3A_2476 = arith.constant 16 : index
      %get3A_2477 = tpu.vector_load %arg14[%get3A_2474, %get3A_2475, %get3A_2476] {strides = array<i32>} : memref<16x8x64xf32, #tpu.memory_space<vmem>>, vector<16xf32>,
      %swap3A_2478 = arith.index_cast %add3A_2438 : i32 to index
      %swap3A_2479 = arith.constant 80 : index
      %swap3A_2480 = tpu.vector_load %arg16[%swap3A_2478, %swap3A_2479] {strides = array<i32>} : memref<128x128xf32, #tpu.memory_space<vmem>>, vector<16xf32>,
      tpu.vector_store %arg16[%swap3A_2478, %swap3A_2479], %get3A_2477 {strides = array<i32>} : memref<128x128xf32, #tpu.memory_space<vmem>>, vector<16xf32>,
      %get3A_2481 = arith.index_cast %reduce_sum3A_2432 : i32 to index
      %get3A_2482 = arith.constant 16 : index
      %get3A_2483 = tpu.vector_load %arg13[%get3A_2481, %get3A_2482] {strides = array<i32>} : memref<100x64xf32, #tpu.memory_space<vmem>>, vector<16xf32>,
      %swap3A_2484 = arith.index_cast %add3A_2438 : i32 to index
      %swap3A_2485 = arith.constant 16 : index
      %swap3A_2486 = tpu.vector_load %arg17[%swap3A_2484, %swap3A_2485] {strides = array<i32>} : memref<128x128xf32, #tpu.memory_space<vmem>>, vector<16xf32>,
      tpu.vector_store %arg17[%swap3A_2484, %swap3A_2485], %get3A_2483 {strides = array<i32>} : memref<128x128xf32, #tpu.memory_space<vmem>>, vector<16xf32>,
      %get3A_2487 = arith.constant 6 : i32
      %get3A_2488 = arith.index_cast %get3A_2487 : i32 to index
      %get3A_2489 = arith.index_cast %rem3A_2434 : i32 to index
      %get3A_2490 = arith.constant 16 : index
      %get3A_2491 = tpu.vector_load %arg15[%get3A_2488, %get3A_2489, %get3A_2490] {strides = array<i32>} : memref<16x8x64xf32, #tpu.memory_space<vmem>>, vector<16xf32>,
      %swap3A_2492 = arith.index_cast %add3A_2438 : i32 to index
      %swap3A_2493 = arith.constant 80 : index
      %swap3A_2494 = tpu.vector_load %arg17[%swap3A_2492, %swap3A_2493] {strides = array<i32>} : memref<128x128xf32, #tpu.memory_space<vmem>>, vector<16xf32>,
      tpu.vector_store %arg17[%swap3A_2492, %swap3A_2493], %get3A_2491 {strides = array<i32>} : memref<128x128xf32, #tpu.memory_space<vmem>>, vector<16xf32>,
      %get3A_2495 = arith.index_cast %reduce_sum3A_2432 : i32 to index
      %get3A_2496 = arith.constant 32 : index
      %get3A_2497 = tpu.vector_load %arg12[%get3A_2495, %get3A_2496] {strides = array<i32>} : memref<100x64xf32, #tpu.memory_space<vmem>>, vector<16xf32>,
      %swap3A_2498 = arith.index_cast %add3A_2438 : i32 to index
      %swap3A_2499 = arith.constant 32 : index
      %swap3A_2500 = tpu.vector_load %arg16[%swap3A_2498, %swap3A_2499] {strides = array<i32>} : memref<128x128xf32, #tpu.memory_space<vmem>>, vector<16xf32>,
      tpu.vector_store %arg16[%swap3A_2498, %swap3A_2499], %get3A_2497 {strides = array<i32>} : memref<128x128xf32, #tpu.memory_space<vmem>>, vector<16xf32>,
      %get3A_2501 = arith.constant 6 : i32
      %get3A_2502 = arith.index_cast %get3A_2501 : i32 to index
      %get3A_2503 = arith.index_cast %rem3A_2434 : i32 to index
      %get3A_2504 = arith.constant 32 : index
      %get3A_2505 = tpu.vector_load %arg14[%get3A_2502, %get3A_2503, %get3A_2504] {strides = array<i32>} : memref<16x8x64xf32, #tpu.memory_space<vmem>>, vector<16xf32>,
      %swap3A_2506 = arith.index_cast %add3A_2438 : i32 to index
      %swap3A_2507 = arith.constant 96 : index
      %swap3A_2508 = tpu.vector_load %arg16[%swap3A_2506, %swap3A_2507] {strides = array<i32>} : memref<128x128xf32, #tpu.memory_space<vmem>>, vector<16xf32>,
      tpu.vector_store %arg16[%swap3A_2506, %swap3A_2507], %get3A_2505 {strides = array<i32>} : memref<128x128xf32, #tpu.memory_space<vmem>>, vector<16xf32>,
      %get3A_2509 = arith.index_cast %reduce_sum3A_2432 : i32 to index
      %get3A_2510 = arith.constant 32 : index
      %get3A_2511 = tpu.vector_load %arg13[%get3A_2509, %get3A_2510] {strides = array<i32>} : memref<100x64xf32, #tpu.memory_space<vmem>>, vector<16xf32>,
      %swap3A_2512 = arith.index_cast %add3A_2438 : i32 to index
      %swap3A_2513 = arith.constant 32 : index
      %swap3A_2514 = tpu.vector_load %arg17[%swap3A_2512, %swap3A_2513] {strides = array<i32>} : memref<128x128xf32, #tpu.memory_space<vmem>>, vector<16xf32>,
      tpu.vector_store %arg17[%swap3A_2512, %swap3A_2513], %get3A_2511 {strides = array<i32>} : memref<128x128xf32, #tpu.memory_space<vmem>>, vector<16xf32>,
      %get3A_2515 = arith.constant 6 : i32
      %get3A_2516 = arith.index_cast %get3A_2515 : i32 to index
      %get3A_2517 = arith.index_cast %rem3A_2434 : i32 to index
      %get3A_2518 = arith.constant 32 : index
      %get3A_2519 = tpu.vector_load %arg15[%get3A_2516, %get3A_2517, %get3A_2518] {strides = array<i32>} : memref<16x8x64xf32, #tpu.memory_space<vmem>>, vector<16xf32>,
      %swap3A_2520 = arith.index_cast %add3A_2438 : i32 to index
      %swap3A_2521 = arith.constant 96 : index
      %swap3A_2522 = tpu.vector_load %arg17[%swap3A_2520, %swap3A_2521] {strides = array<i32>} : memref<128x128xf32, #tpu.memory_space<vmem>>, vector<16xf32>,
      tpu.vector_store %arg17[%swap3A_2520, %swap3A_2521], %get3A_2519 {strides = array<i32>} : memref<128x128xf32, #tpu.memory_space<vmem>>, vector<16xf32>,
      %get3A_2523 = arith.index_cast %reduce_sum3A_2432 : i32 to index
      %get3A_2524 = arith.constant 48 : index
      %get3A_2525 = tpu.vector_load %arg12[%get3A_2523, %get3A_2524] {strides = array<i32>} : memref<100x64xf32, #tpu.memory_space<vmem>>, vector<16xf32>,
      %swap3A_2526 = arith.index_cast %add3A_2438 : i32 to index
      %swap3A_2527 = arith.constant 48 : index
      %swap3A_2528 = tpu.vector_load %arg16[%swap3A_2526, %swap3A_2527] {strides = array<i32>} : memref<128x128xf32, #tpu.memory_space<vmem>>, vector<16xf32>,
      tpu.vector_store %arg16[%swap3A_2526, %swap3A_2527], %get3A_2525 {strides = array<i32>} : memref<128x128xf32, #tpu.memory_space<vmem>>, vector<16xf32>,
      %get3A_2529 = arith.constant 6 : i32
      %get3A_2530 = arith.index_cast %get3A_2529 : i32 to index
      %get3A_2531 = arith.index_cast %rem3A_2434 : i32 to index
      %get3A_2532 = arith.constant 48 : index
      %get3A_2533 = tpu.vector_load %arg14[%get3A_2530, %get3A_2531, %get3A_2532] {strides = array<i32>} : memref<16x8x64xf32, #tpu.memory_space<vmem>>, vector<16xf32>,
      %swap3A_2534 = arith.index_cast %add3A_2438 : i32 to index
      %swap3A_2535 = arith.constant 112 : index
      %swap3A_2536 = tpu.vector_load %arg16[%swap3A_2534, %swap3A_2535] {strides = array<i32>} : memref<128x128xf32, #tpu.memory_space<vmem>>, vector<16xf32>,
      tpu.vector_store %arg16[%swap3A_2534, %swap3A_2535], %get3A_2533 {strides = array<i32>} : memref<128x128xf32, #tpu.memory_space<vmem>>, vector<16xf32>,
      %get3A_2537 = arith.index_cast %reduce_sum3A_2432 : i32 to index
      %get3A_2538 = arith.constant 48 : index
      %get3A_2539 = tpu.vector_load %arg13[%get3A_2537, %get3A_2538] {strides = array<i32>} : memref<100x64xf32, #tpu.memory_space<vmem>>, vector<16xf32>,
      %swap3A_2540 = arith.index_cast %add3A_2438 : i32 to index
      %swap3A_2541 = arith.constant 48 : index
      %swap3A_2542 = tpu.vector_load %arg17[%swap3A_2540, %swap3A_2541] {strides = array<i32>} : memref<128x128xf32, #tpu.memory_space<vmem>>, vector<16xf32>,
      tpu.vector_store %arg17[%swap3A_2540, %swap3A_2541], %get3A_2539 {strides = array<i32>} : memref<128x128xf32, #tpu.memory_space<vmem>>, vector<16xf32>,
      %get3A_2543 = arith.constant 6 : i32
      %get3A_2544 = arith.index_cast %get3A_2543 : i32 to index
      %get3A_2545 = arith.index_cast %rem3A_2434 : i32 to index
      %get3A_2546 = arith.constant 48 : index
      %get3A_2547 = tpu.vector_load %arg15[%get3A_2544, %get3A_2545, %get3A_2546] {strides = array<i32>} : memref<16x8x64xf32, #tpu.memory_space<vmem>>, vector<16xf32>,
      %swap3A_2548 = arith.index_cast %add3A_2438 : i32 to index
      %swap3A_2549 = arith.constant 112 : index
      %swap3A_2550 = tpu.vector_load %arg17[%swap3A_2548, %swap3A_2549] {strides = array<i32>} : memref<128x128xf32, #tpu.memory_space<vmem>>, vector<16xf32>,
      tpu.vector_store %arg17[%swap3A_2548, %swap3A_2549], %get3A_2547 {strides = array<i32>} : memref<128x128xf32, #tpu.memory_space<vmem>>, vector<16xf32>,
      %eq3A_2551 = arith.constant 7 : i32
      %eq3A_2552 = vector.broadcast %eq3A_2551 : i32 to vector<16xi32>
      %eq3A_2553 = arith.cmpi eq, %iota3A, %eq3A_2552 : vector<16xi32>
      %select_n3A_2554 = arith.select %eq3A_2553, %get3A_32, %broadcast_in_dim3A_3 : vector<16xi1>, vector<16xi32>
      %reduce_sum3A_2555 = arith.constant true
      %reduce_sum3A_2556 = vector.broadcast %reduce_sum3A_2555 : i1 to vector<16xi1>
      %reduce_sum3A_2557 = tpu.scan <sum>, %select_n3A_2554 masked %reduce_sum3A_2556 : vector<16xi32>, vector<16xi1> -> vector<16xi32>
      %reduce_sum3A_2558 = vector.extract %reduce_sum3A_2557[15] : i32 from vector<16xi32>
      %rem3A_2559 = arith.constant 8 : i32
      %rem3A_2560 = arith.remsi %reduce_sum3A_2558, %rem3A_2559 : i32
      %mul3A_2561 = arith.constant 16 : i32
      %mul3A_2562 = arith.muli %scan3A_24, %mul3A_2561 : i32
      %add3A_2563 = arith.constant 7 : i32
      %add3A_2564 = arith.addi %mul3A_2562, %add3A_2563 : i32
      %get3A_2565 = arith.index_cast %reduce_sum3A_2558 : i32 to index
      %get3A_2566 = arith.constant 0 : index
      %get3A_2567 = tpu.vector_load %arg12[%get3A_2565, %get3A_2566] {strides = array<i32>} : memref<100x64xf32, #tpu.memory_space<vmem>>, vector<16xf32>,
      %swap3A_2568 = arith.index_cast %add3A_2564 : i32 to index
      %swap3A_2569 = arith.constant 0 : index
      %swap3A_2570 = tpu.vector_load %arg16[%swap3A_2568, %swap3A_2569] {strides = array<i32>} : memref<128x128xf32, #tpu.memory_space<vmem>>, vector<16xf32>,
      tpu.vector_store %arg16[%swap3A_2568, %swap3A_2569], %get3A_2567 {strides = array<i32>} : memref<128x128xf32, #tpu.memory_space<vmem>>, vector<16xf32>,
      %get3A_2571 = arith.constant 7 : i32
      %get3A_2572 = arith.index_cast %get3A_2571 : i32 to index
      %get3A_2573 = arith.index_cast %rem3A_2560 : i32 to index
      %get3A_2574 = arith.constant 0 : index
      %get3A_2575 = tpu.vector_load %arg14[%get3A_2572, %get3A_2573, %get3A_2574] {strides = array<i32>} : memref<16x8x64xf32, #tpu.memory_space<vmem>>, vector<16xf32>,
      %swap3A_2576 = arith.index_cast %add3A_2564 : i32 to index
      %swap3A_2577 = arith.constant 64 : index
      %swap3A_2578 = tpu.vector_load %arg16[%swap3A_2576, %swap3A_2577] {strides = array<i32>} : memref<128x128xf32, #tpu.memory_space<vmem>>, vector<16xf32>,
      tpu.vector_store %arg16[%swap3A_2576, %swap3A_2577], %get3A_2575 {strides = array<i32>} : memref<128x128xf32, #tpu.memory_space<vmem>>, vector<16xf32>,
      %get3A_2579 = arith.index_cast %reduce_sum3A_2558 : i32 to index
      %get3A_2580 = arith.constant 0 : index
      %get3A_2581 = tpu.vector_load %arg13[%get3A_2579, %get3A_2580] {strides = array<i32>} : memref<100x64xf32, #tpu.memory_space<vmem>>, vector<16xf32>,
      %swap3A_2582 = arith.index_cast %add3A_2564 : i32 to index
      %swap3A_2583 = arith.constant 0 : index
      %swap3A_2584 = tpu.vector_load %arg17[%swap3A_2582, %swap3A_2583] {strides = array<i32>} : memref<128x128xf32, #tpu.memory_space<vmem>>, vector<16xf32>,
      tpu.vector_store %arg17[%swap3A_2582, %swap3A_2583], %get3A_2581 {strides = array<i32>} : memref<128x128xf32, #tpu.memory_space<vmem>>, vector<16xf32>,
      %get3A_2585 = arith.constant 7 : i32
      %get3A_2586 = arith.index_cast %get3A_2585 : i32 to index
      %get3A_2587 = arith.index_cast %rem3A_2560 : i32 to index
      %get3A_2588 = arith.constant 0 : index
      %get3A_2589 = tpu.vector_load %arg15[%get3A_2586, %get3A_2587, %get3A_2588] {strides = array<i32>} : memref<16x8x64xf32, #tpu.memory_space<vmem>>, vector<16xf32>,
      %swap3A_2590 = arith.index_cast %add3A_2564 : i32 to index
      %swap3A_2591 = arith.constant 64 : index
      %swap3A_2592 = tpu.vector_load %arg17[%swap3A_2590, %swap3A_2591] {strides = array<i32>} : memref<128x128xf32, #tpu.memory_space<vmem>>, vector<16xf32>,
      tpu.vector_store %arg17[%swap3A_2590, %swap3A_2591], %get3A_2589 {strides = array<i32>} : memref<128x128xf32, #tpu.memory_space<vmem>>, vector<16xf32>,
      %get3A_2593 = arith.index_cast %reduce_sum3A_2558 : i32 to index
      %get3A_2594 = arith.constant 16 : index
      %get3A_2595 = tpu.vector_load %arg12[%get3A_2593, %get3A_2594] {strides = array<i32>} : memref<100x64xf32, #tpu.memory_space<vmem>>, vector<16xf32>,
      %swap3A_2596 = arith.index_cast %add3A_2564 : i32 to index
      %swap3A_2597 = arith.constant 16 : index
      %swap3A_2598 = tpu.vector_load %arg16[%swap3A_2596, %swap3A_2597] {strides = array<i32>} : memref<128x128xf32, #tpu.memory_space<vmem>>, vector<16xf32>,
      tpu.vector_store %arg16[%swap3A_2596, %swap3A_2597], %get3A_2595 {strides = array<i32>} : memref<128x128xf32, #tpu.memory_space<vmem>>, vector<16xf32>,
      %get3A_2599 = arith.constant 7 : i32
      %get3A_2600 = arith.index_cast %get3A_2599 : i32 to index
      %get3A_2601 = arith.index_cast %rem3A_2560 : i32 to index
      %get3A_2602 = arith.constant 16 : index
      %get3A_2603 = tpu.vector_load %arg14[%get3A_2600, %get3A_2601, %get3A_2602] {strides = array<i32>} : memref<16x8x64xf32, #tpu.memory_space<vmem>>, vector<16xf32>,
      %swap3A_2604 = arith.index_cast %add3A_2564 : i32 to index
      %swap3A_2605 = arith.constant 80 : index
      %swap3A_2606 = tpu.vector_load %arg16[%swap3A_2604, %swap3A_2605] {strides = array<i32>} : memref<128x128xf32, #tpu.memory_space<vmem>>, vector<16xf32>,
      tpu.vector_store %arg16[%swap3A_2604, %swap3A_2605], %get3A_2603 {strides = array<i32>} : memref<128x128xf32, #tpu.memory_space<vmem>>, vector<16xf32>,
      %get3A_2607 = arith.index_cast %reduce_sum3A_2558 : i32 to index
      %get3A_2608 = arith.constant 16 : index
      %get3A_2609 = tpu.vector_load %arg13[%get3A_2607, %get3A_2608] {strides = array<i32>} : memref<100x64xf32, #tpu.memory_space<vmem>>, vector<16xf32>,
      %swap3A_2610 = arith.index_cast %add3A_2564 : i32 to index
      %swap3A_2611 = arith.constant 16 : index
      %swap3A_2612 = tpu.vector_load %arg17[%swap3A_2610, %swap3A_2611] {strides = array<i32>} : memref<128x128xf32, #tpu.memory_space<vmem>>, vector<16xf32>,
      tpu.vector_store %arg17[%swap3A_2610, %swap3A_2611], %get3A_2609 {strides = array<i32>} : memref<128x128xf32, #tpu.memory_space<vmem>>, vector<16xf32>,
      %get3A_2613 = arith.constant 7 : i32
      %get3A_2614 = arith.index_cast %get3A_2613 : i32 to index
      %get3A_2615 = arith.index_cast %rem3A_2560 : i32 to index
      %get3A_2616 = arith.constant 16 : index
      %get3A_2617 = tpu.vector_load %arg15[%get3A_2614, %get3A_2615, %get3A_2616] {strides = array<i32>} : memref<16x8x64xf32, #tpu.memory_space<vmem>>, vector<16xf32>,
      %swap3A_2618 = arith.index_cast %add3A_2564 : i32 to index
      %swap3A_2619 = arith.constant 80 : index
      %swap3A_2620 = tpu.vector_load %arg17[%swap3A_2618, %swap3A_2619] {strides = array<i32>} : memref<128x128xf32, #tpu.memory_space<vmem>>, vector<16xf32>,
      tpu.vector_store %arg17[%swap3A_2618, %swap3A_2619], %get3A_2617 {strides = array<i32>} : memref<128x128xf32, #tpu.memory_space<vmem>>, vector<16xf32>,
      %get3A_2621 = arith.index_cast %reduce_sum3A_2558 : i32 to index
      %get3A_2622 = arith.constant 32 : index
      %get3A_2623 = tpu.vector_load %arg12[%get3A_2621, %get3A_2622] {strides = array<i32>} : memref<100x64xf32, #tpu.memory_space<vmem>>, vector<16xf32>,
      %swap3A_2624 = arith.index_cast %add3A_2564 : i32 to index
      %swap3A_2625 = arith.constant 32 : index
      %swap3A_2626 = tpu.vector_load %arg16[%swap3A_2624, %swap3A_2625] {strides = array<i32>} : memref<128x128xf32, #tpu.memory_space<vmem>>, vector<16xf32>,
      tpu.vector_store %arg16[%swap3A_2624, %swap3A_2625], %get3A_2623 {strides = array<i32>} : memref<128x128xf32, #tpu.memory_space<vmem>>, vector<16xf32>,
      %get3A_2627 = arith.constant 7 : i32
      %get3A_2628 = arith.index_cast %get3A_2627 : i32 to index
      %get3A_2629 = arith.index_cast %rem3A_2560 : i32 to index
      %get3A_2630 = arith.constant 32 : index
      %get3A_2631 = tpu.vector_load %arg14[%get3A_2628, %get3A_2629, %get3A_2630] {strides = array<i32>} : memref<16x8x64xf32, #tpu.memory_space<vmem>>, vector<16xf32>,
      %swap3A_2632 = arith.index_cast %add3A_2564 : i32 to index
      %swap3A_2633 = arith.constant 96 : index
      %swap3A_2634 = tpu.vector_load %arg16[%swap3A_2632, %swap3A_2633] {strides = array<i32>} : memref<128x128xf32, #tpu.memory_space<vmem>>, vector<16xf32>,
      tpu.vector_store %arg16[%swap3A_2632, %swap3A_2633], %get3A_2631 {strides = array<i32>} : memref<128x128xf32, #tpu.memory_space<vmem>>, vector<16xf32>,
      %get3A_2635 = arith.index_cast %reduce_sum3A_2558 : i32 to index
      %get3A_2636 = arith.constant 32 : index
      %get3A_2637 = tpu.vector_load %arg13[%get3A_2635, %get3A_2636] {strides = array<i32>} : memref<100x64xf32, #tpu.memory_space<vmem>>, vector<16xf32>,
      %swap3A_2638 = arith.index_cast %add3A_2564 : i32 to index
      %swap3A_2639 = arith.constant 32 : index
      %swap3A_2640 = tpu.vector_load %arg17[%swap3A_2638, %swap3A_2639] {strides = array<i32>} : memref<128x128xf32, #tpu.memory_space<vmem>>, vector<16xf32>,
      tpu.vector_store %arg17[%swap3A_2638, %swap3A_2639], %get3A_2637 {strides = array<i32>} : memref<128x128xf32, #tpu.memory_space<vmem>>, vector<16xf32>,
      %get3A_2641 = arith.constant 7 : i32
      %get3A_2642 = arith.index_cast %get3A_2641 : i32 to index
      %get3A_2643 = arith.index_cast %rem3A_2560 : i32 to index
      %get3A_2644 = arith.constant 32 : index
      %get3A_2645 = tpu.vector_load %arg15[%get3A_2642, %get3A_2643, %get3A_2644] {strides = array<i32>} : memref<16x8x64xf32, #tpu.memory_space<vmem>>, vector<16xf32>,
      %swap3A_2646 = arith.index_cast %add3A_2564 : i32 to index
      %swap3A_2647 = arith.constant 96 : index
      %swap3A_2648 = tpu.vector_load %arg17[%swap3A_2646, %swap3A_2647] {strides = array<i32>} : memref<128x128xf32, #tpu.memory_space<vmem>>, vector<16xf32>,
      tpu.vector_store %arg17[%swap3A_2646, %swap3A_2647], %get3A_2645 {strides = array<i32>} : memref<128x128xf32, #tpu.memory_space<vmem>>, vector<16xf32>,
      %get3A_2649 = arith.index_cast %reduce_sum3A_2558 : i32 to index
      %get3A_2650 = arith.constant 48 : index
      %get3A_2651 = tpu.vector_load %arg12[%get3A_2649, %get3A_2650] {strides = array<i32>} : memref<100x64xf32, #tpu.memory_space<vmem>>, vector<16xf32>,
      %swap3A_2652 = arith.index_cast %add3A_2564 : i32 to index
      %swap3A_2653 = arith.constant 48 : index
      %swap3A_2654 = tpu.vector_load %arg16[%swap3A_2652, %swap3A_2653] {strides = array<i32>} : memref<128x128xf32, #tpu.memory_space<vmem>>, vector<16xf32>,
      tpu.vector_store %arg16[%swap3A_2652, %swap3A_2653], %get3A_2651 {strides = array<i32>} : memref<128x128xf32, #tpu.memory_space<vmem>>, vector<16xf32>,
      %get3A_2655 = arith.constant 7 : i32
      %get3A_2656 = arith.index_cast %get3A_2655 : i32 to index
      %get3A_2657 = arith.index_cast %rem3A_2560 : i32 to index
      %get3A_2658 = arith.constant 48 : index
      %get3A_2659 = tpu.vector_load %arg14[%get3A_2656, %get3A_2657, %get3A_2658] {strides = array<i32>} : memref<16x8x64xf32, #tpu.memory_space<vmem>>, vector<16xf32>,
      %swap3A_2660 = arith.index_cast %add3A_2564 : i32 to index
      %swap3A_2661 = arith.constant 112 : index
      %swap3A_2662 = tpu.vector_load %arg16[%swap3A_2660, %swap3A_2661] {strides = array<i32>} : memref<128x128xf32, #tpu.memory_space<vmem>>, vector<16xf32>,
      tpu.vector_store %arg16[%swap3A_2660, %swap3A_2661], %get3A_2659 {strides = array<i32>} : memref<128x128xf32, #tpu.memory_space<vmem>>, vector<16xf32>,
      %get3A_2663 = arith.index_cast %reduce_sum3A_2558 : i32 to index
      %get3A_2664 = arith.constant 48 : index
      %get3A_2665 = tpu.vector_load %arg13[%get3A_2663, %get3A_2664] {strides = array<i32>} : memref<100x64xf32, #tpu.memory_space<vmem>>, vector<16xf32>,
      %swap3A_2666 = arith.index_cast %add3A_2564 : i32 to index
      %swap3A_2667 = arith.constant 48 : index
      %swap3A_2668 = tpu.vector_load %arg17[%swap3A_2666, %swap3A_2667] {strides = array<i32>} : memref<128x128xf32, #tpu.memory_space<vmem>>, vector<16xf32>,
      tpu.vector_store %arg17[%swap3A_2666, %swap3A_2667], %get3A_2665 {strides = array<i32>} : memref<128x128xf32, #tpu.memory_space<vmem>>, vector<16xf32>,
      %get3A_2669 = arith.constant 7 : i32
      %get3A_2670 = arith.index_cast %get3A_2669 : i32 to index
      %get3A_2671 = arith.index_cast %rem3A_2560 : i32 to index
      %get3A_2672 = arith.constant 48 : index
      %get3A_2673 = tpu.vector_load %arg15[%get3A_2670, %get3A_2671, %get3A_2672] {strides = array<i32>} : memref<16x8x64xf32, #tpu.memory_space<vmem>>, vector<16xf32>,
      %swap3A_2674 = arith.index_cast %add3A_2564 : i32 to index
      %swap3A_2675 = arith.constant 112 : index
      %swap3A_2676 = tpu.vector_load %arg17[%swap3A_2674, %swap3A_2675] {strides = array<i32>} : memref<128x128xf32, #tpu.memory_space<vmem>>, vector<16xf32>,
      tpu.vector_store %arg17[%swap3A_2674, %swap3A_2675], %get3A_2673 {strides = array<i32>} : memref<128x128xf32, #tpu.memory_space<vmem>>, vector<16xf32>,
      %eq3A_2677 = arith.constant 8 : i32
      %eq3A_2678 = vector.broadcast %eq3A_2677 : i32 to vector<16xi32>
      %eq3A_2679 = arith.cmpi eq, %iota3A, %eq3A_2678 : vector<16xi32>
      %select_n3A_2680 = arith.select %eq3A_2679, %get3A_32, %broadcast_in_dim3A_3 : vector<16xi1>, vector<16xi32>
      %reduce_sum3A_2681 = arith.constant true
      %reduce_sum3A_2682 = vector.broadcast %reduce_sum3A_2681 : i1 to vector<16xi1>
      %reduce_sum3A_2683 = tpu.scan <sum>, %select_n3A_2680 masked %reduce_sum3A_2682 : vector<16xi32>, vector<16xi1> -> vector<16xi32>
      %reduce_sum3A_2684 = vector.extract %reduce_sum3A_2683[15] : i32 from vector<16xi32>
      %rem3A_2685 = arith.constant 8 : i32
      %rem3A_2686 = arith.remsi %reduce_sum3A_2684, %rem3A_2685 : i32
      %mul3A_2687 = arith.constant 16 : i32
      %mul3A_2688 = arith.muli %scan3A_24, %mul3A_2687 : i32
      %add3A_2689 = arith.constant 8 : i32
      %add3A_2690 = arith.addi %mul3A_2688, %add3A_2689 : i32
      %get3A_2691 = arith.index_cast %reduce_sum3A_2684 : i32 to index
      %get3A_2692 = arith.constant 0 : index
      %get3A_2693 = tpu.vector_load %arg12[%get3A_2691, %get3A_2692] {strides = array<i32>} : memref<100x64xf32, #tpu.memory_space<vmem>>, vector<16xf32>,
      %swap3A_2694 = arith.index_cast %add3A_2690 : i32 to index
      %swap3A_2695 = arith.constant 0 : index
      %swap3A_2696 = tpu.vector_load %arg16[%swap3A_2694, %swap3A_2695] {strides = array<i32>} : memref<128x128xf32, #tpu.memory_space<vmem>>, vector<16xf32>,
      tpu.vector_store %arg16[%swap3A_2694, %swap3A_2695], %get3A_2693 {strides = array<i32>} : memref<128x128xf32, #tpu.memory_space<vmem>>, vector<16xf32>,
      %get3A_2697 = arith.constant 8 : i32
      %get3A_2698 = arith.index_cast %get3A_2697 : i32 to index
      %get3A_2699 = arith.index_cast %rem3A_2686 : i32 to index
      %get3A_2700 = arith.constant 0 : index
      %get3A_2701 = tpu.vector_load %arg14[%get3A_2698, %get3A_2699, %get3A_2700] {strides = array<i32>} : memref<16x8x64xf32, #tpu.memory_space<vmem>>, vector<16xf32>,
      %swap3A_2702 = arith.index_cast %add3A_2690 : i32 to index
      %swap3A_2703 = arith.constant 64 : index
      %swap3A_2704 = tpu.vector_load %arg16[%swap3A_2702, %swap3A_2703] {strides = array<i32>} : memref<128x128xf32, #tpu.memory_space<vmem>>, vector<16xf32>,
      tpu.vector_store %arg16[%swap3A_2702, %swap3A_2703], %get3A_2701 {strides = array<i32>} : memref<128x128xf32, #tpu.memory_space<vmem>>, vector<16xf32>,
      %get3A_2705 = arith.index_cast %reduce_sum3A_2684 : i32 to index
      %get3A_2706 = arith.constant 0 : index
      %get3A_2707 = tpu.vector_load %arg13[%get3A_2705, %get3A_2706] {strides = array<i32>} : memref<100x64xf32, #tpu.memory_space<vmem>>, vector<16xf32>,
      %swap3A_2708 = arith.index_cast %add3A_2690 : i32 to index
      %swap3A_2709 = arith.constant 0 : index
      %swap3A_2710 = tpu.vector_load %arg17[%swap3A_2708, %swap3A_2709] {strides = array<i32>} : memref<128x128xf32, #tpu.memory_space<vmem>>, vector<16xf32>,
      tpu.vector_store %arg17[%swap3A_2708, %swap3A_2709], %get3A_2707 {strides = array<i32>} : memref<128x128xf32, #tpu.memory_space<vmem>>, vector<16xf32>,
      %get3A_2711 = arith.constant 8 : i32
      %get3A_2712 = arith.index_cast %get3A_2711 : i32 to index
      %get3A_2713 = arith.index_cast %rem3A_2686 : i32 to index
      %get3A_2714 = arith.constant 0 : index
      %get3A_2715 = tpu.vector_load %arg15[%get3A_2712, %get3A_2713, %get3A_2714] {strides = array<i32>} : memref<16x8x64xf32, #tpu.memory_space<vmem>>, vector<16xf32>,
      %swap3A_2716 = arith.index_cast %add3A_2690 : i32 to index
      %swap3A_2717 = arith.constant 64 : index
      %swap3A_2718 = tpu.vector_load %arg17[%swap3A_2716, %swap3A_2717] {strides = array<i32>} : memref<128x128xf32, #tpu.memory_space<vmem>>, vector<16xf32>,
      tpu.vector_store %arg17[%swap3A_2716, %swap3A_2717], %get3A_2715 {strides = array<i32>} : memref<128x128xf32, #tpu.memory_space<vmem>>, vector<16xf32>,
      %get3A_2719 = arith.index_cast %reduce_sum3A_2684 : i32 to index
      %get3A_2720 = arith.constant 16 : index
      %get3A_2721 = tpu.vector_load %arg12[%get3A_2719, %get3A_2720] {strides = array<i32>} : memref<100x64xf32, #tpu.memory_space<vmem>>, vector<16xf32>,
      %swap3A_2722 = arith.index_cast %add3A_2690 : i32 to index
      %swap3A_2723 = arith.constant 16 : index
      %swap3A_2724 = tpu.vector_load %arg16[%swap3A_2722, %swap3A_2723] {strides = array<i32>} : memref<128x128xf32, #tpu.memory_space<vmem>>, vector<16xf32>,
      tpu.vector_store %arg16[%swap3A_2722, %swap3A_2723], %get3A_2721 {strides = array<i32>} : memref<128x128xf32, #tpu.memory_space<vmem>>, vector<16xf32>,
      %get3A_2725 = arith.constant 8 : i32
      %get3A_2726 = arith.index_cast %get3A_2725 : i32 to index
      %get3A_2727 = arith.index_cast %rem3A_2686 : i32 to index
      %get3A_2728 = arith.constant 16 : index
      %get3A_2729 = tpu.vector_load %arg14[%get3A_2726, %get3A_2727, %get3A_2728] {strides = array<i32>} : memref<16x8x64xf32, #tpu.memory_space<vmem>>, vector<16xf32>,
      %swap3A_2730 = arith.index_cast %add3A_2690 : i32 to index
      %swap3A_2731 = arith.constant 80 : index
      %swap3A_2732 = tpu.vector_load %arg16[%swap3A_2730, %swap3A_2731] {strides = array<i32>} : memref<128x128xf32, #tpu.memory_space<vmem>>, vector<16xf32>,
      tpu.vector_store %arg16[%swap3A_2730, %swap3A_2731], %get3A_2729 {strides = array<i32>} : memref<128x128xf32, #tpu.memory_space<vmem>>, vector<16xf32>,
      %get3A_2733 = arith.index_cast %reduce_sum3A_2684 : i32 to index
      %get3A_2734 = arith.constant 16 : index
      %get3A_2735 = tpu.vector_load %arg13[%get3A_2733, %get3A_2734] {strides = array<i32>} : memref<100x64xf32, #tpu.memory_space<vmem>>, vector<16xf32>,
      %swap3A_2736 = arith.index_cast %add3A_2690 : i32 to index
      %swap3A_2737 = arith.constant 16 : index
      %swap3A_2738 = tpu.vector_load %arg17[%swap3A_2736, %swap3A_2737] {strides = array<i32>} : memref<128x128xf32, #tpu.memory_space<vmem>>, vector<16xf32>,
      tpu.vector_store %arg17[%swap3A_2736, %swap3A_2737], %get3A_2735 {strides = array<i32>} : memref<128x128xf32, #tpu.memory_space<vmem>>, vector<16xf32>,
      %get3A_2739 = arith.constant 8 : i32
      %get3A_2740 = arith.index_cast %get3A_2739 : i32 to index
      %get3A_2741 = arith.index_cast %rem3A_2686 : i32 to index
      %get3A_2742 = arith.constant 16 : index
      %get3A_2743 = tpu.vector_load %arg15[%get3A_2740, %get3A_2741, %get3A_2742] {strides = array<i32>} : memref<16x8x64xf32, #tpu.memory_space<vmem>>, vector<16xf32>,
      %swap3A_2744 = arith.index_cast %add3A_2690 : i32 to index
      %swap3A_2745 = arith.constant 80 : index
      %swap3A_2746 = tpu.vector_load %arg17[%swap3A_2744, %swap3A_2745] {strides = array<i32>} : memref<128x128xf32, #tpu.memory_space<vmem>>, vector<16xf32>,
      tpu.vector_store %arg17[%swap3A_2744, %swap3A_2745], %get3A_2743 {strides = array<i32>} : memref<128x128xf32, #tpu.memory_space<vmem>>, vector<16xf32>,
      %get3A_2747 = arith.index_cast %reduce_sum3A_2684 : i32 to index
      %get3A_2748 = arith.constant 32 : index
      %get3A_2749 = tpu.vector_load %arg12[%get3A_2747, %get3A_2748] {strides = array<i32>} : memref<100x64xf32, #tpu.memory_space<vmem>>, vector<16xf32>,
      %swap3A_2750 = arith.index_cast %add3A_2690 : i32 to index
      %swap3A_2751 = arith.constant 32 : index
      %swap3A_2752 = tpu.vector_load %arg16[%swap3A_2750, %swap3A_2751] {strides = array<i32>} : memref<128x128xf32, #tpu.memory_space<vmem>>, vector<16xf32>,
      tpu.vector_store %arg16[%swap3A_2750, %swap3A_2751], %get3A_2749 {strides = array<i32>} : memref<128x128xf32, #tpu.memory_space<vmem>>, vector<16xf32>,
      %get3A_2753 = arith.constant 8 : i32
      %get3A_2754 = arith.index_cast %get3A_2753 : i32 to index
      %get3A_2755 = arith.index_cast %rem3A_2686 : i32 to index
      %get3A_2756 = arith.constant 32 : index
      %get3A_2757 = tpu.vector_load %arg14[%get3A_2754, %get3A_2755, %get3A_2756] {strides = array<i32>} : memref<16x8x64xf32, #tpu.memory_space<vmem>>, vector<16xf32>,
      %swap3A_2758 = arith.index_cast %add3A_2690 : i32 to index
      %swap3A_2759 = arith.constant 96 : index
      %swap3A_2760 = tpu.vector_load %arg16[%swap3A_2758, %swap3A_2759] {strides = array<i32>} : memref<128x128xf32, #tpu.memory_space<vmem>>, vector<16xf32>,
      tpu.vector_store %arg16[%swap3A_2758, %swap3A_2759], %get3A_2757 {strides = array<i32>} : memref<128x128xf32, #tpu.memory_space<vmem>>, vector<16xf32>,
      %get3A_2761 = arith.index_cast %reduce_sum3A_2684 : i32 to index
      %get3A_2762 = arith.constant 32 : index
      %get3A_2763 = tpu.vector_load %arg13[%get3A_2761, %get3A_2762] {strides = array<i32>} : memref<100x64xf32, #tpu.memory_space<vmem>>, vector<16xf32>,
      %swap3A_2764 = arith.index_cast %add3A_2690 : i32 to index
      %swap3A_2765 = arith.constant 32 : index
      %swap3A_2766 = tpu.vector_load %arg17[%swap3A_2764, %swap3A_2765] {strides = array<i32>} : memref<128x128xf32, #tpu.memory_space<vmem>>, vector<16xf32>,
      tpu.vector_store %arg17[%swap3A_2764, %swap3A_2765], %get3A_2763 {strides = array<i32>} : memref<128x128xf32, #tpu.memory_space<vmem>>, vector<16xf32>,
      %get3A_2767 = arith.constant 8 : i32
      %get3A_2768 = arith.index_cast %get3A_2767 : i32 to index
      %get3A_2769 = arith.index_cast %rem3A_2686 : i32 to index
      %get3A_2770 = arith.constant 32 : index
      %get3A_2771 = tpu.vector_load %arg15[%get3A_2768, %get3A_2769, %get3A_2770] {strides = array<i32>} : memref<16x8x64xf32, #tpu.memory_space<vmem>>, vector<16xf32>,
      %swap3A_2772 = arith.index_cast %add3A_2690 : i32 to index
      %swap3A_2773 = arith.constant 96 : index
      %swap3A_2774 = tpu.vector_load %arg17[%swap3A_2772, %swap3A_2773] {strides = array<i32>} : memref<128x128xf32, #tpu.memory_space<vmem>>, vector<16xf32>,
      tpu.vector_store %arg17[%swap3A_2772, %swap3A_2773], %get3A_2771 {strides = array<i32>} : memref<128x128xf32, #tpu.memory_space<vmem>>, vector<16xf32>,
      %get3A_2775 = arith.index_cast %reduce_sum3A_2684 : i32 to index
      %get3A_2776 = arith.constant 48 : index
      %get3A_2777 = tpu.vector_load %arg12[%get3A_2775, %get3A_2776] {strides = array<i32>} : memref<100x64xf32, #tpu.memory_space<vmem>>, vector<16xf32>,
      %swap3A_2778 = arith.index_cast %add3A_2690 : i32 to index
      %swap3A_2779 = arith.constant 48 : index
      %swap3A_2780 = tpu.vector_load %arg16[%swap3A_2778, %swap3A_2779] {strides = array<i32>} : memref<128x128xf32, #tpu.memory_space<vmem>>, vector<16xf32>,
      tpu.vector_store %arg16[%swap3A_2778, %swap3A_2779], %get3A_2777 {strides = array<i32>} : memref<128x128xf32, #tpu.memory_space<vmem>>, vector<16xf32>,
      %get3A_2781 = arith.constant 8 : i32
      %get3A_2782 = arith.index_cast %get3A_2781 : i32 to index
      %get3A_2783 = arith.index_cast %rem3A_2686 : i32 to index
      %get3A_2784 = arith.constant 48 : index
      %get3A_2785 = tpu.vector_load %arg14[%get3A_2782, %get3A_2783, %get3A_2784] {strides = array<i32>} : memref<16x8x64xf32, #tpu.memory_space<vmem>>, vector<16xf32>,
      %swap3A_2786 = arith.index_cast %add3A_2690 : i32 to index
      %swap3A_2787 = arith.constant 112 : index
      %swap3A_2788 = tpu.vector_load %arg16[%swap3A_2786, %swap3A_2787] {strides = array<i32>} : memref<128x128xf32, #tpu.memory_space<vmem>>, vector<16xf32>,
      tpu.vector_store %arg16[%swap3A_2786, %swap3A_2787], %get3A_2785 {strides = array<i32>} : memref<128x128xf32, #tpu.memory_space<vmem>>, vector<16xf32>,
      %get3A_2789 = arith.index_cast %reduce_sum3A_2684 : i32 to index
      %get3A_2790 = arith.constant 48 : index
      %get3A_2791 = tpu.vector_load %arg13[%get3A_2789, %get3A_2790] {strides = array<i32>} : memref<100x64xf32, #tpu.memory_space<vmem>>, vector<16xf32>,
      %swap3A_2792 = arith.index_cast %add3A_2690 : i32 to index
      %swap3A_2793 = arith.constant 48 : index
      %swap3A_2794 = tpu.vector_load %arg17[%swap3A_2792, %swap3A_2793] {strides = array<i32>} : memref<128x128xf32, #tpu.memory_space<vmem>>, vector<16xf32>,
      tpu.vector_store %arg17[%swap3A_2792, %swap3A_2793], %get3A_2791 {strides = array<i32>} : memref<128x128xf32, #tpu.memory_space<vmem>>, vector<16xf32>,
      %get3A_2795 = arith.constant 8 : i32
      %get3A_2796 = arith.index_cast %get3A_2795 : i32 to index
      %get3A_2797 = arith.index_cast %rem3A_2686 : i32 to index
      %get3A_2798 = arith.constant 48 : index
      %get3A_2799 = tpu.vector_load %arg15[%get3A_2796, %get3A_2797, %get3A_2798] {strides = array<i32>} : memref<16x8x64xf32, #tpu.memory_space<vmem>>, vector<16xf32>,
      %swap3A_2800 = arith.index_cast %add3A_2690 : i32 to index
      %swap3A_2801 = arith.constant 112 : index
      %swap3A_2802 = tpu.vector_load %arg17[%swap3A_2800, %swap3A_2801] {strides = array<i32>} : memref<128x128xf32, #tpu.memory_space<vmem>>, vector<16xf32>,
      tpu.vector_store %arg17[%swap3A_2800, %swap3A_2801], %get3A_2799 {strides = array<i32>} : memref<128x128xf32, #tpu.memory_space<vmem>>, vector<16xf32>,
      %eq3A_2803 = arith.constant 9 : i32
      %eq3A_2804 = vector.broadcast %eq3A_2803 : i32 to vector<16xi32>
      %eq3A_2805 = arith.cmpi eq, %iota3A, %eq3A_2804 : vector<16xi32>
      %select_n3A_2806 = arith.select %eq3A_2805, %get3A_32, %broadcast_in_dim3A_3 : vector<16xi1>, vector<16xi32>
      %reduce_sum3A_2807 = arith.constant true
      %reduce_sum3A_2808 = vector.broadcast %reduce_sum3A_2807 : i1 to vector<16xi1>
      %reduce_sum3A_2809 = tpu.scan <sum>, %select_n3A_2806 masked %reduce_sum3A_2808 : vector<16xi32>, vector<16xi1> -> vector<16xi32>
      %reduce_sum3A_2810 = vector.extract %reduce_sum3A_2809[15] : i32 from vector<16xi32>
      %rem3A_2811 = arith.constant 8 : i32
      %rem3A_2812 = arith.remsi %reduce_sum3A_2810, %rem3A_2811 : i32
      %mul3A_2813 = arith.constant 16 : i32
      %mul3A_2814 = arith.muli %scan3A_24, %mul3A_2813 : i32
      %add3A_2815 = arith.constant 9 : i32
      %add3A_2816 = arith.addi %mul3A_2814, %add3A_2815 : i32
      %get3A_2817 = arith.index_cast %reduce_sum3A_2810 : i32 to index
      %get3A_2818 = arith.constant 0 : index
      %get3A_2819 = tpu.vector_load %arg12[%get3A_2817, %get3A_2818] {strides = array<i32>} : memref<100x64xf32, #tpu.memory_space<vmem>>, vector<16xf32>,
      %swap3A_2820 = arith.index_cast %add3A_2816 : i32 to index
      %swap3A_2821 = arith.constant 0 : index
      %swap3A_2822 = tpu.vector_load %arg16[%swap3A_2820, %swap3A_2821] {strides = array<i32>} : memref<128x128xf32, #tpu.memory_space<vmem>>, vector<16xf32>,
      tpu.vector_store %arg16[%swap3A_2820, %swap3A_2821], %get3A_2819 {strides = array<i32>} : memref<128x128xf32, #tpu.memory_space<vmem>>, vector<16xf32>,
      %get3A_2823 = arith.constant 9 : i32
      %get3A_2824 = arith.index_cast %get3A_2823 : i32 to index
      %get3A_2825 = arith.index_cast %rem3A_2812 : i32 to index
      %get3A_2826 = arith.constant 0 : index
      %get3A_2827 = tpu.vector_load %arg14[%get3A_2824, %get3A_2825, %get3A_2826] {strides = array<i32>} : memref<16x8x64xf32, #tpu.memory_space<vmem>>, vector<16xf32>,
      %swap3A_2828 = arith.index_cast %add3A_2816 : i32 to index
      %swap3A_2829 = arith.constant 64 : index
      %swap3A_2830 = tpu.vector_load %arg16[%swap3A_2828, %swap3A_2829] {strides = array<i32>} : memref<128x128xf32, #tpu.memory_space<vmem>>, vector<16xf32>,
      tpu.vector_store %arg16[%swap3A_2828, %swap3A_2829], %get3A_2827 {strides = array<i32>} : memref<128x128xf32, #tpu.memory_space<vmem>>, vector<16xf32>,
      %get3A_2831 = arith.index_cast %reduce_sum3A_2810 : i32 to index
      %get3A_2832 = arith.constant 0 : index
      %get3A_2833 = tpu.vector_load %arg13[%get3A_2831, %get3A_2832] {strides = array<i32>} : memref<100x64xf32, #tpu.memory_space<vmem>>, vector<16xf32>,
      %swap3A_2834 = arith.index_cast %add3A_2816 : i32 to index
      %swap3A_2835 = arith.constant 0 : index
      %swap3A_2836 = tpu.vector_load %arg17[%swap3A_2834, %swap3A_2835] {strides = array<i32>} : memref<128x128xf32, #tpu.memory_space<vmem>>, vector<16xf32>,
      tpu.vector_store %arg17[%swap3A_2834, %swap3A_2835], %get3A_2833 {strides = array<i32>} : memref<128x128xf32, #tpu.memory_space<vmem>>, vector<16xf32>,
      %get3A_2837 = arith.constant 9 : i32
      %get3A_2838 = arith.index_cast %get3A_2837 : i32 to index
      %get3A_2839 = arith.index_cast %rem3A_2812 : i32 to index
      %get3A_2840 = arith.constant 0 : index
      %get3A_2841 = tpu.vector_load %arg15[%get3A_2838, %get3A_2839, %get3A_2840] {strides = array<i32>} : memref<16x8x64xf32, #tpu.memory_space<vmem>>, vector<16xf32>,
      %swap3A_2842 = arith.index_cast %add3A_2816 : i32 to index
      %swap3A_2843 = arith.constant 64 : index
      %swap3A_2844 = tpu.vector_load %arg17[%swap3A_2842, %swap3A_2843] {strides = array<i32>} : memref<128x128xf32, #tpu.memory_space<vmem>>, vector<16xf32>,
      tpu.vector_store %arg17[%swap3A_2842, %swap3A_2843], %get3A_2841 {strides = array<i32>} : memref<128x128xf32, #tpu.memory_space<vmem>>, vector<16xf32>,
      %get3A_2845 = arith.index_cast %reduce_sum3A_2810 : i32 to index
      %get3A_2846 = arith.constant 16 : index
      %get3A_2847 = tpu.vector_load %arg12[%get3A_2845, %get3A_2846] {strides = array<i32>} : memref<100x64xf32, #tpu.memory_space<vmem>>, vector<16xf32>,
      %swap3A_2848 = arith.index_cast %add3A_2816 : i32 to index
      %swap3A_2849 = arith.constant 16 : index
      %swap3A_2850 = tpu.vector_load %arg16[%swap3A_2848, %swap3A_2849] {strides = array<i32>} : memref<128x128xf32, #tpu.memory_space<vmem>>, vector<16xf32>,
      tpu.vector_store %arg16[%swap3A_2848, %swap3A_2849], %get3A_2847 {strides = array<i32>} : memref<128x128xf32, #tpu.memory_space<vmem>>, vector<16xf32>,
      %get3A_2851 = arith.constant 9 : i32
      %get3A_2852 = arith.index_cast %get3A_2851 : i32 to index
      %get3A_2853 = arith.index_cast %rem3A_2812 : i32 to index
      %get3A_2854 = arith.constant 16 : index
      %get3A_2855 = tpu.vector_load %arg14[%get3A_2852, %get3A_2853, %get3A_2854] {strides = array<i32>} : memref<16x8x64xf32, #tpu.memory_space<vmem>>, vector<16xf32>,
      %swap3A_2856 = arith.index_cast %add3A_2816 : i32 to index
      %swap3A_2857 = arith.constant 80 : index
      %swap3A_2858 = tpu.vector_load %arg16[%swap3A_2856, %swap3A_2857] {strides = array<i32>} : memref<128x128xf32, #tpu.memory_space<vmem>>, vector<16xf32>,
      tpu.vector_store %arg16[%swap3A_2856, %swap3A_2857], %get3A_2855 {strides = array<i32>} : memref<128x128xf32, #tpu.memory_space<vmem>>, vector<16xf32>,
      %get3A_2859 = arith.index_cast %reduce_sum3A_2810 : i32 to index
      %get3A_2860 = arith.constant 16 : index
      %get3A_2861 = tpu.vector_load %arg13[%get3A_2859, %get3A_2860] {strides = array<i32>} : memref<100x64xf32, #tpu.memory_space<vmem>>, vector<16xf32>,
      %swap3A_2862 = arith.index_cast %add3A_2816 : i32 to index
      %swap3A_2863 = arith.constant 16 : index
      %swap3A_2864 = tpu.vector_load %arg17[%swap3A_2862, %swap3A_2863] {strides = array<i32>} : memref<128x128xf32, #tpu.memory_space<vmem>>, vector<16xf32>,
      tpu.vector_store %arg17[%swap3A_2862, %swap3A_2863], %get3A_2861 {strides = array<i32>} : memref<128x128xf32, #tpu.memory_space<vmem>>, vector<16xf32>,
      %get3A_2865 = arith.constant 9 : i32
      %get3A_2866 = arith.index_cast %get3A_2865 : i32 to index
      %get3A_2867 = arith.index_cast %rem3A_2812 : i32 to index
      %get3A_2868 = arith.constant 16 : index
      %get3A_2869 = tpu.vector_load %arg15[%get3A_2866, %get3A_2867, %get3A_2868] {strides = array<i32>} : memref<16x8x64xf32, #tpu.memory_space<vmem>>, vector<16xf32>,
      %swap3A_2870 = arith.index_cast %add3A_2816 : i32 to index
      %swap3A_2871 = arith.constant 80 : index
      %swap3A_2872 = tpu.vector_load %arg17[%swap3A_2870, %swap3A_2871] {strides = array<i32>} : memref<128x128xf32, #tpu.memory_space<vmem>>, vector<16xf32>,
      tpu.vector_store %arg17[%swap3A_2870, %swap3A_2871], %get3A_2869 {strides = array<i32>} : memref<128x128xf32, #tpu.memory_space<vmem>>, vector<16xf32>,
      %get3A_2873 = arith.index_cast %reduce_sum3A_2810 : i32 to index
      %get3A_2874 = arith.constant 32 : index
      %get3A_2875 = tpu.vector_load %arg12[%get3A_2873, %get3A_2874] {strides = array<i32>} : memref<100x64xf32, #tpu.memory_space<vmem>>, vector<16xf32>,
      %swap3A_2876 = arith.index_cast %add3A_2816 : i32 to index
      %swap3A_2877 = arith.constant 32 : index
      %swap3A_2878 = tpu.vector_load %arg16[%swap3A_2876, %swap3A_2877] {strides = array<i32>} : memref<128x128xf32, #tpu.memory_space<vmem>>, vector<16xf32>,
      tpu.vector_store %arg16[%swap3A_2876, %swap3A_2877], %get3A_2875 {strides = array<i32>} : memref<128x128xf32, #tpu.memory_space<vmem>>, vector<16xf32>,
      %get3A_2879 = arith.constant 9 : i32
      %get3A_2880 = arith.index_cast %get3A_2879 : i32 to index
      %get3A_2881 = arith.index_cast %rem3A_2812 : i32 to index
      %get3A_2882 = arith.constant 32 : index
      %get3A_2883 = tpu.vector_load %arg14[%get3A_2880, %get3A_2881, %get3A_2882] {strides = array<i32>} : memref<16x8x64xf32, #tpu.memory_space<vmem>>, vector<16xf32>,
      %swap3A_2884 = arith.index_cast %add3A_2816 : i32 to index
      %swap3A_2885 = arith.constant 96 : index
      %swap3A_2886 = tpu.vector_load %arg16[%swap3A_2884, %swap3A_2885] {strides = array<i32>} : memref<128x128xf32, #tpu.memory_space<vmem>>, vector<16xf32>,
      tpu.vector_store %arg16[%swap3A_2884, %swap3A_2885], %get3A_2883 {strides = array<i32>} : memref<128x128xf32, #tpu.memory_space<vmem>>, vector<16xf32>,
      %get3A_2887 = arith.index_cast %reduce_sum3A_2810 : i32 to index
      %get3A_2888 = arith.constant 32 : index
      %get3A_2889 = tpu.vector_load %arg13[%get3A_2887, %get3A_2888] {strides = array<i32>} : memref<100x64xf32, #tpu.memory_space<vmem>>, vector<16xf32>,
      %swap3A_2890 = arith.index_cast %add3A_2816 : i32 to index
      %swap3A_2891 = arith.constant 32 : index
      %swap3A_2892 = tpu.vector_load %arg17[%swap3A_2890, %swap3A_2891] {strides = array<i32>} : memref<128x128xf32, #tpu.memory_space<vmem>>, vector<16xf32>,
      tpu.vector_store %arg17[%swap3A_2890, %swap3A_2891], %get3A_2889 {strides = array<i32>} : memref<128x128xf32, #tpu.memory_space<vmem>>, vector<16xf32>,
      %get3A_2893 = arith.constant 9 : i32
      %get3A_2894 = arith.index_cast %get3A_2893 : i32 to index
      %get3A_2895 = arith.index_cast %rem3A_2812 : i32 to index
      %get3A_2896 = arith.constant 32 : index
      %get3A_2897 = tpu.vector_load %arg15[%get3A_2894, %get3A_2895, %get3A_2896] {strides = array<i32>} : memref<16x8x64xf32, #tpu.memory_space<vmem>>, vector<16xf32>,
      %swap3A_2898 = arith.index_cast %add3A_2816 : i32 to index
      %swap3A_2899 = arith.constant 96 : index
      %swap3A_2900 = tpu.vector_load %arg17[%swap3A_2898, %swap3A_2899] {strides = array<i32>} : memref<128x128xf32, #tpu.memory_space<vmem>>, vector<16xf32>,
      tpu.vector_store %arg17[%swap3A_2898, %swap3A_2899], %get3A_2897 {strides = array<i32>} : memref<128x128xf32, #tpu.memory_space<vmem>>, vector<16xf32>,
      %get3A_2901 = arith.index_cast %reduce_sum3A_2810 : i32 to index
      %get3A_2902 = arith.constant 48 : index
      %get3A_2903 = tpu.vector_load %arg12[%get3A_2901, %get3A_2902] {strides = array<i32>} : memref<100x64xf32, #tpu.memory_space<vmem>>, vector<16xf32>,
      %swap3A_2904 = arith.index_cast %add3A_2816 : i32 to index
      %swap3A_2905 = arith.constant 48 : index
      %swap3A_2906 = tpu.vector_load %arg16[%swap3A_2904, %swap3A_2905] {strides = array<i32>} : memref<128x128xf32, #tpu.memory_space<vmem>>, vector<16xf32>,
      tpu.vector_store %arg16[%swap3A_2904, %swap3A_2905], %get3A_2903 {strides = array<i32>} : memref<128x128xf32, #tpu.memory_space<vmem>>, vector<16xf32>,
      %get3A_2907 = arith.constant 9 : i32
      %get3A_2908 = arith.index_cast %get3A_2907 : i32 to index
      %get3A_2909 = arith.index_cast %rem3A_2812 : i32 to index
      %get3A_2910 = arith.constant 48 : index
      %get3A_2911 = tpu.vector_load %arg14[%get3A_2908, %get3A_2909, %get3A_2910] {strides = array<i32>} : memref<16x8x64xf32, #tpu.memory_space<vmem>>, vector<16xf32>,
      %swap3A_2912 = arith.index_cast %add3A_2816 : i32 to index
      %swap3A_2913 = arith.constant 112 : index
      %swap3A_2914 = tpu.vector_load %arg16[%swap3A_2912, %swap3A_2913] {strides = array<i32>} : memref<128x128xf32, #tpu.memory_space<vmem>>, vector<16xf32>,
      tpu.vector_store %arg16[%swap3A_2912, %swap3A_2913], %get3A_2911 {strides = array<i32>} : memref<128x128xf32, #tpu.memory_space<vmem>>, vector<16xf32>,
      %get3A_2915 = arith.index_cast %reduce_sum3A_2810 : i32 to index
      %get3A_2916 = arith.constant 48 : index
      %get3A_2917 = tpu.vector_load %arg13[%get3A_2915, %get3A_2916] {strides = array<i32>} : memref<100x64xf32, #tpu.memory_space<vmem>>, vector<16xf32>,
      %swap3A_2918 = arith.index_cast %add3A_2816 : i32 to index
      %swap3A_2919 = arith.constant 48 : index
      %swap3A_2920 = tpu.vector_load %arg17[%swap3A_2918, %swap3A_2919] {strides = array<i32>} : memref<128x128xf32, #tpu.memory_space<vmem>>, vector<16xf32>,
      tpu.vector_store %arg17[%swap3A_2918, %swap3A_2919], %get3A_2917 {strides = array<i32>} : memref<128x128xf32, #tpu.memory_space<vmem>>, vector<16xf32>,
      %get3A_2921 = arith.constant 9 : i32
      %get3A_2922 = arith.index_cast %get3A_2921 : i32 to index
      %get3A_2923 = arith.index_cast %rem3A_2812 : i32 to index
      %get3A_2924 = arith.constant 48 : index
      %get3A_2925 = tpu.vector_load %arg15[%get3A_2922, %get3A_2923, %get3A_2924] {strides = array<i32>} : memref<16x8x64xf32, #tpu.memory_space<vmem>>, vector<16xf32>,
      %swap3A_2926 = arith.index_cast %add3A_2816 : i32 to index
      %swap3A_2927 = arith.constant 112 : index
      %swap3A_2928 = tpu.vector_load %arg17[%swap3A_2926, %swap3A_2927] {strides = array<i32>} : memref<128x128xf32, #tpu.memory_space<vmem>>, vector<16xf32>,
      tpu.vector_store %arg17[%swap3A_2926, %swap3A_2927], %get3A_2925 {strides = array<i32>} : memref<128x128xf32, #tpu.memory_space<vmem>>, vector<16xf32>,
      %eq3A_2929 = arith.constant 10 : i32
      %eq3A_2930 = vector.broadcast %eq3A_2929 : i32 to vector<16xi32>
      %eq3A_2931 = arith.cmpi eq, %iota3A, %eq3A_2930 : vector<16xi32>
      %select_n3A_2932 = arith.select %eq3A_2931, %get3A_32, %broadcast_in_dim3A_3 : vector<16xi1>, vector<16xi32>
      %reduce_sum3A_2933 = arith.constant true
      %reduce_sum3A_2934 = vector.broadcast %reduce_sum3A_2933 : i1 to vector<16xi1>
      %reduce_sum3A_2935 = tpu.scan <sum>, %select_n3A_2932 masked %reduce_sum3A_2934 : vector<16xi32>, vector<16xi1> -> vector<16xi32>
      %reduce_sum3A_2936 = vector.extract %reduce_sum3A_2935[15] : i32 from vector<16xi32>
      %rem3A_2937 = arith.constant 8 : i32
      %rem3A_2938 = arith.remsi %reduce_sum3A_2936, %rem3A_2937 : i32
      %mul3A_2939 = arith.constant 16 : i32
      %mul3A_2940 = arith.muli %scan3A_24, %mul3A_2939 : i32
      %add3A_2941 = arith.constant 10 : i32
      %add3A_2942 = arith.addi %mul3A_2940, %add3A_2941 : i32
      %get3A_2943 = arith.index_cast %reduce_sum3A_2936 : i32 to index
      %get3A_2944 = arith.constant 0 : index
      %get3A_2945 = tpu.vector_load %arg12[%get3A_2943, %get3A_2944] {strides = array<i32>} : memref<100x64xf32, #tpu.memory_space<vmem>>, vector<16xf32>,
      %swap3A_2946 = arith.index_cast %add3A_2942 : i32 to index
      %swap3A_2947 = arith.constant 0 : index
      %swap3A_2948 = tpu.vector_load %arg16[%swap3A_2946, %swap3A_2947] {strides = array<i32>} : memref<128x128xf32, #tpu.memory_space<vmem>>, vector<16xf32>,
      tpu.vector_store %arg16[%swap3A_2946, %swap3A_2947], %get3A_2945 {strides = array<i32>} : memref<128x128xf32, #tpu.memory_space<vmem>>, vector<16xf32>,
      %get3A_2949 = arith.constant 10 : i32
      %get3A_2950 = arith.index_cast %get3A_2949 : i32 to index
      %get3A_2951 = arith.index_cast %rem3A_2938 : i32 to index
      %get3A_2952 = arith.constant 0 : index
      %get3A_2953 = tpu.vector_load %arg14[%get3A_2950, %get3A_2951, %get3A_2952] {strides = array<i32>} : memref<16x8x64xf32, #tpu.memory_space<vmem>>, vector<16xf32>,
      %swap3A_2954 = arith.index_cast %add3A_2942 : i32 to index
      %swap3A_2955 = arith.constant 64 : index
      %swap3A_2956 = tpu.vector_load %arg16[%swap3A_2954, %swap3A_2955] {strides = array<i32>} : memref<128x128xf32, #tpu.memory_space<vmem>>, vector<16xf32>,
      tpu.vector_store %arg16[%swap3A_2954, %swap3A_2955], %get3A_2953 {strides = array<i32>} : memref<128x128xf32, #tpu.memory_space<vmem>>, vector<16xf32>,
      %get3A_2957 = arith.index_cast %reduce_sum3A_2936 : i32 to index
      %get3A_2958 = arith.constant 0 : index
      %get3A_2959 = tpu.vector_load %arg13[%get3A_2957, %get3A_2958] {strides = array<i32>} : memref<100x64xf32, #tpu.memory_space<vmem>>, vector<16xf32>,
      %swap3A_2960 = arith.index_cast %add3A_2942 : i32 to index
      %swap3A_2961 = arith.constant 0 : index
      %swap3A_2962 = tpu.vector_load %arg17[%swap3A_2960, %swap3A_2961] {strides = array<i32>} : memref<128x128xf32, #tpu.memory_space<vmem>>, vector<16xf32>,
      tpu.vector_store %arg17[%swap3A_2960, %swap3A_2961], %get3A_2959 {strides = array<i32>} : memref<128x128xf32, #tpu.memory_space<vmem>>, vector<16xf32>,
      %get3A_2963 = arith.constant 10 : i32
      %get3A_2964 = arith.index_cast %get3A_2963 : i32 to index
      %get3A_2965 = arith.index_cast %rem3A_2938 : i32 to index
      %get3A_2966 = arith.constant 0 : index
      %get3A_2967 = tpu.vector_load %arg15[%get3A_2964, %get3A_2965, %get3A_2966] {strides = array<i32>} : memref<16x8x64xf32, #tpu.memory_space<vmem>>, vector<16xf32>,
      %swap3A_2968 = arith.index_cast %add3A_2942 : i32 to index
      %swap3A_2969 = arith.constant 64 : index
      %swap3A_2970 = tpu.vector_load %arg17[%swap3A_2968, %swap3A_2969] {strides = array<i32>} : memref<128x128xf32, #tpu.memory_space<vmem>>, vector<16xf32>,
      tpu.vector_store %arg17[%swap3A_2968, %swap3A_2969], %get3A_2967 {strides = array<i32>} : memref<128x128xf32, #tpu.memory_space<vmem>>, vector<16xf32>,
      %get3A_2971 = arith.index_cast %reduce_sum3A_2936 : i32 to index
      %get3A_2972 = arith.constant 16 : index
      %get3A_2973 = tpu.vector_load %arg12[%get3A_2971, %get3A_2972] {strides = array<i32>} : memref<100x64xf32, #tpu.memory_space<vmem>>, vector<16xf32>,
      %swap3A_2974 = arith.index_cast %add3A_2942 : i32 to index
      %swap3A_2975 = arith.constant 16 : index
      %swap3A_2976 = tpu.vector_load %arg16[%swap3A_2974, %swap3A_2975] {strides = array<i32>} : memref<128x128xf32, #tpu.memory_space<vmem>>, vector<16xf32>,
      tpu.vector_store %arg16[%swap3A_2974, %swap3A_2975], %get3A_2973 {strides = array<i32>} : memref<128x128xf32, #tpu.memory_space<vmem>>, vector<16xf32>,
      %get3A_2977 = arith.constant 10 : i32
      %get3A_2978 = arith.index_cast %get3A_2977 : i32 to index
      %get3A_2979 = arith.index_cast %rem3A_2938 : i32 to index
      %get3A_2980 = arith.constant 16 : index
      %get3A_2981 = tpu.vector_load %arg14[%get3A_2978, %get3A_2979, %get3A_2980] {strides = array<i32>} : memref<16x8x64xf32, #tpu.memory_space<vmem>>, vector<16xf32>,
      %swap3A_2982 = arith.index_cast %add3A_2942 : i32 to index
      %swap3A_2983 = arith.constant 80 : index
      %swap3A_2984 = tpu.vector_load %arg16[%swap3A_2982, %swap3A_2983] {strides = array<i32>} : memref<128x128xf32, #tpu.memory_space<vmem>>, vector<16xf32>,
      tpu.vector_store %arg16[%swap3A_2982, %swap3A_2983], %get3A_2981 {strides = array<i32>} : memref<128x128xf32, #tpu.memory_space<vmem>>, vector<16xf32>,
      %get3A_2985 = arith.index_cast %reduce_sum3A_2936 : i32 to index
      %get3A_2986 = arith.constant 16 : index
      %get3A_2987 = tpu.vector_load %arg13[%get3A_2985, %get3A_2986] {strides = array<i32>} : memref<100x64xf32, #tpu.memory_space<vmem>>, vector<16xf32>,
      %swap3A_2988 = arith.index_cast %add3A_2942 : i32 to index
      %swap3A_2989 = arith.constant 16 : index
      %swap3A_2990 = tpu.vector_load %arg17[%swap3A_2988, %swap3A_2989] {strides = array<i32>} : memref<128x128xf32, #tpu.memory_space<vmem>>, vector<16xf32>,
      tpu.vector_store %arg17[%swap3A_2988, %swap3A_2989], %get3A_2987 {strides = array<i32>} : memref<128x128xf32, #tpu.memory_space<vmem>>, vector<16xf32>,
      %get3A_2991 = arith.constant 10 : i32
      %get3A_2992 = arith.index_cast %get3A_2991 : i32 to index
      %get3A_2993 = arith.index_cast %rem3A_2938 : i32 to index
      %get3A_2994 = arith.constant 16 : index
      %get3A_2995 = tpu.vector_load %arg15[%get3A_2992, %get3A_2993, %get3A_2994] {strides = array<i32>} : memref<16x8x64xf32, #tpu.memory_space<vmem>>, vector<16xf32>,
      %swap3A_2996 = arith.index_cast %add3A_2942 : i32 to index
      %swap3A_2997 = arith.constant 80 : index
      %swap3A_2998 = tpu.vector_load %arg17[%swap3A_2996, %swap3A_2997] {strides = array<i32>} : memref<128x128xf32, #tpu.memory_space<vmem>>, vector<16xf32>,
      tpu.vector_store %arg17[%swap3A_2996, %swap3A_2997], %get3A_2995 {strides = array<i32>} : memref<128x128xf32, #tpu.memory_space<vmem>>, vector<16xf32>,
      %get3A_2999 = arith.index_cast %reduce_sum3A_2936 : i32 to index
      %get3A_3000 = arith.constant 32 : index
      %get3A_3001 = tpu.vector_load %arg12[%get3A_2999, %get3A_3000] {strides = array<i32>} : memref<100x64xf32, #tpu.memory_space<vmem>>, vector<16xf32>,
      %swap3A_3002 = arith.index_cast %add3A_2942 : i32 to index
      %swap3A_3003 = arith.constant 32 : index
      %swap3A_3004 = tpu.vector_load %arg16[%swap3A_3002, %swap3A_3003] {strides = array<i32>} : memref<128x128xf32, #tpu.memory_space<vmem>>, vector<16xf32>,
      tpu.vector_store %arg16[%swap3A_3002, %swap3A_3003], %get3A_3001 {strides = array<i32>} : memref<128x128xf32, #tpu.memory_space<vmem>>, vector<16xf32>,
      %get3A_3005 = arith.constant 10 : i32
      %get3A_3006 = arith.index_cast %get3A_3005 : i32 to index
      %get3A_3007 = arith.index_cast %rem3A_2938 : i32 to index
      %get3A_3008 = arith.constant 32 : index
      %get3A_3009 = tpu.vector_load %arg14[%get3A_3006, %get3A_3007, %get3A_3008] {strides = array<i32>} : memref<16x8x64xf32, #tpu.memory_space<vmem>>, vector<16xf32>,
      %swap3A_3010 = arith.index_cast %add3A_2942 : i32 to index
      %swap3A_3011 = arith.constant 96 : index
      %swap3A_3012 = tpu.vector_load %arg16[%swap3A_3010, %swap3A_3011] {strides = array<i32>} : memref<128x128xf32, #tpu.memory_space<vmem>>, vector<16xf32>,
      tpu.vector_store %arg16[%swap3A_3010, %swap3A_3011], %get3A_3009 {strides = array<i32>} : memref<128x128xf32, #tpu.memory_space<vmem>>, vector<16xf32>,
      %get3A_3013 = arith.index_cast %reduce_sum3A_2936 : i32 to index
      %get3A_3014 = arith.constant 32 : index
      %get3A_3015 = tpu.vector_load %arg13[%get3A_3013, %get3A_3014] {strides = array<i32>} : memref<100x64xf32, #tpu.memory_space<vmem>>, vector<16xf32>,
      %swap3A_3016 = arith.index_cast %add3A_2942 : i32 to index
      %swap3A_3017 = arith.constant 32 : index
      %swap3A_3018 = tpu.vector_load %arg17[%swap3A_3016, %swap3A_3017] {strides = array<i32>} : memref<128x128xf32, #tpu.memory_space<vmem>>, vector<16xf32>,
      tpu.vector_store %arg17[%swap3A_3016, %swap3A_3017], %get3A_3015 {strides = array<i32>} : memref<128x128xf32, #tpu.memory_space<vmem>>, vector<16xf32>,
      %get3A_3019 = arith.constant 10 : i32
      %get3A_3020 = arith.index_cast %get3A_3019 : i32 to index
      %get3A_3021 = arith.index_cast %rem3A_2938 : i32 to index
      %get3A_3022 = arith.constant 32 : index
      %get3A_3023 = tpu.vector_load %arg15[%get3A_3020, %get3A_3021, %get3A_3022] {strides = array<i32>} : memref<16x8x64xf32, #tpu.memory_space<vmem>>, vector<16xf32>,
      %swap3A_3024 = arith.index_cast %add3A_2942 : i32 to index
      %swap3A_3025 = arith.constant 96 : index
      %swap3A_3026 = tpu.vector_load %arg17[%swap3A_3024, %swap3A_3025] {strides = array<i32>} : memref<128x128xf32, #tpu.memory_space<vmem>>, vector<16xf32>,
      tpu.vector_store %arg17[%swap3A_3024, %swap3A_3025], %get3A_3023 {strides = array<i32>} : memref<128x128xf32, #tpu.memory_space<vmem>>, vector<16xf32>,
      %get3A_3027 = arith.index_cast %reduce_sum3A_2936 : i32 to index
      %get3A_3028 = arith.constant 48 : index
      %get3A_3029 = tpu.vector_load %arg12[%get3A_3027, %get3A_3028] {strides = array<i32>} : memref<100x64xf32, #tpu.memory_space<vmem>>, vector<16xf32>,
      %swap3A_3030 = arith.index_cast %add3A_2942 : i32 to index
      %swap3A_3031 = arith.constant 48 : index
      %swap3A_3032 = tpu.vector_load %arg16[%swap3A_3030, %swap3A_3031] {strides = array<i32>} : memref<128x128xf32, #tpu.memory_space<vmem>>, vector<16xf32>,
      tpu.vector_store %arg16[%swap3A_3030, %swap3A_3031], %get3A_3029 {strides = array<i32>} : memref<128x128xf32, #tpu.memory_space<vmem>>, vector<16xf32>,
      %get3A_3033 = arith.constant 10 : i32
      %get3A_3034 = arith.index_cast %get3A_3033 : i32 to index
      %get3A_3035 = arith.index_cast %rem3A_2938 : i32 to index
      %get3A_3036 = arith.constant 48 : index
      %get3A_3037 = tpu.vector_load %arg14[%get3A_3034, %get3A_3035, %get3A_3036] {strides = array<i32>} : memref<16x8x64xf32, #tpu.memory_space<vmem>>, vector<16xf32>,
      %swap3A_3038 = arith.index_cast %add3A_2942 : i32 to index
      %swap3A_3039 = arith.constant 112 : index
      %swap3A_3040 = tpu.vector_load %arg16[%swap3A_3038, %swap3A_3039] {strides = array<i32>} : memref<128x128xf32, #tpu.memory_space<vmem>>, vector<16xf32>,
      tpu.vector_store %arg16[%swap3A_3038, %swap3A_3039], %get3A_3037 {strides = array<i32>} : memref<128x128xf32, #tpu.memory_space<vmem>>, vector<16xf32>,
      %get3A_3041 = arith.index_cast %reduce_sum3A_2936 : i32 to index
      %get3A_3042 = arith.constant 48 : index
      %get3A_3043 = tpu.vector_load %arg13[%get3A_3041, %get3A_3042] {strides = array<i32>} : memref<100x64xf32, #tpu.memory_space<vmem>>, vector<16xf32>,
      %swap3A_3044 = arith.index_cast %add3A_2942 : i32 to index
      %swap3A_3045 = arith.constant 48 : index
      %swap3A_3046 = tpu.vector_load %arg17[%swap3A_3044, %swap3A_3045] {strides = array<i32>} : memref<128x128xf32, #tpu.memory_space<vmem>>, vector<16xf32>,
      tpu.vector_store %arg17[%swap3A_3044, %swap3A_3045], %get3A_3043 {strides = array<i32>} : memref<128x128xf32, #tpu.memory_space<vmem>>, vector<16xf32>,
      %get3A_3047 = arith.constant 10 : i32
      %get3A_3048 = arith.index_cast %get3A_3047 : i32 to index
      %get3A_3049 = arith.index_cast %rem3A_2938 : i32 to index
      %get3A_3050 = arith.constant 48 : index
      %get3A_3051 = tpu.vector_load %arg15[%get3A_3048, %get3A_3049, %get3A_3050] {strides = array<i32>} : memref<16x8x64xf32, #tpu.memory_space<vmem>>, vector<16xf32>,
      %swap3A_3052 = arith.index_cast %add3A_2942 : i32 to index
      %swap3A_3053 = arith.constant 112 : index
      %swap3A_3054 = tpu.vector_load %arg17[%swap3A_3052, %swap3A_3053] {strides = array<i32>} : memref<128x128xf32, #tpu.memory_space<vmem>>, vector<16xf32>,
      tpu.vector_store %arg17[%swap3A_3052, %swap3A_3053], %get3A_3051 {strides = array<i32>} : memref<128x128xf32, #tpu.memory_space<vmem>>, vector<16xf32>,
      %eq3A_3055 = arith.constant 11 : i32
      %eq3A_3056 = vector.broadcast %eq3A_3055 : i32 to vector<16xi32>
      %eq3A_3057 = arith.cmpi eq, %iota3A, %eq3A_3056 : vector<16xi32>
      %select_n3A_3058 = arith.select %eq3A_3057, %get3A_32, %broadcast_in_dim3A_3 : vector<16xi1>, vector<16xi32>
      %reduce_sum3A_3059 = arith.constant true
      %reduce_sum3A_3060 = vector.broadcast %reduce_sum3A_3059 : i1 to vector<16xi1>
      %reduce_sum3A_3061 = tpu.scan <sum>, %select_n3A_3058 masked %reduce_sum3A_3060 : vector<16xi32>, vector<16xi1> -> vector<16xi32>
      %reduce_sum3A_3062 = vector.extract %reduce_sum3A_3061[15] : i32 from vector<16xi32>
      %rem3A_3063 = arith.constant 8 : i32
      %rem3A_3064 = arith.remsi %reduce_sum3A_3062, %rem3A_3063 : i32
      %mul3A_3065 = arith.constant 16 : i32
      %mul3A_3066 = arith.muli %scan3A_24, %mul3A_3065 : i32
      %add3A_3067 = arith.constant 11 : i32
      %add3A_3068 = arith.addi %mul3A_3066, %add3A_3067 : i32
      %get3A_3069 = arith.index_cast %reduce_sum3A_3062 : i32 to index
      %get3A_3070 = arith.constant 0 : index
      %get3A_3071 = tpu.vector_load %arg12[%get3A_3069, %get3A_3070] {strides = array<i32>} : memref<100x64xf32, #tpu.memory_space<vmem>>, vector<16xf32>,
      %swap3A_3072 = arith.index_cast %add3A_3068 : i32 to index
      %swap3A_3073 = arith.constant 0 : index
      %swap3A_3074 = tpu.vector_load %arg16[%swap3A_3072, %swap3A_3073] {strides = array<i32>} : memref<128x128xf32, #tpu.memory_space<vmem>>, vector<16xf32>,
      tpu.vector_store %arg16[%swap3A_3072, %swap3A_3073], %get3A_3071 {strides = array<i32>} : memref<128x128xf32, #tpu.memory_space<vmem>>, vector<16xf32>,
      %get3A_3075 = arith.constant 11 : i32
      %get3A_3076 = arith.index_cast %get3A_3075 : i32 to index
      %get3A_3077 = arith.index_cast %rem3A_3064 : i32 to index
      %get3A_3078 = arith.constant 0 : index
      %get3A_3079 = tpu.vector_load %arg14[%get3A_3076, %get3A_3077, %get3A_3078] {strides = array<i32>} : memref<16x8x64xf32, #tpu.memory_space<vmem>>, vector<16xf32>,
      %swap3A_3080 = arith.index_cast %add3A_3068 : i32 to index
      %swap3A_3081 = arith.constant 64 : index
      %swap3A_3082 = tpu.vector_load %arg16[%swap3A_3080, %swap3A_3081] {strides = array<i32>} : memref<128x128xf32, #tpu.memory_space<vmem>>, vector<16xf32>,
      tpu.vector_store %arg16[%swap3A_3080, %swap3A_3081], %get3A_3079 {strides = array<i32>} : memref<128x128xf32, #tpu.memory_space<vmem>>, vector<16xf32>,
      %get3A_3083 = arith.index_cast %reduce_sum3A_3062 : i32 to index
      %get3A_3084 = arith.constant 0 : index
      %get3A_3085 = tpu.vector_load %arg13[%get3A_3083, %get3A_3084] {strides = array<i32>} : memref<100x64xf32, #tpu.memory_space<vmem>>, vector<16xf32>,
      %swap3A_3086 = arith.index_cast %add3A_3068 : i32 to index
      %swap3A_3087 = arith.constant 0 : index
      %swap3A_3088 = tpu.vector_load %arg17[%swap3A_3086, %swap3A_3087] {strides = array<i32>} : memref<128x128xf32, #tpu.memory_space<vmem>>, vector<16xf32>,
      tpu.vector_store %arg17[%swap3A_3086, %swap3A_3087], %get3A_3085 {strides = array<i32>} : memref<128x128xf32, #tpu.memory_space<vmem>>, vector<16xf32>,
      %get3A_3089 = arith.constant 11 : i32
      %get3A_3090 = arith.index_cast %get3A_3089 : i32 to index
      %get3A_3091 = arith.index_cast %rem3A_3064 : i32 to index
      %get3A_3092 = arith.constant 0 : index
      %get3A_3093 = tpu.vector_load %arg15[%get3A_3090, %get3A_3091, %get3A_3092] {strides = array<i32>} : memref<16x8x64xf32, #tpu.memory_space<vmem>>, vector<16xf32>,
      %swap3A_3094 = arith.index_cast %add3A_3068 : i32 to index
      %swap3A_3095 = arith.constant 64 : index
      %swap3A_3096 = tpu.vector_load %arg17[%swap3A_3094, %swap3A_3095] {strides = array<i32>} : memref<128x128xf32, #tpu.memory_space<vmem>>, vector<16xf32>,
      tpu.vector_store %arg17[%swap3A_3094, %swap3A_3095], %get3A_3093 {strides = array<i32>} : memref<128x128xf32, #tpu.memory_space<vmem>>, vector<16xf32>,
      %get3A_3097 = arith.index_cast %reduce_sum3A_3062 : i32 to index
      %get3A_3098 = arith.constant 16 : index
      %get3A_3099 = tpu.vector_load %arg12[%get3A_3097, %get3A_3098] {strides = array<i32>} : memref<100x64xf32, #tpu.memory_space<vmem>>, vector<16xf32>,
      %swap3A_3100 = arith.index_cast %add3A_3068 : i32 to index
      %swap3A_3101 = arith.constant 16 : index
      %swap3A_3102 = tpu.vector_load %arg16[%swap3A_3100, %swap3A_3101] {strides = array<i32>} : memref<128x128xf32, #tpu.memory_space<vmem>>, vector<16xf32>,
      tpu.vector_store %arg16[%swap3A_3100, %swap3A_3101], %get3A_3099 {strides = array<i32>} : memref<128x128xf32, #tpu.memory_space<vmem>>, vector<16xf32>,
      %get3A_3103 = arith.constant 11 : i32
      %get3A_3104 = arith.index_cast %get3A_3103 : i32 to index
      %get3A_3105 = arith.index_cast %rem3A_3064 : i32 to index
      %get3A_3106 = arith.constant 16 : index
      %get3A_3107 = tpu.vector_load %arg14[%get3A_3104, %get3A_3105, %get3A_3106] {strides = array<i32>} : memref<16x8x64xf32, #tpu.memory_space<vmem>>, vector<16xf32>,
      %swap3A_3108 = arith.index_cast %add3A_3068 : i32 to index
      %swap3A_3109 = arith.constant 80 : index
      %swap3A_3110 = tpu.vector_load %arg16[%swap3A_3108, %swap3A_3109] {strides = array<i32>} : memref<128x128xf32, #tpu.memory_space<vmem>>, vector<16xf32>,
      tpu.vector_store %arg16[%swap3A_3108, %swap3A_3109], %get3A_3107 {strides = array<i32>} : memref<128x128xf32, #tpu.memory_space<vmem>>, vector<16xf32>,
      %get3A_3111 = arith.index_cast %reduce_sum3A_3062 : i32 to index
      %get3A_3112 = arith.constant 16 : index
      %get3A_3113 = tpu.vector_load %arg13[%get3A_3111, %get3A_3112] {strides = array<i32>} : memref<100x64xf32, #tpu.memory_space<vmem>>, vector<16xf32>,
      %swap3A_3114 = arith.index_cast %add3A_3068 : i32 to index
      %swap3A_3115 = arith.constant 16 : index
      %swap3A_3116 = tpu.vector_load %arg17[%swap3A_3114, %swap3A_3115] {strides = array<i32>} : memref<128x128xf32, #tpu.memory_space<vmem>>, vector<16xf32>,
      tpu.vector_store %arg17[%swap3A_3114, %swap3A_3115], %get3A_3113 {strides = array<i32>} : memref<128x128xf32, #tpu.memory_space<vmem>>, vector<16xf32>,
      %get3A_3117 = arith.constant 11 : i32
      %get3A_3118 = arith.index_cast %get3A_3117 : i32 to index
      %get3A_3119 = arith.index_cast %rem3A_3064 : i32 to index
      %get3A_3120 = arith.constant 16 : index
      %get3A_3121 = tpu.vector_load %arg15[%get3A_3118, %get3A_3119, %get3A_3120] {strides = array<i32>} : memref<16x8x64xf32, #tpu.memory_space<vmem>>, vector<16xf32>,
      %swap3A_3122 = arith.index_cast %add3A_3068 : i32 to index
      %swap3A_3123 = arith.constant 80 : index
      %swap3A_3124 = tpu.vector_load %arg17[%swap3A_3122, %swap3A_3123] {strides = array<i32>} : memref<128x128xf32, #tpu.memory_space<vmem>>, vector<16xf32>,
      tpu.vector_store %arg17[%swap3A_3122, %swap3A_3123], %get3A_3121 {strides = array<i32>} : memref<128x128xf32, #tpu.memory_space<vmem>>, vector<16xf32>,
      %get3A_3125 = arith.index_cast %reduce_sum3A_3062 : i32 to index
      %get3A_3126 = arith.constant 32 : index
      %get3A_3127 = tpu.vector_load %arg12[%get3A_3125, %get3A_3126] {strides = array<i32>} : memref<100x64xf32, #tpu.memory_space<vmem>>, vector<16xf32>,
      %swap3A_3128 = arith.index_cast %add3A_3068 : i32 to index
      %swap3A_3129 = arith.constant 32 : index
      %swap3A_3130 = tpu.vector_load %arg16[%swap3A_3128, %swap3A_3129] {strides = array<i32>} : memref<128x128xf32, #tpu.memory_space<vmem>>, vector<16xf32>,
      tpu.vector_store %arg16[%swap3A_3128, %swap3A_3129], %get3A_3127 {strides = array<i32>} : memref<128x128xf32, #tpu.memory_space<vmem>>, vector<16xf32>,
      %get3A_3131 = arith.constant 11 : i32
      %get3A_3132 = arith.index_cast %get3A_3131 : i32 to index
      %get3A_3133 = arith.index_cast %rem3A_3064 : i32 to index
      %get3A_3134 = arith.constant 32 : index
      %get3A_3135 = tpu.vector_load %arg14[%get3A_3132, %get3A_3133, %get3A_3134] {strides = array<i32>} : memref<16x8x64xf32, #tpu.memory_space<vmem>>, vector<16xf32>,
      %swap3A_3136 = arith.index_cast %add3A_3068 : i32 to index
      %swap3A_3137 = arith.constant 96 : index
      %swap3A_3138 = tpu.vector_load %arg16[%swap3A_3136, %swap3A_3137] {strides = array<i32>} : memref<128x128xf32, #tpu.memory_space<vmem>>, vector<16xf32>,
      tpu.vector_store %arg16[%swap3A_3136, %swap3A_3137], %get3A_3135 {strides = array<i32>} : memref<128x128xf32, #tpu.memory_space<vmem>>, vector<16xf32>,
      %get3A_3139 = arith.index_cast %reduce_sum3A_3062 : i32 to index
      %get3A_3140 = arith.constant 32 : index
      %get3A_3141 = tpu.vector_load %arg13[%get3A_3139, %get3A_3140] {strides = array<i32>} : memref<100x64xf32, #tpu.memory_space<vmem>>, vector<16xf32>,
      %swap3A_3142 = arith.index_cast %add3A_3068 : i32 to index
      %swap3A_3143 = arith.constant 32 : index
      %swap3A_3144 = tpu.vector_load %arg17[%swap3A_3142, %swap3A_3143] {strides = array<i32>} : memref<128x128xf32, #tpu.memory_space<vmem>>, vector<16xf32>,
      tpu.vector_store %arg17[%swap3A_3142, %swap3A_3143], %get3A_3141 {strides = array<i32>} : memref<128x128xf32, #tpu.memory_space<vmem>>, vector<16xf32>,
      %get3A_3145 = arith.constant 11 : i32
      %get3A_3146 = arith.index_cast %get3A_3145 : i32 to index
      %get3A_3147 = arith.index_cast %rem3A_3064 : i32 to index
      %get3A_3148 = arith.constant 32 : index
      %get3A_3149 = tpu.vector_load %arg15[%get3A_3146, %get3A_3147, %get3A_3148] {strides = array<i32>} : memref<16x8x64xf32, #tpu.memory_space<vmem>>, vector<16xf32>,
      %swap3A_3150 = arith.index_cast %add3A_3068 : i32 to index
      %swap3A_3151 = arith.constant 96 : index
      %swap3A_3152 = tpu.vector_load %arg17[%swap3A_3150, %swap3A_3151] {strides = array<i32>} : memref<128x128xf32, #tpu.memory_space<vmem>>, vector<16xf32>,
      tpu.vector_store %arg17[%swap3A_3150, %swap3A_3151], %get3A_3149 {strides = array<i32>} : memref<128x128xf32, #tpu.memory_space<vmem>>, vector<16xf32>,
      %get3A_3153 = arith.index_cast %reduce_sum3A_3062 : i32 to index
      %get3A_3154 = arith.constant 48 : index
      %get3A_3155 = tpu.vector_load %arg12[%get3A_3153, %get3A_3154] {strides = array<i32>} : memref<100x64xf32, #tpu.memory_space<vmem>>, vector<16xf32>,
      %swap3A_3156 = arith.index_cast %add3A_3068 : i32 to index
      %swap3A_3157 = arith.constant 48 : index
      %swap3A_3158 = tpu.vector_load %arg16[%swap3A_3156, %swap3A_3157] {strides = array<i32>} : memref<128x128xf32, #tpu.memory_space<vmem>>, vector<16xf32>,
      tpu.vector_store %arg16[%swap3A_3156, %swap3A_3157], %get3A_3155 {strides = array<i32>} : memref<128x128xf32, #tpu.memory_space<vmem>>, vector<16xf32>,
      %get3A_3159 = arith.constant 11 : i32
      %get3A_3160 = arith.index_cast %get3A_3159 : i32 to index
      %get3A_3161 = arith.index_cast %rem3A_3064 : i32 to index
      %get3A_3162 = arith.constant 48 : index
      %get3A_3163 = tpu.vector_load %arg14[%get3A_3160, %get3A_3161, %get3A_3162] {strides = array<i32>} : memref<16x8x64xf32, #tpu.memory_space<vmem>>, vector<16xf32>,
      %swap3A_3164 = arith.index_cast %add3A_3068 : i32 to index
      %swap3A_3165 = arith.constant 112 : index
      %swap3A_3166 = tpu.vector_load %arg16[%swap3A_3164, %swap3A_3165] {strides = array<i32>} : memref<128x128xf32, #tpu.memory_space<vmem>>, vector<16xf32>,
      tpu.vector_store %arg16[%swap3A_3164, %swap3A_3165], %get3A_3163 {strides = array<i32>} : memref<128x128xf32, #tpu.memory_space<vmem>>, vector<16xf32>,
      %get3A_3167 = arith.index_cast %reduce_sum3A_3062 : i32 to index
      %get3A_3168 = arith.constant 48 : index
      %get3A_3169 = tpu.vector_load %arg13[%get3A_3167, %get3A_3168] {strides = array<i32>} : memref<100x64xf32, #tpu.memory_space<vmem>>, vector<16xf32>,
      %swap3A_3170 = arith.index_cast %add3A_3068 : i32 to index
      %swap3A_3171 = arith.constant 48 : index
      %swap3A_3172 = tpu.vector_load %arg17[%swap3A_3170, %swap3A_3171] {strides = array<i32>} : memref<128x128xf32, #tpu.memory_space<vmem>>, vector<16xf32>,
      tpu.vector_store %arg17[%swap3A_3170, %swap3A_3171], %get3A_3169 {strides = array<i32>} : memref<128x128xf32, #tpu.memory_space<vmem>>, vector<16xf32>,
      %get3A_3173 = arith.constant 11 : i32
      %get3A_3174 = arith.index_cast %get3A_3173 : i32 to index
      %get3A_3175 = arith.index_cast %rem3A_3064 : i32 to index
      %get3A_3176 = arith.constant 48 : index
      %get3A_3177 = tpu.vector_load %arg15[%get3A_3174, %get3A_3175, %get3A_3176] {strides = array<i32>} : memref<16x8x64xf32, #tpu.memory_space<vmem>>, vector<16xf32>,
      %swap3A_3178 = arith.index_cast %add3A_3068 : i32 to index
      %swap3A_3179 = arith.constant 112 : index
      %swap3A_3180 = tpu.vector_load %arg17[%swap3A_3178, %swap3A_3179] {strides = array<i32>} : memref<128x128xf32, #tpu.memory_space<vmem>>, vector<16xf32>,
      tpu.vector_store %arg17[%swap3A_3178, %swap3A_3179], %get3A_3177 {strides = array<i32>} : memref<128x128xf32, #tpu.memory_space<vmem>>, vector<16xf32>,
      %eq3A_3181 = arith.constant 12 : i32
      %eq3A_3182 = vector.broadcast %eq3A_3181 : i32 to vector<16xi32>
      %eq3A_3183 = arith.cmpi eq, %iota3A, %eq3A_3182 : vector<16xi32>
      %select_n3A_3184 = arith.select %eq3A_3183, %get3A_32, %broadcast_in_dim3A_3 : vector<16xi1>, vector<16xi32>
      %reduce_sum3A_3185 = arith.constant true
      %reduce_sum3A_3186 = vector.broadcast %reduce_sum3A_3185 : i1 to vector<16xi1>
      %reduce_sum3A_3187 = tpu.scan <sum>, %select_n3A_3184 masked %reduce_sum3A_3186 : vector<16xi32>, vector<16xi1> -> vector<16xi32>
      %reduce_sum3A_3188 = vector.extract %reduce_sum3A_3187[15] : i32 from vector<16xi32>
      %rem3A_3189 = arith.constant 8 : i32
      %rem3A_3190 = arith.remsi %reduce_sum3A_3188, %rem3A_3189 : i32
      %mul3A_3191 = arith.constant 16 : i32
      %mul3A_3192 = arith.muli %scan3A_24, %mul3A_3191 : i32
      %add3A_3193 = arith.constant 12 : i32
      %add3A_3194 = arith.addi %mul3A_3192, %add3A_3193 : i32
      %get3A_3195 = arith.index_cast %reduce_sum3A_3188 : i32 to index
      %get3A_3196 = arith.constant 0 : index
      %get3A_3197 = tpu.vector_load %arg12[%get3A_3195, %get3A_3196] {strides = array<i32>} : memref<100x64xf32, #tpu.memory_space<vmem>>, vector<16xf32>,
      %swap3A_3198 = arith.index_cast %add3A_3194 : i32 to index
      %swap3A_3199 = arith.constant 0 : index
      %swap3A_3200 = tpu.vector_load %arg16[%swap3A_3198, %swap3A_3199] {strides = array<i32>} : memref<128x128xf32, #tpu.memory_space<vmem>>, vector<16xf32>,
      tpu.vector_store %arg16[%swap3A_3198, %swap3A_3199], %get3A_3197 {strides = array<i32>} : memref<128x128xf32, #tpu.memory_space<vmem>>, vector<16xf32>,
      %get3A_3201 = arith.constant 12 : i32
      %get3A_3202 = arith.index_cast %get3A_3201 : i32 to index
      %get3A_3203 = arith.index_cast %rem3A_3190 : i32 to index
      %get3A_3204 = arith.constant 0 : index
      %get3A_3205 = tpu.vector_load %arg14[%get3A_3202, %get3A_3203, %get3A_3204] {strides = array<i32>} : memref<16x8x64xf32, #tpu.memory_space<vmem>>, vector<16xf32>,
      %swap3A_3206 = arith.index_cast %add3A_3194 : i32 to index
      %swap3A_3207 = arith.constant 64 : index
      %swap3A_3208 = tpu.vector_load %arg16[%swap3A_3206, %swap3A_3207] {strides = array<i32>} : memref<128x128xf32, #tpu.memory_space<vmem>>, vector<16xf32>,
      tpu.vector_store %arg16[%swap3A_3206, %swap3A_3207], %get3A_3205 {strides = array<i32>} : memref<128x128xf32, #tpu.memory_space<vmem>>, vector<16xf32>,
      %get3A_3209 = arith.index_cast %reduce_sum3A_3188 : i32 to index
      %get3A_3210 = arith.constant 0 : index
      %get3A_3211 = tpu.vector_load %arg13[%get3A_3209, %get3A_3210] {strides = array<i32>} : memref<100x64xf32, #tpu.memory_space<vmem>>, vector<16xf32>,
      %swap3A_3212 = arith.index_cast %add3A_3194 : i32 to index
      %swap3A_3213 = arith.constant 0 : index
      %swap3A_3214 = tpu.vector_load %arg17[%swap3A_3212, %swap3A_3213] {strides = array<i32>} : memref<128x128xf32, #tpu.memory_space<vmem>>, vector<16xf32>,
      tpu.vector_store %arg17[%swap3A_3212, %swap3A_3213], %get3A_3211 {strides = array<i32>} : memref<128x128xf32, #tpu.memory_space<vmem>>, vector<16xf32>,
      %get3A_3215 = arith.constant 12 : i32
      %get3A_3216 = arith.index_cast %get3A_3215 : i32 to index
      %get3A_3217 = arith.index_cast %rem3A_3190 : i32 to index
      %get3A_3218 = arith.constant 0 : index
      %get3A_3219 = tpu.vector_load %arg15[%get3A_3216, %get3A_3217, %get3A_3218] {strides = array<i32>} : memref<16x8x64xf32, #tpu.memory_space<vmem>>, vector<16xf32>,
      %swap3A_3220 = arith.index_cast %add3A_3194 : i32 to index
      %swap3A_3221 = arith.constant 64 : index
      %swap3A_3222 = tpu.vector_load %arg17[%swap3A_3220, %swap3A_3221] {strides = array<i32>} : memref<128x128xf32, #tpu.memory_space<vmem>>, vector<16xf32>,
      tpu.vector_store %arg17[%swap3A_3220, %swap3A_3221], %get3A_3219 {strides = array<i32>} : memref<128x128xf32, #tpu.memory_space<vmem>>, vector<16xf32>,
      %get3A_3223 = arith.index_cast %reduce_sum3A_3188 : i32 to index
      %get3A_3224 = arith.constant 16 : index
      %get3A_3225 = tpu.vector_load %arg12[%get3A_3223, %get3A_3224] {strides = array<i32>} : memref<100x64xf32, #tpu.memory_space<vmem>>, vector<16xf32>,
      %swap3A_3226 = arith.index_cast %add3A_3194 : i32 to index
      %swap3A_3227 = arith.constant 16 : index
      %swap3A_3228 = tpu.vector_load %arg16[%swap3A_3226, %swap3A_3227] {strides = array<i32>} : memref<128x128xf32, #tpu.memory_space<vmem>>, vector<16xf32>,
      tpu.vector_store %arg16[%swap3A_3226, %swap3A_3227], %get3A_3225 {strides = array<i32>} : memref<128x128xf32, #tpu.memory_space<vmem>>, vector<16xf32>,
      %get3A_3229 = arith.constant 12 : i32
      %get3A_3230 = arith.index_cast %get3A_3229 : i32 to index
      %get3A_3231 = arith.index_cast %rem3A_3190 : i32 to index
      %get3A_3232 = arith.constant 16 : index
      %get3A_3233 = tpu.vector_load %arg14[%get3A_3230, %get3A_3231, %get3A_3232] {strides = array<i32>} : memref<16x8x64xf32, #tpu.memory_space<vmem>>, vector<16xf32>,
      %swap3A_3234 = arith.index_cast %add3A_3194 : i32 to index
      %swap3A_3235 = arith.constant 80 : index
      %swap3A_3236 = tpu.vector_load %arg16[%swap3A_3234, %swap3A_3235] {strides = array<i32>} : memref<128x128xf32, #tpu.memory_space<vmem>>, vector<16xf32>,
      tpu.vector_store %arg16[%swap3A_3234, %swap3A_3235], %get3A_3233 {strides = array<i32>} : memref<128x128xf32, #tpu.memory_space<vmem>>, vector<16xf32>,
      %get3A_3237 = arith.index_cast %reduce_sum3A_3188 : i32 to index
      %get3A_3238 = arith.constant 16 : index
      %get3A_3239 = tpu.vector_load %arg13[%get3A_3237, %get3A_3238] {strides = array<i32>} : memref<100x64xf32, #tpu.memory_space<vmem>>, vector<16xf32>,
      %swap3A_3240 = arith.index_cast %add3A_3194 : i32 to index
      %swap3A_3241 = arith.constant 16 : index
      %swap3A_3242 = tpu.vector_load %arg17[%swap3A_3240, %swap3A_3241] {strides = array<i32>} : memref<128x128xf32, #tpu.memory_space<vmem>>, vector<16xf32>,
      tpu.vector_store %arg17[%swap3A_3240, %swap3A_3241], %get3A_3239 {strides = array<i32>} : memref<128x128xf32, #tpu.memory_space<vmem>>, vector<16xf32>,
      %get3A_3243 = arith.constant 12 : i32
      %get3A_3244 = arith.index_cast %get3A_3243 : i32 to index
      %get3A_3245 = arith.index_cast %rem3A_3190 : i32 to index
      %get3A_3246 = arith.constant 16 : index
      %get3A_3247 = tpu.vector_load %arg15[%get3A_3244, %get3A_3245, %get3A_3246] {strides = array<i32>} : memref<16x8x64xf32, #tpu.memory_space<vmem>>, vector<16xf32>,
      %swap3A_3248 = arith.index_cast %add3A_3194 : i32 to index
      %swap3A_3249 = arith.constant 80 : index
      %swap3A_3250 = tpu.vector_load %arg17[%swap3A_3248, %swap3A_3249] {strides = array<i32>} : memref<128x128xf32, #tpu.memory_space<vmem>>, vector<16xf32>,
      tpu.vector_store %arg17[%swap3A_3248, %swap3A_3249], %get3A_3247 {strides = array<i32>} : memref<128x128xf32, #tpu.memory_space<vmem>>, vector<16xf32>,
      %get3A_3251 = arith.index_cast %reduce_sum3A_3188 : i32 to index
      %get3A_3252 = arith.constant 32 : index
      %get3A_3253 = tpu.vector_load %arg12[%get3A_3251, %get3A_3252] {strides = array<i32>} : memref<100x64xf32, #tpu.memory_space<vmem>>, vector<16xf32>,
      %swap3A_3254 = arith.index_cast %add3A_3194 : i32 to index
      %swap3A_3255 = arith.constant 32 : index
      %swap3A_3256 = tpu.vector_load %arg16[%swap3A_3254, %swap3A_3255] {strides = array<i32>} : memref<128x128xf32, #tpu.memory_space<vmem>>, vector<16xf32>,
      tpu.vector_store %arg16[%swap3A_3254, %swap3A_3255], %get3A_3253 {strides = array<i32>} : memref<128x128xf32, #tpu.memory_space<vmem>>, vector<16xf32>,
      %get3A_3257 = arith.constant 12 : i32
      %get3A_3258 = arith.index_cast %get3A_3257 : i32 to index
      %get3A_3259 = arith.index_cast %rem3A_3190 : i32 to index
      %get3A_3260 = arith.constant 32 : index
      %get3A_3261 = tpu.vector_load %arg14[%get3A_3258, %get3A_3259, %get3A_3260] {strides = array<i32>} : memref<16x8x64xf32, #tpu.memory_space<vmem>>, vector<16xf32>,
      %swap3A_3262 = arith.index_cast %add3A_3194 : i32 to index
      %swap3A_3263 = arith.constant 96 : index
      %swap3A_3264 = tpu.vector_load %arg16[%swap3A_3262, %swap3A_3263] {strides = array<i32>} : memref<128x128xf32, #tpu.memory_space<vmem>>, vector<16xf32>,
      tpu.vector_store %arg16[%swap3A_3262, %swap3A_3263], %get3A_3261 {strides = array<i32>} : memref<128x128xf32, #tpu.memory_space<vmem>>, vector<16xf32>,
      %get3A_3265 = arith.index_cast %reduce_sum3A_3188 : i32 to index
      %get3A_3266 = arith.constant 32 : index
      %get3A_3267 = tpu.vector_load %arg13[%get3A_3265, %get3A_3266] {strides = array<i32>} : memref<100x64xf32, #tpu.memory_space<vmem>>, vector<16xf32>,
      %swap3A_3268 = arith.index_cast %add3A_3194 : i32 to index
      %swap3A_3269 = arith.constant 32 : index
      %swap3A_3270 = tpu.vector_load %arg17[%swap3A_3268, %swap3A_3269] {strides = array<i32>} : memref<128x128xf32, #tpu.memory_space<vmem>>, vector<16xf32>,
      tpu.vector_store %arg17[%swap3A_3268, %swap3A_3269], %get3A_3267 {strides = array<i32>} : memref<128x128xf32, #tpu.memory_space<vmem>>, vector<16xf32>,
      %get3A_3271 = arith.constant 12 : i32
      %get3A_3272 = arith.index_cast %get3A_3271 : i32 to index
      %get3A_3273 = arith.index_cast %rem3A_3190 : i32 to index
      %get3A_3274 = arith.constant 32 : index
      %get3A_3275 = tpu.vector_load %arg15[%get3A_3272, %get3A_3273, %get3A_3274] {strides = array<i32>} : memref<16x8x64xf32, #tpu.memory_space<vmem>>, vector<16xf32>,
      %swap3A_3276 = arith.index_cast %add3A_3194 : i32 to index
      %swap3A_3277 = arith.constant 96 : index
      %swap3A_3278 = tpu.vector_load %arg17[%swap3A_3276, %swap3A_3277] {strides = array<i32>} : memref<128x128xf32, #tpu.memory_space<vmem>>, vector<16xf32>,
      tpu.vector_store %arg17[%swap3A_3276, %swap3A_3277], %get3A_3275 {strides = array<i32>} : memref<128x128xf32, #tpu.memory_space<vmem>>, vector<16xf32>,
      %get3A_3279 = arith.index_cast %reduce_sum3A_3188 : i32 to index
      %get3A_3280 = arith.constant 48 : index
      %get3A_3281 = tpu.vector_load %arg12[%get3A_3279, %get3A_3280] {strides = array<i32>} : memref<100x64xf32, #tpu.memory_space<vmem>>, vector<16xf32>,
      %swap3A_3282 = arith.index_cast %add3A_3194 : i32 to index
      %swap3A_3283 = arith.constant 48 : index
      %swap3A_3284 = tpu.vector_load %arg16[%swap3A_3282, %swap3A_3283] {strides = array<i32>} : memref<128x128xf32, #tpu.memory_space<vmem>>, vector<16xf32>,
      tpu.vector_store %arg16[%swap3A_3282, %swap3A_3283], %get3A_3281 {strides = array<i32>} : memref<128x128xf32, #tpu.memory_space<vmem>>, vector<16xf32>,
      %get3A_3285 = arith.constant 12 : i32
      %get3A_3286 = arith.index_cast %get3A_3285 : i32 to index
      %get3A_3287 = arith.index_cast %rem3A_3190 : i32 to index
      %get3A_3288 = arith.constant 48 : index
      %get3A_3289 = tpu.vector_load %arg14[%get3A_3286, %get3A_3287, %get3A_3288] {strides = array<i32>} : memref<16x8x64xf32, #tpu.memory_space<vmem>>, vector<16xf32>,
      %swap3A_3290 = arith.index_cast %add3A_3194 : i32 to index
      %swap3A_3291 = arith.constant 112 : index
      %swap3A_3292 = tpu.vector_load %arg16[%swap3A_3290, %swap3A_3291] {strides = array<i32>} : memref<128x128xf32, #tpu.memory_space<vmem>>, vector<16xf32>,
      tpu.vector_store %arg16[%swap3A_3290, %swap3A_3291], %get3A_3289 {strides = array<i32>} : memref<128x128xf32, #tpu.memory_space<vmem>>, vector<16xf32>,
      %get3A_3293 = arith.index_cast %reduce_sum3A_3188 : i32 to index
      %get3A_3294 = arith.constant 48 : index
      %get3A_3295 = tpu.vector_load %arg13[%get3A_3293, %get3A_3294] {strides = array<i32>} : memref<100x64xf32, #tpu.memory_space<vmem>>, vector<16xf32>,
      %swap3A_3296 = arith.index_cast %add3A_3194 : i32 to index
      %swap3A_3297 = arith.constant 48 : index
      %swap3A_3298 = tpu.vector_load %arg17[%swap3A_3296, %swap3A_3297] {strides = array<i32>} : memref<128x128xf32, #tpu.memory_space<vmem>>, vector<16xf32>,
      tpu.vector_store %arg17[%swap3A_3296, %swap3A_3297], %get3A_3295 {strides = array<i32>} : memref<128x128xf32, #tpu.memory_space<vmem>>, vector<16xf32>,
      %get3A_3299 = arith.constant 12 : i32
      %get3A_3300 = arith.index_cast %get3A_3299 : i32 to index
      %get3A_3301 = arith.index_cast %rem3A_3190 : i32 to index
      %get3A_3302 = arith.constant 48 : index
      %get3A_3303 = tpu.vector_load %arg15[%get3A_3300, %get3A_3301, %get3A_3302] {strides = array<i32>} : memref<16x8x64xf32, #tpu.memory_space<vmem>>, vector<16xf32>,
      %swap3A_3304 = arith.index_cast %add3A_3194 : i32 to index
      %swap3A_3305 = arith.constant 112 : index
      %swap3A_3306 = tpu.vector_load %arg17[%swap3A_3304, %swap3A_3305] {strides = array<i32>} : memref<128x128xf32, #tpu.memory_space<vmem>>, vector<16xf32>,
      tpu.vector_store %arg17[%swap3A_3304, %swap3A_3305], %get3A_3303 {strides = array<i32>} : memref<128x128xf32, #tpu.memory_space<vmem>>, vector<16xf32>,
      %eq3A_3307 = arith.constant 13 : i32
      %eq3A_3308 = vector.broadcast %eq3A_3307 : i32 to vector<16xi32>
      %eq3A_3309 = arith.cmpi eq, %iota3A, %eq3A_3308 : vector<16xi32>
      %select_n3A_3310 = arith.select %eq3A_3309, %get3A_32, %broadcast_in_dim3A_3 : vector<16xi1>, vector<16xi32>
      %reduce_sum3A_3311 = arith.constant true
      %reduce_sum3A_3312 = vector.broadcast %reduce_sum3A_3311 : i1 to vector<16xi1>
      %reduce_sum3A_3313 = tpu.scan <sum>, %select_n3A_3310 masked %reduce_sum3A_3312 : vector<16xi32>, vector<16xi1> -> vector<16xi32>
      %reduce_sum3A_3314 = vector.extract %reduce_sum3A_3313[15] : i32 from vector<16xi32>
      %rem3A_3315 = arith.constant 8 : i32
      %rem3A_3316 = arith.remsi %reduce_sum3A_3314, %rem3A_3315 : i32
      %mul3A_3317 = arith.constant 16 : i32
      %mul3A_3318 = arith.muli %scan3A_24, %mul3A_3317 : i32
      %add3A_3319 = arith.constant 13 : i32
      %add3A_3320 = arith.addi %mul3A_3318, %add3A_3319 : i32
      %get3A_3321 = arith.index_cast %reduce_sum3A_3314 : i32 to index
      %get3A_3322 = arith.constant 0 : index
      %get3A_3323 = tpu.vector_load %arg12[%get3A_3321, %get3A_3322] {strides = array<i32>} : memref<100x64xf32, #tpu.memory_space<vmem>>, vector<16xf32>,
      %swap3A_3324 = arith.index_cast %add3A_3320 : i32 to index
      %swap3A_3325 = arith.constant 0 : index
      %swap3A_3326 = tpu.vector_load %arg16[%swap3A_3324, %swap3A_3325] {strides = array<i32>} : memref<128x128xf32, #tpu.memory_space<vmem>>, vector<16xf32>,
      tpu.vector_store %arg16[%swap3A_3324, %swap3A_3325], %get3A_3323 {strides = array<i32>} : memref<128x128xf32, #tpu.memory_space<vmem>>, vector<16xf32>,
      %get3A_3327 = arith.constant 13 : i32
      %get3A_3328 = arith.index_cast %get3A_3327 : i32 to index
      %get3A_3329 = arith.index_cast %rem3A_3316 : i32 to index
      %get3A_3330 = arith.constant 0 : index
      %get3A_3331 = tpu.vector_load %arg14[%get3A_3328, %get3A_3329, %get3A_3330] {strides = array<i32>} : memref<16x8x64xf32, #tpu.memory_space<vmem>>, vector<16xf32>,
      %swap3A_3332 = arith.index_cast %add3A_3320 : i32 to index
      %swap3A_3333 = arith.constant 64 : index
      %swap3A_3334 = tpu.vector_load %arg16[%swap3A_3332, %swap3A_3333] {strides = array<i32>} : memref<128x128xf32, #tpu.memory_space<vmem>>, vector<16xf32>,
      tpu.vector_store %arg16[%swap3A_3332, %swap3A_3333], %get3A_3331 {strides = array<i32>} : memref<128x128xf32, #tpu.memory_space<vmem>>, vector<16xf32>,
      %get3A_3335 = arith.index_cast %reduce_sum3A_3314 : i32 to index
      %get3A_3336 = arith.constant 0 : index
      %get3A_3337 = tpu.vector_load %arg13[%get3A_3335, %get3A_3336] {strides = array<i32>} : memref<100x64xf32, #tpu.memory_space<vmem>>, vector<16xf32>,
      %swap3A_3338 = arith.index_cast %add3A_3320 : i32 to index
      %swap3A_3339 = arith.constant 0 : index
      %swap3A_3340 = tpu.vector_load %arg17[%swap3A_3338, %swap3A_3339] {strides = array<i32>} : memref<128x128xf32, #tpu.memory_space<vmem>>, vector<16xf32>,
      tpu.vector_store %arg17[%swap3A_3338, %swap3A_3339], %get3A_3337 {strides = array<i32>} : memref<128x128xf32, #tpu.memory_space<vmem>>, vector<16xf32>,
      %get3A_3341 = arith.constant 13 : i32
      %get3A_3342 = arith.index_cast %get3A_3341 : i32 to index
      %get3A_3343 = arith.index_cast %rem3A_3316 : i32 to index
      %get3A_3344 = arith.constant 0 : index
      %get3A_3345 = tpu.vector_load %arg15[%get3A_3342, %get3A_3343, %get3A_3344] {strides = array<i32>} : memref<16x8x64xf32, #tpu.memory_space<vmem>>, vector<16xf32>,
      %swap3A_3346 = arith.index_cast %add3A_3320 : i32 to index
      %swap3A_3347 = arith.constant 64 : index
      %swap3A_3348 = tpu.vector_load %arg17[%swap3A_3346, %swap3A_3347] {strides = array<i32>} : memref<128x128xf32, #tpu.memory_space<vmem>>, vector<16xf32>,
      tpu.vector_store %arg17[%swap3A_3346, %swap3A_3347], %get3A_3345 {strides = array<i32>} : memref<128x128xf32, #tpu.memory_space<vmem>>, vector<16xf32>,
      %get3A_3349 = arith.index_cast %reduce_sum3A_3314 : i32 to index
      %get3A_3350 = arith.constant 16 : index
      %get3A_3351 = tpu.vector_load %arg12[%get3A_3349, %get3A_3350] {strides = array<i32>} : memref<100x64xf32, #tpu.memory_space<vmem>>, vector<16xf32>,
      %swap3A_3352 = arith.index_cast %add3A_3320 : i32 to index
      %swap3A_3353 = arith.constant 16 : index
      %swap3A_3354 = tpu.vector_load %arg16[%swap3A_3352, %swap3A_3353] {strides = array<i32>} : memref<128x128xf32, #tpu.memory_space<vmem>>, vector<16xf32>,
      tpu.vector_store %arg16[%swap3A_3352, %swap3A_3353], %get3A_3351 {strides = array<i32>} : memref<128x128xf32, #tpu.memory_space<vmem>>, vector<16xf32>,
      %get3A_3355 = arith.constant 13 : i32
      %get3A_3356 = arith.index_cast %get3A_3355 : i32 to index
      %get3A_3357 = arith.index_cast %rem3A_3316 : i32 to index
      %get3A_3358 = arith.constant 16 : index
      %get3A_3359 = tpu.vector_load %arg14[%get3A_3356, %get3A_3357, %get3A_3358] {strides = array<i32>} : memref<16x8x64xf32, #tpu.memory_space<vmem>>, vector<16xf32>,
      %swap3A_3360 = arith.index_cast %add3A_3320 : i32 to index
      %swap3A_3361 = arith.constant 80 : index
      %swap3A_3362 = tpu.vector_load %arg16[%swap3A_3360, %swap3A_3361] {strides = array<i32>} : memref<128x128xf32, #tpu.memory_space<vmem>>, vector<16xf32>,
      tpu.vector_store %arg16[%swap3A_3360, %swap3A_3361], %get3A_3359 {strides = array<i32>} : memref<128x128xf32, #tpu.memory_space<vmem>>, vector<16xf32>,
      %get3A_3363 = arith.index_cast %reduce_sum3A_3314 : i32 to index
      %get3A_3364 = arith.constant 16 : index
      %get3A_3365 = tpu.vector_load %arg13[%get3A_3363, %get3A_3364] {strides = array<i32>} : memref<100x64xf32, #tpu.memory_space<vmem>>, vector<16xf32>,
      %swap3A_3366 = arith.index_cast %add3A_3320 : i32 to index
      %swap3A_3367 = arith.constant 16 : index
      %swap3A_3368 = tpu.vector_load %arg17[%swap3A_3366, %swap3A_3367] {strides = array<i32>} : memref<128x128xf32, #tpu.memory_space<vmem>>, vector<16xf32>,
      tpu.vector_store %arg17[%swap3A_3366, %swap3A_3367], %get3A_3365 {strides = array<i32>} : memref<128x128xf32, #tpu.memory_space<vmem>>, vector<16xf32>,
      %get3A_3369 = arith.constant 13 : i32
      %get3A_3370 = arith.index_cast %get3A_3369 : i32 to index
      %get3A_3371 = arith.index_cast %rem3A_3316 : i32 to index
      %get3A_3372 = arith.constant 16 : index
      %get3A_3373 = tpu.vector_load %arg15[%get3A_3370, %get3A_3371, %get3A_3372] {strides = array<i32>} : memref<16x8x64xf32, #tpu.memory_space<vmem>>, vector<16xf32>,
      %swap3A_3374 = arith.index_cast %add3A_3320 : i32 to index
      %swap3A_3375 = arith.constant 80 : index
      %swap3A_3376 = tpu.vector_load %arg17[%swap3A_3374, %swap3A_3375] {strides = array<i32>} : memref<128x128xf32, #tpu.memory_space<vmem>>, vector<16xf32>,
      tpu.vector_store %arg17[%swap3A_3374, %swap3A_3375], %get3A_3373 {strides = array<i32>} : memref<128x128xf32, #tpu.memory_space<vmem>>, vector<16xf32>,
      %get3A_3377 = arith.index_cast %reduce_sum3A_3314 : i32 to index
      %get3A_3378 = arith.constant 32 : index
      %get3A_3379 = tpu.vector_load %arg12[%get3A_3377, %get3A_3378] {strides = array<i32>} : memref<100x64xf32, #tpu.memory_space<vmem>>, vector<16xf32>,
      %swap3A_3380 = arith.index_cast %add3A_3320 : i32 to index
      %swap3A_3381 = arith.constant 32 : index
      %swap3A_3382 = tpu.vector_load %arg16[%swap3A_3380, %swap3A_3381] {strides = array<i32>} : memref<128x128xf32, #tpu.memory_space<vmem>>, vector<16xf32>,
      tpu.vector_store %arg16[%swap3A_3380, %swap3A_3381], %get3A_3379 {strides = array<i32>} : memref<128x128xf32, #tpu.memory_space<vmem>>, vector<16xf32>,
      %get3A_3383 = arith.constant 13 : i32
      %get3A_3384 = arith.index_cast %get3A_3383 : i32 to index
      %get3A_3385 = arith.index_cast %rem3A_3316 : i32 to index
      %get3A_3386 = arith.constant 32 : index
      %get3A_3387 = tpu.vector_load %arg14[%get3A_3384, %get3A_3385, %get3A_3386] {strides = array<i32>} : memref<16x8x64xf32, #tpu.memory_space<vmem>>, vector<16xf32>,
      %swap3A_3388 = arith.index_cast %add3A_3320 : i32 to index
      %swap3A_3389 = arith.constant 96 : index
      %swap3A_3390 = tpu.vector_load %arg16[%swap3A_3388, %swap3A_3389] {strides = array<i32>} : memref<128x128xf32, #tpu.memory_space<vmem>>, vector<16xf32>,
      tpu.vector_store %arg16[%swap3A_3388, %swap3A_3389], %get3A_3387 {strides = array<i32>} : memref<128x128xf32, #tpu.memory_space<vmem>>, vector<16xf32>,
      %get3A_3391 = arith.index_cast %reduce_sum3A_3314 : i32 to index
      %get3A_3392 = arith.constant 32 : index
      %get3A_3393 = tpu.vector_load %arg13[%get3A_3391, %get3A_3392] {strides = array<i32>} : memref<100x64xf32, #tpu.memory_space<vmem>>, vector<16xf32>,
      %swap3A_3394 = arith.index_cast %add3A_3320 : i32 to index
      %swap3A_3395 = arith.constant 32 : index
      %swap3A_3396 = tpu.vector_load %arg17[%swap3A_3394, %swap3A_3395] {strides = array<i32>} : memref<128x128xf32, #tpu.memory_space<vmem>>, vector<16xf32>,
      tpu.vector_store %arg17[%swap3A_3394, %swap3A_3395], %get3A_3393 {strides = array<i32>} : memref<128x128xf32, #tpu.memory_space<vmem>>, vector<16xf32>,
      %get3A_3397 = arith.constant 13 : i32
      %get3A_3398 = arith.index_cast %get3A_3397 : i32 to index
      %get3A_3399 = arith.index_cast %rem3A_3316 : i32 to index
      %get3A_3400 = arith.constant 32 : index
      %get3A_3401 = tpu.vector_load %arg15[%get3A_3398, %get3A_3399, %get3A_3400] {strides = array<i32>} : memref<16x8x64xf32, #tpu.memory_space<vmem>>, vector<16xf32>,
      %swap3A_3402 = arith.index_cast %add3A_3320 : i32 to index
      %swap3A_3403 = arith.constant 96 : index
      %swap3A_3404 = tpu.vector_load %arg17[%swap3A_3402, %swap3A_3403] {strides = array<i32>} : memref<128x128xf32, #tpu.memory_space<vmem>>, vector<16xf32>,
      tpu.vector_store %arg17[%swap3A_3402, %swap3A_3403], %get3A_3401 {strides = array<i32>} : memref<128x128xf32, #tpu.memory_space<vmem>>, vector<16xf32>,
      %get3A_3405 = arith.index_cast %reduce_sum3A_3314 : i32 to index
      %get3A_3406 = arith.constant 48 : index
      %get3A_3407 = tpu.vector_load %arg12[%get3A_3405, %get3A_3406] {strides = array<i32>} : memref<100x64xf32, #tpu.memory_space<vmem>>, vector<16xf32>,
      %swap3A_3408 = arith.index_cast %add3A_3320 : i32 to index
      %swap3A_3409 = arith.constant 48 : index
      %swap3A_3410 = tpu.vector_load %arg16[%swap3A_3408, %swap3A_3409] {strides = array<i32>} : memref<128x128xf32, #tpu.memory_space<vmem>>, vector<16xf32>,
      tpu.vector_store %arg16[%swap3A_3408, %swap3A_3409], %get3A_3407 {strides = array<i32>} : memref<128x128xf32, #tpu.memory_space<vmem>>, vector<16xf32>,
      %get3A_3411 = arith.constant 13 : i32
      %get3A_3412 = arith.index_cast %get3A_3411 : i32 to index
      %get3A_3413 = arith.index_cast %rem3A_3316 : i32 to index
      %get3A_3414 = arith.constant 48 : index
      %get3A_3415 = tpu.vector_load %arg14[%get3A_3412, %get3A_3413, %get3A_3414] {strides = array<i32>} : memref<16x8x64xf32, #tpu.memory_space<vmem>>, vector<16xf32>,
      %swap3A_3416 = arith.index_cast %add3A_3320 : i32 to index
      %swap3A_3417 = arith.constant 112 : index
      %swap3A_3418 = tpu.vector_load %arg16[%swap3A_3416, %swap3A_3417] {strides = array<i32>} : memref<128x128xf32, #tpu.memory_space<vmem>>, vector<16xf32>,
      tpu.vector_store %arg16[%swap3A_3416, %swap3A_3417], %get3A_3415 {strides = array<i32>} : memref<128x128xf32, #tpu.memory_space<vmem>>, vector<16xf32>,
      %get3A_3419 = arith.index_cast %reduce_sum3A_3314 : i32 to index
      %get3A_3420 = arith.constant 48 : index
      %get3A_3421 = tpu.vector_load %arg13[%get3A_3419, %get3A_3420] {strides = array<i32>} : memref<100x64xf32, #tpu.memory_space<vmem>>, vector<16xf32>,
      %swap3A_3422 = arith.index_cast %add3A_3320 : i32 to index
      %swap3A_3423 = arith.constant 48 : index
      %swap3A_3424 = tpu.vector_load %arg17[%swap3A_3422, %swap3A_3423] {strides = array<i32>} : memref<128x128xf32, #tpu.memory_space<vmem>>, vector<16xf32>,
      tpu.vector_store %arg17[%swap3A_3422, %swap3A_3423], %get3A_3421 {strides = array<i32>} : memref<128x128xf32, #tpu.memory_space<vmem>>, vector<16xf32>,
      %get3A_3425 = arith.constant 13 : i32
      %get3A_3426 = arith.index_cast %get3A_3425 : i32 to index
      %get3A_3427 = arith.index_cast %rem3A_3316 : i32 to index
      %get3A_3428 = arith.constant 48 : index
      %get3A_3429 = tpu.vector_load %arg15[%get3A_3426, %get3A_3427, %get3A_3428] {strides = array<i32>} : memref<16x8x64xf32, #tpu.memory_space<vmem>>, vector<16xf32>,
      %swap3A_3430 = arith.index_cast %add3A_3320 : i32 to index
      %swap3A_3431 = arith.constant 112 : index
      %swap3A_3432 = tpu.vector_load %arg17[%swap3A_3430, %swap3A_3431] {strides = array<i32>} : memref<128x128xf32, #tpu.memory_space<vmem>>, vector<16xf32>,
      tpu.vector_store %arg17[%swap3A_3430, %swap3A_3431], %get3A_3429 {strides = array<i32>} : memref<128x128xf32, #tpu.memory_space<vmem>>, vector<16xf32>,
      %eq3A_3433 = arith.constant 14 : i32
      %eq3A_3434 = vector.broadcast %eq3A_3433 : i32 to vector<16xi32>
      %eq3A_3435 = arith.cmpi eq, %iota3A, %eq3A_3434 : vector<16xi32>
      %select_n3A_3436 = arith.select %eq3A_3435, %get3A_32, %broadcast_in_dim3A_3 : vector<16xi1>, vector<16xi32>
      %reduce_sum3A_3437 = arith.constant true
      %reduce_sum3A_3438 = vector.broadcast %reduce_sum3A_3437 : i1 to vector<16xi1>
      %reduce_sum3A_3439 = tpu.scan <sum>, %select_n3A_3436 masked %reduce_sum3A_3438 : vector<16xi32>, vector<16xi1> -> vector<16xi32>
      %reduce_sum3A_3440 = vector.extract %reduce_sum3A_3439[15] : i32 from vector<16xi32>
      %rem3A_3441 = arith.constant 8 : i32
      %rem3A_3442 = arith.remsi %reduce_sum3A_3440, %rem3A_3441 : i32
      %mul3A_3443 = arith.constant 16 : i32
      %mul3A_3444 = arith.muli %scan3A_24, %mul3A_3443 : i32
      %add3A_3445 = arith.constant 14 : i32
      %add3A_3446 = arith.addi %mul3A_3444, %add3A_3445 : i32
      %get3A_3447 = arith.index_cast %reduce_sum3A_3440 : i32 to index
      %get3A_3448 = arith.constant 0 : index
      %get3A_3449 = tpu.vector_load %arg12[%get3A_3447, %get3A_3448] {strides = array<i32>} : memref<100x64xf32, #tpu.memory_space<vmem>>, vector<16xf32>,
      %swap3A_3450 = arith.index_cast %add3A_3446 : i32 to index
      %swap3A_3451 = arith.constant 0 : index
      %swap3A_3452 = tpu.vector_load %arg16[%swap3A_3450, %swap3A_3451] {strides = array<i32>} : memref<128x128xf32, #tpu.memory_space<vmem>>, vector<16xf32>,
      tpu.vector_store %arg16[%swap3A_3450, %swap3A_3451], %get3A_3449 {strides = array<i32>} : memref<128x128xf32, #tpu.memory_space<vmem>>, vector<16xf32>,
      %get3A_3453 = arith.constant 14 : i32
      %get3A_3454 = arith.index_cast %get3A_3453 : i32 to index
      %get3A_3455 = arith.index_cast %rem3A_3442 : i32 to index
      %get3A_3456 = arith.constant 0 : index
      %get3A_3457 = tpu.vector_load %arg14[%get3A_3454, %get3A_3455, %get3A_3456] {strides = array<i32>} : memref<16x8x64xf32, #tpu.memory_space<vmem>>, vector<16xf32>,
      %swap3A_3458 = arith.index_cast %add3A_3446 : i32 to index
      %swap3A_3459 = arith.constant 64 : index
      %swap3A_3460 = tpu.vector_load %arg16[%swap3A_3458, %swap3A_3459] {strides = array<i32>} : memref<128x128xf32, #tpu.memory_space<vmem>>, vector<16xf32>,
      tpu.vector_store %arg16[%swap3A_3458, %swap3A_3459], %get3A_3457 {strides = array<i32>} : memref<128x128xf32, #tpu.memory_space<vmem>>, vector<16xf32>,
      %get3A_3461 = arith.index_cast %reduce_sum3A_3440 : i32 to index
      %get3A_3462 = arith.constant 0 : index
      %get3A_3463 = tpu.vector_load %arg13[%get3A_3461, %get3A_3462] {strides = array<i32>} : memref<100x64xf32, #tpu.memory_space<vmem>>, vector<16xf32>,
      %swap3A_3464 = arith.index_cast %add3A_3446 : i32 to index
      %swap3A_3465 = arith.constant 0 : index
      %swap3A_3466 = tpu.vector_load %arg17[%swap3A_3464, %swap3A_3465] {strides = array<i32>} : memref<128x128xf32, #tpu.memory_space<vmem>>, vector<16xf32>,
      tpu.vector_store %arg17[%swap3A_3464, %swap3A_3465], %get3A_3463 {strides = array<i32>} : memref<128x128xf32, #tpu.memory_space<vmem>>, vector<16xf32>,
      %get3A_3467 = arith.constant 14 : i32
      %get3A_3468 = arith.index_cast %get3A_3467 : i32 to index
      %get3A_3469 = arith.index_cast %rem3A_3442 : i32 to index
      %get3A_3470 = arith.constant 0 : index
      %get3A_3471 = tpu.vector_load %arg15[%get3A_3468, %get3A_3469, %get3A_3470] {strides = array<i32>} : memref<16x8x64xf32, #tpu.memory_space<vmem>>, vector<16xf32>,
      %swap3A_3472 = arith.index_cast %add3A_3446 : i32 to index
      %swap3A_3473 = arith.constant 64 : index
      %swap3A_3474 = tpu.vector_load %arg17[%swap3A_3472, %swap3A_3473] {strides = array<i32>} : memref<128x128xf32, #tpu.memory_space<vmem>>, vector<16xf32>,
      tpu.vector_store %arg17[%swap3A_3472, %swap3A_3473], %get3A_3471 {strides = array<i32>} : memref<128x128xf32, #tpu.memory_space<vmem>>, vector<16xf32>,
      %get3A_3475 = arith.index_cast %reduce_sum3A_3440 : i32 to index
      %get3A_3476 = arith.constant 16 : index
      %get3A_3477 = tpu.vector_load %arg12[%get3A_3475, %get3A_3476] {strides = array<i32>} : memref<100x64xf32, #tpu.memory_space<vmem>>, vector<16xf32>,
      %swap3A_3478 = arith.index_cast %add3A_3446 : i32 to index
      %swap3A_3479 = arith.constant 16 : index
      %swap3A_3480 = tpu.vector_load %arg16[%swap3A_3478, %swap3A_3479] {strides = array<i32>} : memref<128x128xf32, #tpu.memory_space<vmem>>, vector<16xf32>,
      tpu.vector_store %arg16[%swap3A_3478, %swap3A_3479], %get3A_3477 {strides = array<i32>} : memref<128x128xf32, #tpu.memory_space<vmem>>, vector<16xf32>,
      %get3A_3481 = arith.constant 14 : i32
      %get3A_3482 = arith.index_cast %get3A_3481 : i32 to index
      %get3A_3483 = arith.index_cast %rem3A_3442 : i32 to index
      %get3A_3484 = arith.constant 16 : index
      %get3A_3485 = tpu.vector_load %arg14[%get3A_3482, %get3A_3483, %get3A_3484] {strides = array<i32>} : memref<16x8x64xf32, #tpu.memory_space<vmem>>, vector<16xf32>,
      %swap3A_3486 = arith.index_cast %add3A_3446 : i32 to index
      %swap3A_3487 = arith.constant 80 : index
      %swap3A_3488 = tpu.vector_load %arg16[%swap3A_3486, %swap3A_3487] {strides = array<i32>} : memref<128x128xf32, #tpu.memory_space<vmem>>, vector<16xf32>,
      tpu.vector_store %arg16[%swap3A_3486, %swap3A_3487], %get3A_3485 {strides = array<i32>} : memref<128x128xf32, #tpu.memory_space<vmem>>, vector<16xf32>,
      %get3A_3489 = arith.index_cast %reduce_sum3A_3440 : i32 to index
      %get3A_3490 = arith.constant 16 : index
      %get3A_3491 = tpu.vector_load %arg13[%get3A_3489, %get3A_3490] {strides = array<i32>} : memref<100x64xf32, #tpu.memory_space<vmem>>, vector<16xf32>,
      %swap3A_3492 = arith.index_cast %add3A_3446 : i32 to index
      %swap3A_3493 = arith.constant 16 : index
      %swap3A_3494 = tpu.vector_load %arg17[%swap3A_3492, %swap3A_3493] {strides = array<i32>} : memref<128x128xf32, #tpu.memory_space<vmem>>, vector<16xf32>,
      tpu.vector_store %arg17[%swap3A_3492, %swap3A_3493], %get3A_3491 {strides = array<i32>} : memref<128x128xf32, #tpu.memory_space<vmem>>, vector<16xf32>,
      %get3A_3495 = arith.constant 14 : i32
      %get3A_3496 = arith.index_cast %get3A_3495 : i32 to index
      %get3A_3497 = arith.index_cast %rem3A_3442 : i32 to index
      %get3A_3498 = arith.constant 16 : index
      %get3A_3499 = tpu.vector_load %arg15[%get3A_3496, %get3A_3497, %get3A_3498] {strides = array<i32>} : memref<16x8x64xf32, #tpu.memory_space<vmem>>, vector<16xf32>,
      %swap3A_3500 = arith.index_cast %add3A_3446 : i32 to index
      %swap3A_3501 = arith.constant 80 : index
      %swap3A_3502 = tpu.vector_load %arg17[%swap3A_3500, %swap3A_3501] {strides = array<i32>} : memref<128x128xf32, #tpu.memory_space<vmem>>, vector<16xf32>,
      tpu.vector_store %arg17[%swap3A_3500, %swap3A_3501], %get3A_3499 {strides = array<i32>} : memref<128x128xf32, #tpu.memory_space<vmem>>, vector<16xf32>,
      %get3A_3503 = arith.index_cast %reduce_sum3A_3440 : i32 to index
      %get3A_3504 = arith.constant 32 : index
      %get3A_3505 = tpu.vector_load %arg12[%get3A_3503, %get3A_3504] {strides = array<i32>} : memref<100x64xf32, #tpu.memory_space<vmem>>, vector<16xf32>,
      %swap3A_3506 = arith.index_cast %add3A_3446 : i32 to index
      %swap3A_3507 = arith.constant 32 : index
      %swap3A_3508 = tpu.vector_load %arg16[%swap3A_3506, %swap3A_3507] {strides = array<i32>} : memref<128x128xf32, #tpu.memory_space<vmem>>, vector<16xf32>,
      tpu.vector_store %arg16[%swap3A_3506, %swap3A_3507], %get3A_3505 {strides = array<i32>} : memref<128x128xf32, #tpu.memory_space<vmem>>, vector<16xf32>,
      %get3A_3509 = arith.constant 14 : i32
      %get3A_3510 = arith.index_cast %get3A_3509 : i32 to index
      %get3A_3511 = arith.index_cast %rem3A_3442 : i32 to index
      %get3A_3512 = arith.constant 32 : index
      %get3A_3513 = tpu.vector_load %arg14[%get3A_3510, %get3A_3511, %get3A_3512] {strides = array<i32>} : memref<16x8x64xf32, #tpu.memory_space<vmem>>, vector<16xf32>,
      %swap3A_3514 = arith.index_cast %add3A_3446 : i32 to index
      %swap3A_3515 = arith.constant 96 : index
      %swap3A_3516 = tpu.vector_load %arg16[%swap3A_3514, %swap3A_3515] {strides = array<i32>} : memref<128x128xf32, #tpu.memory_space<vmem>>, vector<16xf32>,
      tpu.vector_store %arg16[%swap3A_3514, %swap3A_3515], %get3A_3513 {strides = array<i32>} : memref<128x128xf32, #tpu.memory_space<vmem>>, vector<16xf32>,
      %get3A_3517 = arith.index_cast %reduce_sum3A_3440 : i32 to index
      %get3A_3518 = arith.constant 32 : index
      %get3A_3519 = tpu.vector_load %arg13[%get3A_3517, %get3A_3518] {strides = array<i32>} : memref<100x64xf32, #tpu.memory_space<vmem>>, vector<16xf32>,
      %swap3A_3520 = arith.index_cast %add3A_3446 : i32 to index
      %swap3A_3521 = arith.constant 32 : index
      %swap3A_3522 = tpu.vector_load %arg17[%swap3A_3520, %swap3A_3521] {strides = array<i32>} : memref<128x128xf32, #tpu.memory_space<vmem>>, vector<16xf32>,
      tpu.vector_store %arg17[%swap3A_3520, %swap3A_3521], %get3A_3519 {strides = array<i32>} : memref<128x128xf32, #tpu.memory_space<vmem>>, vector<16xf32>,
      %get3A_3523 = arith.constant 14 : i32
      %get3A_3524 = arith.index_cast %get3A_3523 : i32 to index
      %get3A_3525 = arith.index_cast %rem3A_3442 : i32 to index
      %get3A_3526 = arith.constant 32 : index
      %get3A_3527 = tpu.vector_load %arg15[%get3A_3524, %get3A_3525, %get3A_3526] {strides = array<i32>} : memref<16x8x64xf32, #tpu.memory_space<vmem>>, vector<16xf32>,
      %swap3A_3528 = arith.index_cast %add3A_3446 : i32 to index
      %swap3A_3529 = arith.constant 96 : index
      %swap3A_3530 = tpu.vector_load %arg17[%swap3A_3528, %swap3A_3529] {strides = array<i32>} : memref<128x128xf32, #tpu.memory_space<vmem>>, vector<16xf32>,
      tpu.vector_store %arg17[%swap3A_3528, %swap3A_3529], %get3A_3527 {strides = array<i32>} : memref<128x128xf32, #tpu.memory_space<vmem>>, vector<16xf32>,
      %get3A_3531 = arith.index_cast %reduce_sum3A_3440 : i32 to index
      %get3A_3532 = arith.constant 48 : index
      %get3A_3533 = tpu.vector_load %arg12[%get3A_3531, %get3A_3532] {strides = array<i32>} : memref<100x64xf32, #tpu.memory_space<vmem>>, vector<16xf32>,
      %swap3A_3534 = arith.index_cast %add3A_3446 : i32 to index
      %swap3A_3535 = arith.constant 48 : index
      %swap3A_3536 = tpu.vector_load %arg16[%swap3A_3534, %swap3A_3535] {strides = array<i32>} : memref<128x128xf32, #tpu.memory_space<vmem>>, vector<16xf32>,
      tpu.vector_store %arg16[%swap3A_3534, %swap3A_3535], %get3A_3533 {strides = array<i32>} : memref<128x128xf32, #tpu.memory_space<vmem>>, vector<16xf32>,
      %get3A_3537 = arith.constant 14 : i32
      %get3A_3538 = arith.index_cast %get3A_3537 : i32 to index
      %get3A_3539 = arith.index_cast %rem3A_3442 : i32 to index
      %get3A_3540 = arith.constant 48 : index
      %get3A_3541 = tpu.vector_load %arg14[%get3A_3538, %get3A_3539, %get3A_3540] {strides = array<i32>} : memref<16x8x64xf32, #tpu.memory_space<vmem>>, vector<16xf32>,
      %swap3A_3542 = arith.index_cast %add3A_3446 : i32 to index
      %swap3A_3543 = arith.constant 112 : index
      %swap3A_3544 = tpu.vector_load %arg16[%swap3A_3542, %swap3A_3543] {strides = array<i32>} : memref<128x128xf32, #tpu.memory_space<vmem>>, vector<16xf32>,
      tpu.vector_store %arg16[%swap3A_3542, %swap3A_3543], %get3A_3541 {strides = array<i32>} : memref<128x128xf32, #tpu.memory_space<vmem>>, vector<16xf32>,
      %get3A_3545 = arith.index_cast %reduce_sum3A_3440 : i32 to index
      %get3A_3546 = arith.constant 48 : index
      %get3A_3547 = tpu.vector_load %arg13[%get3A_3545, %get3A_3546] {strides = array<i32>} : memref<100x64xf32, #tpu.memory_space<vmem>>, vector<16xf32>,
      %swap3A_3548 = arith.index_cast %add3A_3446 : i32 to index
      %swap3A_3549 = arith.constant 48 : index
      %swap3A_3550 = tpu.vector_load %arg17[%swap3A_3548, %swap3A_3549] {strides = array<i32>} : memref<128x128xf32, #tpu.memory_space<vmem>>, vector<16xf32>,
      tpu.vector_store %arg17[%swap3A_3548, %swap3A_3549], %get3A_3547 {strides = array<i32>} : memref<128x128xf32, #tpu.memory_space<vmem>>, vector<16xf32>,
      %get3A_3551 = arith.constant 14 : i32
      %get3A_3552 = arith.index_cast %get3A_3551 : i32 to index
      %get3A_3553 = arith.index_cast %rem3A_3442 : i32 to index
      %get3A_3554 = arith.constant 48 : index
      %get3A_3555 = tpu.vector_load %arg15[%get3A_3552, %get3A_3553, %get3A_3554] {strides = array<i32>} : memref<16x8x64xf32, #tpu.memory_space<vmem>>, vector<16xf32>,
      %swap3A_3556 = arith.index_cast %add3A_3446 : i32 to index
      %swap3A_3557 = arith.constant 112 : index
      %swap3A_3558 = tpu.vector_load %arg17[%swap3A_3556, %swap3A_3557] {strides = array<i32>} : memref<128x128xf32, #tpu.memory_space<vmem>>, vector<16xf32>,
      tpu.vector_store %arg17[%swap3A_3556, %swap3A_3557], %get3A_3555 {strides = array<i32>} : memref<128x128xf32, #tpu.memory_space<vmem>>, vector<16xf32>,
      %eq3A_3559 = arith.constant 15 : i32
      %eq3A_3560 = vector.broadcast %eq3A_3559 : i32 to vector<16xi32>
      %eq3A_3561 = arith.cmpi eq, %iota3A, %eq3A_3560 : vector<16xi32>
      %select_n3A_3562 = arith.select %eq3A_3561, %get3A_32, %broadcast_in_dim3A_3 : vector<16xi1>, vector<16xi32>
      %reduce_sum3A_3563 = arith.constant true
      %reduce_sum3A_3564 = vector.broadcast %reduce_sum3A_3563 : i1 to vector<16xi1>
      %reduce_sum3A_3565 = tpu.scan <sum>, %select_n3A_3562 masked %reduce_sum3A_3564 : vector<16xi32>, vector<16xi1> -> vector<16xi32>
      %reduce_sum3A_3566 = vector.extract %reduce_sum3A_3565[15] : i32 from vector<16xi32>
      %rem3A_3567 = arith.constant 8 : i32
      %rem3A_3568 = arith.remsi %reduce_sum3A_3566, %rem3A_3567 : i32
      %mul3A_3569 = arith.constant 16 : i32
      %mul3A_3570 = arith.muli %scan3A_24, %mul3A_3569 : i32
      %add3A_3571 = arith.constant 15 : i32
      %add3A_3572 = arith.addi %mul3A_3570, %add3A_3571 : i32
      %get3A_3573 = arith.index_cast %reduce_sum3A_3566 : i32 to index
      %get3A_3574 = arith.constant 0 : index
      %get3A_3575 = tpu.vector_load %arg12[%get3A_3573, %get3A_3574] {strides = array<i32>} : memref<100x64xf32, #tpu.memory_space<vmem>>, vector<16xf32>,
      %swap3A_3576 = arith.index_cast %add3A_3572 : i32 to index
      %swap3A_3577 = arith.constant 0 : index
      %swap3A_3578 = tpu.vector_load %arg16[%swap3A_3576, %swap3A_3577] {strides = array<i32>} : memref<128x128xf32, #tpu.memory_space<vmem>>, vector<16xf32>,
      tpu.vector_store %arg16[%swap3A_3576, %swap3A_3577], %get3A_3575 {strides = array<i32>} : memref<128x128xf32, #tpu.memory_space<vmem>>, vector<16xf32>,
      %get3A_3579 = arith.constant 15 : i32
      %get3A_3580 = arith.index_cast %get3A_3579 : i32 to index
      %get3A_3581 = arith.index_cast %rem3A_3568 : i32 to index
      %get3A_3582 = arith.constant 0 : index
      %get3A_3583 = tpu.vector_load %arg14[%get3A_3580, %get3A_3581, %get3A_3582] {strides = array<i32>} : memref<16x8x64xf32, #tpu.memory_space<vmem>>, vector<16xf32>,
      %swap3A_3584 = arith.index_cast %add3A_3572 : i32 to index
      %swap3A_3585 = arith.constant 64 : index
      %swap3A_3586 = tpu.vector_load %arg16[%swap3A_3584, %swap3A_3585] {strides = array<i32>} : memref<128x128xf32, #tpu.memory_space<vmem>>, vector<16xf32>,
      tpu.vector_store %arg16[%swap3A_3584, %swap3A_3585], %get3A_3583 {strides = array<i32>} : memref<128x128xf32, #tpu.memory_space<vmem>>, vector<16xf32>,
      %get3A_3587 = arith.index_cast %reduce_sum3A_3566 : i32 to index
      %get3A_3588 = arith.constant 0 : index
      %get3A_3589 = tpu.vector_load %arg13[%get3A_3587, %get3A_3588] {strides = array<i32>} : memref<100x64xf32, #tpu.memory_space<vmem>>, vector<16xf32>,
      %swap3A_3590 = arith.index_cast %add3A_3572 : i32 to index
      %swap3A_3591 = arith.constant 0 : index
      %swap3A_3592 = tpu.vector_load %arg17[%swap3A_3590, %swap3A_3591] {strides = array<i32>} : memref<128x128xf32, #tpu.memory_space<vmem>>, vector<16xf32>,
      tpu.vector_store %arg17[%swap3A_3590, %swap3A_3591], %get3A_3589 {strides = array<i32>} : memref<128x128xf32, #tpu.memory_space<vmem>>, vector<16xf32>,
      %get3A_3593 = arith.constant 15 : i32
      %get3A_3594 = arith.index_cast %get3A_3593 : i32 to index
      %get3A_3595 = arith.index_cast %rem3A_3568 : i32 to index
      %get3A_3596 = arith.constant 0 : index
      %get3A_3597 = tpu.vector_load %arg15[%get3A_3594, %get3A_3595, %get3A_3596] {strides = array<i32>} : memref<16x8x64xf32, #tpu.memory_space<vmem>>, vector<16xf32>,
      %swap3A_3598 = arith.index_cast %add3A_3572 : i32 to index
      %swap3A_3599 = arith.constant 64 : index
      %swap3A_3600 = tpu.vector_load %arg17[%swap3A_3598, %swap3A_3599] {strides = array<i32>} : memref<128x128xf32, #tpu.memory_space<vmem>>, vector<16xf32>,
      tpu.vector_store %arg17[%swap3A_3598, %swap3A_3599], %get3A_3597 {strides = array<i32>} : memref<128x128xf32, #tpu.memory_space<vmem>>, vector<16xf32>,
      %get3A_3601 = arith.index_cast %reduce_sum3A_3566 : i32 to index
      %get3A_3602 = arith.constant 16 : index
      %get3A_3603 = tpu.vector_load %arg12[%get3A_3601, %get3A_3602] {strides = array<i32>} : memref<100x64xf32, #tpu.memory_space<vmem>>, vector<16xf32>,
      %swap3A_3604 = arith.index_cast %add3A_3572 : i32 to index
      %swap3A_3605 = arith.constant 16 : index
      %swap3A_3606 = tpu.vector_load %arg16[%swap3A_3604, %swap3A_3605] {strides = array<i32>} : memref<128x128xf32, #tpu.memory_space<vmem>>, vector<16xf32>,
      tpu.vector_store %arg16[%swap3A_3604, %swap3A_3605], %get3A_3603 {strides = array<i32>} : memref<128x128xf32, #tpu.memory_space<vmem>>, vector<16xf32>,
      %get3A_3607 = arith.constant 15 : i32
      %get3A_3608 = arith.index_cast %get3A_3607 : i32 to index
      %get3A_3609 = arith.index_cast %rem3A_3568 : i32 to index
      %get3A_3610 = arith.constant 16 : index
      %get3A_3611 = tpu.vector_load %arg14[%get3A_3608, %get3A_3609, %get3A_3610] {strides = array<i32>} : memref<16x8x64xf32, #tpu.memory_space<vmem>>, vector<16xf32>,
      %swap3A_3612 = arith.index_cast %add3A_3572 : i32 to index
      %swap3A_3613 = arith.constant 80 : index
      %swap3A_3614 = tpu.vector_load %arg16[%swap3A_3612, %swap3A_3613] {strides = array<i32>} : memref<128x128xf32, #tpu.memory_space<vmem>>, vector<16xf32>,
      tpu.vector_store %arg16[%swap3A_3612, %swap3A_3613], %get3A_3611 {strides = array<i32>} : memref<128x128xf32, #tpu.memory_space<vmem>>, vector<16xf32>,
      %get3A_3615 = arith.index_cast %reduce_sum3A_3566 : i32 to index
      %get3A_3616 = arith.constant 16 : index
      %get3A_3617 = tpu.vector_load %arg13[%get3A_3615, %get3A_3616] {strides = array<i32>} : memref<100x64xf32, #tpu.memory_space<vmem>>, vector<16xf32>,
      %swap3A_3618 = arith.index_cast %add3A_3572 : i32 to index
      %swap3A_3619 = arith.constant 16 : index
      %swap3A_3620 = tpu.vector_load %arg17[%swap3A_3618, %swap3A_3619] {strides = array<i32>} : memref<128x128xf32, #tpu.memory_space<vmem>>, vector<16xf32>,
      tpu.vector_store %arg17[%swap3A_3618, %swap3A_3619], %get3A_3617 {strides = array<i32>} : memref<128x128xf32, #tpu.memory_space<vmem>>, vector<16xf32>,
      %get3A_3621 = arith.constant 15 : i32
      %get3A_3622 = arith.index_cast %get3A_3621 : i32 to index
      %get3A_3623 = arith.index_cast %rem3A_3568 : i32 to index
      %get3A_3624 = arith.constant 16 : index
      %get3A_3625 = tpu.vector_load %arg15[%get3A_3622, %get3A_3623, %get3A_3624] {strides = array<i32>} : memref<16x8x64xf32, #tpu.memory_space<vmem>>, vector<16xf32>,
      %swap3A_3626 = arith.index_cast %add3A_3572 : i32 to index
      %swap3A_3627 = arith.constant 80 : index
      %swap3A_3628 = tpu.vector_load %arg17[%swap3A_3626, %swap3A_3627] {strides = array<i32>} : memref<128x128xf32, #tpu.memory_space<vmem>>, vector<16xf32>,
      tpu.vector_store %arg17[%swap3A_3626, %swap3A_3627], %get3A_3625 {strides = array<i32>} : memref<128x128xf32, #tpu.memory_space<vmem>>, vector<16xf32>,
      %get3A_3629 = arith.index_cast %reduce_sum3A_3566 : i32 to index
      %get3A_3630 = arith.constant 32 : index
      %get3A_3631 = tpu.vector_load %arg12[%get3A_3629, %get3A_3630] {strides = array<i32>} : memref<100x64xf32, #tpu.memory_space<vmem>>, vector<16xf32>,
      %swap3A_3632 = arith.index_cast %add3A_3572 : i32 to index
      %swap3A_3633 = arith.constant 32 : index
      %swap3A_3634 = tpu.vector_load %arg16[%swap3A_3632, %swap3A_3633] {strides = array<i32>} : memref<128x128xf32, #tpu.memory_space<vmem>>, vector<16xf32>,
      tpu.vector_store %arg16[%swap3A_3632, %swap3A_3633], %get3A_3631 {strides = array<i32>} : memref<128x128xf32, #tpu.memory_space<vmem>>, vector<16xf32>,
      %get3A_3635 = arith.constant 15 : i32
      %get3A_3636 = arith.index_cast %get3A_3635 : i32 to index
      %get3A_3637 = arith.index_cast %rem3A_3568 : i32 to index
      %get3A_3638 = arith.constant 32 : index
      %get3A_3639 = tpu.vector_load %arg14[%get3A_3636, %get3A_3637, %get3A_3638] {strides = array<i32>} : memref<16x8x64xf32, #tpu.memory_space<vmem>>, vector<16xf32>,
      %swap3A_3640 = arith.index_cast %add3A_3572 : i32 to index
      %swap3A_3641 = arith.constant 96 : index
      %swap3A_3642 = tpu.vector_load %arg16[%swap3A_3640, %swap3A_3641] {strides = array<i32>} : memref<128x128xf32, #tpu.memory_space<vmem>>, vector<16xf32>,
      tpu.vector_store %arg16[%swap3A_3640, %swap3A_3641], %get3A_3639 {strides = array<i32>} : memref<128x128xf32, #tpu.memory_space<vmem>>, vector<16xf32>,
      %get3A_3643 = arith.index_cast %reduce_sum3A_3566 : i32 to index
      %get3A_3644 = arith.constant 32 : index
      %get3A_3645 = tpu.vector_load %arg13[%get3A_3643, %get3A_3644] {strides = array<i32>} : memref<100x64xf32, #tpu.memory_space<vmem>>, vector<16xf32>,
      %swap3A_3646 = arith.index_cast %add3A_3572 : i32 to index
      %swap3A_3647 = arith.constant 32 : index
      %swap3A_3648 = tpu.vector_load %arg17[%swap3A_3646, %swap3A_3647] {strides = array<i32>} : memref<128x128xf32, #tpu.memory_space<vmem>>, vector<16xf32>,
      tpu.vector_store %arg17[%swap3A_3646, %swap3A_3647], %get3A_3645 {strides = array<i32>} : memref<128x128xf32, #tpu.memory_space<vmem>>, vector<16xf32>,
      %get3A_3649 = arith.constant 15 : i32
      %get3A_3650 = arith.index_cast %get3A_3649 : i32 to index
      %get3A_3651 = arith.index_cast %rem3A_3568 : i32 to index
      %get3A_3652 = arith.constant 32 : index
      %get3A_3653 = tpu.vector_load %arg15[%get3A_3650, %get3A_3651, %get3A_3652] {strides = array<i32>} : memref<16x8x64xf32, #tpu.memory_space<vmem>>, vector<16xf32>,
      %swap3A_3654 = arith.index_cast %add3A_3572 : i32 to index
      %swap3A_3655 = arith.constant 96 : index
      %swap3A_3656 = tpu.vector_load %arg17[%swap3A_3654, %swap3A_3655] {strides = array<i32>} : memref<128x128xf32, #tpu.memory_space<vmem>>, vector<16xf32>,
      tpu.vector_store %arg17[%swap3A_3654, %swap3A_3655], %get3A_3653 {strides = array<i32>} : memref<128x128xf32, #tpu.memory_space<vmem>>, vector<16xf32>,
      %get3A_3657 = arith.index_cast %reduce_sum3A_3566 : i32 to index
      %get3A_3658 = arith.constant 48 : index
      %get3A_3659 = tpu.vector_load %arg12[%get3A_3657, %get3A_3658] {strides = array<i32>} : memref<100x64xf32, #tpu.memory_space<vmem>>, vector<16xf32>,
      %swap3A_3660 = arith.index_cast %add3A_3572 : i32 to index
      %swap3A_3661 = arith.constant 48 : index
      %swap3A_3662 = tpu.vector_load %arg16[%swap3A_3660, %swap3A_3661] {strides = array<i32>} : memref<128x128xf32, #tpu.memory_space<vmem>>, vector<16xf32>,
      tpu.vector_store %arg16[%swap3A_3660, %swap3A_3661], %get3A_3659 {strides = array<i32>} : memref<128x128xf32, #tpu.memory_space<vmem>>, vector<16xf32>,
      %get3A_3663 = arith.constant 15 : i32
      %get3A_3664 = arith.index_cast %get3A_3663 : i32 to index
      %get3A_3665 = arith.index_cast %rem3A_3568 : i32 to index
      %get3A_3666 = arith.constant 48 : index
      %get3A_3667 = tpu.vector_load %arg14[%get3A_3664, %get3A_3665, %get3A_3666] {strides = array<i32>} : memref<16x8x64xf32, #tpu.memory_space<vmem>>, vector<16xf32>,
      %swap3A_3668 = arith.index_cast %add3A_3572 : i32 to index
      %swap3A_3669 = arith.constant 112 : index
      %swap3A_3670 = tpu.vector_load %arg16[%swap3A_3668, %swap3A_3669] {strides = array<i32>} : memref<128x128xf32, #tpu.memory_space<vmem>>, vector<16xf32>,
      tpu.vector_store %arg16[%swap3A_3668, %swap3A_3669], %get3A_3667 {strides = array<i32>} : memref<128x128xf32, #tpu.memory_space<vmem>>, vector<16xf32>,
      %get3A_3671 = arith.index_cast %reduce_sum3A_3566 : i32 to index
      %get3A_3672 = arith.constant 48 : index
      %get3A_3673 = tpu.vector_load %arg13[%get3A_3671, %get3A_3672] {strides = array<i32>} : memref<100x64xf32, #tpu.memory_space<vmem>>, vector<16xf32>,
      %swap3A_3674 = arith.index_cast %add3A_3572 : i32 to index
      %swap3A_3675 = arith.constant 48 : index
      %swap3A_3676 = tpu.vector_load %arg17[%swap3A_3674, %swap3A_3675] {strides = array<i32>} : memref<128x128xf32, #tpu.memory_space<vmem>>, vector<16xf32>,
      tpu.vector_store %arg17[%swap3A_3674, %swap3A_3675], %get3A_3673 {strides = array<i32>} : memref<128x128xf32, #tpu.memory_space<vmem>>, vector<16xf32>,
      %get3A_3677 = arith.constant 15 : i32
      %get3A_3678 = arith.index_cast %get3A_3677 : i32 to index
      %get3A_3679 = arith.index_cast %rem3A_3568 : i32 to index
      %get3A_3680 = arith.constant 48 : index
      %get3A_3681 = tpu.vector_load %arg15[%get3A_3678, %get3A_3679, %get3A_3680] {strides = array<i32>} : memref<16x8x64xf32, #tpu.memory_space<vmem>>, vector<16xf32>,
      %swap3A_3682 = arith.index_cast %add3A_3572 : i32 to index
      %swap3A_3683 = arith.constant 112 : index
      %swap3A_3684 = tpu.vector_load %arg17[%swap3A_3682, %swap3A_3683] {strides = array<i32>} : memref<128x128xf32, #tpu.memory_space<vmem>>, vector<16xf32>,
      tpu.vector_store %arg17[%swap3A_3682, %swap3A_3683], %get3A_3681 {strides = array<i32>} : memref<128x128xf32, #tpu.memory_space<vmem>>, vector<16xf32>,
      %scan3A_3685 = arith.constant 0 : i32
      scf.yield %scan3A_3685 : i32
    }
    %scan3A_9 = arith.constant 8 : i32
    %dma_start3A = arith.constant 0 : i32
    %dma_start3A_10 = tpu.memref_slice %arg8[%mul3A_2, %dma_start3A] : memref<4096x128xf32, #tpu.memory_space<hbm>> -> memref<128x128xf32, #tpu.memory_space<hbm>>
    %dma_start3A_11 = arith.constant 0 : i32
    %dma_start3A_12 = tpu.memref_slice %arg8[%mul3A_2, %dma_start3A_11] : memref<4096x128xf32, #tpu.memory_space<hbm>> -> memref<128x128xf32, #tpu.memory_space<hbm>>
    tpu.enqueue_dma source(%arg16 : memref<128x128xf32, #tpu.memory_space<vmem>>) target(%dma_start3A_12 : memref<128x128xf32, #tpu.memory_space<hbm>>) target_semaphore(%arg18 : memref<!tpu.dma_semaphore, #tpu.memory_space<semaphore_mem>>)
    %dma_start3A_13 = arith.constant 0 : i32
    %dma_start3A_14 = tpu.memref_slice %arg9[%mul3A_2, %dma_start3A_13] : memref<4096x128xf32, #tpu.memory_space<hbm>> -> memref<128x128xf32, #tpu.memory_space<hbm>>
    %dma_start3A_15 = arith.constant 0 : i32
    %dma_start3A_16 = tpu.memref_slice %arg9[%mul3A_2, %dma_start3A_15] : memref<4096x128xf32, #tpu.memory_space<hbm>> -> memref<128x128xf32, #tpu.memory_space<hbm>>
    tpu.enqueue_dma source(%arg17 : memref<128x128xf32, #tpu.memory_space<vmem>>) target(%dma_start3A_16 : memref<128x128xf32, #tpu.memory_space<hbm>>) target_semaphore(%arg18 : memref<!tpu.dma_semaphore, #tpu.memory_space<semaphore_mem>>)
    %dma_wait3A = arith.constant 0 : i32
    %dma_wait3A_17 = tpu.memref_slice %arg8[%mul3A_2, %dma_wait3A] : memref<4096x128xf32, #tpu.memory_space<hbm>> -> memref<128x128xf32, #tpu.memory_space<hbm>>
    %dma_wait3A_18 = arith.constant 0 : i32
    %dma_wait3A_19 = tpu.memref_slice %arg8[%mul3A_2, %dma_wait3A_18] : memref<4096x128xf32, #tpu.memory_space<hbm>> -> memref<128x128xf32, #tpu.memory_space<hbm>>
    tpu.wait_dma2 semaphore(%arg18 : memref<!tpu.dma_semaphore, #tpu.memory_space<semaphore_mem>>) src(%arg16 : memref<128x128xf32, #tpu.memory_space<vmem>>) dst(%dma_wait3A_19 : memref<128x128xf32, #tpu.memory_space<hbm>>)
    %dma_wait3A_20 = arith.constant 0 : i32
    %dma_wait3A_21 = tpu.memref_slice %arg9[%mul3A_2, %dma_wait3A_20] : memref<4096x128xf32, #tpu.memory_space<hbm>> -> memref<128x128xf32, #tpu.memory_space<hbm>>
    %dma_wait3A_22 = arith.constant 0 : i32
    %dma_wait3A_23 = tpu.memref_slice %arg9[%mul3A_2, %dma_wait3A_22] : memref<4096x128xf32, #tpu.memory_space<hbm>> -> memref<128x128xf32, #tpu.memory_space<hbm>>
    tpu.wait_dma2 semaphore(%arg18 : memref<!tpu.dma_semaphore, #tpu.memory_space<semaphore_mem>>) src(%arg17 : memref<128x128xf32, #tpu.memory_space<vmem>>) dst(%dma_wait3A_23 : memref<128x128xf32, #tpu.memory_space<hbm>>)
    return
  }
}

module attributes {stable_mosaic.version = 14 : i64} {
  func.func @_tc_body(%arg0: i32, %arg1: memref<256x128xf32, #tpu.memory_space<vmem>>, %arg2: memref<256x128x128xf32, #tpu.memory_space<vmem>>) attributes {dimension_semantics = [#tpu.dimension_semantics<arbitrary>], iteration_bounds = array<i64: 16>, scalar_prefetch = 0 : i64, scratch_operands = 0 : i64, tpu.core_type = #tpu.core_type<tc>, window_params = [{transform_indices = @transform_0, window_bounds = array<i64: 256, 128>}, {transform_indices = @transform_1, window_bounds = array<i64: 256, 128, 128>}]} {
    %get3A = arith.constant 0 : index
    %get3A_0 = arith.constant 0 : index
    %get3A_1 = vector.load %arg1[%get3A, %get3A_0] : memref<256x128xf32, #tpu.memory_space<vmem>>, vector<256x128xf32>
    %custom_jvp_call3A = arith.constant 0.000000e+00 : f32
    %max3A = vector.broadcast %custom_jvp_call3A : f32 to vector<256x128xf32>
    %max3A_2 = arith.maximumf %get3A_1, %max3A : vector<256x128xf32>
    %sub3A = vector.broadcast %custom_jvp_call3A : f32 to vector<256x128xf32>
    %sub3A_3 = arith.subf %get3A_1, %sub3A : vector<256x128xf32>
    %ne3A = arith.cmpf one, %sub3A_3, %sub3A_3 : vector<256x128xf32>
    %add3A = vector.broadcast %custom_jvp_call3A : f32 to vector<256x128xf32>
    %add3A_4 = arith.addf %get3A_1, %add3A : vector<256x128xf32>
    %abs3A = math.absf %sub3A_3 : vector<256x128xf32>
    %neg3A = arith.constant 0.000000e+00 : f32
    %neg3A_5 = vector.broadcast %neg3A : f32 to vector<256x128xf32>
    %neg3A_6 = arith.subf %neg3A_5, %abs3A : vector<256x128xf32>
    %exp3A = math.exp %neg3A_6 : vector<256x128xf32>
    %log1p3A = math.log1p %exp3A : vector<256x128xf32>
    %add3A_7 = arith.addf %max3A_2, %log1p3A : vector<256x128xf32>
    %select_n3A = arith.select %ne3A, %add3A_4, %add3A_7 : vector<256x128xi1>, vector<256x128xf32>
    %iota3A = tpu.iota {dimensions = array<i32: 0>} : vector<128x128xi32>
    %iota3A_8 = tpu.iota {dimensions = array<i32: 1>} : vector<128x128xi32>
    %eq3A = arith.cmpi eq, %iota3A, %iota3A_8 : vector<128x128xi32>
    %broadcast_in_dim3A = vector.shape_cast %eq3A : vector<128x128xi1> to vector<1x128x128xi1>
    %broadcast_in_dim3A_9 = vector.shape_cast %select_n3A : vector<256x128xf32> to vector<256x128x1xf32>
    %jit3A = arith.constant 0.000000e+00 : f32
    %broadcast_in_dim3A_10 = vector.shape_cast %broadcast_in_dim3A : vector<1x128x128xi1> to vector<1x128x128xi1>
    %broadcast_in_dim3A_11 = vector.broadcast %broadcast_in_dim3A_10 : vector<1x128x128xi1> to vector<256x128x128xi1>
    %broadcast_in_dim3A_12 = vector.shape_cast %broadcast_in_dim3A_9 : vector<256x128x1xf32> to vector<256x128x1xf32>
    %broadcast_in_dim3A_13 = vector.broadcast %broadcast_in_dim3A_12 : vector<256x128x1xf32> to vector<256x128x128xf32>
    %broadcast_in_dim3A_14 = vector.broadcast %jit3A : f32 to vector<256x128x128xf32>
    %select_n3A_15 = arith.select %broadcast_in_dim3A_11, %broadcast_in_dim3A_13, %broadcast_in_dim3A_14 : vector<256x128x128xi1>, vector<256x128x128xf32>
    %swap3A = arith.constant 0 : index
    %swap3A_16 = arith.constant 0 : index
    %swap3A_17 = arith.constant 0 : index
    %swap3A_18 = vector.load %arg2[%swap3A, %swap3A_16, %swap3A_17] : memref<256x128x128xf32, #tpu.memory_space<vmem>>, vector<256x128x128xf32>
    tpu.vector_store %arg2[%swap3A, %swap3A_16, %swap3A_17], %select_n3A_15 {strides = array<i32>} : memref<256x128x128xf32, #tpu.memory_space<vmem>>, vector<256x128x128xf32>,
    return
  }
  func.func @transform_0(%arg0: i32) -> (i32, i32) {
    %c0_i32 = arith.constant 0 : i32
    %c0_i32_0 = arith.constant 0 : i32
    return %arg0, %c0_i32 : i32, i32
  }
  func.func @transform_1(%arg0: i32) -> (i32, i32, i32) {
    %c0_i32 = arith.constant 0 : i32
    %c0_i32_0 = arith.constant 0 : i32
    %c0_i32_1 = arith.constant 0 : i32
    return %arg0, %c0_i32, %c0_i32_0 : i32, i32, i32
  }
}

</mosaic_0001>

<sc_bundles>
// kernel: kernel.4.cloned.1.call-start
scs
__scs_entry_jumppad:
0x0: {  	(pc) =	sbr.rel $0x88, $3  }
0x1: {  	(tag) =	ssettag $0x0;
	lr =	simm.s32 $0x1  }
0x2: {  	[smem:$0x3F9B] =	sst lr;
	_ =	strace $0xD0000000  }
0x3: {  	_ = 	snop  }
0x4: {  	_ = 	snop  }
0x5: {  	_ = 	snop  }
0x6: {  	_ = 	snop  }
0x7: {  	_ = 	snop  }
__scs_overlays_trampoline_lowered:
0x8: {  	[smem:$0x3FAA] =	sst s0  }
0x9: {  	[smem:$0x3FAB] =	sst s1  }
0xa: {  	[smem:$0x3FAC] =	sst s2  }
0xb: {  	[smem:$0x3FAD] =	sst s3  }
0xc: {  	[smem:$0x3FAE] =	sst s4  }
0xd: {  	[smem:$0x3FAF] =	sst s5  }
0xe: {  	[smem:$0x3FB0] =	sst s6  }
0xf: {  	[smem:$0x3FB1] =	sst s7  }
0x10: {  	[smem:$0x3FB2] =	sst s8  }
0x11: {  	[smem:$0x3FB3] =	sst s9;
	s0 =	simm.s32 @!p0 $0x0  }
0x12: {  	s1 =	sld [smem:$0x3F99];
	s0 =	simm.s32 @p0 $0x1  }
0x13: {  	[smem:$0x3FB4] =	sst s0;
	s0 =	simm.s32 @!p1 $0x0  }
0x14: {  	s2 =	sld [smem:$0x3F98];
	s0 =	simm.s32 @p1 $0x1  }
0x15: {  	[smem:$0x3FB5] =	sst s0;
	s0 =	simm.s32 @!p2 $0x0  }
0x16: {  	s3 =	sld [smem:$0x3FDB];
	s0 =	simm.s32 @p2 $0x1  }
0x17: {  	s4 =	simm.s32 $0x1BF5;
	[smem:$0x3FB7] =	sst s0  }
0x18: {  	s0 =	sld [smem:$0x3F9A];
	_ =	swait.ge [sflag:s4], $0x0  }
0x19: {  	s7 =	sld [smem:$0x3F9B]  }
0x1a: {  	s8 =	sadd.s32 $0xFFFFE003, lr  }
0x1b: {  	s9 =	sadd.s32 $0xFFFFFEF7, lr;
	s5 =	simm.s32 $0xFFFFFFFF;
	p2 =	slt.u32 s8, $0xFFFFF086  }
0x1c: {  	p1 =	slt.u32 s9, $0xF7A;
	s5 =	simm.s32 @!p2 $0x0  }
0x1d: {  	s5 =	simm.s32 @p1 $0x1;
	p0 =	seq.s32 s7, s2  }
0x1e: {  	s7 =	smul.u32 @!p0 $0xF7A, s2;
	p2 =	seq.s32 @!p0 s5, $0x0  }
0x1f: {  	s9 =	smul.u32 $0xF7A, s1;
	s8 =	simm.s32 @!p0 $0x1BF5;
	p2 =	por !p2, p0  }
0x20: {  	[sflag:s8] =	ssyncset.s32 @!p0 $0xFFFFF086;
	s6 =	sadd.s32 @!p0 s3, s7;
	s7 =	simm.s32 @!p0 $0x108  }
0x21: {  	s3 =	sadd.s32 s3, s9;
	s6 =	sadd.s32 @!p0 $0x88, s6;
	s7 =	simm.s32 @p2 $0x1082  }
0x22: {  	[simem:s7], [sflag:s8] =	dma.local @!p0 [hbm:s6], $0xF7A  }
0x23: {  	s9 =	sor.u32 $0xD0000000, s2;
	s6 =	simm.s32 $0x108;
	_ =	swait.ge @!p0 [sflag:s8], $0x0  }
0x24: {  	s3 =	sadd.s32 $0x88, s3;
	s6 =	simm.s32 @!p1 $0x1082;
	[sflag:s4] =	ssyncset.s32 $0xFFFFF086  }
0x25: {  	[simem:s6], [sflag:s4] =	dma.local [hbm:s3], $0xF7A  }
0x26: {  	[smem:$0x3F9B] =	sst s1;
	(tag) =	ssettag s2;
	_ =	strace s9  }
0x27: {  	s1 =	sld [smem:$0x3FAB]  }
0x28: {  	s2 =	sld [smem:$0x3FAC]  }
0x29: {  	s4 =	sld [smem:$0x3FAE]  }
0x2a: {  	p0 =	seq.s32 s5, $0x0;
	s5 =	sld [smem:$0x3FAF]  }
0x2b: {  	s6 =	sld [smem:$0x3FB0]  }
0x2c: {  	s7 =	sld [smem:$0x3FB1]  }
0x2d: {  	s3 =	simm.s32 $0x108;
	s8 =	sld [smem:$0x3FB2]  }
0x2e: {  	s3 =	simm.s32 @!p0 $0x1082;
	s9 =	sld [smem:$0x3FB3]  }
0x2f: {  	lr =	sadd.s32 s0, s3;
	s0 =	sld [smem:$0x3FAA]  }
0x30: {  	s3 =	sld [smem:$0x3FAD]  }
0x31: {  	[smem:$0x3FB6] =	sst s10  }
0x32: {  	s10 =	sld [smem:$0x3FB4];
	_ =	sdelay $0x3  }
0x33: {  	p0 =	seq.s32 s10, $0x1;
	s10 =	sld [smem:$0x3FB6];
	_ =	sdelay $0x3  }
0x34: {  	[smem:$0x3FB6] =	sst s10  }
0x35: {  	s10 =	sld [smem:$0x3FB5];
	_ =	sdelay $0x3  }
0x36: {  	p1 =	seq.s32 s10, $0x1;
	s10 =	sld [smem:$0x3FB6];
	_ =	sdelay $0x3  }
0x37: {  	[smem:$0x3FB6] =	sst s10  }
0x38: {  	s10 =	sld [smem:$0x3FB7]  }
0x39: {  	_ = 	snop;
	(pc) =	sbr.ind lr, $3  }
0x3a: {  	_ = 	snop  }
0x3b: {  	_ = 	snop  }
0x3c: {  	p2 =	seq.s32 s10, $0x1;
	s10 =	sld [smem:$0x3FB6]  }
0x3d: {  	_ =	shalt  }
0x3e: {  	_ =	shalt  }
0x3f: {  	_ =	shalt  }
0x40: {  	_ =	shalt  }
0x41: {  	_ =	shalt  }
0x42: {  	_ =	shalt  }
0x43: {  	_ =	shalt  }
0x44: {  	_ =	shalt  }
0x45: {  	_ =	shalt  }
0x46: {  	_ =	shalt  }
0x47: {  	_ =	shalt  }
0x48: {  	_ =	shalt  }
0x49: {  	_ =	shalt  }
0x4a: {  	_ =	shalt  }
0x4b: {  	_ =	shalt  }
0x4c: {  	_ =	shalt  }
0x4d: {  	_ =	shalt  }
0x4e: {  	_ =	shalt  }
0x4f: {  	_ =	shalt  }
0x50: {  	_ =	shalt  }
0x51: {  	_ =	shalt  }
0x52: {  	_ =	shalt  }
0x53: {  	_ =	shalt  }
0x54: {  	_ =	shalt  }
0x55: {  	_ =	shalt  }
0x56: {  	_ =	shalt  }
0x57: {  	_ =	shalt  }
0x58: {  	_ =	shalt  }
0x59: {  	_ =	shalt  }
0x5a: {  	_ =	shalt  }
0x5b: {  	_ =	shalt  }
0x5c: {  	_ =	shalt  }
0x5d: {  	_ =	shalt  }
0x5e: {  	_ =	shalt  }
0x5f: {  	_ =	shalt  }
0x60: {  	_ =	shalt  }
0x61: {  	_ =	shalt  }
0x62: {  	_ =	shalt  }
0x63: {  	_ =	shalt  }
0x64: {  	_ =	shalt  }
0x65: {  	_ =	shalt  }
0x66: {  	_ =	shalt  }
0x67: {  	_ =	shalt  }
0x68: {  	_ =	shalt  }
0x69: {  	_ =	shalt  }
0x6a: {  	_ =	shalt  }
0x6b: {  	_ =	shalt  }
0x6c: {  	_ =	shalt  }
0x6d: {  	_ =	shalt  }
0x6e: {  	_ =	shalt  }
0x6f: {  	_ =	shalt  }
0x70: {  	_ =	shalt  }
0x71: {  	_ =	shalt  }
0x72: {  	_ =	shalt  }
0x73: {  	_ =	shalt  }
0x74: {  	_ =	shalt  }
0x75: {  	_ =	shalt  }
0x76: {  	_ =	shalt  }
0x77: {  	_ =	shalt  }
0x78: {  	_ =	shalt  }
0x79: {  	_ =	shalt  }
0x7a: {  	_ =	shalt  }
0x7b: {  	_ =	shalt  }
0x7c: {  	_ =	shalt  }
0x7d: {  	_ =	shalt  }
0x7e: {  	_ =	shalt  }
0x7f: {  	_ =	shalt  }
0x80: {  	_ =	shalt  }
0x81: {  	_ =	shalt  }
0x82: {  	_ =	shalt  }
0x83: {  	_ =	shalt  }
0x84: {  	_ =	shalt  }
0x85: {  	_ =	shalt  }
0x86: {  	_ =	shalt  }
0x87: {  	_ =	shalt  }
.Lfunc_end0:
.L_simem_size_0:
called_computation_lowered:
.L_overlay_start_0:
0x88: {  	s2 =	sld [smem:$0x3FD9]  }
0x89: {  	s3 =	sld [smem:$0x3FFE];
	_ =	sdelay $0x1  }
0x8a: {  	s1 =	srdreg.scid  }
0x8b: {  	s0 =	sand.u32 $0x1, s1  }
0x8c: {  	s14 =	sshll.u32 s0, $0xA;
	s2 =	sadd.s32 s3, s2  }
0x8d: {  	s2 =	sadd.s32 s2, s14  }
0x8e: {  	[smem:$0x3FC2] =	sst s2  }
0x8f: {  	_ = 	snop  }
0x90: {  	s2 =	sld [smem:$0x3FD0];
	_ =	sdelay $0x1  }
0x91: {  	s15 =	sld [smem:$0x3FC9]  }
0x92: {  	s5 =	simm.s32 $0xA;
	s6 =	simm.s32 $0x10;
	s4 =	sld [smem:$0x3FC8]  }
0x93: {  	[smem:s6], [sflag:s5] =	dma.local [hbm:s2], $0x1  }
0x94: {  	_ =	swait.eq [sflag:s5], $0x1  }
0x95: {  	[sflag:s5] =	ssyncset.done $0x0  }
0x96: {  	s16 =	sld [smem:$0x10];
	[sflag:s5] =	ssyncadd.s32 $0xFFFFFFFF  }
0x97: {  	s17 =	sld [smem:$0x11];
	(tm) =	ssettm $0x1  }
0x98: {  	s18 =	sld [smem:$0x3FFB];
	_ =	sdelay $0x3  }
0x99: {  	_ =	strace s18  }
0x9a: {  	s6 =	sld [smem:$0x3FFC];
	_ =	sdelay $0x3  }
0x9b: {  	_ =	strace s6  }
0x9c: {  	s6 =	sld [smem:$0x3FFD];
	_ =	sdelay $0x3  }
0x9d: {  	_ =	strace s6  }
0x9e: {  	_ =	strace $0x8FFFFFFF  }
0x9f: {  	s19 =	sld [smem:$0x3FDB];
	_ =	sdelay $0x1  }
0xa0: {  	s7 =	simm.s32 $_scs_section_size  }
0xa1: {  	s8 =	simm.s32 $_size__tile_overlayer_lowered;
	s9 =	simm.s32 $_tile_overlayer_lowered  }
0xa2: {  	s22 =	simm.s32 $0x1BFF;
	s21 =	sshll.u32 s9, $0x1;
	s6 =	sadd.s32 s7, s19  }
0xa3: {  	s10 =	simm.s32 $0x0;
	s20 =	sshll.u32 s8, $0x1;
	s8 =	sadd.s32 s21, s6  }
0xa4: {  	[timem:s10], [sflag:s22] =	dma.local [hbm:s8], s20  }
0xa5: {  	_ =	swait.ge [sflag:s22], s20  }
0xa6: {  	s7 =	ssub.s32 $0x0, s20;
	[sflag:s22] =	ssyncset.done $0x0  }
0xa7: {  	[sflag:s22] =	ssyncadd.s32 s7;
	_ =	sdelay $0x1  }
0xa8: {  	s23 =	simm.s32 $0x1B8B  }
0xa9: {  	_ =	swait.ge [sflag:s23], $0x1  }
0xaa: {  	[sflag:s23] =	ssyncset.done $0x0  }
0xab: {  	s25 =	simm.s32 $0x1B8E;
	s24 =	sld [smem:$0x3FFE];
	[sflag:s23] =	ssyncadd.s32 $0xFFFFFFFF  }
0xac: {  	s26 =	simm.s32 $execute0_lowered;
	[smem:$0x3FD2] =	sst s25  }
0xad: {  	s8 =	sshll.u32 s26, $0x1;
	_ =	strace $0x80000046;
	[dreg:$0x1] =	wrdreg $0xFFFFFFFF  }
0xae: {  	s28 =	simm.s32 $_size_execute0_lowered;
	s6 =	sadd.s32 s6, s8;
	[dreg:$0x0] =	wrdreg $0x0  }
0xaf: {  	s8 =	sshll.u32 s28, $0x1;
	[dreg:$0x2] =	wrdreg s6  }
0xb0: {  	[dreg:$0x3] =	wrdreg s8  }
0xb1: {  	[dreg:$0x4] =	wrdreg $0xC0  }
0xb2: {  	_ =	task [dreg:s10], $0x5FFFF  }
0xb3: {  	[dreg:$0x1] =	wrdreg $0xFFFFFFFF  }
0xb4: {  	[dreg:$0x0] =	wrdreg $0x60  }
0xb5: {  	[dreg:$0x2] =	wrdreg s15  }
0xb6: {  	[dreg:$0x3] =	wrdreg s4  }
0xb7: {  	[dreg:$0x4] =	wrdreg s24  }
0xb8: {  	[dreg:$0x5] =	wrdreg s17  }
0xb9: {  	[dreg:$0x6] =	wrdreg s16  }
0xba: {  	[dreg:$0x7] =	wrdreg $0x9  }
0xbb: {  	_ =	task.clear_ibuf [dreg:s10], $0x8FFFF;
	_ =	strace $0x90000046  }
0xbc: {  	s29 =	simm.s32 $0x9;
	_ =	strace $0x80000048  }
0xbd: {  	_ =	swait.ge [sflag:s29], $0x1  }
0xbe: {  	[sflag:s29] =	ssyncadd.s32 $0xFFFFFFFF  }
0xbf: {  	_ =	strace $0x90000048  }
0xc0: {  	_ =	sfence  }
0xc1: {  	s30 =	sld [smem:$0x0];
	_ =	sdelay $0x2  }
0xc2: {  	s31 =	sshll.u32 s1, $0xD;
	s1 =	sshrl.u32 s1, $0x2  }
0xc3: {  	s3 =	sand.u32 $0x4000, s31;
	s1 =	sadd.s32 s1, s30  }
0xc4: {  	s0 =	sor.u32 s3, s0;
	s1 =	sshll.u32 s1, $0x11  }
0xc5: {  	s0 =	sor.u32 s1, s0  }
0xc6: {  	s0 =	sadd.s32 $0x8F2B, s0  }
0xc7: {  	[sflag:s0] =	ssyncadd.remote.s32 $0x1  }
0xc8: {  	_ =	sfence.sel $0xFFFF  }
0xc9: {  	[dreg:$0x0] =	wrdreg $0xFFFFFFFF;
	(pc) =	sbr.abs _section_cstart, $3  }
0xca: {  	[dreg:$0x1] =	wrdreg $0xFFFFFFFF  }
0xcb: {  	_ =	task.clear_ibuf [dreg:s10], $0x2FFFF;
	_ =	strace $0x9FFFFFFF  }
0xcc: {  	(tm) =	ssettm $0x7FFFFFFF  }
0xcd: {  	_ =	shalt  }
tec
execute0_lowered:
.L_overlay_start_1:
0x0: {  	(tag) =	ssettag $0x1  }
0x1: {  	s3 =	rddreg [dreg:$0x0]  }
0x2: {  	s0 =	rddreg [dreg:$0x1]  }
0x3: {  	s4 =	rddreg [dreg:$0x2]  }
0x4: {  	s19 =	rddreg [dreg:$0x3]  }
0x5: {  	s1 =	rddreg [dreg:$0x4];
	s2 =	simm.s32 $0x0  }
0x6: {  	s5 =	simm.s32 $0x6900;
	[smem:$0x7FF] =	sst s2  }
0x7: {  	s17 =	simm.s32 $0xA900;
	_ =	strace $0x80000047;
	[dreg:$0x6] =	wrdreg s5  }
0x8: {  	s18 =	simm.s32 $0x6D00;
	[dreg:$0x7] =	wrdreg s17  }
0x9: {  	s20 =	simm.s32 $0xAD00;
	[dreg:$0x8] =	wrdreg s18  }
0xa: {  	s21 =	simm.s32 $0x7100;
	[dreg:$0x9] =	wrdreg s20  }
0xb: {  	s22 =	simm.s32 $0xB100;
	[dreg:$0xa] =	wrdreg s21  }
0xc: {  	s23 =	simm.s32 $0x7500;
	[dreg:$0xb] =	wrdreg s22  }
0xd: {  	s24 =	simm.s32 $0xB500;
	[dreg:$0xc] =	wrdreg s23  }
0xe: {  	s6 =	sadd.s32 $0xC00, s4;
	[dreg:$0xd] =	wrdreg s24  }
0xf: {  	s25 =	simm.s32 $0x7900;
	[smem:$0x7F1] =	sst s6  }
0x10: {  	s28 =	sadd.s32 $0x1400, s4;
	[dreg:$0xe] =	wrdreg s25  }
0x11: {  	s26 =	simm.s32 $0xB900;
	[smem:$0x7F2] =	sst s28  }
0x12: {  	s29 =	simm.s32 $0x7D00;
	[dreg:$0xf] =	wrdreg s26  }
0x13: {  	s30 =	simm.s32 $0xBD00;
	[dreg:$0x10] =	wrdreg s29  }
0x14: {  	s31 =	simm.s32 $0x8100;
	[dreg:$0x11] =	wrdreg s30  }
0x15: {  	s9 =	simm.s32 $0xC100;
	[dreg:$0x12] =	wrdreg s31  }
0x16: {  	s10 =	simm.s32 $0x8500;
	[dreg:$0x13] =	wrdreg s9  }
0x17: {  	s11 =	simm.s32 $0xC500;
	[dreg:$0x14] =	wrdreg s10  }
0x18: {  	s12 =	simm.s32 $0x8900;
	[dreg:$0x15] =	wrdreg s11  }
0x19: {  	s13 =	simm.s32 $0xC900;
	[dreg:$0x16] =	wrdreg s12  }
0x1a: {  	s14 =	simm.s32 $0x8D00;
	[dreg:$0x17] =	wrdreg s13  }
0x1b: {  	s15 =	simm.s32 $0xCD00;
	[dreg:$0x18] =	wrdreg s14  }
0x1c: {  	s16 =	simm.s32 $0x9100;
	[dreg:$0x19] =	wrdreg s15  }
0x1d: {  	[dreg:$0x1a] =	wrdreg s16;
	s17 =	simm.s32 $0xD100  }
0x1e: {  	s18 =	simm.s32 $0x9500;
	[dreg:$0x1b] =	wrdreg s17  }
0x1f: {  	s7 =	srdreg.scid;
	s20 =	simm.s32 $0xD500;
	[dreg:$0x1c] =	wrdreg s18  }
0x20: {  	s8 =	stileid.u32;
	s21 =	simm.s32 $0x9900;
	[dreg:$0x1d] =	wrdreg s20  }
0x21: {  	s7 =	sand.u32 $0x1, s7;
	s22 =	simm.s32 $0xD900;
	[dreg:$0x1e] =	wrdreg s21  }
0x22: {  	s8 =	sshll.u32 s8, $0x8;
	s23 =	simm.s32 $0x9D00;
	[dreg:$0x1f] =	wrdreg s22  }
0x23: {  	s5 =	sadd.s32 $0x1C00, s4;
	s25 =	simm.s32 $0xDD00;
	[smem:$0x7F7] =	sst s23  }
0x24: {  	s9 =	sshll.u32 s7, $0x7;
	s28 =	simm.s32 $0xA100;
	[smem:$0x7F9] =	sst s25  }
0x25: {  	s29 =	simm.s32 $0xE100;
	s30 =	simm.s32 $0xA500;
	[smem:$0x7FA] =	sst s28  }
0x26: {  	s31 =	simm.s32 $0xE500;
	s8 =	sor.u32 s9, s8;
	[smem:$0x7FB] =	sst s29  }
0x27: {  	[smem:$0x7FC] =	sst s30;
	s9 =	sshll.u32 s8, $0x4;
	s8 =	sshrl.u32 s8, $0x3  }
0x28: {  	vm0 =	vmmov $0x1;
	s7 =	ssub.s32 $0x2, s7;
	[smem:$0x7FD] =	sst s31;
	s3 =	sadd.s32 s3, s8  }
0x29: {  	vm1 =	vcmask $0x308;
	vm2 =	vcmask $0x70C;
	vm3 =	vcmask $0xB10;
	s10 =	sshrl.u32 s7, $0x1;
	s0 =	sadd.s32 s0, s8;
	[smem:$0x7F3] =	sst s3  }
0x2a: {  	vm4 =	vcmask $0xF14;
	vm5 =	vcmask $0x1318;
	vm6 =	vcmask $0x171C;
	s7 =	ssub.s32 s7, s10;
	s1 =	sadd.s32 s1, s9;
	[smem:$0x7F4] =	sst s0  }
0x2b: {  	vm7 =	vcmask $0x1B20;
	vm8 =	vcmask $0x1F24;
	vm9 =	vcmask $0x2328;
	s4 =	sadd.s32 s9, s4;
	s26 =	smax.u32 s7, $0x1;
	[smem:$0x7F5] =	sst s1  }
0x2c: {  	vm10 =	vcmask $0x272C;
	vm11 =	vcmask $0x2B30;
	vm12 =	vcmask $0x2F34;
	s24 =	sadd.s32 $0x198000, s4;
	[smem:$0x7F8] =	sst s26  }
0x2d: {  	vm13 =	vcmask $0x3338;
	vm14 =	vcmask $0x373C;
	vm15 =	vmmov $0x7fff;
	s16 =	simm.s32 $0x1;
	s1 =	simm.s32 $0x0;
	[smem:$0x7F6] =	sst s24  }
.LBB2_1:
0x2e: {  	s0 =	sld [smem:$0x7F3];
	_ =	sdelay $0x1  }
0x2f: {  	[smem:$0x7F0] =	sst s1;
	s25 =	simm.s32 $0x2  }
0x30: {  	[tilespmem:s2], [sflag:$0x2] =	stream.linear.gather [hbm4b:s0+s2], $0x80, $0x38;
	[tilespmem:$0x16900] =	vst v63  }
0x31: {  	_ =	swait.ge [sflag:s25], $0x80  }
0x32: {  	s26 =	sld [smem:$0x7F4]  }
0x33: {  	[sflag:s25] =	ssyncset.done $0x0  }
0x34: {  	s3 =	simm.s32 $0x80;
	[sflag:s25] =	ssyncadd.s32 $0xFFFFFF80  }
0x35: {  	[tilespmem:s3], [sflag:$0x2] =	stream.linear.gather [hbm4b:s26+s2], $0x80, $0x38;
	[tilespmem:$0x16900] =	vst v63  }
0x36: {  	_ =	swait.ge [sflag:s25], $0x80  }
0x37: {  	s28 =	sld [smem:$0x7F1]  }
0x38: {  	[sflag:s25] =	ssyncset.done $0x0  }
0x39: {  	s29 =	simm.s32 $0x100;
	[sflag:s25] =	ssyncadd.s32 $0xFFFFFF80  }
0x3a: {  	[tilespmem:s29], [sflag:$0x2] =	stream.linear.gather [hbm4b:s28+s2], $0x3200, $0x38;
	[tilespmem:$0x16900] =	vst v63  }
0x3b: {  	_ =	swait.ge [sflag:s25], $0x3200  }
0x3c: {  	s30 =	sld [smem:$0x7F2]  }
0x3d: {  	[sflag:s25] =	ssyncset.done $0x0  }
0x3e: {  	s31 =	simm.s32 $0x3500;
	[sflag:s25] =	ssyncadd.s32 $0xFFFFCE00  }
0x3f: {  	[tilespmem:s31], [sflag:$0x2] =	stream.linear.gather [hbm4b:s30+s2], $0x3200, $0x38;
	[tilespmem:$0x16900] =	vst v63  }
0x40: {  	_ =	swait.ge [sflag:s25], $0x3200  }
0x41: {  	[sflag:s25] =	ssyncset.done $0x0  }
0x42: {  	s20 =	simm.s32 $0x0;
	[sflag:s25] =	ssyncadd.s32 $0xFFFFCE00  }
.LBB2_2:
0x43: {  	s0 =	sshll.u32 s20, $0x4  }
0x44: {  	v1 =	vld [tilespmem:s0+$0x80];
	_ =	sdelay $0x4  }
0x45: {  	v0 =	vnsel vm0, $0x0, v1  }
0x46: {  	(xrf0) =	vadd.scan.msk.s32 $0xffff, v0;
	_ =	sdelay $0x1  }
0x47: {  	v33 =	vld [tilespmem:s0+$0x0];
	_ =	sdelay $0x3  }
0x48: {  	v2, _, _ =	vpop (xrf0)  }
0x49: {  	v34 =	vnsel vm0, $0x0, v33;
	(v2sf) =	vpush v2, $0xF  }
0x4a: {  	(xrf0) =	vadd.scan.msk.s32 $0xffff, v34;
	_ =	sdelay $0x5  }
0x4b: {  	v35 =	vsel vm1, $0x0, v1;
	v2, _, _ =	vpop (xrf0)  }
0x4c: {  	(xrf0) =	vadd.scan.msk.s32 $0xffff, v35;
	(v2sf) =	vpush v2, $0xF;
	_ =	sdelay $0x5  }
0x4d: {  	v2, _, _ =	vpop (xrf0)  }
0x4e: {  	s22 =	spop (v2sf);
	(v2sf) =	vpush v2, $0xF  }
0x4f: {  	v36 =	vsel vm1, $0x0, v33;
	s13 =	sshra.s32 s22, $0x1F  }
0x50: {  	(xrf0) =	vadd.scan.msk.s32 $0xffff, v36;
	s0 =	sshrl.u32 s13, $0x1D  }
0x51: {  	s0 =	sadd.s32 s0, s22  }
0x52: {  	s3 =	sand.u32 $0xFFFFFFF8, s0  }
0x53: {  	p0 =	slt.s32 s22, $0x1;
	p1 =	sne.s32 s22, s3  }
0x54: {  	p0 =	por !p0, !p1  }
0x55: {  	s1 =	simm.s32 $0x1;
	p0 =	por !p0, !p0  }
0x56: {  	v37 =	vsel vm2, $0x0, v1;
	v2, _, _ =	vpop (xrf0);
	s0 =	sshrl.u32 s0, $0x3;
	s4 =	spop (v2sf);
	s1 =	simm.s32 @!p0 $0x0  }
0x57: {  	(xrf0) =	vadd.scan.msk.s32 $0xffff, v37;
	(v2sf) =	vpush v2, $0xF;
	s4 =	smul.u32 $0x3400, s4;
	s0 =	ssub.s32 s0, s1  }
0x58: {  	s0 =	sshll.u32 s0, $0xA  }
0x59: {  	s0 =	sadd.s32 s4, s0  }
0x5a: {  	s0 =	sshrl.u32 s0, $0x3  }
0x5b: {  	s14 =	rddreg [dreg:$0x6];
	s15 =	sadd.s32 s19, s0  }
0x5c: {  	[tilespmem:s14], [sflag:$0x1] =	stream.linear.gather [hbm4b:s15+s2], $0x400, $0x38;
	[tilespmem:$0x16900] =	vst v63  }
0x5d: {  	s6 =	rddreg [dreg:$0x7];
	v2, _, _ =	vpop (xrf0);
	s0 =	sadd.s32 s5, s0;
	s1 =	spop (v2sf)  }
0x5e: {  	(v2sf) =	vpush v2, $0xF;
	[tilespmem:s6], [sflag:$0x1] =	stream.linear.gather [hbm4b:s0+s2], $0x400, $0x38;
	[tilespmem:$0x16900] =	vst v63  }
0x5f: {  	v38 =	vsel vm2, $0x0, v33;
	s17 =	sshra.s32 s1, $0x1F  }
0x60: {  	(xrf0) =	vadd.scan.msk.s32 $0xffff, v38;
	s0 =	sshrl.u32 s17, $0x1D  }
0x61: {  	s0 =	sadd.s32 s0, s1  }
0x62: {  	s18 =	sand.u32 $0xFFFFFFF8, s0  }
0x63: {  	p1 =	slt.s32 s1, $0x1;
	p2 =	sne.s32 s1, s18  }
0x64: {  	p0 =	por !p1, !p2  }
0x65: {  	s4 =	simm.s32 $0x1;
	p0 =	por !p0, !p0  }
0x66: {  	v39 =	vsel vm3, $0x0, v1;
	v2, _, _ =	vpop (xrf0);
	s0 =	sshrl.u32 s0, $0x3;
	s7 =	spop (v2sf);
	s4 =	simm.s32 @!p0 $0x0  }
0x67: {  	(xrf0) =	vadd.scan.msk.s32 $0xffff, v39;
	(v2sf) =	vpush v2, $0xF;
	s7 =	smul.u32 $0x3400, s7;
	s0 =	ssub.s32 s0, s4  }
0x68: {  	s0 =	sshll.u32 s0, $0xA  }
0x69: {  	s0 =	sadd.s32 s7, s0  }
0x6a: {  	s0 =	sshrl.u32 s0, $0x3  }
0x6b: {  	s21 =	rddreg [dreg:$0x8];
	s23 =	sadd.s32 s19, s0  }
0x6c: {  	[tilespmem:s21], [sflag:$0x1] =	stream.linear.gather [hbm4b:s23+s2], $0x400, $0x38;
	[tilespmem:$0x16900] =	vst v63  }
0x6d: {  	s8 =	rddreg [dreg:$0x9];
	v2, _, _ =	vpop (xrf0);
	s0 =	sadd.s32 s5, s0;
	s12 =	spop (v2sf)  }
0x6e: {  	(v2sf) =	vpush v2, $0xF;
	[tilespmem:s8], [sflag:$0x1] =	stream.linear.gather [hbm4b:s0+s2], $0x400, $0x38;
	[tilespmem:$0x16900] =	vst v63  }
0x6f: {  	v40 =	vsel vm3, $0x0, v33;
	s24 =	sshra.s32 s12, $0x1F  }
0x70: {  	(xrf0) =	vadd.scan.msk.s32 $0xffff, v40;
	s0 =	sshrl.u32 s24, $0x1D  }
0x71: {  	s0 =	sadd.s32 s0, s12  }
0x72: {  	s7 =	sand.u32 $0xFFFFFFF8, s0  }
0x73: {  	p3 =	slt.s32 s12, $0x1;
	p4 =	sne.s32 s12, s7  }
0x74: {  	p0 =	por !p3, !p4  }
0x75: {  	s4 =	simm.s32 $0x1;
	p0 =	por !p0, !p0  }
0x76: {  	v41 =	vsel vm4, $0x0, v1;
	v2, _, _ =	vpop (xrf0);
	s0 =	sshrl.u32 s0, $0x3;
	s25 =	spop (v2sf);
	s4 =	simm.s32 @!p0 $0x0  }
0x77: {  	(xrf0) =	vadd.scan.msk.s32 $0xffff, v41;
	(v2sf) =	vpush v2, $0xF;
	s8 =	smul.u32 $0x3400, s25;
	s0 =	ssub.s32 s0, s4  }
0x78: {  	s0 =	sshll.u32 s0, $0xA  }
0x79: {  	s0 =	sadd.s32 s8, s0  }
0x7a: {  	s0 =	sshrl.u32 s0, $0x3  }
0x7b: {  	s26 =	rddreg [dreg:$0xa];
	s28 =	sadd.s32 s19, s0  }
0x7c: {  	[tilespmem:s26], [sflag:$0x1] =	stream.linear.gather [hbm4b:s28+s2], $0x400, $0x38;
	[tilespmem:$0x16900] =	vst v63  }
0x7d: {  	s9 =	rddreg [dreg:$0xb];
	v2, _, _ =	vpop (xrf0);
	s0 =	sadd.s32 s5, s0;
	s10 =	spop (v2sf)  }
0x7e: {  	(v2sf) =	vpush v2, $0xF;
	[tilespmem:s9], [sflag:$0x1] =	stream.linear.gather [hbm4b:s0+s2], $0x400, $0x38;
	[tilespmem:$0x16900] =	vst v63  }
0x7f: {  	v42 =	vsel vm4, $0x0, v33;
	s29 =	sshra.s32 s10, $0x1F  }
0x80: {  	(xrf0) =	vadd.scan.msk.s32 $0xffff, v42;
	s0 =	sshrl.u32 s29, $0x1D  }
0x81: {  	s0 =	sadd.s32 s0, s10  }
0x82: {  	s9 =	sand.u32 $0xFFFFFFF8, s0  }
0x83: {  	p5 =	slt.s32 s10, $0x1;
	p6 =	sne.s32 s10, s9  }
0x84: {  	p0 =	por !p5, !p6  }
0x85: {  	s4 =	simm.s32 $0x1;
	p0 =	por !p0, !p0  }
0x86: {  	v43 =	vsel vm5, $0x0, v1;
	v2, _, _ =	vpop (xrf0);
	s0 =	sshrl.u32 s0, $0x3;
	s30 =	spop (v2sf);
	s4 =	simm.s32 @!p0 $0x0  }
0x87: {  	(xrf0) =	vadd.scan.msk.s32 $0xffff, v43;
	(v2sf) =	vpush v2, $0xF;
	s8 =	smul.u32 $0x3400, s30;
	s0 =	ssub.s32 s0, s4  }
0x88: {  	s0 =	sshll.u32 s0, $0xA  }
0x89: {  	s0 =	sadd.s32 s8, s0  }
0x8a: {  	s0 =	sshrl.u32 s0, $0x3  }
0x8b: {  	s31 =	rddreg [dreg:$0xc];
	s6 =	sadd.s32 s19, s0  }
0x8c: {  	[tilespmem:s31], [sflag:$0x1] =	stream.linear.gather [hbm4b:s6+s2], $0x400, $0x38;
	[tilespmem:$0x16900] =	vst v63  }
0x8d: {  	s11 =	rddreg [dreg:$0xd];
	v2, _, _ =	vpop (xrf0);
	s0 =	sadd.s32 s5, s0;
	s8 =	spop (v2sf)  }
0x8e: {  	(v2sf) =	vpush v2, $0xF;
	[tilespmem:s11], [sflag:$0x1] =	stream.linear.gather [hbm4b:s0+s2], $0x400, $0x38;
	[tilespmem:$0x16900] =	vst v63  }
0x8f: {  	v44 =	vsel vm5, $0x0, v33;
	s13 =	sshra.s32 s8, $0x1F  }
0x90: {  	(xrf0) =	vadd.scan.msk.s32 $0xffff, v44;
	s0 =	sshrl.u32 s13, $0x1D  }
0x91: {  	s0 =	sadd.s32 s0, s8  }
0x92: {  	s14 =	sand.u32 $0xFFFFFFF8, s0  }
0x93: {  	p1 =	slt.s32 s8, $0x1;
	p2 =	sne.s32 s8, s14  }
0x94: {  	p0 =	por !p1, !p2  }
0x95: {  	s4 =	simm.s32 $0x1;
	p0 =	por !p0, !p0  }
0x96: {  	v45 =	vsel vm6, $0x0, v1;
	v2, _, _ =	vpop (xrf0);
	s0 =	sshrl.u32 s0, $0x3;
	s15 =	spop (v2sf);
	s4 =	simm.s32 @!p0 $0x0  }
0x97: {  	(xrf0) =	vadd.scan.msk.s32 $0xffff, v45;
	(v2sf) =	vpush v2, $0xF;
	s11 =	smul.u32 $0x3400, s15;
	s0 =	ssub.s32 s0, s4  }
0x98: {  	s0 =	sshll.u32 s0, $0xA  }
0x99: {  	s0 =	sadd.s32 s11, s0  }
0x9a: {  	s17 =	rddreg [dreg:$0xe];
	s0 =	sshrl.u32 s0, $0x3  }
0x9b: {  	[smem:$0x7E6] =	sst s18;
	s18 =	sadd.s32 s19, s0  }
0x9c: {  	[tilespmem:s17], [sflag:$0x1] =	stream.linear.gather [hbm4b:s18+s2], $0x400, $0x38;
	[tilespmem:$0x16900] =	vst v63  }
0x9d: {  	s13 =	rddreg [dreg:$0xf];
	v2, _, _ =	vpop (xrf0);
	s0 =	sadd.s32 s5, s0;
	s4 =	spop (v2sf)  }
0x9e: {  	(v2sf) =	vpush v2, $0xF;
	[tilespmem:s13], [sflag:$0x1] =	stream.linear.gather [hbm4b:s0+s2], $0x400, $0x38;
	[tilespmem:$0x16900] =	vst v63  }
0x9f: {  	v46 =	vsel vm6, $0x0, v33;
	s21 =	sshra.s32 s4, $0x1F  }
0xa0: {  	(xrf0) =	vadd.scan.msk.s32 $0xffff, v46;
	s0 =	sshrl.u32 s21, $0x1D  }
0xa1: {  	s0 =	sadd.s32 s0, s4  }
0xa2: {  	s11 =	sand.u32 $0xFFFFFFF8, s0  }
0xa3: {  	p3 =	slt.s32 s4, $0x1;
	p4 =	sne.s32 s4, s11  }
0xa4: {  	p0 =	por !p3, !p4  }
0xa5: {  	[smem:$0x7E7] =	sst s14;
	s13 =	simm.s32 $0x1;
	p0 =	por !p0, !p0  }
0xa6: {  	v47 =	vsel vm7, $0x0, v1;
	v2, _, _ =	vpop (xrf0);
	s0 =	sshrl.u32 s0, $0x3;
	s14 =	spop (v2sf);
	s13 =	simm.s32 @!p0 $0x0  }
0xa7: {  	(xrf0) =	vadd.scan.msk.s32 $0xffff, v47;
	(v2sf) =	vpush v2, $0xF;
	s14 =	smul.u32 $0x3400, s14;
	s0 =	ssub.s32 s0, s13  }
0xa8: {  	s0 =	sshll.u32 s0, $0xA  }
0xa9: {  	s0 =	sadd.s32 s14, s0  }
0xaa: {  	s0 =	sshrl.u32 s0, $0x3  }
0xab: {  	s23 =	rddreg [dreg:$0x10];
	s24 =	sadd.s32 s19, s0  }
0xac: {  	[tilespmem:s23], [sflag:$0x1] =	stream.linear.gather [hbm4b:s24+s2], $0x400, $0x38;
	[tilespmem:$0x16900] =	vst v63  }
0xad: {  	s15 =	rddreg [dreg:$0x11];
	v2, _, _ =	vpop (xrf0);
	s0 =	sadd.s32 s5, s0;
	s18 =	spop (v2sf)  }
0xae: {  	(v2sf) =	vpush v2, $0xF;
	[tilespmem:s15], [sflag:$0x1] =	stream.linear.gather [hbm4b:s0+s2], $0x400, $0x38;
	[tilespmem:$0x16900] =	vst v63  }
0xaf: {  	v48 =	vsel vm7, $0x0, v33;
	s25 =	sshra.s32 s18, $0x1F  }
0xb0: {  	(xrf0) =	vadd.scan.msk.s32 $0xffff, v48;
	s0 =	sshrl.u32 s25, $0x1D  }
0xb1: {  	s0 =	sadd.s32 s0, s18  }
0xb2: {  	s14 =	sand.u32 $0xFFFFFFF8, s0  }
0xb3: {  	p5 =	slt.s32 s18, $0x1;
	p6 =	sne.s32 s18, s14  }
0xb4: {  	p0 =	por !p5, !p6  }
0xb5: {  	s13 =	simm.s32 $0x1;
	p0 =	por !p0, !p0  }
0xb6: {  	v49 =	vsel vm8, $0x0, v1;
	v2, _, _ =	vpop (xrf0);
	s0 =	sshrl.u32 s0, $0x3;
	s26 =	spop (v2sf);
	s13 =	simm.s32 @!p0 $0x0  }
0xb7: {  	(xrf0) =	vadd.scan.msk.s32 $0xffff, v49;
	(v2sf) =	vpush v2, $0xF;
	s15 =	smul.u32 $0x3400, s26;
	s0 =	ssub.s32 s0, s13  }
0xb8: {  	s0 =	sshll.u32 s0, $0xA  }
0xb9: {  	s0 =	sadd.s32 s15, s0  }
0xba: {  	s0 =	sshrl.u32 s0, $0x3  }
0xbb: {  	s28 =	rddreg [dreg:$0x12];
	s29 =	sadd.s32 s19, s0  }
0xbc: {  	[tilespmem:s28], [sflag:$0x1] =	stream.linear.gather [hbm4b:s29+s2], $0x400, $0x38;
	[tilespmem:$0x16900] =	vst v63  }
0xbd: {  	s17 =	rddreg [dreg:$0x13];
	v2, _, _ =	vpop (xrf0);
	s0 =	sadd.s32 s5, s0;
	s15 =	spop (v2sf)  }
0xbe: {  	(v2sf) =	vpush v2, $0xF;
	[tilespmem:s17], [sflag:$0x1] =	stream.linear.gather [hbm4b:s0+s2], $0x400, $0x38;
	[tilespmem:$0x16900] =	vst v63  }
0xbf: {  	v50 =	vsel vm8, $0x0, v33;
	s30 =	sshra.s32 s15, $0x1F  }
0xc0: {  	(xrf0) =	vadd.scan.msk.s32 $0xffff, v50;
	s0 =	sshrl.u32 s30, $0x1D  }
0xc1: {  	s0 =	sadd.s32 s0, s15  }
0xc2: {  	s17 =	sand.u32 $0xFFFFFFF8, s0  }
0xc3: {  	p1 =	slt.s32 s15, $0x1;
	p2 =	sne.s32 s15, s17  }
0xc4: {  	p0 =	por !p1, !p2  }
0xc5: {  	s13 =	simm.s32 $0x1;
	p0 =	por !p0, !p0  }
0xc6: {  	v2, _, _ =	vpop (xrf0);
	s0 =	sshrl.u32 s0, $0x3;
	s21 =	spop (v2sf);
	s13 =	simm.s32 @!p0 $0x0  }
0xc7: {  	(v2sf) =	vpush v2, $0xF;
	s21 =	smul.u32 $0x3400, s21;
	s0 =	ssub.s32 s0, s13  }
0xc8: {  	v51 =	vsel vm9, $0x0, v1;
	s0 =	sshll.u32 s0, $0xA  }
0xc9: {  	(xrf0) =	vadd.scan.msk.s32 $0xffff, v51;
	s0 =	sadd.s32 s21, s0  }
0xca: {  	s0 =	sshrl.u32 s0, $0x3  }
0xcb: {  	s31 =	rddreg [dreg:$0x14];
	s6 =	sadd.s32 s19, s0  }
0xcc: {  	[tilespmem:s31], [sflag:$0x1] =	stream.linear.gather [hbm4b:s6+s2], $0x400, $0x38;
	[tilespmem:$0x16900] =	vst v63  }
0xcd: {  	s23 =	rddreg [dreg:$0x15];
	s0 =	sadd.s32 s5, s0;
	s13 =	spop (v2sf)  }
0xce: {  	[tilespmem:s23], [sflag:$0x1] =	stream.linear.gather [hbm4b:s0+s2], $0x400, $0x38;
	[tilespmem:$0x16900] =	vst v63  }
0xcf: {  	v2, _, _ =	vpop (xrf0);
	s21 =	sshra.s32 s13, $0x1F  }
0xd0: {  	v52 =	vsel vm9, $0x0, v33;
	(v2sf) =	vpush v2, $0xF;
	s0 =	sshrl.u32 s21, $0x1D  }
0xd1: {  	(xrf0) =	vadd.scan.msk.s32 $0xffff, v52;
	s0 =	sadd.s32 s0, s13  }
0xd2: {  	s23 =	sand.u32 $0xFFFFFFF8, s0  }
0xd3: {  	p3 =	slt.s32 s13, $0x1;
	p4 =	sne.s32 s13, s23  }
0xd4: {  	p0 =	por !p3, !p4  }
0xd5: {  	s21 =	simm.s32 $0x1;
	p0 =	por !p0, !p0  }
0xd6: {  	s0 =	sshrl.u32 s0, $0x3;
	s24 =	spop (v2sf);
	s21 =	simm.s32 @!p0 $0x0  }
0xd7: {  	v53 =	vsel vm10, $0x0, v1;
	v2, _, _ =	vpop (xrf0);
	[smem:$0x7E8] =	sst s23;
	s23 =	smul.u32 $0x3400, s24;
	s0 =	ssub.s32 s0, s21  }
0xd8: {  	(xrf0) =	vadd.scan.msk.s32 $0xffff, v53;
	(v2sf) =	vpush v2, $0xF;
	s0 =	sshll.u32 s0, $0xA  }
0xd9: {  	s0 =	sadd.s32 s23, s0  }
0xda: {  	s0 =	sshrl.u32 s0, $0x3  }
0xdb: {  	s25 =	rddreg [dreg:$0x16];
	s26 =	sadd.s32 s19, s0  }
0xdc: {  	[tilespmem:s25], [sflag:$0x1] =	stream.linear.gather [hbm4b:s26+s2], $0x400, $0x38;
	[tilespmem:$0x16900] =	vst v63  }
0xdd: {  	s24 =	rddreg [dreg:$0x17];
	s0 =	sadd.s32 s5, s0  }
0xde: {  	v2, _, _ =	vpop (xrf0);
	[tilespmem:s24], [sflag:$0x1] =	stream.linear.gather [hbm4b:s0+s2], $0x400, $0x38;
	[tilespmem:$0x16900] =	vst v63  }
0xdf: {  	s0 =	spop (v2sf);
	(v2sf) =	vpush v2, $0xF  }
0xe0: {  	v54 =	vsel vm10, $0x0, v33;
	s28 =	sshra.s32 s0, $0x1F  }
0xe1: {  	(xrf0) =	vadd.scan.msk.s32 $0xffff, v54;
	s21 =	sshrl.u32 s28, $0x1D  }
0xe2: {  	s21 =	sadd.s32 s21, s0  }
0xe3: {  	s29 =	sand.u32 $0xFFFFFFF8, s21  }
0xe4: {  	p5 =	slt.s32 s0, $0x1;
	p6 =	sne.s32 s0, s29  }
0xe5: {  	p0 =	por !p5, !p6  }
0xe6: {  	s23 =	simm.s32 $0x1;
	p0 =	por !p0, !p0  }
0xe7: {  	v55 =	vsel vm11, $0x0, v1;
	v2, _, _ =	vpop (xrf0);
	s21 =	sshrl.u32 s21, $0x3;
	s30 =	spop (v2sf);
	s23 =	simm.s32 @!p0 $0x0  }
0xe8: {  	(xrf0) =	vadd.scan.msk.s32 $0xffff, v55;
	(v2sf) =	vpush v2, $0xF;
	s24 =	smul.u32 $0x3400, s30;
	s21 =	ssub.s32 s21, s23  }
0xe9: {  	s21 =	sshll.u32 s21, $0xA  }
0xea: {  	s21 =	sadd.s32 s24, s21  }
0xeb: {  	s21 =	sshrl.u32 s21, $0x3  }
0xec: {  	s31 =	rddreg [dreg:$0x18];
	s6 =	sadd.s32 s19, s21  }
0xed: {  	[tilespmem:s31], [sflag:$0x1] =	stream.linear.gather [hbm4b:s6+s2], $0x400, $0x38;
	[tilespmem:$0x16900] =	vst v63  }
0xee: {  	s25 =	rddreg [dreg:$0x19];
	v2, _, _ =	vpop (xrf0);
	s21 =	sadd.s32 s5, s21;
	s30 =	spop (v2sf)  }
0xef: {  	(v2sf) =	vpush v2, $0xF;
	[tilespmem:s25], [sflag:$0x1] =	stream.linear.gather [hbm4b:s21+s2], $0x400, $0x38;
	[tilespmem:$0x16900] =	vst v63  }
0xf0: {  	v56 =	vsel vm11, $0x0, v33;
	s25 =	sshra.s32 s30, $0x1F  }
0xf1: {  	(xrf0) =	vadd.scan.msk.s32 $0xffff, v56;
	s21 =	sshrl.u32 s25, $0x1D  }
0xf2: {  	s21 =	sadd.s32 s21, s30  }
0xf3: {  	s26 =	sand.u32 $0xFFFFFFF8, s21  }
0xf4: {  	p1 =	slt.s32 s30, $0x1;
	p2 =	sne.s32 s30, s26  }
0xf5: {  	p0 =	por !p1, !p2  }
0xf6: {  	s23 =	simm.s32 $0x1;
	p0 =	por !p0, !p0  }
0xf7: {  	v57 =	vsel vm12, $0x0, v1;
	v2, _, _ =	vpop (xrf0);
	s21 =	sshrl.u32 s21, $0x3;
	s28 =	spop (v2sf);
	s23 =	simm.s32 @!p0 $0x0  }
0xf8: {  	(xrf0) =	vadd.scan.msk.s32 $0xffff, v57;
	(v2sf) =	vpush v2, $0xF;
	s24 =	smul.u32 $0x3400, s28;
	s21 =	ssub.s32 s21, s23  }
0xf9: {  	s21 =	sshll.u32 s21, $0xA  }
0xfa: {  	s21 =	sadd.s32 s24, s21  }
0xfb: {  	[smem:$0x7E9] =	sst s29;
	s21 =	sshrl.u32 s21, $0x3  }
0xfc: {  	s29 =	rddreg [dreg:$0x1a];
	s31 =	sadd.s32 s19, s21  }
0xfd: {  	[tilespmem:s29], [sflag:$0x1] =	stream.linear.gather [hbm4b:s31+s2], $0x400, $0x38;
	[tilespmem:$0x16900] =	vst v63  }
0xfe: {  	s6 =	rddreg [dreg:$0x1b];
	v2, _, _ =	vpop (xrf0);
	s21 =	sadd.s32 s5, s21;
	s28 =	spop (v2sf)  }
0xff: {  	(v2sf) =	vpush v2, $0xF;
	[tilespmem:s6], [sflag:$0x1] =	stream.linear.gather [hbm4b:s21+s2], $0x400, $0x38;
	[tilespmem:$0x16900] =	vst v63  }
0x100: {  	v58 =	vsel vm12, $0x0, v33;
	[smem:$0x7EA] =	sst s26;
	s26 =	sshra.s32 s28, $0x1F  }
0x101: {  	(xrf0) =	vadd.scan.msk.s32 $0xffff, v58;
	s21 =	sshrl.u32 s26, $0x1D  }
0x102: {  	s21 =	sadd.s32 s21, s28  }
0x103: {  	s29 =	sand.u32 $0xFFFFFFF8, s21  }
0x104: {  	p3 =	slt.s32 s28, $0x1;
	p4 =	sne.s32 s28, s29  }
0x105: {  	p0 =	por !p3, !p4  }
0x106: {  	s23 =	simm.s32 $0x1;
	p0 =	por !p0, !p0  }
0x107: {  	v59 =	vsel vm13, $0x0, v1;
	v2, _, _ =	vpop (xrf0);
	s21 =	sshrl.u32 s21, $0x3;
	s31 =	spop (v2sf);
	s23 =	simm.s32 @!p0 $0x0  }
0x108: {  	(xrf0) =	vadd.scan.msk.s32 $0xffff, v59;
	(v2sf) =	vpush v2, $0xF;
	s6 =	smul.u32 $0x3400, s31;
	s21 =	ssub.s32 s21, s23  }
0x109: {  	s21 =	sshll.u32 s21, $0xA  }
0x10a: {  	s21 =	sadd.s32 s6, s21  }
0x10b: {  	s21 =	sshrl.u32 s21, $0x3  }
0x10c: {  	s24 =	rddreg [dreg:$0x1c];
	s25 =	sadd.s32 s19, s21  }
0x10d: {  	[tilespmem:s24], [sflag:$0x1] =	stream.linear.gather [hbm4b:s25+s2], $0x400, $0x38;
	[tilespmem:$0x16900] =	vst v63  }
0x10e: {  	s26 =	rddreg [dreg:$0x1d];
	v2, _, _ =	vpop (xrf0);
	s21 =	sadd.s32 s5, s21;
	s25 =	spop (v2sf)  }
0x10f: {  	(v2sf) =	vpush v2, $0xF;
	[tilespmem:s26], [sflag:$0x1] =	stream.linear.gather [hbm4b:s21+s2], $0x400, $0x38;
	[tilespmem:$0x16900] =	vst v63  }
0x110: {  	v60 =	vsel vm13, $0x0, v33;
	[smem:$0x7EB] =	sst s29;
	s29 =	sshra.s32 s25, $0x1F  }
0x111: {  	(xrf0) =	vadd.scan.msk.s32 $0xffff, v60;
	s21 =	sshrl.u32 s29, $0x1D  }
0x112: {  	s21 =	sadd.s32 s21, s25  }
0x113: {  	s31 =	sand.u32 $0xFFFFFFF8, s21  }
0x114: {  	p5 =	slt.s32 s25, $0x1;
	p6 =	sne.s32 s25, s31  }
0x115: {  	p0 =	por !p5, !p6  }
0x116: {  	s23 =	simm.s32 $0x1;
	p0 =	por !p0, !p0  }
0x117: {  	v61 =	vsel vm14, $0x0, v1;
	v2, _, _ =	vpop (xrf0);
	s21 =	sshrl.u32 s21, $0x3;
	s6 =	spop (v2sf);
	s23 =	simm.s32 @!p0 $0x0  }
0x118: {  	(xrf0) =	vadd.scan.msk.s32 $0xffff, v61;
	(v2sf) =	vpush v2, $0xF;
	s24 =	smul.u32 $0x3400, s6;
	s21 =	ssub.s32 s21, s23  }
0x119: {  	s21 =	sshll.u32 s21, $0xA  }
0x11a: {  	s21 =	sadd.s32 s24, s21  }
0x11b: {  	s26 =	rddreg [dreg:$0x1e];
	s21 =	sshrl.u32 s21, $0x3  }
0x11c: {  	[smem:$0x7EC] =	sst s31;
	s31 =	sadd.s32 s19, s21  }
0x11d: {  	[tilespmem:s26], [sflag:$0x1] =	stream.linear.gather [hbm4b:s31+s2], $0x400, $0x38;
	[tilespmem:$0x16900] =	vst v63  }
0x11e: {  	s29 =	rddreg [dreg:$0x1f];
	v2, _, _ =	vpop (xrf0);
	s21 =	sadd.s32 s5, s21;
	s24 =	spop (v2sf)  }
0x11f: {  	(v2sf) =	vpush v2, $0xF;
	[tilespmem:s29], [sflag:$0x1] =	stream.linear.gather [hbm4b:s21+s2], $0x400, $0x38;
	[tilespmem:$0x16900] =	vst v63  }
0x120: {  	v62 =	vsel vm14, $0x0, v33;
	s6 =	sshra.s32 s24, $0x1F  }
0x121: {  	(xrf0) =	vadd.scan.msk.s32 $0xffff, v62;
	s21 =	sshrl.u32 s6, $0x1D  }
0x122: {  	s21 =	sadd.s32 s21, s24  }
0x123: {  	s23 =	sand.u32 $0xFFFFFFF8, s21  }
0x124: {  	p1 =	slt.s32 s24, $0x1;
	p2 =	sne.s32 s24, s23  }
0x125: {  	p0 =	por !p1, !p2  }
0x126: {  	[smem:$0x7ED] =	sst s23;
	s23 =	simm.s32 $0x1;
	p0 =	por !p0, !p0  }
0x127: {  	v2, _, _ =	vpop (xrf0);
	s21 =	sshrl.u32 s21, $0x3;
	s26 =	spop (v2sf);
	s23 =	simm.s32 @!p0 $0x0  }
0x128: {  	(v2sf) =	vpush v2, $0xF;
	s31 =	smul.u32 $0x3400, s26;
	s21 =	ssub.s32 s21, s23  }
0x129: {  	v1 =	vsel vm15, $0x0, v1;
	s21 =	sshll.u32 s21, $0xA  }
0x12a: {  	(xrf0) =	vadd.scan.msk.s32 $0xffff, v1;
	s6 =	sld [smem:$0x7F7];
	s21 =	sadd.s32 s31, s21  }
0x12b: {  	s21 =	sshrl.u32 s21, $0x3  }
0x12c: {  	s31 =	sld [smem:$0x7F9];
	s26 =	sadd.s32 s19, s21  }
0x12d: {  	[tilespmem:s6], [sflag:$0x1] =	stream.linear.gather [hbm4b:s26+s2], $0x400, $0x38;
	[tilespmem:$0x16900] =	vst v63  }
0x12e: {  	s21 =	sadd.s32 s5, s21;
	s23 =	spop (v2sf)  }
0x12f: {  	[tilespmem:s31], [sflag:$0x1] =	stream.linear.gather [hbm4b:s21+s2], $0x400, $0x38;
	[tilespmem:$0x16900] =	vst v63  }
0x130: {  	v1, _, _ =	vpop (xrf0);
	s29 =	sshra.s32 s23, $0x1F  }
0x131: {  	v0 =	vsel vm15, $0x0, v33;
	(v2sf) =	vpush v1, $0xF;
	s21 =	sshrl.u32 s29, $0x1D  }
0x132: {  	(xrf0) =	vadd.scan.msk.s32 $0xffff, v0;
	s21 =	sadd.s32 s21, s23  }
0x133: {  	s31 =	sand.u32 $0xFFFFFFF8, s21  }
0x134: {  	p3 =	slt.s32 s23, $0x1;
	p4 =	sne.s32 s23, s31  }
0x135: {  	p0 =	por !p3, !p4  }
0x136: {  	s29 =	simm.s32 $0x1;
	p0 =	por !p0, !p0  }
0x137: {  	s21 =	sshrl.u32 s21, $0x3;
	s26 =	spop (v2sf);
	s29 =	simm.s32 @!p0 $0x0  }
0x138: {  	v0, _, _ =	vpop (xrf0);
	[smem:$0x7EE] =	sst s31;
	s31 =	smul.u32 $0x3400, s26;
	s21 =	ssub.s32 s21, s29  }
0x139: {  	(v2sf) =	vpush v0, $0xF;
	s21 =	sshll.u32 s21, $0xA  }
0x13a: {  	s29 =	sld [smem:$0x7FA];
	s21 =	sadd.s32 s31, s21  }
0x13b: {  	s21 =	sshrl.u32 s21, $0x3  }
0x13c: {  	s26 =	sld [smem:$0x7FB];
	s6 =	sadd.s32 s19, s21  }
0x13d: {  	[tilespmem:s29], [sflag:$0x1] =	stream.linear.gather [hbm4b:s6+s2], $0x400, $0x38;
	[tilespmem:$0x16900] =	vst v63  }
0x13e: {  	s21 =	sadd.s32 s5, s21  }
0x13f: {  	[tilespmem:s26], [sflag:$0x1] =	stream.linear.gather [hbm4b:s21+s2], $0x400, $0x38;
	[tilespmem:$0x16900] =	vst v63  }
0x140: {  	s21 =	spop (v2sf)  }
0x141: {  	s29 =	sshra.s32 s21, $0x1F  }
0x142: {  	s26 =	sshrl.u32 s29, $0x1D  }
0x143: {  	s26 =	sadd.s32 s26, s21  }
0x144: {  	s31 =	sand.u32 $0xFFFFFFF8, s26  }
0x145: {  	p5 =	slt.s32 s21, $0x1;
	p6 =	sne.s32 s21, s31  }
0x146: {  	p0 =	por !p5, !p6  }
0x147: {  	s29 =	simm.s32 $0x1;
	p0 =	por !p0, !p0  }
0x148: {  	s26 =	sshrl.u32 s26, $0x3;
	s6 =	spop (v2sf);
	s29 =	simm.s32 @!p0 $0x0  }
0x149: {  	s6 =	smul.u32 $0x3400, s6;
	s26 =	ssub.s32 s26, s29  }
0x14a: {  	s26 =	sshll.u32 s26, $0xA  }
0x14b: {  	s29 =	sld [smem:$0x7FC];
	s26 =	sadd.s32 s6, s26  }
0x14c: {  	[smem:$0x7EF] =	sst s31;
	s26 =	sshrl.u32 s26, $0x3  }
0x14d: {  	s6 =	smov.u32 s19;
	s31 =	sadd.s32 s19, s26;
	s19 =	sld [smem:$0x7FD]  }
0x14e: {  	[tilespmem:s29], [sflag:$0x1] =	stream.linear.gather [hbm4b:s31+s2], $0x400, $0x38;
	[tilespmem:$0x16900] =	vst v63  }
0x14f: {  	s26 =	sadd.s32 s5, s26  }
0x150: {  	[tilespmem:s19], [sflag:$0x1] =	stream.linear.gather [hbm4b:s26+s2], $0x400, $0x38;
	[tilespmem:$0x16900] =	vst v63  }
0x151: {  	_ =	swait.ge [sflag:s16], $0x400  }
0x152: {  	[sflag:s16] =	ssyncset.done $0x0  }
0x153: {  	[sflag:s16] =	ssyncadd.s32 $0xFFFFFC00  }
0x154: {  	_ =	swait.ge [sflag:s16], $0x400  }
0x155: {  	[sflag:s16] =	ssyncset.done $0x0  }
0x156: {  	[sflag:s16] =	ssyncadd.s32 $0xFFFFFC00  }
0x157: {  	_ =	swait.ge [sflag:s16], $0x400  }
0x158: {  	[sflag:s16] =	ssyncset.done $0x0  }
0x159: {  	[sflag:s16] =	ssyncadd.s32 $0xFFFFFC00  }
0x15a: {  	_ =	swait.ge [sflag:s16], $0x400  }
0x15b: {  	[sflag:s16] =	ssyncset.done $0x0  }
0x15c: {  	[sflag:s16] =	ssyncadd.s32 $0xFFFFFC00  }
0x15d: {  	_ =	swait.ge [sflag:s16], $0x400  }
0x15e: {  	[sflag:s16] =	ssyncset.done $0x0  }
0x15f: {  	[sflag:s16] =	ssyncadd.s32 $0xFFFFFC00  }
0x160: {  	_ =	swait.ge [sflag:s16], $0x400  }
0x161: {  	[sflag:s16] =	ssyncset.done $0x0  }
0x162: {  	[sflag:s16] =	ssyncadd.s32 $0xFFFFFC00  }
0x163: {  	_ =	swait.ge [sflag:s16], $0x400  }
0x164: {  	[sflag:s16] =	ssyncset.done $0x0  }
0x165: {  	[sflag:s16] =	ssyncadd.s32 $0xFFFFFC00  }
0x166: {  	_ =	swait.ge [sflag:s16], $0x400  }
0x167: {  	[sflag:s16] =	ssyncset.done $0x0  }
0x168: {  	[sflag:s16] =	ssyncadd.s32 $0xFFFFFC00  }
0x169: {  	_ =	swait.ge [sflag:s16], $0x400  }
0x16a: {  	[sflag:s16] =	ssyncset.done $0x0  }
0x16b: {  	[sflag:s16] =	ssyncadd.s32 $0xFFFFFC00  }
0x16c: {  	_ =	swait.ge [sflag:s16], $0x400  }
0x16d: {  	[sflag:s16] =	ssyncset.done $0x0  }
0x16e: {  	[sflag:s16] =	ssyncadd.s32 $0xFFFFFC00  }
0x16f: {  	_ =	swait.ge [sflag:s16], $0x400  }
0x170: {  	[sflag:s16] =	ssyncset.done $0x0  }
0x171: {  	[sflag:s16] =	ssyncadd.s32 $0xFFFFFC00  }
0x172: {  	_ =	swait.ge [sflag:s16], $0x400  }
0x173: {  	[sflag:s16] =	ssyncset.done $0x0  }
0x174: {  	[sflag:s16] =	ssyncadd.s32 $0xFFFFFC00  }
0x175: {  	_ =	swait.ge [sflag:s16], $0x400  }
0x176: {  	[sflag:s16] =	ssyncset.done $0x0  }
0x177: {  	[sflag:s16] =	ssyncadd.s32 $0xFFFFFC00  }
0x178: {  	_ =	swait.ge [sflag:s16], $0x400  }
0x179: {  	[sflag:s16] =	ssyncset.done $0x0  }
0x17a: {  	[sflag:s16] =	ssyncadd.s32 $0xFFFFFC00  }
0x17b: {  	_ =	swait.ge [sflag:s16], $0x400  }
0x17c: {  	[sflag:s16] =	ssyncset.done $0x0  }
0x17d: {  	[sflag:s16] =	ssyncadd.s32 $0xFFFFFC00  }
0x17e: {  	_ =	swait.ge [sflag:s16], $0x400  }
0x17f: {  	[sflag:s16] =	ssyncset.done $0x0  }
0x180: {  	[sflag:s16] =	ssyncadd.s32 $0xFFFFFC00  }
0x181: {  	_ =	swait.ge [sflag:s16], $0x400  }
0x182: {  	[sflag:s16] =	ssyncset.done $0x0  }
0x183: {  	[sflag:s16] =	ssyncadd.s32 $0xFFFFFC00  }
0x184: {  	_ =	swait.ge [sflag:s16], $0x400  }
0x185: {  	[sflag:s16] =	ssyncset.done $0x0  }
0x186: {  	[sflag:s16] =	ssyncadd.s32 $0xFFFFFC00  }
0x187: {  	_ =	swait.ge [sflag:s16], $0x400  }
0x188: {  	[sflag:s16] =	ssyncset.done $0x0  }
0x189: {  	[sflag:s16] =	ssyncadd.s32 $0xFFFFFC00  }
0x18a: {  	_ =	swait.ge [sflag:s16], $0x400  }
0x18b: {  	[sflag:s16] =	ssyncset.done $0x0  }
0x18c: {  	[sflag:s16] =	ssyncadd.s32 $0xFFFFFC00  }
0x18d: {  	_ =	swait.ge [sflag:s16], $0x400  }
0x18e: {  	[sflag:s16] =	ssyncset.done $0x0  }
0x18f: {  	[sflag:s16] =	ssyncadd.s32 $0xFFFFFC00  }
0x190: {  	_ =	swait.ge [sflag:s16], $0x400  }
0x191: {  	[sflag:s16] =	ssyncset.done $0x0  }
0x192: {  	[sflag:s16] =	ssyncadd.s32 $0xFFFFFC00  }
0x193: {  	_ =	swait.ge [sflag:s16], $0x400  }
0x194: {  	[sflag:s16] =	ssyncset.done $0x0  }
0x195: {  	[sflag:s16] =	ssyncadd.s32 $0xFFFFFC00  }
0x196: {  	_ =	swait.ge [sflag:s16], $0x400  }
0x197: {  	[sflag:s16] =	ssyncset.done $0x0  }
0x198: {  	[sflag:s16] =	ssyncadd.s32 $0xFFFFFC00  }
0x199: {  	_ =	swait.ge [sflag:s16], $0x400  }
0x19a: {  	[sflag:s16] =	ssyncset.done $0x0  }
0x19b: {  	[sflag:s16] =	ssyncadd.s32 $0xFFFFFC00  }
0x19c: {  	_ =	swait.ge [sflag:s16], $0x400  }
0x19d: {  	[sflag:s16] =	ssyncset.done $0x0  }
0x19e: {  	[sflag:s16] =	ssyncadd.s32 $0xFFFFFC00  }
0x19f: {  	_ =	swait.ge [sflag:s16], $0x400  }
0x1a0: {  	[sflag:s16] =	ssyncset.done $0x0  }
0x1a1: {  	[sflag:s16] =	ssyncadd.s32 $0xFFFFFC00  }
0x1a2: {  	_ =	swait.ge [sflag:s16], $0x400  }
0x1a3: {  	[sflag:s16] =	ssyncset.done $0x0  }
0x1a4: {  	[sflag:s16] =	ssyncadd.s32 $0xFFFFFC00  }
0x1a5: {  	_ =	swait.ge [sflag:s16], $0x400  }
0x1a6: {  	[sflag:s16] =	ssyncset.done $0x0  }
0x1a7: {  	[sflag:s16] =	ssyncadd.s32 $0xFFFFFC00  }
0x1a8: {  	_ =	swait.ge [sflag:s16], $0x400  }
0x1a9: {  	[sflag:s16] =	ssyncset.done $0x0  }
0x1aa: {  	[sflag:s16] =	ssyncadd.s32 $0xFFFFFC00  }
0x1ab: {  	_ =	swait.ge [sflag:s16], $0x400  }
0x1ac: {  	[sflag:s16] =	ssyncset.done $0x0  }
0x1ad: {  	[sflag:s16] =	ssyncadd.s32 $0xFFFFFC00  }
0x1ae: {  	_ =	swait.ge [sflag:s16], $0x400  }
0x1af: {  	[sflag:s16] =	ssyncset.done $0x0  }
0x1b0: {  	s29 =	sshll.u32 s22, $0x7;
	[sflag:s16] =	ssyncadd.s32 $0xFFFFFC00  }
0x1b1: {  	v63 =	vld [tilespmem:s29+$0x100];
	_ =	sdelay $0x3  }
0x1b2: {  	s22 =	ssub.s32 s22, s3;
	s3 =	sshll.u32 s20, $0xB  }
0x1b3: {  	s22 =	sshll.u32 s22, $0x7;
	[tilespmem:s3+$0xE900] =	vst v63  }
0x1b4: {  	v0 =	vld [tilespmem:s22+$0x6900];
	_ =	sdelay $0x4  }
0x1b5: {  	[tilespmem:s3+$0xE940] =	vst v0  }
0x1b6: {  	v0 =	vld [tilespmem:s29+$0x3500];
	_ =	sdelay $0x4  }
0x1b7: {  	[tilespmem:s3+$0x12900] =	vst v0  }
0x1b8: {  	v0 =	vld [tilespmem:s22+$0xA900];
	_ =	sdelay $0x4  }
0x1b9: {  	[tilespmem:s3+$0x12940] =	vst v0  }
0x1ba: {  	v0 =	vld [tilespmem:s29+$0x110];
	_ =	sdelay $0x4  }
0x1bb: {  	[tilespmem:s3+$0xE910] =	vst v0  }
0x1bc: {  	v0 =	vld [tilespmem:s22+$0x6910];
	_ =	sdelay $0x4  }
0x1bd: {  	[tilespmem:s3+$0xE950] =	vst v0  }
0x1be: {  	v0 =	vld [tilespmem:s29+$0x3510];
	_ =	sdelay $0x4  }
0x1bf: {  	[tilespmem:s3+$0x12910] =	vst v0  }
0x1c0: {  	v0 =	vld [tilespmem:s22+$0xA910];
	_ =	sdelay $0x4  }
0x1c1: {  	[tilespmem:s3+$0x12950] =	vst v0  }
0x1c2: {  	v0 =	vld [tilespmem:s29+$0x120];
	_ =	sdelay $0x4  }
0x1c3: {  	[tilespmem:s3+$0xE920] =	vst v0  }
0x1c4: {  	v0 =	vld [tilespmem:s22+$0x6920];
	_ =	sdelay $0x4  }
0x1c5: {  	[tilespmem:s3+$0xE960] =	vst v0  }
0x1c6: {  	v0 =	vld [tilespmem:s29+$0x3520];
	_ =	sdelay $0x4  }
0x1c7: {  	[tilespmem:s3+$0x12920] =	vst v0  }
0x1c8: {  	v0 =	vld [tilespmem:s22+$0xA920];
	_ =	sdelay $0x4  }
0x1c9: {  	[tilespmem:s3+$0x12960] =	vst v0  }
0x1ca: {  	v0 =	vld [tilespmem:s29+$0x130];
	_ =	sdelay $0x4  }
0x1cb: {  	[tilespmem:s3+$0xE930] =	vst v0  }
0x1cc: {  	v0 =	vld [tilespmem:s22+$0x6930];
	_ =	sdelay $0x4  }
0x1cd: {  	[tilespmem:s3+$0xE970] =	vst v0  }
0x1ce: {  	v0 =	vld [tilespmem:s29+$0x3530];
	_ =	sdelay $0x4  }
0x1cf: {  	[tilespmem:s3+$0x12930] =	vst v0  }
0x1d0: {  	v0 =	vld [tilespmem:s22+$0xA930];
	_ =	sdelay $0x4  }
0x1d1: {  	s31 =	sshll.u32 s1, $0x7;
	[tilespmem:s3+$0x12970] =	vst v0  }
0x1d2: {  	v0 =	vld [tilespmem:s31+$0x100]  }
0x1d3: {  	s26 =	sld [smem:$0x7E6];
	_ =	sdelay $0x2  }
0x1d4: {  	s1 =	ssub.s32 s1, s26  }
0x1d5: {  	s1 =	sshll.u32 s1, $0x7;
	[tilespmem:s3+$0xE980] =	vst v0  }
0x1d6: {  	v0 =	vld [tilespmem:s1+$0x6D00];
	_ =	sdelay $0x4  }
0x1d7: {  	[tilespmem:s3+$0xE9C0] =	vst v0  }
0x1d8: {  	v0 =	vld [tilespmem:s31+$0x3500];
	_ =	sdelay $0x4  }
0x1d9: {  	[tilespmem:s3+$0x12980] =	vst v0  }
0x1da: {  	v0 =	vld [tilespmem:s1+$0xAD00];
	_ =	sdelay $0x4  }
0x1db: {  	[tilespmem:s3+$0x129C0] =	vst v0  }
0x1dc: {  	v0 =	vld [tilespmem:s31+$0x110];
	_ =	sdelay $0x4  }
0x1dd: {  	[tilespmem:s3+$0xE990] =	vst v0  }
0x1de: {  	v0 =	vld [tilespmem:s1+$0x6D10];
	_ =	sdelay $0x4  }
0x1df: {  	[tilespmem:s3+$0xE9D0] =	vst v0  }
0x1e0: {  	v0 =	vld [tilespmem:s31+$0x3510];
	_ =	sdelay $0x4  }
0x1e1: {  	[tilespmem:s3+$0x12990] =	vst v0  }
0x1e2: {  	v0 =	vld [tilespmem:s1+$0xAD10];
	_ =	sdelay $0x4  }
0x1e3: {  	[tilespmem:s3+$0x129D0] =	vst v0  }
0x1e4: {  	v0 =	vld [tilespmem:s31+$0x120];
	_ =	sdelay $0x4  }
0x1e5: {  	[tilespmem:s3+$0xE9A0] =	vst v0  }
0x1e6: {  	v0 =	vld [tilespmem:s1+$0x6D20];
	_ =	sdelay $0x4  }
0x1e7: {  	[tilespmem:s3+$0xE9E0] =	vst v0  }
0x1e8: {  	v0 =	vld [tilespmem:s31+$0x3520];
	_ =	sdelay $0x4  }
0x1e9: {  	[tilespmem:s3+$0x129A0] =	vst v0  }
0x1ea: {  	v0 =	vld [tilespmem:s1+$0xAD20];
	_ =	sdelay $0x4  }
0x1eb: {  	[tilespmem:s3+$0x129E0] =	vst v0  }
0x1ec: {  	v0 =	vld [tilespmem:s31+$0x130];
	_ =	sdelay $0x4  }
0x1ed: {  	[tilespmem:s3+$0xE9B0] =	vst v0  }
0x1ee: {  	v0 =	vld [tilespmem:s1+$0x6D30];
	_ =	sdelay $0x4  }
0x1ef: {  	[tilespmem:s3+$0xE9F0] =	vst v0  }
0x1f0: {  	v0 =	vld [tilespmem:s31+$0x3530];
	_ =	sdelay $0x4  }
0x1f1: {  	[tilespmem:s3+$0x129B0] =	vst v0  }
0x1f2: {  	v0 =	vld [tilespmem:s1+$0xAD30];
	_ =	sdelay $0x4  }
0x1f3: {  	s29 =	sshll.u32 s12, $0x7;
	[tilespmem:s3+$0x129F0] =	vst v0  }
0x1f4: {  	v0 =	vld [tilespmem:s29+$0x100];
	_ =	sdelay $0x3  }
0x1f5: {  	s31 =	ssub.s32 s12, s7  }
0x1f6: {  	s19 =	smov.u32 s6;
	s6 =	sshll.u32 s31, $0x7;
	[tilespmem:s3+$0xEA00] =	vst v0  }
0x1f7: {  	v0 =	vld [tilespmem:s6+$0x7100];
	_ =	sdelay $0x4  }
0x1f8: {  	[tilespmem:s3+$0xEA40] =	vst v0  }
0x1f9: {  	v0 =	vld [tilespmem:s29+$0x3500];
	_ =	sdelay $0x4  }
0x1fa: {  	[tilespmem:s3+$0x12A00] =	vst v0  }
0x1fb: {  	v0 =	vld [tilespmem:s6+$0xB100];
	_ =	sdelay $0x4  }
0x1fc: {  	[tilespmem:s3+$0x12A40] =	vst v0  }
0x1fd: {  	v0 =	vld [tilespmem:s29+$0x110];
	_ =	sdelay $0x4  }
0x1fe: {  	[tilespmem:s3+$0xEA10] =	vst v0  }
0x1ff: {  	v0 =	vld [tilespmem:s6+$0x7110];
	_ =	sdelay $0x4  }
0x200: {  	[tilespmem:s3+$0xEA50] =	vst v0  }
0x201: {  	v0 =	vld [tilespmem:s29+$0x3510];
	_ =	sdelay $0x4  }
0x202: {  	[tilespmem:s3+$0x12A10] =	vst v0  }
0x203: {  	v0 =	vld [tilespmem:s6+$0xB110];
	_ =	sdelay $0x4  }
0x204: {  	[tilespmem:s3+$0x12A50] =	vst v0  }
0x205: {  	v0 =	vld [tilespmem:s29+$0x120];
	_ =	sdelay $0x4  }
0x206: {  	[tilespmem:s3+$0xEA20] =	vst v0  }
0x207: {  	v0 =	vld [tilespmem:s6+$0x7120];
	_ =	sdelay $0x4  }
0x208: {  	[tilespmem:s3+$0xEA60] =	vst v0  }
0x209: {  	v0 =	vld [tilespmem:s29+$0x3520];
	_ =	sdelay $0x4  }
0x20a: {  	[tilespmem:s3+$0x12A20] =	vst v0  }
0x20b: {  	v0 =	vld [tilespmem:s6+$0xB120];
	_ =	sdelay $0x4  }
0x20c: {  	[tilespmem:s3+$0x12A60] =	vst v0  }
0x20d: {  	v0 =	vld [tilespmem:s29+$0x130];
	_ =	sdelay $0x4  }
0x20e: {  	[tilespmem:s3+$0xEA30] =	vst v0  }
0x20f: {  	v0 =	vld [tilespmem:s6+$0x7130];
	_ =	sdelay $0x4  }
0x210: {  	[tilespmem:s3+$0xEA70] =	vst v0  }
0x211: {  	v0 =	vld [tilespmem:s29+$0x3530];
	_ =	sdelay $0x4  }
0x212: {  	[tilespmem:s3+$0x12A30] =	vst v0  }
0x213: {  	v0 =	vld [tilespmem:s6+$0xB130];
	_ =	sdelay $0x4  }
0x214: {  	s7 =	sshll.u32 s10, $0x7;
	[tilespmem:s3+$0x12A70] =	vst v0  }
0x215: {  	v0 =	vld [tilespmem:s7+$0x100];
	_ =	sdelay $0x3  }
0x216: {  	s12 =	ssub.s32 s10, s9  }
0x217: {  	s6 =	sshll.u32 s12, $0x7;
	[tilespmem:s3+$0xEA80] =	vst v0  }
0x218: {  	v0 =	vld [tilespmem:s6+$0x7500];
	_ =	sdelay $0x4  }
0x219: {  	[tilespmem:s3+$0xEAC0] =	vst v0  }
0x21a: {  	v0 =	vld [tilespmem:s7+$0x3500];
	_ =	sdelay $0x4  }
0x21b: {  	[tilespmem:s3+$0x12A80] =	vst v0  }
0x21c: {  	v0 =	vld [tilespmem:s6+$0xB500];
	_ =	sdelay $0x4  }
0x21d: {  	[tilespmem:s3+$0x12AC0] =	vst v0  }
0x21e: {  	v0 =	vld [tilespmem:s7+$0x110];
	_ =	sdelay $0x4  }
0x21f: {  	[tilespmem:s3+$0xEA90] =	vst v0  }
0x220: {  	v0 =	vld [tilespmem:s6+$0x7510];
	_ =	sdelay $0x4  }
0x221: {  	[tilespmem:s3+$0xEAD0] =	vst v0  }
0x222: {  	v0 =	vld [tilespmem:s7+$0x3510];
	_ =	sdelay $0x4  }
0x223: {  	[tilespmem:s3+$0x12A90] =	vst v0  }
0x224: {  	v0 =	vld [tilespmem:s6+$0xB510];
	_ =	sdelay $0x4  }
0x225: {  	[tilespmem:s3+$0x12AD0] =	vst v0  }
0x226: {  	v0 =	vld [tilespmem:s7+$0x120];
	_ =	sdelay $0x4  }
0x227: {  	[tilespmem:s3+$0xEAA0] =	vst v0  }
0x228: {  	v0 =	vld [tilespmem:s6+$0x7520];
	_ =	sdelay $0x4  }
0x229: {  	[tilespmem:s3+$0xEAE0] =	vst v0  }
0x22a: {  	v0 =	vld [tilespmem:s7+$0x3520];
	_ =	sdelay $0x4  }
0x22b: {  	[tilespmem:s3+$0x12AA0] =	vst v0  }
0x22c: {  	v0 =	vld [tilespmem:s6+$0xB520];
	_ =	sdelay $0x4  }
0x22d: {  	[tilespmem:s3+$0x12AE0] =	vst v0  }
0x22e: {  	v0 =	vld [tilespmem:s7+$0x130];
	_ =	sdelay $0x4  }
0x22f: {  	[tilespmem:s3+$0xEAB0] =	vst v0  }
0x230: {  	v0 =	vld [tilespmem:s6+$0x7530];
	_ =	sdelay $0x4  }
0x231: {  	[tilespmem:s3+$0xEAF0] =	vst v0  }
0x232: {  	v0 =	vld [tilespmem:s7+$0x3530];
	_ =	sdelay $0x4  }
0x233: {  	[tilespmem:s3+$0x12AB0] =	vst v0  }
0x234: {  	v0 =	vld [tilespmem:s6+$0xB530];
	_ =	sdelay $0x4  }
0x235: {  	s22 =	sshll.u32 s8, $0x7;
	[tilespmem:s3+$0x12AF0] =	vst v0  }
0x236: {  	v0 =	vld [tilespmem:s22+$0x100]  }
0x237: {  	s26 =	sld [smem:$0x7E7];
	_ =	sdelay $0x2  }
0x238: {  	s6 =	ssub.s32 s8, s26  }
0x239: {  	s6 =	sshll.u32 s6, $0x7;
	[tilespmem:s3+$0xEB00] =	vst v0  }
0x23a: {  	v0 =	vld [tilespmem:s6+$0x7900];
	_ =	sdelay $0x4  }
0x23b: {  	[tilespmem:s3+$0xEB40] =	vst v0  }
0x23c: {  	v0 =	vld [tilespmem:s22+$0x3500];
	_ =	sdelay $0x4  }
0x23d: {  	[tilespmem:s3+$0x12B00] =	vst v0  }
0x23e: {  	v0 =	vld [tilespmem:s6+$0xB900];
	_ =	sdelay $0x4  }
0x23f: {  	[tilespmem:s3+$0x12B40] =	vst v0  }
0x240: {  	v0 =	vld [tilespmem:s22+$0x110];
	_ =	sdelay $0x4  }
0x241: {  	[tilespmem:s3+$0xEB10] =	vst v0  }
0x242: {  	v0 =	vld [tilespmem:s6+$0x7910];
	_ =	sdelay $0x4  }
0x243: {  	[tilespmem:s3+$0xEB50] =	vst v0  }
0x244: {  	v0 =	vld [tilespmem:s22+$0x3510];
	_ =	sdelay $0x4  }
0x245: {  	[tilespmem:s3+$0x12B10] =	vst v0  }
0x246: {  	v0 =	vld [tilespmem:s6+$0xB910];
	_ =	sdelay $0x4  }
0x247: {  	[tilespmem:s3+$0x12B50] =	vst v0  }
0x248: {  	v0 =	vld [tilespmem:s22+$0x120];
	_ =	sdelay $0x4  }
0x249: {  	[tilespmem:s3+$0xEB20] =	vst v0  }
0x24a: {  	v0 =	vld [tilespmem:s6+$0x7920];
	_ =	sdelay $0x4  }
0x24b: {  	[tilespmem:s3+$0xEB60] =	vst v0  }
0x24c: {  	v0 =	vld [tilespmem:s22+$0x3520];
	_ =	sdelay $0x4  }
0x24d: {  	[tilespmem:s3+$0x12B20] =	vst v0  }
0x24e: {  	v0 =	vld [tilespmem:s6+$0xB920];
	_ =	sdelay $0x4  }
0x24f: {  	[tilespmem:s3+$0x12B60] =	vst v0  }
0x250: {  	v0 =	vld [tilespmem:s22+$0x130];
	_ =	sdelay $0x4  }
0x251: {  	[tilespmem:s3+$0xEB30] =	vst v0  }
0x252: {  	v0 =	vld [tilespmem:s6+$0x7930];
	_ =	sdelay $0x4  }
0x253: {  	[tilespmem:s3+$0xEB70] =	vst v0  }
0x254: {  	v0 =	vld [tilespmem:s22+$0x3530];
	_ =	sdelay $0x4  }
0x255: {  	[tilespmem:s3+$0x12B30] =	vst v0  }
0x256: {  	v0 =	vld [tilespmem:s6+$0xB930];
	_ =	sdelay $0x4  }
0x257: {  	s29 =	sshll.u32 s4, $0x7;
	[tilespmem:s3+$0x12B70] =	vst v0  }
0x258: {  	v0 =	vld [tilespmem:s29+$0x100];
	_ =	sdelay $0x3  }
0x259: {  	s4 =	ssub.s32 s4, s11  }
0x25a: {  	s4 =	sshll.u32 s4, $0x7;
	[tilespmem:s3+$0xEB80] =	vst v0  }
0x25b: {  	v0 =	vld [tilespmem:s4+$0x7D00];
	_ =	sdelay $0x4  }
0x25c: {  	[tilespmem:s3+$0xEBC0] =	vst v0  }
0x25d: {  	v0 =	vld [tilespmem:s29+$0x3500];
	_ =	sdelay $0x4  }
0x25e: {  	[tilespmem:s3+$0x12B80] =	vst v0  }
0x25f: {  	v0 =	vld [tilespmem:s4+$0xBD00];
	_ =	sdelay $0x4  }
0x260: {  	[tilespmem:s3+$0x12BC0] =	vst v0  }
0x261: {  	v0 =	vld [tilespmem:s29+$0x110];
	_ =	sdelay $0x4  }
0x262: {  	[tilespmem:s3+$0xEB90] =	vst v0  }
0x263: {  	v0 =	vld [tilespmem:s4+$0x7D10];
	_ =	sdelay $0x4  }
0x264: {  	[tilespmem:s3+$0xEBD0] =	vst v0  }
0x265: {  	v0 =	vld [tilespmem:s29+$0x3510];
	_ =	sdelay $0x4  }
0x266: {  	[tilespmem:s3+$0x12B90] =	vst v0  }
0x267: {  	v0 =	vld [tilespmem:s4+$0xBD10];
	_ =	sdelay $0x4  }
0x268: {  	[tilespmem:s3+$0x12BD0] =	vst v0  }
0x269: {  	v0 =	vld [tilespmem:s29+$0x120];
	_ =	sdelay $0x4  }
0x26a: {  	[tilespmem:s3+$0xEBA0] =	vst v0  }
0x26b: {  	v0 =	vld [tilespmem:s4+$0x7D20];
	_ =	sdelay $0x4  }
0x26c: {  	[tilespmem:s3+$0xEBE0] =	vst v0  }
0x26d: {  	v0 =	vld [tilespmem:s29+$0x3520];
	_ =	sdelay $0x4  }
0x26e: {  	[tilespmem:s3+$0x12BA0] =	vst v0  }
0x26f: {  	v0 =	vld [tilespmem:s4+$0xBD20];
	_ =	sdelay $0x4  }
0x270: {  	[tilespmem:s3+$0x12BE0] =	vst v0  }
0x271: {  	v0 =	vld [tilespmem:s29+$0x130];
	_ =	sdelay $0x4  }
0x272: {  	[tilespmem:s3+$0xEBB0] =	vst v0  }
0x273: {  	v0 =	vld [tilespmem:s4+$0x7D30];
	_ =	sdelay $0x4  }
0x274: {  	[tilespmem:s3+$0xEBF0] =	vst v0  }
0x275: {  	v0 =	vld [tilespmem:s29+$0x3530];
	_ =	sdelay $0x4  }
0x276: {  	[tilespmem:s3+$0x12BB0] =	vst v0  }
0x277: {  	v0 =	vld [tilespmem:s4+$0xBD30];
	_ =	sdelay $0x4  }
0x278: {  	s31 =	sshll.u32 s18, $0x7;
	[tilespmem:s3+$0x12BF0] =	vst v0  }
0x279: {  	v0 =	vld [tilespmem:s31+$0x100];
	_ =	sdelay $0x3  }
0x27a: {  	s6 =	ssub.s32 s18, s14  }
0x27b: {  	s4 =	sshll.u32 s6, $0x7;
	[tilespmem:s3+$0xEC00] =	vst v0  }
0x27c: {  	v0 =	vld [tilespmem:s4+$0x8100];
	_ =	sdelay $0x4  }
0x27d: {  	[tilespmem:s3+$0xEC40] =	vst v0  }
0x27e: {  	v0 =	vld [tilespmem:s31+$0x3500];
	_ =	sdelay $0x4  }
0x27f: {  	[tilespmem:s3+$0x12C00] =	vst v0  }
0x280: {  	v0 =	vld [tilespmem:s4+$0xC100];
	_ =	sdelay $0x4  }
0x281: {  	[tilespmem:s3+$0x12C40] =	vst v0  }
0x282: {  	v0 =	vld [tilespmem:s31+$0x110];
	_ =	sdelay $0x4  }
0x283: {  	[tilespmem:s3+$0xEC10] =	vst v0  }
0x284: {  	v0 =	vld [tilespmem:s4+$0x8110];
	_ =	sdelay $0x4  }
0x285: {  	[tilespmem:s3+$0xEC50] =	vst v0  }
0x286: {  	v0 =	vld [tilespmem:s31+$0x3510];
	_ =	sdelay $0x4  }
0x287: {  	[tilespmem:s3+$0x12C10] =	vst v0  }
0x288: {  	v0 =	vld [tilespmem:s4+$0xC110];
	_ =	sdelay $0x4  }
0x289: {  	[tilespmem:s3+$0x12C50] =	vst v0  }
0x28a: {  	v0 =	vld [tilespmem:s31+$0x120];
	_ =	sdelay $0x4  }
0x28b: {  	[tilespmem:s3+$0xEC20] =	vst v0  }
0x28c: {  	v0 =	vld [tilespmem:s4+$0x8120];
	_ =	sdelay $0x4  }
0x28d: {  	[tilespmem:s3+$0xEC60] =	vst v0  }
0x28e: {  	v0 =	vld [tilespmem:s31+$0x3520];
	_ =	sdelay $0x4  }
0x28f: {  	[tilespmem:s3+$0x12C20] =	vst v0  }
0x290: {  	v0 =	vld [tilespmem:s4+$0xC120];
	_ =	sdelay $0x4  }
0x291: {  	[tilespmem:s3+$0x12C60] =	vst v0  }
0x292: {  	v0 =	vld [tilespmem:s31+$0x130];
	_ =	sdelay $0x4  }
0x293: {  	[tilespmem:s3+$0xEC30] =	vst v0  }
0x294: {  	v0 =	vld [tilespmem:s4+$0x8130];
	_ =	sdelay $0x4  }
0x295: {  	[tilespmem:s3+$0xEC70] =	vst v0  }
0x296: {  	v0 =	vld [tilespmem:s31+$0x3530];
	_ =	sdelay $0x4  }
0x297: {  	[tilespmem:s3+$0x12C30] =	vst v0  }
0x298: {  	v0 =	vld [tilespmem:s4+$0xC130];
	_ =	sdelay $0x4  }
0x299: {  	s7 =	sshll.u32 s15, $0x7;
	[tilespmem:s3+$0x12C70] =	vst v0  }
0x29a: {  	v0 =	vld [tilespmem:s7+$0x100];
	_ =	sdelay $0x3  }
0x29b: {  	s8 =	ssub.s32 s15, s17  }
0x29c: {  	s4 =	sshll.u32 s8, $0x7;
	[tilespmem:s3+$0xEC80] =	vst v0  }
0x29d: {  	v0 =	vld [tilespmem:s4+$0x8500];
	_ =	sdelay $0x4  }
0x29e: {  	[tilespmem:s3+$0xECC0] =	vst v0  }
0x29f: {  	v0 =	vld [tilespmem:s7+$0x3500];
	_ =	sdelay $0x4  }
0x2a0: {  	[tilespmem:s3+$0x12C80] =	vst v0  }
0x2a1: {  	v0 =	vld [tilespmem:s4+$0xC500];
	_ =	sdelay $0x4  }
0x2a2: {  	[tilespmem:s3+$0x12CC0] =	vst v0  }
0x2a3: {  	v0 =	vld [tilespmem:s7+$0x110];
	_ =	sdelay $0x4  }
0x2a4: {  	[tilespmem:s3+$0xEC90] =	vst v0  }
0x2a5: {  	v0 =	vld [tilespmem:s4+$0x8510];
	_ =	sdelay $0x4  }
0x2a6: {  	[tilespmem:s3+$0xECD0] =	vst v0  }
0x2a7: {  	v0 =	vld [tilespmem:s7+$0x3510];
	_ =	sdelay $0x4  }
0x2a8: {  	[tilespmem:s3+$0x12C90] =	vst v0  }
0x2a9: {  	v0 =	vld [tilespmem:s4+$0xC510];
	_ =	sdelay $0x4  }
0x2aa: {  	[tilespmem:s3+$0x12CD0] =	vst v0  }
0x2ab: {  	v0 =	vld [tilespmem:s7+$0x120];
	_ =	sdelay $0x4  }
0x2ac: {  	[tilespmem:s3+$0xECA0] =	vst v0  }
0x2ad: {  	v0 =	vld [tilespmem:s4+$0x8520];
	_ =	sdelay $0x4  }
0x2ae: {  	[tilespmem:s3+$0xECE0] =	vst v0  }
0x2af: {  	v0 =	vld [tilespmem:s7+$0x3520];
	_ =	sdelay $0x4  }
0x2b0: {  	[tilespmem:s3+$0x12CA0] =	vst v0  }
0x2b1: {  	v0 =	vld [tilespmem:s4+$0xC520];
	_ =	sdelay $0x4  }
0x2b2: {  	[tilespmem:s3+$0x12CE0] =	vst v0  }
0x2b3: {  	v0 =	vld [tilespmem:s7+$0x130];
	_ =	sdelay $0x4  }
0x2b4: {  	[tilespmem:s3+$0xECB0] =	vst v0  }
0x2b5: {  	v0 =	vld [tilespmem:s4+$0x8530];
	_ =	sdelay $0x4  }
0x2b6: {  	[tilespmem:s3+$0xECF0] =	vst v0  }
0x2b7: {  	v0 =	vld [tilespmem:s7+$0x3530];
	_ =	sdelay $0x4  }
0x2b8: {  	[tilespmem:s3+$0x12CB0] =	vst v0  }
0x2b9: {  	v0 =	vld [tilespmem:s4+$0xC530];
	_ =	sdelay $0x4  }
0x2ba: {  	s9 =	sshll.u32 s13, $0x7;
	[tilespmem:s3+$0x12CF0] =	vst v0  }
0x2bb: {  	v0 =	vld [tilespmem:s9+$0x100]  }
0x2bc: {  	s10 =	sld [smem:$0x7E8];
	_ =	sdelay $0x2  }
0x2bd: {  	s4 =	ssub.s32 s13, s10  }
0x2be: {  	s4 =	sshll.u32 s4, $0x7;
	[tilespmem:s3+$0xED00] =	vst v0  }
0x2bf: {  	v0 =	vld [tilespmem:s4+$0x8900];
	_ =	sdelay $0x4  }
0x2c0: {  	[tilespmem:s3+$0xED40] =	vst v0  }
0x2c1: {  	v0 =	vld [tilespmem:s9+$0x3500];
	_ =	sdelay $0x4  }
0x2c2: {  	[tilespmem:s3+$0x12D00] =	vst v0  }
0x2c3: {  	v0 =	vld [tilespmem:s4+$0xC900];
	_ =	sdelay $0x4  }
0x2c4: {  	[tilespmem:s3+$0x12D40] =	vst v0  }
0x2c5: {  	v0 =	vld [tilespmem:s9+$0x110];
	_ =	sdelay $0x4  }
0x2c6: {  	[tilespmem:s3+$0xED10] =	vst v0  }
0x2c7: {  	v0 =	vld [tilespmem:s4+$0x8910];
	_ =	sdelay $0x4  }
0x2c8: {  	[tilespmem:s3+$0xED50] =	vst v0  }
0x2c9: {  	v0 =	vld [tilespmem:s9+$0x3510];
	_ =	sdelay $0x4  }
0x2ca: {  	[tilespmem:s3+$0x12D10] =	vst v0  }
0x2cb: {  	v0 =	vld [tilespmem:s4+$0xC910];
	_ =	sdelay $0x4  }
0x2cc: {  	[tilespmem:s3+$0x12D50] =	vst v0  }
0x2cd: {  	v0 =	vld [tilespmem:s9+$0x120];
	_ =	sdelay $0x4  }
0x2ce: {  	[tilespmem:s3+$0xED20] =	vst v0  }
0x2cf: {  	v0 =	vld [tilespmem:s4+$0x8920];
	_ =	sdelay $0x4  }
0x2d0: {  	[tilespmem:s3+$0xED60] =	vst v0  }
0x2d1: {  	v0 =	vld [tilespmem:s9+$0x3520];
	_ =	sdelay $0x4  }
0x2d2: {  	[tilespmem:s3+$0x12D20] =	vst v0  }
0x2d3: {  	v0 =	vld [tilespmem:s4+$0xC920];
	_ =	sdelay $0x4  }
0x2d4: {  	[tilespmem:s3+$0x12D60] =	vst v0  }
0x2d5: {  	v0 =	vld [tilespmem:s9+$0x130];
	_ =	sdelay $0x4  }
0x2d6: {  	[tilespmem:s3+$0xED30] =	vst v0  }
0x2d7: {  	v0 =	vld [tilespmem:s4+$0x8930];
	_ =	sdelay $0x4  }
0x2d8: {  	[tilespmem:s3+$0xED70] =	vst v0  }
0x2d9: {  	v0 =	vld [tilespmem:s9+$0x3530];
	_ =	sdelay $0x4  }
0x2da: {  	[tilespmem:s3+$0x12D30] =	vst v0  }
0x2db: {  	v0 =	vld [tilespmem:s4+$0xC930];
	_ =	sdelay $0x4  }
0x2dc: {  	s11 =	sshll.u32 s0, $0x7;
	[tilespmem:s3+$0x12D70] =	vst v0  }
0x2dd: {  	v0 =	vld [tilespmem:s11+$0x100]  }
0x2de: {  	s12 =	sld [smem:$0x7E9];
	_ =	sdelay $0x2  }
0x2df: {  	s0 =	ssub.s32 s0, s12  }
0x2e0: {  	s0 =	sshll.u32 s0, $0x7;
	[tilespmem:s3+$0xED80] =	vst v0  }
0x2e1: {  	v0 =	vld [tilespmem:s0+$0x8D00];
	_ =	sdelay $0x4  }
0x2e2: {  	[tilespmem:s3+$0xEDC0] =	vst v0  }
0x2e3: {  	v0 =	vld [tilespmem:s11+$0x3500];
	_ =	sdelay $0x4  }
0x2e4: {  	[tilespmem:s3+$0x12D80] =	vst v0  }
0x2e5: {  	v0 =	vld [tilespmem:s0+$0xCD00];
	_ =	sdelay $0x4  }
0x2e6: {  	[tilespmem:s3+$0x12DC0] =	vst v0  }
0x2e7: {  	v0 =	vld [tilespmem:s11+$0x110];
	_ =	sdelay $0x4  }
0x2e8: {  	[tilespmem:s3+$0xED90] =	vst v0  }
0x2e9: {  	v0 =	vld [tilespmem:s0+$0x8D10];
	_ =	sdelay $0x4  }
0x2ea: {  	[tilespmem:s3+$0xEDD0] =	vst v0  }
0x2eb: {  	v0 =	vld [tilespmem:s11+$0x3510];
	_ =	sdelay $0x4  }
0x2ec: {  	[tilespmem:s3+$0x12D90] =	vst v0  }
0x2ed: {  	v0 =	vld [tilespmem:s0+$0xCD10];
	_ =	sdelay $0x4  }
0x2ee: {  	[tilespmem:s3+$0x12DD0] =	vst v0  }
0x2ef: {  	v0 =	vld [tilespmem:s11+$0x120];
	_ =	sdelay $0x4  }
0x2f0: {  	[tilespmem:s3+$0xEDA0] =	vst v0  }
0x2f1: {  	v0 =	vld [tilespmem:s0+$0x8D20];
	_ =	sdelay $0x4  }
0x2f2: {  	[tilespmem:s3+$0xEDE0] =	vst v0  }
0x2f3: {  	v0 =	vld [tilespmem:s11+$0x3520];
	_ =	sdelay $0x4  }
0x2f4: {  	[tilespmem:s3+$0x12DA0] =	vst v0  }
0x2f5: {  	v0 =	vld [tilespmem:s0+$0xCD20];
	_ =	sdelay $0x4  }
0x2f6: {  	[tilespmem:s3+$0x12DE0] =	vst v0  }
0x2f7: {  	v0 =	vld [tilespmem:s11+$0x130];
	_ =	sdelay $0x4  }
0x2f8: {  	[tilespmem:s3+$0xEDB0] =	vst v0  }
0x2f9: {  	v0 =	vld [tilespmem:s0+$0x8D30];
	_ =	sdelay $0x4  }
0x2fa: {  	[tilespmem:s3+$0xEDF0] =	vst v0  }
0x2fb: {  	v0 =	vld [tilespmem:s11+$0x3530];
	_ =	sdelay $0x4  }
0x2fc: {  	[tilespmem:s3+$0x12DB0] =	vst v0  }
0x2fd: {  	v0 =	vld [tilespmem:s0+$0xCD30];
	_ =	sdelay $0x4  }
0x2fe: {  	s13 =	sshll.u32 s30, $0x7;
	[tilespmem:s3+$0x12DF0] =	vst v0  }
0x2ff: {  	v0 =	vld [tilespmem:s13+$0x100]  }
0x300: {  	s14 =	sld [smem:$0x7EA];
	_ =	sdelay $0x2  }
0x301: {  	s1 =	ssub.s32 s30, s14  }
0x302: {  	s1 =	sshll.u32 s1, $0x7;
	[tilespmem:s3+$0xEE00] =	vst v0  }
0x303: {  	v0 =	vld [tilespmem:s1+$0x9100];
	_ =	sdelay $0x4  }
0x304: {  	[tilespmem:s3+$0xEE40] =	vst v0  }
0x305: {  	v0 =	vld [tilespmem:s13+$0x3500];
	_ =	sdelay $0x4  }
0x306: {  	[tilespmem:s3+$0x12E00] =	vst v0  }
0x307: {  	v0 =	vld [tilespmem:s1+$0xD100];
	_ =	sdelay $0x4  }
0x308: {  	[tilespmem:s3+$0x12E40] =	vst v0  }
0x309: {  	v0 =	vld [tilespmem:s13+$0x110];
	_ =	sdelay $0x4  }
0x30a: {  	[tilespmem:s3+$0xEE10] =	vst v0  }
0x30b: {  	v0 =	vld [tilespmem:s1+$0x9110];
	_ =	sdelay $0x4  }
0x30c: {  	[tilespmem:s3+$0xEE50] =	vst v0  }
0x30d: {  	v0 =	vld [tilespmem:s13+$0x3510];
	_ =	sdelay $0x4  }
0x30e: {  	[tilespmem:s3+$0x12E10] =	vst v0  }
0x30f: {  	v0 =	vld [tilespmem:s1+$0xD110];
	_ =	sdelay $0x4  }
0x310: {  	[tilespmem:s3+$0x12E50] =	vst v0  }
0x311: {  	v0 =	vld [tilespmem:s13+$0x120];
	_ =	sdelay $0x4  }
0x312: {  	[tilespmem:s3+$0xEE20] =	vst v0  }
0x313: {  	v0 =	vld [tilespmem:s1+$0x9120];
	_ =	sdelay $0x4  }
0x314: {  	[tilespmem:s3+$0xEE60] =	vst v0  }
0x315: {  	v0 =	vld [tilespmem:s13+$0x3520];
	_ =	sdelay $0x4  }
0x316: {  	[tilespmem:s3+$0x12E20] =	vst v0  }
0x317: {  	v0 =	vld [tilespmem:s1+$0xD120];
	_ =	sdelay $0x4  }
0x318: {  	[tilespmem:s3+$0x12E60] =	vst v0  }
0x319: {  	v0 =	vld [tilespmem:s13+$0x130];
	_ =	sdelay $0x4  }
0x31a: {  	[tilespmem:s3+$0xEE30] =	vst v0  }
0x31b: {  	v0 =	vld [tilespmem:s1+$0x9130];
	_ =	sdelay $0x4  }
0x31c: {  	[tilespmem:s3+$0xEE70] =	vst v0  }
0x31d: {  	v0 =	vld [tilespmem:s13+$0x3530];
	_ =	sdelay $0x4  }
0x31e: {  	[tilespmem:s3+$0x12E30] =	vst v0  }
0x31f: {  	v0 =	vld [tilespmem:s1+$0xD130];
	_ =	sdelay $0x4  }
0x320: {  	s15 =	sshll.u32 s28, $0x7;
	[tilespmem:s3+$0x12E70] =	vst v0  }
0x321: {  	v0 =	vld [tilespmem:s15+$0x100]  }
0x322: {  	s17 =	sld [smem:$0x7EB];
	_ =	sdelay $0x2  }
0x323: {  	s1 =	ssub.s32 s28, s17  }
0x324: {  	s1 =	sshll.u32 s1, $0x7;
	[tilespmem:s3+$0xEE80] =	vst v0  }
0x325: {  	v0 =	vld [tilespmem:s1+$0x9500];
	_ =	sdelay $0x4  }
0x326: {  	[tilespmem:s3+$0xEEC0] =	vst v0  }
0x327: {  	v0 =	vld [tilespmem:s15+$0x3500];
	_ =	sdelay $0x4  }
0x328: {  	[tilespmem:s3+$0x12E80] =	vst v0  }
0x329: {  	v0 =	vld [tilespmem:s1+$0xD500];
	_ =	sdelay $0x4  }
0x32a: {  	[tilespmem:s3+$0x12EC0] =	vst v0  }
0x32b: {  	v0 =	vld [tilespmem:s15+$0x110];
	_ =	sdelay $0x4  }
0x32c: {  	[tilespmem:s3+$0xEE90] =	vst v0  }
0x32d: {  	v0 =	vld [tilespmem:s1+$0x9510];
	_ =	sdelay $0x4  }
0x32e: {  	[tilespmem:s3+$0xEED0] =	vst v0  }
0x32f: {  	v0 =	vld [tilespmem:s15+$0x3510];
	_ =	sdelay $0x4  }
0x330: {  	[tilespmem:s3+$0x12E90] =	vst v0  }
0x331: {  	v0 =	vld [tilespmem:s1+$0xD510];
	_ =	sdelay $0x4  }
0x332: {  	[tilespmem:s3+$0x12ED0] =	vst v0  }
0x333: {  	v0 =	vld [tilespmem:s15+$0x120];
	_ =	sdelay $0x4  }
0x334: {  	[tilespmem:s3+$0xEEA0] =	vst v0  }
0x335: {  	v0 =	vld [tilespmem:s1+$0x9520];
	_ =	sdelay $0x4  }
0x336: {  	[tilespmem:s3+$0xEEE0] =	vst v0  }
0x337: {  	v0 =	vld [tilespmem:s15+$0x3520];
	_ =	sdelay $0x4  }
0x338: {  	[tilespmem:s3+$0x12EA0] =	vst v0  }
0x339: {  	v0 =	vld [tilespmem:s1+$0xD520];
	_ =	sdelay $0x4  }
0x33a: {  	[tilespmem:s3+$0x12EE0] =	vst v0  }
0x33b: {  	v0 =	vld [tilespmem:s15+$0x130];
	_ =	sdelay $0x4  }
0x33c: {  	[tilespmem:s3+$0xEEB0] =	vst v0  }
0x33d: {  	v0 =	vld [tilespmem:s1+$0x9530];
	_ =	sdelay $0x4  }
0x33e: {  	[tilespmem:s3+$0xEEF0] =	vst v0  }
0x33f: {  	v0 =	vld [tilespmem:s15+$0x3530];
	_ =	sdelay $0x4  }
0x340: {  	[tilespmem:s3+$0x12EB0] =	vst v0  }
0x341: {  	v0 =	vld [tilespmem:s1+$0xD530];
	_ =	sdelay $0x4  }
0x342: {  	s18 =	sshll.u32 s25, $0x7;
	[tilespmem:s3+$0x12EF0] =	vst v0  }
0x343: {  	v0 =	vld [tilespmem:s18+$0x100]  }
0x344: {  	s22 =	sld [smem:$0x7EC];
	_ =	sdelay $0x2  }
0x345: {  	s1 =	ssub.s32 s25, s22  }
0x346: {  	s1 =	sshll.u32 s1, $0x7;
	[tilespmem:s3+$0xEF00] =	vst v0  }
0x347: {  	v0 =	vld [tilespmem:s1+$0x9900];
	_ =	sdelay $0x4  }
0x348: {  	[tilespmem:s3+$0xEF40] =	vst v0  }
0x349: {  	v0 =	vld [tilespmem:s18+$0x3500];
	_ =	sdelay $0x4  }
0x34a: {  	[tilespmem:s3+$0x12F00] =	vst v0  }
0x34b: {  	v0 =	vld [tilespmem:s1+$0xD900];
	_ =	sdelay $0x4  }
0x34c: {  	[tilespmem:s3+$0x12F40] =	vst v0  }
0x34d: {  	v0 =	vld [tilespmem:s18+$0x110];
	_ =	sdelay $0x4  }
0x34e: {  	[tilespmem:s3+$0xEF10] =	vst v0  }
0x34f: {  	v0 =	vld [tilespmem:s1+$0x9910];
	_ =	sdelay $0x4  }
0x350: {  	[tilespmem:s3+$0xEF50] =	vst v0  }
0x351: {  	v0 =	vld [tilespmem:s18+$0x3510];
	_ =	sdelay $0x4  }
0x352: {  	[tilespmem:s3+$0x12F10] =	vst v0  }
0x353: {  	v0 =	vld [tilespmem:s1+$0xD910];
	_ =	sdelay $0x4  }
0x354: {  	[tilespmem:s3+$0x12F50] =	vst v0  }
0x355: {  	v0 =	vld [tilespmem:s18+$0x120];
	_ =	sdelay $0x4  }
0x356: {  	[tilespmem:s3+$0xEF20] =	vst v0  }
0x357: {  	v0 =	vld [tilespmem:s1+$0x9920];
	_ =	sdelay $0x4  }
0x358: {  	[tilespmem:s3+$0xEF60] =	vst v0  }
0x359: {  	v0 =	vld [tilespmem:s18+$0x3520];
	_ =	sdelay $0x4  }
0x35a: {  	[tilespmem:s3+$0x12F20] =	vst v0  }
0x35b: {  	v0 =	vld [tilespmem:s1+$0xD920];
	_ =	sdelay $0x4  }
0x35c: {  	[tilespmem:s3+$0x12F60] =	vst v0  }
0x35d: {  	v0 =	vld [tilespmem:s18+$0x130];
	_ =	sdelay $0x4  }
0x35e: {  	[tilespmem:s3+$0xEF30] =	vst v0  }
0x35f: {  	v0 =	vld [tilespmem:s1+$0x9930];
	_ =	sdelay $0x4  }
0x360: {  	[tilespmem:s3+$0xEF70] =	vst v0  }
0x361: {  	v0 =	vld [tilespmem:s18+$0x3530];
	_ =	sdelay $0x4  }
0x362: {  	[tilespmem:s3+$0x12F30] =	vst v0  }
0x363: {  	v0 =	vld [tilespmem:s1+$0xD930];
	_ =	sdelay $0x4  }
0x364: {  	s25 =	sshll.u32 s24, $0x7;
	[tilespmem:s3+$0x12F70] =	vst v0  }
0x365: {  	v0 =	vld [tilespmem:s25+$0x100]  }
0x366: {  	s26 =	sld [smem:$0x7ED];
	_ =	sdelay $0x2  }
0x367: {  	s1 =	ssub.s32 s24, s26  }
0x368: {  	s1 =	sshll.u32 s1, $0x7;
	[tilespmem:s3+$0xEF80] =	vst v0  }
0x369: {  	v0 =	vld [tilespmem:s1+$0x9D00];
	_ =	sdelay $0x4  }
0x36a: {  	[tilespmem:s3+$0xEFC0] =	vst v0  }
0x36b: {  	v0 =	vld [tilespmem:s25+$0x3500];
	_ =	sdelay $0x4  }
0x36c: {  	[tilespmem:s3+$0x12F80] =	vst v0  }
0x36d: {  	v0 =	vld [tilespmem:s1+$0xDD00];
	_ =	sdelay $0x4  }
0x36e: {  	[tilespmem:s3+$0x12FC0] =	vst v0  }
0x36f: {  	v0 =	vld [tilespmem:s25+$0x110];
	_ =	sdelay $0x4  }
0x370: {  	[tilespmem:s3+$0xEF90] =	vst v0  }
0x371: {  	v0 =	vld [tilespmem:s1+$0x9D10];
	_ =	sdelay $0x4  }
0x372: {  	[tilespmem:s3+$0xEFD0] =	vst v0  }
0x373: {  	v0 =	vld [tilespmem:s25+$0x3510];
	_ =	sdelay $0x4  }
0x374: {  	[tilespmem:s3+$0x12F90] =	vst v0  }
0x375: {  	v0 =	vld [tilespmem:s1+$0xDD10];
	_ =	sdelay $0x4  }
0x376: {  	[tilespmem:s3+$0x12FD0] =	vst v0  }
0x377: {  	v0 =	vld [tilespmem:s25+$0x120];
	_ =	sdelay $0x4  }
0x378: {  	[tilespmem:s3+$0xEFA0] =	vst v0  }
0x379: {  	v0 =	vld [tilespmem:s1+$0x9D20];
	_ =	sdelay $0x4  }
0x37a: {  	[tilespmem:s3+$0xEFE0] =	vst v0  }
0x37b: {  	v0 =	vld [tilespmem:s25+$0x3520];
	_ =	sdelay $0x4  }
0x37c: {  	[tilespmem:s3+$0x12FA0] =	vst v0  }
0x37d: {  	v0 =	vld [tilespmem:s1+$0xDD20];
	_ =	sdelay $0x4  }
0x37e: {  	[tilespmem:s3+$0x12FE0] =	vst v0  }
0x37f: {  	v0 =	vld [tilespmem:s25+$0x130];
	_ =	sdelay $0x4  }
0x380: {  	[tilespmem:s3+$0xEFB0] =	vst v0  }
0x381: {  	v0 =	vld [tilespmem:s1+$0x9D30];
	_ =	sdelay $0x4  }
0x382: {  	[tilespmem:s3+$0xEFF0] =	vst v0  }
0x383: {  	v0 =	vld [tilespmem:s25+$0x3530];
	_ =	sdelay $0x4  }
0x384: {  	[tilespmem:s3+$0x12FB0] =	vst v0  }
0x385: {  	v0 =	vld [tilespmem:s1+$0xDD30];
	_ =	sdelay $0x4  }
0x386: {  	s28 =	sshll.u32 s23, $0x7;
	[tilespmem:s3+$0x12FF0] =	vst v0  }
0x387: {  	v0 =	vld [tilespmem:s28+$0x100]  }
0x388: {  	s29 =	sld [smem:$0x7EE];
	_ =	sdelay $0x2  }
0x389: {  	s1 =	ssub.s32 s23, s29  }
0x38a: {  	s1 =	sshll.u32 s1, $0x7;
	[tilespmem:s3+$0xF000] =	vst v0  }
0x38b: {  	v0 =	vld [tilespmem:s1+$0xA100];
	_ =	sdelay $0x4  }
0x38c: {  	[tilespmem:s3+$0xF040] =	vst v0  }
0x38d: {  	v0 =	vld [tilespmem:s28+$0x3500];
	_ =	sdelay $0x4  }
0x38e: {  	[tilespmem:s3+$0x13000] =	vst v0  }
0x38f: {  	v0 =	vld [tilespmem:s1+$0xE100];
	_ =	sdelay $0x4  }
0x390: {  	[tilespmem:s3+$0x13040] =	vst v0  }
0x391: {  	v0 =	vld [tilespmem:s28+$0x110];
	_ =	sdelay $0x4  }
0x392: {  	[tilespmem:s3+$0xF010] =	vst v0  }
0x393: {  	v0 =	vld [tilespmem:s1+$0xA110];
	_ =	sdelay $0x4  }
0x394: {  	[tilespmem:s3+$0xF050] =	vst v0  }
0x395: {  	v0 =	vld [tilespmem:s28+$0x3510];
	_ =	sdelay $0x4  }
0x396: {  	[tilespmem:s3+$0x13010] =	vst v0  }
0x397: {  	v0 =	vld [tilespmem:s1+$0xE110];
	_ =	sdelay $0x4  }
0x398: {  	[tilespmem:s3+$0x13050] =	vst v0  }
0x399: {  	v0 =	vld [tilespmem:s28+$0x120];
	_ =	sdelay $0x4  }
0x39a: {  	[tilespmem:s3+$0xF020] =	vst v0  }
0x39b: {  	v0 =	vld [tilespmem:s1+$0xA120];
	_ =	sdelay $0x4  }
0x39c: {  	[tilespmem:s3+$0xF060] =	vst v0  }
0x39d: {  	v0 =	vld [tilespmem:s28+$0x3520];
	_ =	sdelay $0x4  }
0x39e: {  	[tilespmem:s3+$0x13020] =	vst v0  }
0x39f: {  	v0 =	vld [tilespmem:s1+$0xE120];
	_ =	sdelay $0x4  }
0x3a0: {  	[tilespmem:s3+$0x13060] =	vst v0  }
0x3a1: {  	v0 =	vld [tilespmem:s28+$0x130];
	_ =	sdelay $0x4  }
0x3a2: {  	[tilespmem:s3+$0xF030] =	vst v0  }
0x3a3: {  	v0 =	vld [tilespmem:s1+$0xA130];
	_ =	sdelay $0x4  }
0x3a4: {  	[tilespmem:s3+$0xF070] =	vst v0  }
0x3a5: {  	v0 =	vld [tilespmem:s28+$0x3530];
	_ =	sdelay $0x4  }
0x3a6: {  	[tilespmem:s3+$0x13030] =	vst v0  }
0x3a7: {  	v0 =	vld [tilespmem:s1+$0xE130];
	_ =	sdelay $0x4  }
0x3a8: {  	s30 =	sshll.u32 s21, $0x7;
	[tilespmem:s3+$0x13070] =	vst v0  }
0x3a9: {  	v0 =	vld [tilespmem:s30+$0x100]  }
0x3aa: {  	s31 =	sld [smem:$0x7EF];
	_ =	sdelay $0x2  }
0x3ab: {  	s1 =	ssub.s32 s21, s31  }
0x3ac: {  	s1 =	sshll.u32 s1, $0x7;
	[tilespmem:s3+$0xF080] =	vst v0  }
0x3ad: {  	v0 =	vld [tilespmem:s1+$0xA500];
	_ =	sdelay $0x4  }
0x3ae: {  	[tilespmem:s3+$0xF0C0] =	vst v0  }
0x3af: {  	v0 =	vld [tilespmem:s30+$0x3500];
	_ =	sdelay $0x4  }
0x3b0: {  	[tilespmem:s3+$0x13080] =	vst v0  }
0x3b1: {  	v0 =	vld [tilespmem:s1+$0xE500];
	_ =	sdelay $0x4  }
0x3b2: {  	[tilespmem:s3+$0x130C0] =	vst v0  }
0x3b3: {  	v0 =	vld [tilespmem:s30+$0x110];
	_ =	sdelay $0x4  }
0x3b4: {  	[tilespmem:s3+$0xF090] =	vst v0  }
0x3b5: {  	v0 =	vld [tilespmem:s1+$0xA510];
	_ =	sdelay $0x4  }
0x3b6: {  	[tilespmem:s3+$0xF0D0] =	vst v0  }
0x3b7: {  	v0 =	vld [tilespmem:s30+$0x3510];
	_ =	sdelay $0x4  }
0x3b8: {  	[tilespmem:s3+$0x13090] =	vst v0  }
0x3b9: {  	v0 =	vld [tilespmem:s1+$0xE510];
	_ =	sdelay $0x4  }
0x3ba: {  	[tilespmem:s3+$0x130D0] =	vst v0  }
0x3bb: {  	v0 =	vld [tilespmem:s30+$0x120];
	_ =	sdelay $0x4  }
0x3bc: {  	[tilespmem:s3+$0xF0A0] =	vst v0  }
0x3bd: {  	v0 =	vld [tilespmem:s1+$0xA520];
	_ =	sdelay $0x4  }
0x3be: {  	[tilespmem:s3+$0xF0E0] =	vst v0  }
0x3bf: {  	v0 =	vld [tilespmem:s30+$0x3520];
	_ =	sdelay $0x4  }
0x3c0: {  	[tilespmem:s3+$0x130A0] =	vst v0  }
0x3c1: {  	v0 =	vld [tilespmem:s1+$0xE520];
	_ =	sdelay $0x4  }
0x3c2: {  	[tilespmem:s3+$0x130E0] =	vst v0  }
0x3c3: {  	v0 =	vld [tilespmem:s30+$0x130];
	_ =	sdelay $0x4  }
0x3c4: {  	[tilespmem:s3+$0xF0B0] =	vst v0  }
0x3c5: {  	v0 =	vld [tilespmem:s1+$0xA530];
	_ =	sdelay $0x4  }
0x3c6: {  	[tilespmem:s3+$0xF0F0] =	vst v0  }
0x3c7: {  	v0 =	vld [tilespmem:s30+$0x3530];
	_ =	sdelay $0x4  }
0x3c8: {  	[tilespmem:s3+$0x130B0] =	vst v0  }
0x3c9: {  	p0 =	sne.s32 s20, $0x7;
	v0 =	vld [tilespmem:s1+$0xE530]  }
.Ltmp0:
0x3ca: {  	_ = 	snop;
	(pc) =	sbr.rel @p0 .LBB2_2-.Ltmp0, $2  }
0x3cb: {  	_ =	sdelay $0x2  }
0x3cc: {  	s20 =	sadd.s32 $0x1, s20;
	[tilespmem:s3+$0x130F0] =	vst v0  }
0x3cd: {  	s0 =	sld [smem:$0x7F5];
	_ =	sdelay $0x1  }
0x3ce: {  	s1 =	simm.s32 $0xE900;
	s28 =	sld [smem:$0x7F6]  }
0x3cf: {  	[hbm4b:s0+s2] =	stream.linear.scatter [tilespmem:s1], [sflag:$0x1], $0x4000, $0x38;
	[tilespmem:$0x16900] =	vst v63  }
0x3d0: {  	s29 =	simm.s32 $0x12900  }
0x3d1: {  	[hbm4b:s28+s2] =	stream.linear.scatter [tilespmem:s29], [sflag:$0x1], $0x4000, $0x38;
	[tilespmem:$0x16900] =	vst v63  }
0x3d2: {  	_ =	swait.ge [sflag:s16], $0x4000  }
0x3d3: {  	[sflag:s16] =	ssyncset.done $0x0  }
0x3d4: {  	[sflag:s16] =	ssyncadd.s32 $0xFFFFC000  }
0x3d5: {  	_ =	swait.ge [sflag:s16], $0x4000  }
0x3d6: {  	s30 =	sld [smem:$0x7F0]  }
0x3d7: {  	s31 =	sld [smem:$0x7F8];
	_ =	sdelay $0x1  }
0x3d8: {  	s1 =	sadd.s32 $0x1, s30  }
0x3d9: {  	p0 =	sne.s32 s1, s31  }
.Ltmp1:
0x3da: {  	_ = 	snop;
	(pc) =	sbr.rel @p0 .LBB2_1-.Ltmp1, $3  }
0x3db: {  	_ =	sdelay $0x1  }
0x3dc: {  	[sflag:s16] =	ssyncset.done $0x0  }
0x3dd: {  	[sflag:s16] =	ssyncadd.s32 $0xFFFFC000  }
0x3de: {  	_ =	sfence.sel $0x180000  }
0x3df: {  	[bflag:$0x0] =	sbarrier.arrive $0xFFFF  }
0x3e0: {  	_ =	strace $0x90000047  }
0x3e1: {  	s0 =	stileid.u32;
	[bflag:$0x2] =	sbarrier.arrive $0xFFFF  }
0x3e2: {  	p0 =	sne.s32 s0, $0x0;
	s0 =	rddreg [dreg:$0x5]  }
0x3e3: {  	s0 =	sadd.s32 @!p0 $0x100000, s0  }
0x3e4: {  	[sflag:s0] =	ssyncadd.tile.s32 @!p0 $0x1;
	_ =	shalt  }
.Lfunc_end2:
_tile_overlayer_lowered:
.L_overlay_start_2:
0x3e5: {  	(tag) =	ssettag $0x2  }
0x3e6: {  	s0 =	rddreg [dreg:$0x0];
	s2 =	stileid.u32  }
0x3e7: {  	s1 =	rddreg [dreg:$0x1];
	p0 =	sne.s32 s2, $0x0  }
0x3e8: {  	s3 =	rddreg [dreg:$0x2];
	[bflag:$0x3] =	sbarrier.arrive $0xFFFF;
	s2 =	simm.s32 @!p0 $0x1C02  }
0x3e9: {  	[timem:s3], [sflag:s2] =	dma.local @!p0 [hbm:s0], s1  }
0x3ea: {  	s0 =	simm.s32 @!p0 $0x2  }
0x3eb: {  	_ =	swait.ge @!p0 [sflag:s0], s1  }
0x3ec: {  	s1 =	ssub.s32 @!p0 $0x0, s1;
	[sflag:s0] =	ssyncset.done @!p0 $0x0  }
0x3ed: {  	[sflag:s0] =	ssyncadd.s32 @!p0 s1  }
0x3ee: {  	[bflag:$0x3] =	sbarrier.arrive $0xFFFF  }
0x3ef: {  	_ =	shalt  }

</sc_bundles>
